<compile_context>
chip_gen: v7x
topology: tpu7x:2x2x1
jax: 0.10.2.dev20260603
libtpu: 0.0.44.dev20260713+nightly
codegen_flags: <defaults>
</compile_context>

<pallas_src>
import functools

import jax
import jax.numpy as jnp
from jax import lax
from jax.experimental import pallas as pl
from jax.experimental.pallas import tpu as pltpu
from jax.experimental.pallas import tpu_sc as plsc

N = 10000
E = 320000
D = 128
G = 128
NC, NS = 2, 16
NW = NC * NS
CHUNK = 128
NCHUNK = 80
EPW = NCHUNK * CHUNK
PE = NW * EPW
NPAD = 10240
RPT = NPAD // NS

_mesh = plsc.VectorSubcoreMesh(
    core_axis_name="c", subcore_axis_name="s", num_cores=NC, num_subcores=NS)


@functools.partial(
    pl.kernel,
    out_type=jax.ShapeDtypeStruct((NC, NPAD), jnp.float32),
    mesh=_mesh,
    scratch_types=[
        pltpu.VMEM((NCHUNK, CHUNK), jnp.int32),
        pltpu.VMEM((CHUNK,), jnp.float32),
        pltpu.VMEM((NPAD // NS,), jnp.float32),
        pltpu.VMEM_SHARED((NPAD,), jnp.float32),
    ],
)
def _deg_k(dst_hbm, out_hbm, dst_v, ones_v, stage_v, hist_sh):
    c = lax.axis_index("c")
    s = lax.axis_index("s")
    w = c * NS + s
    pltpu.sync_copy(dst_hbm.at[w], dst_v)
    for i in range(CHUNK // 16):
        ones_v[pl.ds(i * 16, 16)] = jnp.ones((16,), jnp.float32)
    zeros = jnp.zeros((16,), jnp.float32)
    rpt = NPAD // NS

    def zbody(i, carry):
        stage_v[pl.ds(i * 16, 16)] = zeros
        return carry

    lax.fori_loop(0, rpt // 16, zbody, 0)
    pltpu.sync_copy(stage_v, hist_sh.at[pl.ds(s * rpt, rpt)])
    plsc.subcore_barrier()

    @pl.loop(0, NCHUNK)
    def _(j):
        pltpu.sync_copy(ones_v, hist_sh.at[dst_v.at[j]], add=True)

    plsc.subcore_barrier()
    pltpu.sync_copy(hist_sh.at[pl.ds(s * rpt, rpt)], stage_v)
    pltpu.sync_copy(stage_v, out_hbm.at[c, pl.ds(s * rpt, rpt)])


@functools.partial(
    pl.kernel,
    out_type=jax.ShapeDtypeStruct((NC, NPAD, D), jnp.float32),
    mesh=_mesh,
    scratch_types=[
        pltpu.VMEM((NCHUNK, CHUNK), jnp.int32),
        pltpu.VMEM((2, CHUNK), jnp.int32),
        pltpu.VMEM((2, CHUNK, D), jnp.float32),
        pltpu.VMEM_SHARED((NPAD, D), jnp.float32),
        pltpu.SemaphoreType.DMA,
        pltpu.SemaphoreType.DMA,
        pltpu.SemaphoreType.DMA,
        pltpu.SemaphoreType.DMA,
        pltpu.SemaphoreType.DMA,
    ],
)
def _spmm_k(y_hbm, src_hbm, dst_hbm, zero_hbm, out_hbm,
            dst_v, ring_v, rows_v, acc_sh, sg0, sg1, si0, si1, saux):
    c = lax.axis_index("c")
    s = lax.axis_index("s")
    w = c * NS + s
    sgs = (sg0, sg1)
    sis = (si0, si1)
    pltpu.async_copy(dst_hbm.at[w], dst_v, saux)
    pltpu.sync_copy(zero_hbm, rows_v.at[0])
    for k in range(RPT // CHUNK):
        pltpu.sync_copy(rows_v.at[0],
                        acc_sh.at[pl.ds(s * RPT + k * CHUNK, CHUNK)])
    pltpu.make_async_copy(dst_hbm.at[w], dst_v, saux).wait()
    plsc.subcore_barrier()

    for b in range(2):
        pltpu.async_copy(src_hbm.at[w, b], ring_v.at[b], sis[b])
    for b in range(2):
        pltpu.make_async_copy(src_hbm.at[w, 0], ring_v.at[b], sis[b]).wait()
        pltpu.async_copy(y_hbm.at[ring_v.at[b]], rows_v.at[b], sgs[b])

    @pl.loop(0, NCHUNK, step=2)
    def _(j0):
        for b in range(2):
            j = j0 + b
            pltpu.make_async_copy(
                y_hbm.at[ring_v.at[b]], rows_v.at[b], sgs[b]).wait()

            @pl.when(j + 2 < NCHUNK)
            def _():
                pltpu.async_copy(src_hbm.at[w, j + 2], ring_v.at[b], sis[b])

            pltpu.sync_copy(rows_v.at[b], acc_sh.at[dst_v.at[j]], add=True)

            @pl.when(j + 2 < NCHUNK)
            def _():
                pltpu.make_async_copy(
                    src_hbm.at[w, 0], ring_v.at[b], sis[b]).wait()
                pltpu.async_copy(y_hbm.at[ring_v.at[b]], rows_v.at[b], sgs[b])

    plsc.subcore_barrier()
    for k in range(RPT // CHUNK):
        r0 = s * RPT + k * CHUNK
        pltpu.sync_copy(acc_sh.at[pl.ds(r0, CHUNK)], rows_v.at[0])
        pltpu.sync_copy(rows_v.at[0], out_hbm.at[c, pl.ds(r0, CHUNK)])


BLK = 2000


def _tc1(x, W1, deg_part):
    def body(x_ref, w_ref, dp_ref, y_ref, dinv_ref):
        deg = jnp.sum(dp_ref[...], axis=1) + 1.0
        dinv = lax.rsqrt(deg)[:, None]
        y_ref[...] = jnp.dot(x_ref[...], w_ref[...],
                             preferred_element_type=jnp.float32) * dinv
        dinv_ref[...] = dinv

    return pl.pallas_call(
        body,
        grid=(N // BLK,),
        in_specs=[
            pl.BlockSpec((BLK, D), lambda i: (i, 0)),
            pl.BlockSpec((D, D), lambda i: (0, 0)),
            pl.BlockSpec((BLK, NC), lambda i: (i, 0)),
        ],
        out_specs=[
            pl.BlockSpec((BLK, D), lambda i: (i, 0)),
            pl.BlockSpec((BLK, 1), lambda i: (i, 0)),
        ],
        out_shape=[
            jax.ShapeDtypeStruct((N, D), jnp.float32),
            jax.ShapeDtypeStruct((N, 1), jnp.float32),
        ],
    )(x, W1, deg_part)


def _tc2(p, y1, dinv, b1):
    def body(p_ref, y_ref, dinv_ref, b_ref, o_ref):
        t = p_ref[0] + p_ref[1] + y_ref[...]
        h = jnp.maximum(t * dinv_ref[...] + b_ref[...], 0.0)
        o_ref[...] = h * dinv_ref[...]

    return pl.pallas_call(
        body,
        grid=(N // BLK,),
        in_specs=[
            pl.BlockSpec((NC, BLK, D), lambda i: (0, i, 0)),
            pl.BlockSpec((BLK, D), lambda i: (i, 0)),
            pl.BlockSpec((BLK, 1), lambda i: (i, 0)),
            pl.BlockSpec((1, D), lambda i: (0, 0)),
        ],
        out_specs=pl.BlockSpec((BLK, D), lambda i: (i, 0)),
        out_shape=jax.ShapeDtypeStruct((N, D), jnp.float32),
    )(p, y1, dinv, b1)


def _tc3(q, y2, dinv, W2, b2, W3):
    def body(q_ref, y_ref, dinv_ref, w2_ref, b2_ref, w3_ref, o_ref):
        a1 = (q_ref[0] + q_ref[1] + y_ref[...]) * dinv_ref[...]
        h2 = jnp.maximum(
            jnp.dot(a1, w2_ref[...], preferred_element_type=jnp.float32)
            + b2_ref[...], 0.0)
        o_ref[...] = jnp.dot(h2, w3_ref[...],
                             preferred_element_type=jnp.float32) * dinv_ref[...]

    return pl.pallas_call(
        body,
        grid=(N // BLK,),
        in_specs=[
            pl.BlockSpec((NC, BLK, D), lambda i: (0, i, 0)),
            pl.BlockSpec((BLK, D), lambda i: (i, 0)),
            pl.BlockSpec((BLK, 1), lambda i: (i, 0)),
            pl.BlockSpec((D, 2 * D), lambda i: (0, 0)),
            pl.BlockSpec((1, 2 * D), lambda i: (0, 0)),
            pl.BlockSpec((2 * D, D), lambda i: (0, 0)),
        ],
        out_specs=pl.BlockSpec((BLK, D), lambda i: (i, 0)),
        out_shape=jax.ShapeDtypeStruct((N, D), jnp.float32),
    )(q, y2, dinv, W2, b2, W3)


def _tc4(r, y3, dinv, b3, batch2d):
    def body(r_ref, y_ref, dinv_ref, b_ref, batch_ref, o_ref, sums_sc, cnts_sc):
        j = pl.program_id(0)

        @pl.when(j == 0)
        def _():
            sums_sc[...] = jnp.zeros_like(sums_sc)
            cnts_sc[...] = jnp.zeros_like(cnts_sc)

        h3 = (r_ref[0] + r_ref[1] + y_ref[...]) * dinv_ref[...] + b_ref[...]
        gids = lax.broadcasted_iota(jnp.int32, (1, G), 1)
        M = (batch_ref[...] == gids).astype(jnp.float32)
        sums_sc[...] += lax.dot_general(
            M, h3, (((0,), (0,)), ((), ())),
            preferred_element_type=jnp.float32)
        cnts_sc[...] += lax.dot_general(
            M, jnp.ones((BLK, 1), jnp.float32), (((0,), (0,)), ((), ())),
            preferred_element_type=jnp.float32)

        @pl.when(j == pl.num_programs(0) - 1)
        def _():
            o_ref[...] = sums_sc[...] / jnp.maximum(cnts_sc[...], 1.0)

    return pl.pallas_call(
        body,
        grid=(N // BLK,),
        in_specs=[
            pl.BlockSpec((NC, BLK, D), lambda i: (0, i, 0)),
            pl.BlockSpec((BLK, D), lambda i: (i, 0)),
            pl.BlockSpec((BLK, 1), lambda i: (i, 0)),
            pl.BlockSpec((1, D), lambda i: (0, 0)),
            pl.BlockSpec((BLK, 1), lambda i: (i, 0)),
        ],
        out_specs=pl.BlockSpec((G, D), lambda i: (0, 0)),
        out_shape=jax.ShapeDtypeStruct((G, D), jnp.float32),
        scratch_shapes=[
            pltpu.VMEM((G, D), jnp.float32),
            pltpu.VMEM((G, 1), jnp.float32),
        ],
    )(r, y3, dinv, b3, batch2d)


def kernel(x, edge_index, batch, W1, b1, W2, b2, W3, b3):
    src = edge_index[0]
    dst = edge_index[1]
    pad = PE - E
    ar = jnp.arange(pad, dtype=jnp.int32)
    src_p = jnp.concatenate([src, ar % N]).reshape(NW, NCHUNK, CHUNK)
    dst_p = jnp.concatenate([dst, N + ar % (NPAD - N)]).reshape(NW, NCHUNK, CHUNK)

    deg_part = _deg_k(dst_p)
    y1, dinv = _tc1(x, W1, deg_part.T)

    zero_blk = jnp.zeros((CHUNK, D), jnp.float32)
    p = _spmm_k(y1, src_p, dst_p, zero_blk)
    y2 = _tc2(p, y1, dinv, b1.reshape(1, D))
    q = _spmm_k(y2, src_p, dst_p, zero_blk)
    y3 = _tc3(q, y2, dinv, W2, b2.reshape(1, 2 * D), W3)
    r = _spmm_k(y3, src_p, dst_p, zero_blk)
    return _tc4(r, y3, dinv, b3.reshape(1, D), batch.reshape(N, 1))

# --- scband reference (transcript-rebuilt; emitter-appended) ---
"""Pipeline reference for scband-gcn-encoder-61770219651564 (READ-ONLY COPY).

The authoritative reference and input builder live on the scoring server;
editing this copy changes nothing except your own understanding.
"""

import jax, jax.numpy as jnp
import numpy as np

N_NODES = 10000
N_EDGES = 320000
D_IN = 128
HID = 128
EMB = 128
NUM_GRAPHS = 128


def _glorot(key, fan_in, fan_out):
    lim = np.sqrt(6.0 / (fan_in + fan_out))
    return jax.random.uniform(key, (fan_in, fan_out), jnp.float32, -lim, lim)


def setup_inputs(seed: int = 0) -> dict:
    key = jax.random.key(seed)
    ks = [jax.random.fold_in(key, i) for i in range(16)]
    x = jax.random.normal(ks[0], (N_NODES, D_IN), dtype=jnp.float32)
    edge_index = jax.random.randint(ks[1], (2, N_EDGES), 0, N_NODES, dtype=jnp.int32)
    batch = jnp.sort(jax.random.randint(ks[2], (N_NODES,), 0, NUM_GRAPHS, dtype=jnp.int32))
    W1 = _glorot(ks[3], D_IN, HID)
    b1 = jnp.zeros((HID,), jnp.float32)
    W2 = _glorot(ks[4], HID, HID * 2)
    b2 = jnp.zeros((HID * 2,), jnp.float32)
    W3 = _glorot(ks[5], HID * 2, EMB)
    b3 = jnp.zeros((EMB,), jnp.float32)
    return {"x": x, "edge_index": edge_index, "batch": batch,
            "W1": W1, "b1": b1, "W2": W2, "b2": b2, "W3": W3, "b3": b3}


def _gcn_conv(h, src, dst, norm, W, b, num_nodes):
    # GCNConv: D^-1/2 (A + I) D^-1/2 (H W) + b
    hw = h @ W
    msg = jnp.take(hw, src, axis=0) * norm[:, None]
    out = jnp.zeros((num_nodes, hw.shape[1]), dtype=hw.dtype).at[dst].add(msg)
    return out + b


def reference(x, edge_index, batch, W1, b1, W2, b2, W3, b3):
    num_nodes = x.shape[0]
    loop = jnp.arange(num_nodes, dtype=edge_index.dtype)
    src = jnp.concatenate([edge_index[0], loop])
    dst = jnp.concatenate([edge_index[1], loop])
    # symmetric normalization with self-loops (edge weight 1)
    deg = jnp.zeros((num_nodes,), dtype=x.dtype).at[dst].add(1.0)
    dinv = jnp.where(deg > 0, deg ** -0.5, 0.0)
    norm = dinv[src] * dinv[dst]
    h = _gcn_conv(x, src, dst, norm, W1, b1, num_nodes)
    h = jax.nn.relu(h)
    h = _gcn_conv(h, src, dst, norm, W2, b2, num_nodes)
    h = jax.nn.relu(h)
    h = _gcn_conv(h, src, dst, norm, W3, b3, num_nodes)
    # dropout is identity in eval mode
    sums = jax.ops.segment_sum(h, batch, num_segments=NUM_GRAPHS)
    counts = jax.ops.segment_sum(jnp.ones((num_nodes, 1), dtype=h.dtype), batch, num_segments=NUM_GRAPHS)
    gnn_embedding = sums / jnp.clip(counts, 1.0, None)
    return gnn_embedding

if __name__ == "__main__":
    import jax
    _d = setup_inputs()
    print(jax.jit(kernel)(*tuple(_d.values())))

</pallas_src>

<mosaic_0001>
#map = affine_map<(d0, d1) -> (0, 0, 0)>
#map1 = affine_map<(d0, d1) -> (0, 0)>
module attributes {stable_mosaic.version = 14 : i64} {
  func.func @_deg_k(%arg0: i32, %arg1: i32, %arg2: memref<32x80x128xi32, #tpu.memory_space<hbm>>, %arg3: memref<2x10240xf32, #tpu.memory_space<hbm>>, %arg4: memref<80x128xi32, #tpu.memory_space<vmem>>, %arg5: memref<128xf32, #tpu.memory_space<vmem>>, %arg6: memref<640xf32, #tpu.memory_space<vmem>>, %arg7: memref<10240xf32, #tpu.memory_space<vmem_shared>>) attributes {dimension_semantics = [#tpu.dimension_semantics<core_parallel>, #tpu.dimension_semantics<subcore_parallel>], iteration_bounds = array<i64: 2, 16>, scalar_prefetch = 0 : i64, scratch_operands = 4 : i64, tpu.core_type = #tpu.core_type<sc_vector_subcore>, window_params = [{transform_indices = #map}, {transform_indices = #map1}]} {
    %mul3A = arith.constant 16 : i32
    %mul3A_0 = arith.muli %arg0, %mul3A : i32
    %add3A = arith.addi %mul3A_0, %arg1 : i32
    "tpu.region"() ({
      %run_scoped3A = tpu.sem_alloc : memref<!tpu.dma_semaphore, #tpu.memory_space<semaphore_mem>>
      %dma_start3A = arith.constant 0 : i32
      %dma_start3A_66 = arith.constant 0 : i32
      %dma_start3A_67 = tpu.memref_slice %arg2[%add3A, %dma_start3A, %dma_start3A_66] : memref<32x80x128xi32, #tpu.memory_space<hbm>> -> memref<1x80x128xi32, #tpu.memory_space<hbm>>
      %dma_start3A_68 = tpu.memref_squeeze %dma_start3A_67 : memref<1x80x128xi32, #tpu.memory_space<hbm>> -> memref<80x128xi32, #tpu.memory_space<hbm>>
      %dma_start3A_69 = arith.constant 0 : i32
      %dma_start3A_70 = arith.constant 0 : i32
      %dma_start3A_71 = tpu.memref_slice %arg2[%add3A, %dma_start3A_69, %dma_start3A_70] : memref<32x80x128xi32, #tpu.memory_space<hbm>> -> memref<1x80x128xi32, #tpu.memory_space<hbm>>
      %dma_start3A_72 = tpu.memref_squeeze %dma_start3A_71 : memref<1x80x128xi32, #tpu.memory_space<hbm>> -> memref<80x128xi32, #tpu.memory_space<hbm>>
      tpu.enqueue_dma source(%dma_start3A_72 : memref<80x128xi32, #tpu.memory_space<hbm>>) target(%arg4 : memref<80x128xi32, #tpu.memory_space<vmem>>) target_semaphore(%run_scoped3A : memref<!tpu.dma_semaphore, #tpu.memory_space<semaphore_mem>>)
      %dma_wait3A = arith.constant 0 : i32
      %dma_wait3A_73 = arith.constant 0 : i32
      %dma_wait3A_74 = tpu.memref_slice %arg2[%add3A, %dma_wait3A, %dma_wait3A_73] : memref<32x80x128xi32, #tpu.memory_space<hbm>> -> memref<1x80x128xi32, #tpu.memory_space<hbm>>
      %dma_wait3A_75 = tpu.memref_squeeze %dma_wait3A_74 : memref<1x80x128xi32, #tpu.memory_space<hbm>> -> memref<80x128xi32, #tpu.memory_space<hbm>>
      %dma_wait3A_76 = arith.constant 0 : i32
      %dma_wait3A_77 = arith.constant 0 : i32
      %dma_wait3A_78 = tpu.memref_slice %arg2[%add3A, %dma_wait3A_76, %dma_wait3A_77] : memref<32x80x128xi32, #tpu.memory_space<hbm>> -> memref<1x80x128xi32, #tpu.memory_space<hbm>>
      %dma_wait3A_79 = tpu.memref_squeeze %dma_wait3A_78 : memref<1x80x128xi32, #tpu.memory_space<hbm>> -> memref<80x128xi32, #tpu.memory_space<hbm>>
      tpu.wait_dma2 semaphore(%run_scoped3A : memref<!tpu.dma_semaphore, #tpu.memory_space<semaphore_mem>>) src(%dma_wait3A_79 : memref<80x128xi32, #tpu.memory_space<hbm>>) dst(%arg4 : memref<80x128xi32, #tpu.memory_space<vmem>>)
      tpu.yield
    }) : () -> ()
    %broadcast_in_dim3A = arith.constant 1.000000e+00 : f32
    %broadcast_in_dim3A_1 = vector.broadcast %broadcast_in_dim3A : f32 to vector<16xf32>
    %swap3A = arith.constant 0 : index
    %swap3A_2 = tpu.vector_load %arg5[%swap3A] {strides = array<i32>} : memref<128xf32, #tpu.memory_space<vmem>>, vector<16xf32>,
    %swap3A_3 = vector.shape_cast %swap3A_2 : vector<16xf32> to vector<16xf32>
    %swap3A_4 = vector.shape_cast %broadcast_in_dim3A_1 : vector<16xf32> to vector<16xf32>
    tpu.vector_store %arg5[%swap3A], %swap3A_4 {strides = array<i32>} : memref<128xf32, #tpu.memory_space<vmem>>, vector<16xf32>,
    %broadcast_in_dim3A_5 = arith.constant 1.000000e+00 : f32
    %broadcast_in_dim3A_6 = vector.broadcast %broadcast_in_dim3A_5 : f32 to vector<16xf32>
    %swap3A_7 = arith.constant 16 : index
    %swap3A_8 = tpu.vector_load %arg5[%swap3A_7] {strides = array<i32>} : memref<128xf32, #tpu.memory_space<vmem>>, vector<16xf32>,
    %swap3A_9 = vector.shape_cast %swap3A_8 : vector<16xf32> to vector<16xf32>
    %swap3A_10 = vector.shape_cast %broadcast_in_dim3A_6 : vector<16xf32> to vector<16xf32>
    tpu.vector_store %arg5[%swap3A_7], %swap3A_10 {strides = array<i32>} : memref<128xf32, #tpu.memory_space<vmem>>, vector<16xf32>,
    %broadcast_in_dim3A_11 = arith.constant 1.000000e+00 : f32
    %broadcast_in_dim3A_12 = vector.broadcast %broadcast_in_dim3A_11 : f32 to vector<16xf32>
    %swap3A_13 = arith.constant 32 : index
    %swap3A_14 = tpu.vector_load %arg5[%swap3A_13] {strides = array<i32>} : memref<128xf32, #tpu.memory_space<vmem>>, vector<16xf32>,
    %swap3A_15 = vector.shape_cast %swap3A_14 : vector<16xf32> to vector<16xf32>
    %swap3A_16 = vector.shape_cast %broadcast_in_dim3A_12 : vector<16xf32> to vector<16xf32>
    tpu.vector_store %arg5[%swap3A_13], %swap3A_16 {strides = array<i32>} : memref<128xf32, #tpu.memory_space<vmem>>, vector<16xf32>,
    %broadcast_in_dim3A_17 = arith.constant 1.000000e+00 : f32
    %broadcast_in_dim3A_18 = vector.broadcast %broadcast_in_dim3A_17 : f32 to vector<16xf32>
    %swap3A_19 = arith.constant 48 : index
    %swap3A_20 = tpu.vector_load %arg5[%swap3A_19] {strides = array<i32>} : memref<128xf32, #tpu.memory_space<vmem>>, vector<16xf32>,
    %swap3A_21 = vector.shape_cast %swap3A_20 : vector<16xf32> to vector<16xf32>
    %swap3A_22 = vector.shape_cast %broadcast_in_dim3A_18 : vector<16xf32> to vector<16xf32>
    tpu.vector_store %arg5[%swap3A_19], %swap3A_22 {strides = array<i32>} : memref<128xf32, #tpu.memory_space<vmem>>, vector<16xf32>,
    %broadcast_in_dim3A_23 = arith.constant 1.000000e+00 : f32
    %broadcast_in_dim3A_24 = vector.broadcast %broadcast_in_dim3A_23 : f32 to vector<16xf32>
    %swap3A_25 = arith.constant 64 : index
    %swap3A_26 = tpu.vector_load %arg5[%swap3A_25] {strides = array<i32>} : memref<128xf32, #tpu.memory_space<vmem>>, vector<16xf32>,
    %swap3A_27 = vector.shape_cast %swap3A_26 : vector<16xf32> to vector<16xf32>
    %swap3A_28 = vector.shape_cast %broadcast_in_dim3A_24 : vector<16xf32> to vector<16xf32>
    tpu.vector_store %arg5[%swap3A_25], %swap3A_28 {strides = array<i32>} : memref<128xf32, #tpu.memory_space<vmem>>, vector<16xf32>,
    %broadcast_in_dim3A_29 = arith.constant 1.000000e+00 : f32
    %broadcast_in_dim3A_30 = vector.broadcast %broadcast_in_dim3A_29 : f32 to vector<16xf32>
    %swap3A_31 = arith.constant 80 : index
    %swap3A_32 = tpu.vector_load %arg5[%swap3A_31] {strides = array<i32>} : memref<128xf32, #tpu.memory_space<vmem>>, vector<16xf32>,
    %swap3A_33 = vector.shape_cast %swap3A_32 : vector<16xf32> to vector<16xf32>
    %swap3A_34 = vector.shape_cast %broadcast_in_dim3A_30 : vector<16xf32> to vector<16xf32>
    tpu.vector_store %arg5[%swap3A_31], %swap3A_34 {strides = array<i32>} : memref<128xf32, #tpu.memory_space<vmem>>, vector<16xf32>,
    %broadcast_in_dim3A_35 = arith.constant 1.000000e+00 : f32
    %broadcast_in_dim3A_36 = vector.broadcast %broadcast_in_dim3A_35 : f32 to vector<16xf32>
    %swap3A_37 = arith.constant 96 : index
    %swap3A_38 = tpu.vector_load %arg5[%swap3A_37] {strides = array<i32>} : memref<128xf32, #tpu.memory_space<vmem>>, vector<16xf32>,
    %swap3A_39 = vector.shape_cast %swap3A_38 : vector<16xf32> to vector<16xf32>
    %swap3A_40 = vector.shape_cast %broadcast_in_dim3A_36 : vector<16xf32> to vector<16xf32>
    tpu.vector_store %arg5[%swap3A_37], %swap3A_40 {strides = array<i32>} : memref<128xf32, #tpu.memory_space<vmem>>, vector<16xf32>,
    %broadcast_in_dim3A_41 = arith.constant 1.000000e+00 : f32
    %broadcast_in_dim3A_42 = vector.broadcast %broadcast_in_dim3A_41 : f32 to vector<16xf32>
    %swap3A_43 = arith.constant 112 : index
    %swap3A_44 = tpu.vector_load %arg5[%swap3A_43] {strides = array<i32>} : memref<128xf32, #tpu.memory_space<vmem>>, vector<16xf32>,
    %swap3A_45 = vector.shape_cast %swap3A_44 : vector<16xf32> to vector<16xf32>
    %swap3A_46 = vector.shape_cast %broadcast_in_dim3A_42 : vector<16xf32> to vector<16xf32>
    tpu.vector_store %arg5[%swap3A_43], %swap3A_46 {strides = array<i32>} : memref<128xf32, #tpu.memory_space<vmem>>, vector<16xf32>,
    %broadcast_in_dim3A_47 = arith.constant 0.000000e+00 : f32
    %broadcast_in_dim3A_48 = vector.broadcast %broadcast_in_dim3A_47 : f32 to vector<16xf32>
    %scan3A = arith.constant 0 : i32
    %scan3A_49 = arith.constant 0 : i32
    %scan3A_50 = arith.constant 40 : i32
    %scan3A_51 = arith.addi %scan3A_49, %scan3A_50 : i32
    %scan3A_52 = arith.constant 1 : i32
    scf.for %scan3A_66 = %scan3A_49 to %scan3A_51 step %scan3A_52  : i32 {
      %mul3A_67 = arith.constant 16 : i32
      %mul3A_68 = arith.muli %scan3A_66, %mul3A_67 : i32
      %swap3A_69 = arith.index_cast %mul3A_68 : i32 to index
      %swap3A_70 = tpu.vector_load %arg6[%swap3A_69] {strides = array<i32>} : memref<640xf32, #tpu.memory_space<vmem>>, vector<16xf32>,
      %swap3A_71 = vector.shape_cast %swap3A_70 : vector<16xf32> to vector<16xf32>
      %swap3A_72 = vector.shape_cast %broadcast_in_dim3A_48 : vector<16xf32> to vector<16xf32>
      tpu.vector_store %arg6[%swap3A_69], %swap3A_72 {strides = array<i32>} : memref<640xf32, #tpu.memory_space<vmem>>, vector<16xf32>,
    }
    %scan3A_53 = arith.constant 40 : i32
    %mul3A_54 = arith.constant 640 : i32
    %mul3A_55 = arith.muli %arg1, %mul3A_54 : i32
    "tpu.region"() ({
      %run_scoped3A = tpu.sem_alloc : memref<!tpu.dma_semaphore, #tpu.memory_space<semaphore_mem>>
      %dma_start3A = tpu.memref_slice %arg7[%mul3A_55] : memref<10240xf32, #tpu.memory_space<vmem_shared>> -> memref<640xf32, #tpu.memory_space<vmem_shared>>
      %dma_start3A_66 = tpu.memref_slice %arg7[%mul3A_55] : memref<10240xf32, #tpu.memory_space<vmem_shared>> -> memref<640xf32, #tpu.memory_space<vmem_shared>>
      tpu.enqueue_dma source(%arg6 : memref<640xf32, #tpu.memory_space<vmem>>) target(%dma_start3A_66 : memref<640xf32, #tpu.memory_space<vmem_shared>>) target_semaphore(%run_scoped3A : memref<!tpu.dma_semaphore, #tpu.memory_space<semaphore_mem>>)
      %dma_wait3A = tpu.memref_slice %arg7[%mul3A_55] : memref<10240xf32, #tpu.memory_space<vmem_shared>> -> memref<640xf32, #tpu.memory_space<vmem_shared>>
      %dma_wait3A_67 = tpu.memref_slice %arg7[%mul3A_55] : memref<10240xf32, #tpu.memory_space<vmem_shared>> -> memref<640xf32, #tpu.memory_space<vmem_shared>>
      tpu.wait_dma2 semaphore(%run_scoped3A : memref<!tpu.dma_semaphore, #tpu.memory_space<semaphore_mem>>) src(%arg6 : memref<640xf32, #tpu.memory_space<vmem>>) dst(%dma_wait3A_67 : memref<640xf32, #tpu.memory_space<vmem_shared>>)
      tpu.yield
    }) : () -> ()
    %barrier3A = arith.constant 0 : index
    tpu.barrier barrier_id(%barrier3A)
    %scan3A_56 = arith.constant 0 : i32
    %scan3A_57 = arith.constant 80 : i32
    %scan3A_58 = arith.addi %scan3A_56, %scan3A_57 : i32
    %scan3A_59 = arith.constant 1 : i32
    scf.for %scan3A_66 = %scan3A_56 to %scan3A_58 step %scan3A_59  : i32 {
      %mul3A_67 = arith.constant 1 : i32
      %mul3A_68 = arith.muli %scan3A_66, %mul3A_67 : i32
      %add3A_69 = arith.constant 0 : i32
      %add3A_70 = arith.addi %add3A_69, %mul3A_68 : i32
      "tpu.region"() ({
        %run_scoped3A = tpu.sem_alloc : memref<!tpu.dma_semaphore, #tpu.memory_space<semaphore_mem>>
        %dma_start3A = arith.constant 0 : i32
        %dma_start3A_71 = tpu.memref_slice %arg4[%add3A_70, %dma_start3A] : memref<80x128xi32, #tpu.memory_space<vmem>> -> memref<1x128xi32, #tpu.memory_space<vmem>>
        %dma_start3A_72 = tpu.memref_squeeze %dma_start3A_71 : memref<1x128xi32, #tpu.memory_space<vmem>> -> memref<128xi32, #tpu.memory_space<vmem>>
        %dma_start3A_73 = arith.constant 0 : i32
        %dma_start3A_74 = tpu.memref_slice %arg7[%dma_start3A_73] : memref<10240xf32, #tpu.memory_space<vmem_shared>> -> memref<10240xf32, #tpu.memory_space<vmem_shared>>
        tpu.enqueue_indirect_dma source(%arg5 : memref<128xf32, #tpu.memory_space<vmem>>) target(%dma_start3A_74 : memref<10240xf32, #tpu.memory_space<vmem_shared>>) offsets(%dma_start3A_72 : memref<128xi32, #tpu.memory_space<vmem>>) semaphore(%run_scoped3A : memref<!tpu.dma_semaphore, #tpu.memory_space<semaphore_mem>>) {add = true}
        %dma_wait3A = arith.constant 0 : i32
        %dma_wait3A_75 = tpu.memref_slice %arg4[%add3A_70, %dma_wait3A] : memref<80x128xi32, #tpu.memory_space<vmem>> -> memref<1x128xi32, #tpu.memory_space<vmem>>
        %dma_wait3A_76 = tpu.memref_squeeze %dma_wait3A_75 : memref<1x128xi32, #tpu.memory_space<vmem>> -> memref<128xi32, #tpu.memory_space<vmem>>
        %dma_wait3A_77 = arith.constant 0 : i32
        %dma_wait3A_78 = tpu.memref_slice %arg7[%dma_wait3A_77] : memref<10240xf32, #tpu.memory_space<vmem_shared>> -> memref<10240xf32, #tpu.memory_space<vmem_shared>>
        tpu.wait_indirect_dma semaphore(%run_scoped3A : memref<!tpu.dma_semaphore, #tpu.memory_space<semaphore_mem>>) src(%arg5 : memref<128xf32, #tpu.memory_space<vmem>>) dst(%dma_wait3A_78 : memref<10240xf32, #tpu.memory_space<vmem_shared>>)
        tpu.yield
      }) : () -> ()
    }
    %scan3A_60 = arith.constant 80 : i32
    %barrier3A_61 = arith.constant 0 : index
    tpu.barrier barrier_id(%barrier3A_61)
    %mul3A_62 = arith.constant 640 : i32
    %mul3A_63 = arith.muli %arg1, %mul3A_62 : i32
    "tpu.region"() ({
      %run_scoped3A = tpu.sem_alloc : memref<!tpu.dma_semaphore, #tpu.memory_space<semaphore_mem>>
      %dma_start3A = tpu.memref_slice %arg7[%mul3A_63] : memref<10240xf32, #tpu.memory_space<vmem_shared>> -> memref<640xf32, #tpu.memory_space<vmem_shared>>
      %dma_start3A_66 = tpu.memref_slice %arg7[%mul3A_63] : memref<10240xf32, #tpu.memory_space<vmem_shared>> -> memref<640xf32, #tpu.memory_space<vmem_shared>>
      tpu.enqueue_dma source(%dma_start3A_66 : memref<640xf32, #tpu.memory_space<vmem_shared>>) target(%arg6 : memref<640xf32, #tpu.memory_space<vmem>>) target_semaphore(%run_scoped3A : memref<!tpu.dma_semaphore, #tpu.memory_space<semaphore_mem>>)
      %dma_wait3A = tpu.memref_slice %arg7[%mul3A_63] : memref<10240xf32, #tpu.memory_space<vmem_shared>> -> memref<640xf32, #tpu.memory_space<vmem_shared>>
      %dma_wait3A_67 = tpu.memref_slice %arg7[%mul3A_63] : memref<10240xf32, #tpu.memory_space<vmem_shared>> -> memref<640xf32, #tpu.memory_space<vmem_shared>>
      tpu.wait_dma2 semaphore(%run_scoped3A : memref<!tpu.dma_semaphore, #tpu.memory_space<semaphore_mem>>) src(%dma_wait3A_67 : memref<640xf32, #tpu.memory_space<vmem_shared>>) dst(%arg6 : memref<640xf32, #tpu.memory_space<vmem>>)
      tpu.yield
    }) : () -> ()
    %mul3A_64 = arith.constant 640 : i32
    %mul3A_65 = arith.muli %arg1, %mul3A_64 : i32
    "tpu.region"() ({
      %run_scoped3A = tpu.sem_alloc : memref<!tpu.dma_semaphore, #tpu.memory_space<semaphore_mem>>
      %dma_start3A = tpu.memref_slice %arg3[%arg0, %mul3A_65] : memref<2x10240xf32, #tpu.memory_space<hbm>> -> memref<1x640xf32, #tpu.memory_space<hbm>>
      %dma_start3A_66 = tpu.memref_squeeze %dma_start3A : memref<1x640xf32, #tpu.memory_space<hbm>> -> memref<640xf32, #tpu.memory_space<hbm>>
      %dma_start3A_67 = tpu.memref_slice %arg3[%arg0, %mul3A_65] : memref<2x10240xf32, #tpu.memory_space<hbm>> -> memref<1x640xf32, #tpu.memory_space<hbm>>
      %dma_start3A_68 = tpu.memref_squeeze %dma_start3A_67 : memref<1x640xf32, #tpu.memory_space<hbm>> -> memref<640xf32, #tpu.memory_space<hbm>>
      tpu.enqueue_dma source(%arg6 : memref<640xf32, #tpu.memory_space<vmem>>) target(%dma_start3A_68 : memref<640xf32, #tpu.memory_space<hbm>>) target_semaphore(%run_scoped3A : memref<!tpu.dma_semaphore, #tpu.memory_space<semaphore_mem>>)
      %dma_wait3A = tpu.memref_slice %arg3[%arg0, %mul3A_65] : memref<2x10240xf32, #tpu.memory_space<hbm>> -> memref<1x640xf32, #tpu.memory_space<hbm>>
      %dma_wait3A_69 = tpu.memref_squeeze %dma_wait3A : memref<1x640xf32, #tpu.memory_space<hbm>> -> memref<640xf32, #tpu.memory_space<hbm>>
      %dma_wait3A_70 = tpu.memref_slice %arg3[%arg0, %mul3A_65] : memref<2x10240xf32, #tpu.memory_space<hbm>> -> memref<1x640xf32, #tpu.memory_space<hbm>>
      %dma_wait3A_71 = tpu.memref_squeeze %dma_wait3A_70 : memref<1x640xf32, #tpu.memory_space<hbm>> -> memref<640xf32, #tpu.memory_space<hbm>>
      tpu.wait_dma2 semaphore(%run_scoped3A : memref<!tpu.dma_semaphore, #tpu.memory_space<semaphore_mem>>) src(%arg6 : memref<640xf32, #tpu.memory_space<vmem>>) dst(%dma_wait3A_71 : memref<640xf32, #tpu.memory_space<hbm>>)
      tpu.yield
    }) : () -> ()
    return
  }
}

#map = affine_map<(d0, d1) -> (0, 0)>
#map1 = affine_map<(d0, d1) -> (0, 0, 0)>
module attributes {stable_mosaic.version = 14 : i64} {
  func.func @_spmm_k(%arg0: i32, %arg1: i32, %arg2: memref<10000x128xf32, #tpu.memory_space<hbm>>, %arg3: memref<32x80x128xi32, #tpu.memory_space<hbm>>, %arg4: memref<32x80x128xi32, #tpu.memory_space<hbm>>, %arg5: memref<128x128xf32, #tpu.memory_space<hbm>>, %arg6: memref<2x10240x128xf32, #tpu.memory_space<hbm>>, %arg7: memref<80x128xi32, #tpu.memory_space<vmem>>, %arg8: memref<2x128xi32, #tpu.memory_space<vmem>>, %arg9: memref<2x128x128xf32, #tpu.memory_space<vmem>>, %arg10: memref<10240x128xf32, #tpu.memory_space<vmem_shared>>, %arg11: memref<!tpu.dma_semaphore, #tpu.memory_space<semaphore_mem>>, %arg12: memref<!tpu.dma_semaphore, #tpu.memory_space<semaphore_mem>>, %arg13: memref<!tpu.dma_semaphore, #tpu.memory_space<semaphore_mem>>, %arg14: memref<!tpu.dma_semaphore, #tpu.memory_space<semaphore_mem>>, %arg15: memref<!tpu.dma_semaphore, #tpu.memory_space<semaphore_mem>>) attributes {dimension_semantics = [#tpu.dimension_semantics<core_parallel>, #tpu.dimension_semantics<subcore_parallel>], iteration_bounds = array<i64: 2, 16>, scalar_prefetch = 0 : i64, scratch_operands = 9 : i64, tpu.core_type = #tpu.core_type<sc_vector_subcore>, window_params = [{transform_indices = #map}, {transform_indices = #map1}, {transform_indices = #map1}, {transform_indices = #map}, {transform_indices = #map1}]} {
    %mul3A = arith.constant 16 : i32
    %mul3A_0 = arith.muli %arg0, %mul3A : i32
    %add3A = arith.addi %mul3A_0, %arg1 : i32
    %dma_start3A = arith.constant 0 : i32
    %dma_start3A_1 = arith.constant 0 : i32
    %dma_start3A_2 = tpu.memref_slice %arg4[%add3A, %dma_start3A, %dma_start3A_1] : memref<32x80x128xi32, #tpu.memory_space<hbm>> -> memref<1x80x128xi32, #tpu.memory_space<hbm>>
    %dma_start3A_3 = tpu.memref_squeeze %dma_start3A_2 : memref<1x80x128xi32, #tpu.memory_space<hbm>> -> memref<80x128xi32, #tpu.memory_space<hbm>>
    %dma_start3A_4 = arith.constant 0 : i32
    %dma_start3A_5 = arith.constant 0 : i32
    %dma_start3A_6 = tpu.memref_slice %arg4[%add3A, %dma_start3A_4, %dma_start3A_5] : memref<32x80x128xi32, #tpu.memory_space<hbm>> -> memref<1x80x128xi32, #tpu.memory_space<hbm>>
    %dma_start3A_7 = tpu.memref_squeeze %dma_start3A_6 : memref<1x80x128xi32, #tpu.memory_space<hbm>> -> memref<80x128xi32, #tpu.memory_space<hbm>>
    tpu.enqueue_dma source(%dma_start3A_7 : memref<80x128xi32, #tpu.memory_space<hbm>>) target(%arg7 : memref<80x128xi32, #tpu.memory_space<vmem>>) target_semaphore(%arg15 : memref<!tpu.dma_semaphore, #tpu.memory_space<semaphore_mem>>)
    %run_scoped3A = arith.constant 0 : i32
    "tpu.region"() ({
      %run_scoped3A_155 = tpu.sem_alloc : memref<!tpu.dma_semaphore, #tpu.memory_space<semaphore_mem>>
      %dma_start3A_156 = arith.constant 0 : i32
      %dma_start3A_157 = arith.constant 0 : i32
      %dma_start3A_158 = tpu.memref_slice %arg9[%run_scoped3A, %dma_start3A_156, %dma_start3A_157] : memref<2x128x128xf32, #tpu.memory_space<vmem>> -> memref<1x128x128xf32, #tpu.memory_space<vmem>>
      %dma_start3A_159 = tpu.memref_squeeze %dma_start3A_158 : memref<1x128x128xf32, #tpu.memory_space<vmem>> -> memref<128x128xf32, #tpu.memory_space<vmem>>
      %dma_start3A_160 = arith.constant 0 : i32
      %dma_start3A_161 = arith.constant 0 : i32
      %dma_start3A_162 = tpu.memref_slice %arg9[%run_scoped3A, %dma_start3A_160, %dma_start3A_161] : memref<2x128x128xf32, #tpu.memory_space<vmem>> -> memref<1x128x128xf32, #tpu.memory_space<vmem>>
      %dma_start3A_163 = tpu.memref_squeeze %dma_start3A_162 : memref<1x128x128xf32, #tpu.memory_space<vmem>> -> memref<128x128xf32, #tpu.memory_space<vmem>>
      tpu.enqueue_dma source(%arg5 : memref<128x128xf32, #tpu.memory_space<hbm>>) target(%dma_start3A_163 : memref<128x128xf32, #tpu.memory_space<vmem>>) target_semaphore(%run_scoped3A_155 : memref<!tpu.dma_semaphore, #tpu.memory_space<semaphore_mem>>)
      %dma_wait3A_164 = arith.constant 0 : i32
      %dma_wait3A_165 = arith.constant 0 : i32
      %dma_wait3A_166 = tpu.memref_slice %arg9[%run_scoped3A, %dma_wait3A_164, %dma_wait3A_165] : memref<2x128x128xf32, #tpu.memory_space<vmem>> -> memref<1x128x128xf32, #tpu.memory_space<vmem>>
      %dma_wait3A_167 = tpu.memref_squeeze %dma_wait3A_166 : memref<1x128x128xf32, #tpu.memory_space<vmem>> -> memref<128x128xf32, #tpu.memory_space<vmem>>
      %dma_wait3A_168 = arith.constant 0 : i32
      %dma_wait3A_169 = arith.constant 0 : i32
      %dma_wait3A_170 = tpu.memref_slice %arg9[%run_scoped3A, %dma_wait3A_168, %dma_wait3A_169] : memref<2x128x128xf32, #tpu.memory_space<vmem>> -> memref<1x128x128xf32, #tpu.memory_space<vmem>>
      %dma_wait3A_171 = tpu.memref_squeeze %dma_wait3A_170 : memref<1x128x128xf32, #tpu.memory_space<vmem>> -> memref<128x128xf32, #tpu.memory_space<vmem>>
      tpu.wait_dma2 semaphore(%run_scoped3A_155 : memref<!tpu.dma_semaphore, #tpu.memory_space<semaphore_mem>>) src(%arg5 : memref<128x128xf32, #tpu.memory_space<hbm>>) dst(%dma_wait3A_171 : memref<128x128xf32, #tpu.memory_space<vmem>>)
      tpu.yield
    }) : () -> ()
    %mul3A_8 = arith.constant 640 : i32
    %mul3A_9 = arith.muli %arg1, %mul3A_8 : i32
    %add3A_10 = arith.constant 0 : i32
    %add3A_11 = arith.addi %mul3A_9, %add3A_10 : i32
    %run_scoped3A_12 = arith.constant 0 : i32
    "tpu.region"() ({
      %run_scoped3A_155 = tpu.sem_alloc : memref<!tpu.dma_semaphore, #tpu.memory_space<semaphore_mem>>
      %dma_start3A_156 = arith.constant 0 : i32
      %dma_start3A_157 = arith.constant 0 : i32
      %dma_start3A_158 = tpu.memref_slice %arg9[%run_scoped3A_12, %dma_start3A_156, %dma_start3A_157] : memref<2x128x128xf32, #tpu.memory_space<vmem>> -> memref<1x128x128xf32, #tpu.memory_space<vmem>>
      %dma_start3A_159 = tpu.memref_squeeze %dma_start3A_158 : memref<1x128x128xf32, #tpu.memory_space<vmem>> -> memref<128x128xf32, #tpu.memory_space<vmem>>
      %dma_start3A_160 = arith.constant 0 : i32
      %dma_start3A_161 = tpu.memref_slice %arg10[%add3A_11, %dma_start3A_160] : memref<10240x128xf32, #tpu.memory_space<vmem_shared>> -> memref<128x128xf32, #tpu.memory_space<vmem_shared>>
      %dma_start3A_162 = arith.constant 0 : i32
      %dma_start3A_163 = tpu.memref_slice %arg10[%add3A_11, %dma_start3A_162] : memref<10240x128xf32, #tpu.memory_space<vmem_shared>> -> memref<128x128xf32, #tpu.memory_space<vmem_shared>>
      %dma_start3A_164 = arith.constant 0 : i32
      %dma_start3A_165 = arith.constant 0 : i32
      %dma_start3A_166 = tpu.memref_slice %arg9[%run_scoped3A_12, %dma_start3A_164, %dma_start3A_165] : memref<2x128x128xf32, #tpu.memory_space<vmem>> -> memref<1x128x128xf32, #tpu.memory_space<vmem>>
      %dma_start3A_167 = tpu.memref_squeeze %dma_start3A_166 : memref<1x128x128xf32, #tpu.memory_space<vmem>> -> memref<128x128xf32, #tpu.memory_space<vmem>>
      tpu.enqueue_dma source(%dma_start3A_167 : memref<128x128xf32, #tpu.memory_space<vmem>>) target(%dma_start3A_163 : memref<128x128xf32, #tpu.memory_space<vmem_shared>>) target_semaphore(%run_scoped3A_155 : memref<!tpu.dma_semaphore, #tpu.memory_space<semaphore_mem>>)
      %dma_wait3A_168 = arith.constant 0 : i32
      %dma_wait3A_169 = arith.constant 0 : i32
      %dma_wait3A_170 = tpu.memref_slice %arg9[%run_scoped3A_12, %dma_wait3A_168, %dma_wait3A_169] : memref<2x128x128xf32, #tpu.memory_space<vmem>> -> memref<1x128x128xf32, #tpu.memory_space<vmem>>
      %dma_wait3A_171 = tpu.memref_squeeze %dma_wait3A_170 : memref<1x128x128xf32, #tpu.memory_space<vmem>> -> memref<128x128xf32, #tpu.memory_space<vmem>>
      %dma_wait3A_172 = arith.constant 0 : i32
      %dma_wait3A_173 = tpu.memref_slice %arg10[%add3A_11, %dma_wait3A_172] : memref<10240x128xf32, #tpu.memory_space<vmem_shared>> -> memref<128x128xf32, #tpu.memory_space<vmem_shared>>
      %dma_wait3A_174 = arith.constant 0 : i32
      %dma_wait3A_175 = tpu.memref_slice %arg10[%add3A_11, %dma_wait3A_174] : memref<10240x128xf32, #tpu.memory_space<vmem_shared>> -> memref<128x128xf32, #tpu.memory_space<vmem_shared>>
      %dma_wait3A_176 = arith.constant 0 : i32
      %dma_wait3A_177 = arith.constant 0 : i32
      %dma_wait3A_178 = tpu.memref_slice %arg9[%run_scoped3A_12, %dma_wait3A_176, %dma_wait3A_177] : memref<2x128x128xf32, #tpu.memory_space<vmem>> -> memref<1x128x128xf32, #tpu.memory_space<vmem>>
      %dma_wait3A_179 = tpu.memref_squeeze %dma_wait3A_178 : memref<1x128x128xf32, #tpu.memory_space<vmem>> -> memref<128x128xf32, #tpu.memory_space<vmem>>
      tpu.wait_dma2 semaphore(%run_scoped3A_155 : memref<!tpu.dma_semaphore, #tpu.memory_space<semaphore_mem>>) src(%dma_wait3A_179 : memref<128x128xf32, #tpu.memory_space<vmem>>) dst(%dma_wait3A_175 : memref<128x128xf32, #tpu.memory_space<vmem_shared>>)
      tpu.yield
    }) : () -> ()
    %mul3A_13 = arith.constant 640 : i32
    %mul3A_14 = arith.muli %arg1, %mul3A_13 : i32
    %add3A_15 = arith.constant 128 : i32
    %add3A_16 = arith.addi %mul3A_14, %add3A_15 : i32
    %run_scoped3A_17 = arith.constant 0 : i32
    "tpu.region"() ({
      %run_scoped3A_155 = tpu.sem_alloc : memref<!tpu.dma_semaphore, #tpu.memory_space<semaphore_mem>>
      %dma_start3A_156 = arith.constant 0 : i32
      %dma_start3A_157 = arith.constant 0 : i32
      %dma_start3A_158 = tpu.memref_slice %arg9[%run_scoped3A_17, %dma_start3A_156, %dma_start3A_157] : memref<2x128x128xf32, #tpu.memory_space<vmem>> -> memref<1x128x128xf32, #tpu.memory_space<vmem>>
      %dma_start3A_159 = tpu.memref_squeeze %dma_start3A_158 : memref<1x128x128xf32, #tpu.memory_space<vmem>> -> memref<128x128xf32, #tpu.memory_space<vmem>>
      %dma_start3A_160 = arith.constant 0 : i32
      %dma_start3A_161 = tpu.memref_slice %arg10[%add3A_16, %dma_start3A_160] : memref<10240x128xf32, #tpu.memory_space<vmem_shared>> -> memref<128x128xf32, #tpu.memory_space<vmem_shared>>
      %dma_start3A_162 = arith.constant 0 : i32
      %dma_start3A_163 = tpu.memref_slice %arg10[%add3A_16, %dma_start3A_162] : memref<10240x128xf32, #tpu.memory_space<vmem_shared>> -> memref<128x128xf32, #tpu.memory_space<vmem_shared>>
      %dma_start3A_164 = arith.constant 0 : i32
      %dma_start3A_165 = arith.constant 0 : i32
      %dma_start3A_166 = tpu.memref_slice %arg9[%run_scoped3A_17, %dma_start3A_164, %dma_start3A_165] : memref<2x128x128xf32, #tpu.memory_space<vmem>> -> memref<1x128x128xf32, #tpu.memory_space<vmem>>
      %dma_start3A_167 = tpu.memref_squeeze %dma_start3A_166 : memref<1x128x128xf32, #tpu.memory_space<vmem>> -> memref<128x128xf32, #tpu.memory_space<vmem>>
      tpu.enqueue_dma source(%dma_start3A_167 : memref<128x128xf32, #tpu.memory_space<vmem>>) target(%dma_start3A_163 : memref<128x128xf32, #tpu.memory_space<vmem_shared>>) target_semaphore(%run_scoped3A_155 : memref<!tpu.dma_semaphore, #tpu.memory_space<semaphore_mem>>)
      %dma_wait3A_168 = arith.constant 0 : i32
      %dma_wait3A_169 = arith.constant 0 : i32
      %dma_wait3A_170 = tpu.memref_slice %arg9[%run_scoped3A_17, %dma_wait3A_168, %dma_wait3A_169] : memref<2x128x128xf32, #tpu.memory_space<vmem>> -> memref<1x128x128xf32, #tpu.memory_space<vmem>>
      %dma_wait3A_171 = tpu.memref_squeeze %dma_wait3A_170 : memref<1x128x128xf32, #tpu.memory_space<vmem>> -> memref<128x128xf32, #tpu.memory_space<vmem>>
      %dma_wait3A_172 = arith.constant 0 : i32
      %dma_wait3A_173 = tpu.memref_slice %arg10[%add3A_16, %dma_wait3A_172] : memref<10240x128xf32, #tpu.memory_space<vmem_shared>> -> memref<128x128xf32, #tpu.memory_space<vmem_shared>>
      %dma_wait3A_174 = arith.constant 0 : i32
      %dma_wait3A_175 = tpu.memref_slice %arg10[%add3A_16, %dma_wait3A_174] : memref<10240x128xf32, #tpu.memory_space<vmem_shared>> -> memref<128x128xf32, #tpu.memory_space<vmem_shared>>
      %dma_wait3A_176 = arith.constant 0 : i32
      %dma_wait3A_177 = arith.constant 0 : i32
      %dma_wait3A_178 = tpu.memref_slice %arg9[%run_scoped3A_17, %dma_wait3A_176, %dma_wait3A_177] : memref<2x128x128xf32, #tpu.memory_space<vmem>> -> memref<1x128x128xf32, #tpu.memory_space<vmem>>
      %dma_wait3A_179 = tpu.memref_squeeze %dma_wait3A_178 : memref<1x128x128xf32, #tpu.memory_space<vmem>> -> memref<128x128xf32, #tpu.memory_space<vmem>>
      tpu.wait_dma2 semaphore(%run_scoped3A_155 : memref<!tpu.dma_semaphore, #tpu.memory_space<semaphore_mem>>) src(%dma_wait3A_179 : memref<128x128xf32, #tpu.memory_space<vmem>>) dst(%dma_wait3A_175 : memref<128x128xf32, #tpu.memory_space<vmem_shared>>)
      tpu.yield
    }) : () -> ()
    %mul3A_18 = arith.constant 640 : i32
    %mul3A_19 = arith.muli %arg1, %mul3A_18 : i32
    %add3A_20 = arith.constant 256 : i32
    %add3A_21 = arith.addi %mul3A_19, %add3A_20 : i32
    %run_scoped3A_22 = arith.constant 0 : i32
    "tpu.region"() ({
      %run_scoped3A_155 = tpu.sem_alloc : memref<!tpu.dma_semaphore, #tpu.memory_space<semaphore_mem>>
      %dma_start3A_156 = arith.constant 0 : i32
      %dma_start3A_157 = arith.constant 0 : i32
      %dma_start3A_158 = tpu.memref_slice %arg9[%run_scoped3A_22, %dma_start3A_156, %dma_start3A_157] : memref<2x128x128xf32, #tpu.memory_space<vmem>> -> memref<1x128x128xf32, #tpu.memory_space<vmem>>
      %dma_start3A_159 = tpu.memref_squeeze %dma_start3A_158 : memref<1x128x128xf32, #tpu.memory_space<vmem>> -> memref<128x128xf32, #tpu.memory_space<vmem>>
      %dma_start3A_160 = arith.constant 0 : i32
      %dma_start3A_161 = tpu.memref_slice %arg10[%add3A_21, %dma_start3A_160] : memref<10240x128xf32, #tpu.memory_space<vmem_shared>> -> memref<128x128xf32, #tpu.memory_space<vmem_shared>>
      %dma_start3A_162 = arith.constant 0 : i32
      %dma_start3A_163 = tpu.memref_slice %arg10[%add3A_21, %dma_start3A_162] : memref<10240x128xf32, #tpu.memory_space<vmem_shared>> -> memref<128x128xf32, #tpu.memory_space<vmem_shared>>
      %dma_start3A_164 = arith.constant 0 : i32
      %dma_start3A_165 = arith.constant 0 : i32
      %dma_start3A_166 = tpu.memref_slice %arg9[%run_scoped3A_22, %dma_start3A_164, %dma_start3A_165] : memref<2x128x128xf32, #tpu.memory_space<vmem>> -> memref<1x128x128xf32, #tpu.memory_space<vmem>>
      %dma_start3A_167 = tpu.memref_squeeze %dma_start3A_166 : memref<1x128x128xf32, #tpu.memory_space<vmem>> -> memref<128x128xf32, #tpu.memory_space<vmem>>
      tpu.enqueue_dma source(%dma_start3A_167 : memref<128x128xf32, #tpu.memory_space<vmem>>) target(%dma_start3A_163 : memref<128x128xf32, #tpu.memory_space<vmem_shared>>) target_semaphore(%run_scoped3A_155 : memref<!tpu.dma_semaphore, #tpu.memory_space<semaphore_mem>>)
      %dma_wait3A_168 = arith.constant 0 : i32
      %dma_wait3A_169 = arith.constant 0 : i32
      %dma_wait3A_170 = tpu.memref_slice %arg9[%run_scoped3A_22, %dma_wait3A_168, %dma_wait3A_169] : memref<2x128x128xf32, #tpu.memory_space<vmem>> -> memref<1x128x128xf32, #tpu.memory_space<vmem>>
      %dma_wait3A_171 = tpu.memref_squeeze %dma_wait3A_170 : memref<1x128x128xf32, #tpu.memory_space<vmem>> -> memref<128x128xf32, #tpu.memory_space<vmem>>
      %dma_wait3A_172 = arith.constant 0 : i32
      %dma_wait3A_173 = tpu.memref_slice %arg10[%add3A_21, %dma_wait3A_172] : memref<10240x128xf32, #tpu.memory_space<vmem_shared>> -> memref<128x128xf32, #tpu.memory_space<vmem_shared>>
      %dma_wait3A_174 = arith.constant 0 : i32
      %dma_wait3A_175 = tpu.memref_slice %arg10[%add3A_21, %dma_wait3A_174] : memref<10240x128xf32, #tpu.memory_space<vmem_shared>> -> memref<128x128xf32, #tpu.memory_space<vmem_shared>>
      %dma_wait3A_176 = arith.constant 0 : i32
      %dma_wait3A_177 = arith.constant 0 : i32
      %dma_wait3A_178 = tpu.memref_slice %arg9[%run_scoped3A_22, %dma_wait3A_176, %dma_wait3A_177] : memref<2x128x128xf32, #tpu.memory_space<vmem>> -> memref<1x128x128xf32, #tpu.memory_space<vmem>>
      %dma_wait3A_179 = tpu.memref_squeeze %dma_wait3A_178 : memref<1x128x128xf32, #tpu.memory_space<vmem>> -> memref<128x128xf32, #tpu.memory_space<vmem>>
      tpu.wait_dma2 semaphore(%run_scoped3A_155 : memref<!tpu.dma_semaphore, #tpu.memory_space<semaphore_mem>>) src(%dma_wait3A_179 : memref<128x128xf32, #tpu.memory_space<vmem>>) dst(%dma_wait3A_175 : memref<128x128xf32, #tpu.memory_space<vmem_shared>>)
      tpu.yield
    }) : () -> ()
    %mul3A_23 = arith.constant 640 : i32
    %mul3A_24 = arith.muli %arg1, %mul3A_23 : i32
    %add3A_25 = arith.constant 384 : i32
    %add3A_26 = arith.addi %mul3A_24, %add3A_25 : i32
    %run_scoped3A_27 = arith.constant 0 : i32
    "tpu.region"() ({
      %run_scoped3A_155 = tpu.sem_alloc : memref<!tpu.dma_semaphore, #tpu.memory_space<semaphore_mem>>
      %dma_start3A_156 = arith.constant 0 : i32
      %dma_start3A_157 = arith.constant 0 : i32
      %dma_start3A_158 = tpu.memref_slice %arg9[%run_scoped3A_27, %dma_start3A_156, %dma_start3A_157] : memref<2x128x128xf32, #tpu.memory_space<vmem>> -> memref<1x128x128xf32, #tpu.memory_space<vmem>>
      %dma_start3A_159 = tpu.memref_squeeze %dma_start3A_158 : memref<1x128x128xf32, #tpu.memory_space<vmem>> -> memref<128x128xf32, #tpu.memory_space<vmem>>
      %dma_start3A_160 = arith.constant 0 : i32
      %dma_start3A_161 = tpu.memref_slice %arg10[%add3A_26, %dma_start3A_160] : memref<10240x128xf32, #tpu.memory_space<vmem_shared>> -> memref<128x128xf32, #tpu.memory_space<vmem_shared>>
      %dma_start3A_162 = arith.constant 0 : i32
      %dma_start3A_163 = tpu.memref_slice %arg10[%add3A_26, %dma_start3A_162] : memref<10240x128xf32, #tpu.memory_space<vmem_shared>> -> memref<128x128xf32, #tpu.memory_space<vmem_shared>>
      %dma_start3A_164 = arith.constant 0 : i32
      %dma_start3A_165 = arith.constant 0 : i32
      %dma_start3A_166 = tpu.memref_slice %arg9[%run_scoped3A_27, %dma_start3A_164, %dma_start3A_165] : memref<2x128x128xf32, #tpu.memory_space<vmem>> -> memref<1x128x128xf32, #tpu.memory_space<vmem>>
      %dma_start3A_167 = tpu.memref_squeeze %dma_start3A_166 : memref<1x128x128xf32, #tpu.memory_space<vmem>> -> memref<128x128xf32, #tpu.memory_space<vmem>>
      tpu.enqueue_dma source(%dma_start3A_167 : memref<128x128xf32, #tpu.memory_space<vmem>>) target(%dma_start3A_163 : memref<128x128xf32, #tpu.memory_space<vmem_shared>>) target_semaphore(%run_scoped3A_155 : memref<!tpu.dma_semaphore, #tpu.memory_space<semaphore_mem>>)
      %dma_wait3A_168 = arith.constant 0 : i32
      %dma_wait3A_169 = arith.constant 0 : i32
      %dma_wait3A_170 = tpu.memref_slice %arg9[%run_scoped3A_27, %dma_wait3A_168, %dma_wait3A_169] : memref<2x128x128xf32, #tpu.memory_space<vmem>> -> memref<1x128x128xf32, #tpu.memory_space<vmem>>
      %dma_wait3A_171 = tpu.memref_squeeze %dma_wait3A_170 : memref<1x128x128xf32, #tpu.memory_space<vmem>> -> memref<128x128xf32, #tpu.memory_space<vmem>>
      %dma_wait3A_172 = arith.constant 0 : i32
      %dma_wait3A_173 = tpu.memref_slice %arg10[%add3A_26, %dma_wait3A_172] : memref<10240x128xf32, #tpu.memory_space<vmem_shared>> -> memref<128x128xf32, #tpu.memory_space<vmem_shared>>
      %dma_wait3A_174 = arith.constant 0 : i32
      %dma_wait3A_175 = tpu.memref_slice %arg10[%add3A_26, %dma_wait3A_174] : memref<10240x128xf32, #tpu.memory_space<vmem_shared>> -> memref<128x128xf32, #tpu.memory_space<vmem_shared>>
      %dma_wait3A_176 = arith.constant 0 : i32
      %dma_wait3A_177 = arith.constant 0 : i32
      %dma_wait3A_178 = tpu.memref_slice %arg9[%run_scoped3A_27, %dma_wait3A_176, %dma_wait3A_177] : memref<2x128x128xf32, #tpu.memory_space<vmem>> -> memref<1x128x128xf32, #tpu.memory_space<vmem>>
      %dma_wait3A_179 = tpu.memref_squeeze %dma_wait3A_178 : memref<1x128x128xf32, #tpu.memory_space<vmem>> -> memref<128x128xf32, #tpu.memory_space<vmem>>
      tpu.wait_dma2 semaphore(%run_scoped3A_155 : memref<!tpu.dma_semaphore, #tpu.memory_space<semaphore_mem>>) src(%dma_wait3A_179 : memref<128x128xf32, #tpu.memory_space<vmem>>) dst(%dma_wait3A_175 : memref<128x128xf32, #tpu.memory_space<vmem_shared>>)
      tpu.yield
    }) : () -> ()
    %mul3A_28 = arith.constant 640 : i32
    %mul3A_29 = arith.muli %arg1, %mul3A_28 : i32
    %add3A_30 = arith.constant 512 : i32
    %add3A_31 = arith.addi %mul3A_29, %add3A_30 : i32
    %run_scoped3A_32 = arith.constant 0 : i32
    "tpu.region"() ({
      %run_scoped3A_155 = tpu.sem_alloc : memref<!tpu.dma_semaphore, #tpu.memory_space<semaphore_mem>>
      %dma_start3A_156 = arith.constant 0 : i32
      %dma_start3A_157 = arith.constant 0 : i32
      %dma_start3A_158 = tpu.memref_slice %arg9[%run_scoped3A_32, %dma_start3A_156, %dma_start3A_157] : memref<2x128x128xf32, #tpu.memory_space<vmem>> -> memref<1x128x128xf32, #tpu.memory_space<vmem>>
      %dma_start3A_159 = tpu.memref_squeeze %dma_start3A_158 : memref<1x128x128xf32, #tpu.memory_space<vmem>> -> memref<128x128xf32, #tpu.memory_space<vmem>>
      %dma_start3A_160 = arith.constant 0 : i32
      %dma_start3A_161 = tpu.memref_slice %arg10[%add3A_31, %dma_start3A_160] : memref<10240x128xf32, #tpu.memory_space<vmem_shared>> -> memref<128x128xf32, #tpu.memory_space<vmem_shared>>
      %dma_start3A_162 = arith.constant 0 : i32
      %dma_start3A_163 = tpu.memref_slice %arg10[%add3A_31, %dma_start3A_162] : memref<10240x128xf32, #tpu.memory_space<vmem_shared>> -> memref<128x128xf32, #tpu.memory_space<vmem_shared>>
      %dma_start3A_164 = arith.constant 0 : i32
      %dma_start3A_165 = arith.constant 0 : i32
      %dma_start3A_166 = tpu.memref_slice %arg9[%run_scoped3A_32, %dma_start3A_164, %dma_start3A_165] : memref<2x128x128xf32, #tpu.memory_space<vmem>> -> memref<1x128x128xf32, #tpu.memory_space<vmem>>
      %dma_start3A_167 = tpu.memref_squeeze %dma_start3A_166 : memref<1x128x128xf32, #tpu.memory_space<vmem>> -> memref<128x128xf32, #tpu.memory_space<vmem>>
      tpu.enqueue_dma source(%dma_start3A_167 : memref<128x128xf32, #tpu.memory_space<vmem>>) target(%dma_start3A_163 : memref<128x128xf32, #tpu.memory_space<vmem_shared>>) target_semaphore(%run_scoped3A_155 : memref<!tpu.dma_semaphore, #tpu.memory_space<semaphore_mem>>)
      %dma_wait3A_168 = arith.constant 0 : i32
      %dma_wait3A_169 = arith.constant 0 : i32
      %dma_wait3A_170 = tpu.memref_slice %arg9[%run_scoped3A_32, %dma_wait3A_168, %dma_wait3A_169] : memref<2x128x128xf32, #tpu.memory_space<vmem>> -> memref<1x128x128xf32, #tpu.memory_space<vmem>>
      %dma_wait3A_171 = tpu.memref_squeeze %dma_wait3A_170 : memref<1x128x128xf32, #tpu.memory_space<vmem>> -> memref<128x128xf32, #tpu.memory_space<vmem>>
      %dma_wait3A_172 = arith.constant 0 : i32
      %dma_wait3A_173 = tpu.memref_slice %arg10[%add3A_31, %dma_wait3A_172] : memref<10240x128xf32, #tpu.memory_space<vmem_shared>> -> memref<128x128xf32, #tpu.memory_space<vmem_shared>>
      %dma_wait3A_174 = arith.constant 0 : i32
      %dma_wait3A_175 = tpu.memref_slice %arg10[%add3A_31, %dma_wait3A_174] : memref<10240x128xf32, #tpu.memory_space<vmem_shared>> -> memref<128x128xf32, #tpu.memory_space<vmem_shared>>
      %dma_wait3A_176 = arith.constant 0 : i32
      %dma_wait3A_177 = arith.constant 0 : i32
      %dma_wait3A_178 = tpu.memref_slice %arg9[%run_scoped3A_32, %dma_wait3A_176, %dma_wait3A_177] : memref<2x128x128xf32, #tpu.memory_space<vmem>> -> memref<1x128x128xf32, #tpu.memory_space<vmem>>
      %dma_wait3A_179 = tpu.memref_squeeze %dma_wait3A_178 : memref<1x128x128xf32, #tpu.memory_space<vmem>> -> memref<128x128xf32, #tpu.memory_space<vmem>>
      tpu.wait_dma2 semaphore(%run_scoped3A_155 : memref<!tpu.dma_semaphore, #tpu.memory_space<semaphore_mem>>) src(%dma_wait3A_179 : memref<128x128xf32, #tpu.memory_space<vmem>>) dst(%dma_wait3A_175 : memref<128x128xf32, #tpu.memory_space<vmem_shared>>)
      tpu.yield
    }) : () -> ()
    %dma_wait3A = arith.constant 0 : i32
    %dma_wait3A_33 = arith.constant 0 : i32
    %dma_wait3A_34 = tpu.memref_slice %arg4[%add3A, %dma_wait3A, %dma_wait3A_33] : memref<32x80x128xi32, #tpu.memory_space<hbm>> -> memref<1x80x128xi32, #tpu.memory_space<hbm>>
    %dma_wait3A_35 = tpu.memref_squeeze %dma_wait3A_34 : memref<1x80x128xi32, #tpu.memory_space<hbm>> -> memref<80x128xi32, #tpu.memory_space<hbm>>
    %dma_wait3A_36 = arith.constant 0 : i32
    %dma_wait3A_37 = arith.constant 0 : i32
    %dma_wait3A_38 = tpu.memref_slice %arg4[%add3A, %dma_wait3A_36, %dma_wait3A_37] : memref<32x80x128xi32, #tpu.memory_space<hbm>> -> memref<1x80x128xi32, #tpu.memory_space<hbm>>
    %dma_wait3A_39 = tpu.memref_squeeze %dma_wait3A_38 : memref<1x80x128xi32, #tpu.memory_space<hbm>> -> memref<80x128xi32, #tpu.memory_space<hbm>>
    tpu.wait_dma2 semaphore(%arg15 : memref<!tpu.dma_semaphore, #tpu.memory_space<semaphore_mem>>) src(%dma_wait3A_39 : memref<80x128xi32, #tpu.memory_space<hbm>>) dst(%arg7 : memref<80x128xi32, #tpu.memory_space<vmem>>)
    %barrier3A = arith.constant 0 : index
    tpu.barrier barrier_id(%barrier3A)
    %dma_start3A_40 = arith.constant 0 : i32
    %dma_start3A_41 = arith.constant 0 : i32
    %dma_start3A_42 = arith.constant 0 : i32
    %dma_start3A_43 = tpu.memref_slice %arg8[%dma_start3A_41, %dma_start3A_42] : memref<2x128xi32, #tpu.memory_space<vmem>> -> memref<1x128xi32, #tpu.memory_space<vmem>>
    %dma_start3A_44 = tpu.memref_squeeze %dma_start3A_43 : memref<1x128xi32, #tpu.memory_space<vmem>> -> memref<128xi32, #tpu.memory_space<vmem>>
    %dma_start3A_45 = arith.constant 0 : i32
    %dma_start3A_46 = tpu.memref_slice %arg3[%add3A, %dma_start3A_40, %dma_start3A_45] : memref<32x80x128xi32, #tpu.memory_space<hbm>> -> memref<1x1x128xi32, #tpu.memory_space<hbm>>
    %dma_start3A_47 = tpu.memref_squeeze %dma_start3A_46 : memref<1x1x128xi32, #tpu.memory_space<hbm>> -> memref<128xi32, #tpu.memory_space<hbm>>
    %dma_start3A_48 = arith.constant 0 : i32
    %dma_start3A_49 = tpu.memref_slice %arg8[%dma_start3A_41, %dma_start3A_48] : memref<2x128xi32, #tpu.memory_space<vmem>> -> memref<1x128xi32, #tpu.memory_space<vmem>>
    %dma_start3A_50 = tpu.memref_squeeze %dma_start3A_49 : memref<1x128xi32, #tpu.memory_space<vmem>> -> memref<128xi32, #tpu.memory_space<vmem>>
    %dma_start3A_51 = arith.constant 0 : i32
    %dma_start3A_52 = tpu.memref_slice %arg3[%add3A, %dma_start3A_40, %dma_start3A_51] : memref<32x80x128xi32, #tpu.memory_space<hbm>> -> memref<1x1x128xi32, #tpu.memory_space<hbm>>
    %dma_start3A_53 = tpu.memref_squeeze %dma_start3A_52 : memref<1x1x128xi32, #tpu.memory_space<hbm>> -> memref<128xi32, #tpu.memory_space<hbm>>
    tpu.enqueue_dma source(%dma_start3A_53 : memref<128xi32, #tpu.memory_space<hbm>>) target(%dma_start3A_50 : memref<128xi32, #tpu.memory_space<vmem>>) target_semaphore(%arg13 : memref<!tpu.dma_semaphore, #tpu.memory_space<semaphore_mem>>)
    %dma_start3A_54 = arith.constant 1 : i32
    %dma_start3A_55 = arith.constant 1 : i32
    %dma_start3A_56 = arith.constant 0 : i32
    %dma_start3A_57 = tpu.memref_slice %arg8[%dma_start3A_55, %dma_start3A_56] : memref<2x128xi32, #tpu.memory_space<vmem>> -> memref<1x128xi32, #tpu.memory_space<vmem>>
    %dma_start3A_58 = tpu.memref_squeeze %dma_start3A_57 : memref<1x128xi32, #tpu.memory_space<vmem>> -> memref<128xi32, #tpu.memory_space<vmem>>
    %dma_start3A_59 = arith.constant 0 : i32
    %dma_start3A_60 = tpu.memref_slice %arg3[%add3A, %dma_start3A_54, %dma_start3A_59] : memref<32x80x128xi32, #tpu.memory_space<hbm>> -> memref<1x1x128xi32, #tpu.memory_space<hbm>>
    %dma_start3A_61 = tpu.memref_squeeze %dma_start3A_60 : memref<1x1x128xi32, #tpu.memory_space<hbm>> -> memref<128xi32, #tpu.memory_space<hbm>>
    %dma_start3A_62 = arith.constant 0 : i32
    %dma_start3A_63 = tpu.memref_slice %arg8[%dma_start3A_55, %dma_start3A_62] : memref<2x128xi32, #tpu.memory_space<vmem>> -> memref<1x128xi32, #tpu.memory_space<vmem>>
    %dma_start3A_64 = tpu.memref_squeeze %dma_start3A_63 : memref<1x128xi32, #tpu.memory_space<vmem>> -> memref<128xi32, #tpu.memory_space<vmem>>
    %dma_start3A_65 = arith.constant 0 : i32
    %dma_start3A_66 = tpu.memref_slice %arg3[%add3A, %dma_start3A_54, %dma_start3A_65] : memref<32x80x128xi32, #tpu.memory_space<hbm>> -> memref<1x1x128xi32, #tpu.memory_space<hbm>>
    %dma_start3A_67 = tpu.memref_squeeze %dma_start3A_66 : memref<1x1x128xi32, #tpu.memory_space<hbm>> -> memref<128xi32, #tpu.memory_space<hbm>>
    tpu.enqueue_dma source(%dma_start3A_67 : memref<128xi32, #tpu.memory_space<hbm>>) target(%dma_start3A_64 : memref<128xi32, #tpu.memory_space<vmem>>) target_semaphore(%arg14 : memref<!tpu.dma_semaphore, #tpu.memory_space<semaphore_mem>>)
    %dma_wait3A_68 = arith.constant 0 : i32
    %dma_wait3A_69 = arith.constant 0 : i32
    %dma_wait3A_70 = arith.constant 0 : i32
    %dma_wait3A_71 = tpu.memref_slice %arg8[%dma_wait3A_69, %dma_wait3A_70] : memref<2x128xi32, #tpu.memory_space<vmem>> -> memref<1x128xi32, #tpu.memory_space<vmem>>
    %dma_wait3A_72 = tpu.memref_squeeze %dma_wait3A_71 : memref<1x128xi32, #tpu.memory_space<vmem>> -> memref<128xi32, #tpu.memory_space<vmem>>
    %dma_wait3A_73 = arith.constant 0 : i32
    %dma_wait3A_74 = tpu.memref_slice %arg3[%add3A, %dma_wait3A_68, %dma_wait3A_73] : memref<32x80x128xi32, #tpu.memory_space<hbm>> -> memref<1x1x128xi32, #tpu.memory_space<hbm>>
    %dma_wait3A_75 = tpu.memref_squeeze %dma_wait3A_74 : memref<1x1x128xi32, #tpu.memory_space<hbm>> -> memref<128xi32, #tpu.memory_space<hbm>>
    %dma_wait3A_76 = arith.constant 0 : i32
    %dma_wait3A_77 = tpu.memref_slice %arg8[%dma_wait3A_69, %dma_wait3A_76] : memref<2x128xi32, #tpu.memory_space<vmem>> -> memref<1x128xi32, #tpu.memory_space<vmem>>
    %dma_wait3A_78 = tpu.memref_squeeze %dma_wait3A_77 : memref<1x128xi32, #tpu.memory_space<vmem>> -> memref<128xi32, #tpu.memory_space<vmem>>
    %dma_wait3A_79 = arith.constant 0 : i32
    %dma_wait3A_80 = tpu.memref_slice %arg3[%add3A, %dma_wait3A_68, %dma_wait3A_79] : memref<32x80x128xi32, #tpu.memory_space<hbm>> -> memref<1x1x128xi32, #tpu.memory_space<hbm>>
    %dma_wait3A_81 = tpu.memref_squeeze %dma_wait3A_80 : memref<1x1x128xi32, #tpu.memory_space<hbm>> -> memref<128xi32, #tpu.memory_space<hbm>>
    tpu.wait_dma2 semaphore(%arg13 : memref<!tpu.dma_semaphore, #tpu.memory_space<semaphore_mem>>) src(%dma_wait3A_81 : memref<128xi32, #tpu.memory_space<hbm>>) dst(%dma_wait3A_78 : memref<128xi32, #tpu.memory_space<vmem>>)
    %dma_start3A_82 = arith.constant 0 : i32
    %dma_start3A_83 = arith.constant 0 : i32
    %dma_start3A_84 = arith.constant 0 : i32
    %dma_start3A_85 = arith.constant 0 : i32
    %dma_start3A_86 = tpu.memref_slice %arg9[%dma_start3A_83, %dma_start3A_84, %dma_start3A_85] : memref<2x128x128xf32, #tpu.memory_space<vmem>> -> memref<1x128x128xf32, #tpu.memory_space<vmem>>
    %dma_start3A_87 = tpu.memref_squeeze %dma_start3A_86 : memref<1x128x128xf32, #tpu.memory_space<vmem>> -> memref<128x128xf32, #tpu.memory_space<vmem>>
    %dma_start3A_88 = arith.constant 0 : i32
    %dma_start3A_89 = tpu.memref_slice %arg8[%dma_start3A_82, %dma_start3A_88] : memref<2x128xi32, #tpu.memory_space<vmem>> -> memref<1x128xi32, #tpu.memory_space<vmem>>
    %dma_start3A_90 = tpu.memref_squeeze %dma_start3A_89 : memref<1x128xi32, #tpu.memory_space<vmem>> -> memref<128xi32, #tpu.memory_space<vmem>>
    %dma_start3A_91 = arith.constant 0 : i32
    %dma_start3A_92 = arith.constant 0 : i32
    %dma_start3A_93 = tpu.memref_slice %arg2[%dma_start3A_91, %dma_start3A_92] : memref<10000x128xf32, #tpu.memory_space<hbm>> -> memref<10000x128xf32, #tpu.memory_space<hbm>>
    tpu.enqueue_indirect_dma source(%dma_start3A_93 : memref<10000x128xf32, #tpu.memory_space<hbm>>) target(%dma_start3A_87 : memref<128x128xf32, #tpu.memory_space<vmem>>) offsets(%dma_start3A_90 : memref<128xi32, #tpu.memory_space<vmem>>) semaphore(%arg11 : memref<!tpu.dma_semaphore, #tpu.memory_space<semaphore_mem>>)
    %dma_wait3A_94 = arith.constant 0 : i32
    %dma_wait3A_95 = arith.constant 1 : i32
    %dma_wait3A_96 = arith.constant 0 : i32
    %dma_wait3A_97 = tpu.memref_slice %arg8[%dma_wait3A_95, %dma_wait3A_96] : memref<2x128xi32, #tpu.memory_space<vmem>> -> memref<1x128xi32, #tpu.memory_space<vmem>>
    %dma_wait3A_98 = tpu.memref_squeeze %dma_wait3A_97 : memref<1x128xi32, #tpu.memory_space<vmem>> -> memref<128xi32, #tpu.memory_space<vmem>>
    %dma_wait3A_99 = arith.constant 0 : i32
    %dma_wait3A_100 = tpu.memref_slice %arg3[%add3A, %dma_wait3A_94, %dma_wait3A_99] : memref<32x80x128xi32, #tpu.memory_space<hbm>> -> memref<1x1x128xi32, #tpu.memory_space<hbm>>
    %dma_wait3A_101 = tpu.memref_squeeze %dma_wait3A_100 : memref<1x1x128xi32, #tpu.memory_space<hbm>> -> memref<128xi32, #tpu.memory_space<hbm>>
    %dma_wait3A_102 = arith.constant 0 : i32
    %dma_wait3A_103 = tpu.memref_slice %arg8[%dma_wait3A_95, %dma_wait3A_102] : memref<2x128xi32, #tpu.memory_space<vmem>> -> memref<1x128xi32, #tpu.memory_space<vmem>>
    %dma_wait3A_104 = tpu.memref_squeeze %dma_wait3A_103 : memref<1x128xi32, #tpu.memory_space<vmem>> -> memref<128xi32, #tpu.memory_space<vmem>>
    %dma_wait3A_105 = arith.constant 0 : i32
    %dma_wait3A_106 = tpu.memref_slice %arg3[%add3A, %dma_wait3A_94, %dma_wait3A_105] : memref<32x80x128xi32, #tpu.memory_space<hbm>> -> memref<1x1x128xi32, #tpu.memory_space<hbm>>
    %dma_wait3A_107 = tpu.memref_squeeze %dma_wait3A_106 : memref<1x1x128xi32, #tpu.memory_space<hbm>> -> memref<128xi32, #tpu.memory_space<hbm>>
    tpu.wait_dma2 semaphore(%arg14 : memref<!tpu.dma_semaphore, #tpu.memory_space<semaphore_mem>>) src(%dma_wait3A_107 : memref<128xi32, #tpu.memory_space<hbm>>) dst(%dma_wait3A_104 : memref<128xi32, #tpu.memory_space<vmem>>)
    %dma_start3A_108 = arith.constant 1 : i32
    %dma_start3A_109 = arith.constant 1 : i32
    %dma_start3A_110 = arith.constant 0 : i32
    %dma_start3A_111 = arith.constant 0 : i32
    %dma_start3A_112 = tpu.memref_slice %arg9[%dma_start3A_109, %dma_start3A_110, %dma_start3A_111] : memref<2x128x128xf32, #tpu.memory_space<vmem>> -> memref<1x128x128xf32, #tpu.memory_space<vmem>>
    %dma_start3A_113 = tpu.memref_squeeze %dma_start3A_112 : memref<1x128x128xf32, #tpu.memory_space<vmem>> -> memref<128x128xf32, #tpu.memory_space<vmem>>
    %dma_start3A_114 = arith.constant 0 : i32
    %dma_start3A_115 = tpu.memref_slice %arg8[%dma_start3A_108, %dma_start3A_114] : memref<2x128xi32, #tpu.memory_space<vmem>> -> memref<1x128xi32, #tpu.memory_space<vmem>>
    %dma_start3A_116 = tpu.memref_squeeze %dma_start3A_115 : memref<1x128xi32, #tpu.memory_space<vmem>> -> memref<128xi32, #tpu.memory_space<vmem>>
    %dma_start3A_117 = arith.constant 0 : i32
    %dma_start3A_118 = arith.constant 0 : i32
    %dma_start3A_119 = tpu.memref_slice %arg2[%dma_start3A_117, %dma_start3A_118] : memref<10000x128xf32, #tpu.memory_space<hbm>> -> memref<10000x128xf32, #tpu.memory_space<hbm>>
    tpu.enqueue_indirect_dma source(%dma_start3A_119 : memref<10000x128xf32, #tpu.memory_space<hbm>>) target(%dma_start3A_113 : memref<128x128xf32, #tpu.memory_space<vmem>>) offsets(%dma_start3A_116 : memref<128xi32, #tpu.memory_space<vmem>>) semaphore(%arg12 : memref<!tpu.dma_semaphore, #tpu.memory_space<semaphore_mem>>)
    %scan3A = arith.constant 0 : i32
    %scan3A_120 = arith.constant 40 : i32
    %scan3A_121 = arith.addi %scan3A, %scan3A_120 : i32
    %scan3A_122 = arith.constant 1 : i32
    scf.for %scan3A_155 = %scan3A to %scan3A_121 step %scan3A_122  : i32 {
      %mul3A_156 = arith.constant 2 : i32
      %mul3A_157 = arith.muli %scan3A_155, %mul3A_156 : i32
      %add3A_158 = arith.constant 0 : i32
      %add3A_159 = arith.addi %add3A_158, %mul3A_157 : i32
      %add3A_160 = arith.constant 0 : i32
      %add3A_161 = arith.addi %add3A_159, %add3A_160 : i32
      %dma_wait3A_162 = arith.constant 0 : i32
      %dma_wait3A_163 = arith.constant 0 : i32
      %dma_wait3A_164 = arith.constant 0 : i32
      %dma_wait3A_165 = arith.constant 0 : i32
      %dma_wait3A_166 = tpu.memref_slice %arg9[%dma_wait3A_163, %dma_wait3A_164, %dma_wait3A_165] : memref<2x128x128xf32, #tpu.memory_space<vmem>> -> memref<1x128x128xf32, #tpu.memory_space<vmem>>
      %dma_wait3A_167 = tpu.memref_squeeze %dma_wait3A_166 : memref<1x128x128xf32, #tpu.memory_space<vmem>> -> memref<128x128xf32, #tpu.memory_space<vmem>>
      %dma_wait3A_168 = arith.constant 0 : i32
      %dma_wait3A_169 = tpu.memref_slice %arg8[%dma_wait3A_162, %dma_wait3A_168] : memref<2x128xi32, #tpu.memory_space<vmem>> -> memref<1x128xi32, #tpu.memory_space<vmem>>
      %dma_wait3A_170 = tpu.memref_squeeze %dma_wait3A_169 : memref<1x128xi32, #tpu.memory_space<vmem>> -> memref<128xi32, #tpu.memory_space<vmem>>
      %dma_wait3A_171 = arith.constant 0 : i32
      %dma_wait3A_172 = arith.constant 0 : i32
      %dma_wait3A_173 = tpu.memref_slice %arg2[%dma_wait3A_171, %dma_wait3A_172] : memref<10000x128xf32, #tpu.memory_space<hbm>> -> memref<10000x128xf32, #tpu.memory_space<hbm>>
      tpu.wait_indirect_dma semaphore(%arg11 : memref<!tpu.dma_semaphore, #tpu.memory_space<semaphore_mem>>) src(%dma_wait3A_173 : memref<10000x128xf32, #tpu.memory_space<hbm>>) dst(%dma_wait3A_167 : memref<128x128xf32, #tpu.memory_space<vmem>>)
      %add3A_174 = arith.constant 2 : i32
      %add3A_175 = arith.addi %add3A_161, %add3A_174 : i32
      %lt3A = arith.constant 80 : i32
      %lt3A_176 = arith.cmpi slt, %add3A_175, %lt3A : i32
      %convert_element_type3A = arith.extui %lt3A_176 : i1 to i32
      %cond3A = arith.constant 0 : i32
      %cond3A_177 = arith.cmpi ne, %convert_element_type3A, %cond3A : i32
      scf.if %cond3A_177 {
        %add3A_215 = arith.constant 2 : i32
        %add3A_216 = arith.addi %add3A_161, %add3A_215 : i32
        %dma_start3A_217 = arith.constant 0 : i32
        %dma_start3A_218 = arith.constant 0 : i32
        %dma_start3A_219 = tpu.memref_slice %arg8[%dma_start3A_217, %dma_start3A_218] : memref<2x128xi32, #tpu.memory_space<vmem>> -> memref<1x128xi32, #tpu.memory_space<vmem>>
        %dma_start3A_220 = tpu.memref_squeeze %dma_start3A_219 : memref<1x128xi32, #tpu.memory_space<vmem>> -> memref<128xi32, #tpu.memory_space<vmem>>
        %dma_start3A_221 = arith.constant 0 : i32
        %dma_start3A_222 = tpu.memref_slice %arg3[%add3A, %add3A_216, %dma_start3A_221] : memref<32x80x128xi32, #tpu.memory_space<hbm>> -> memref<1x1x128xi32, #tpu.memory_space<hbm>>
        %dma_start3A_223 = tpu.memref_squeeze %dma_start3A_222 : memref<1x1x128xi32, #tpu.memory_space<hbm>> -> memref<128xi32, #tpu.memory_space<hbm>>
        %dma_start3A_224 = arith.constant 0 : i32
        %dma_start3A_225 = tpu.memref_slice %arg8[%dma_start3A_217, %dma_start3A_224] : memref<2x128xi32, #tpu.memory_space<vmem>> -> memref<1x128xi32, #tpu.memory_space<vmem>>
        %dma_start3A_226 = tpu.memref_squeeze %dma_start3A_225 : memref<1x128xi32, #tpu.memory_space<vmem>> -> memref<128xi32, #tpu.memory_space<vmem>>
        %dma_start3A_227 = arith.constant 0 : i32
        %dma_start3A_228 = tpu.memref_slice %arg3[%add3A, %add3A_216, %dma_start3A_227] : memref<32x80x128xi32, #tpu.memory_space<hbm>> -> memref<1x1x128xi32, #tpu.memory_space<hbm>>
        %dma_start3A_229 = tpu.memref_squeeze %dma_start3A_228 : memref<1x1x128xi32, #tpu.memory_space<hbm>> -> memref<128xi32, #tpu.memory_space<hbm>>
        tpu.enqueue_dma source(%dma_start3A_229 : memref<128xi32, #tpu.memory_space<hbm>>) target(%dma_start3A_226 : memref<128xi32, #tpu.memory_space<vmem>>) target_semaphore(%arg13 : memref<!tpu.dma_semaphore, #tpu.memory_space<semaphore_mem>>)
      } else {
      }
      %run_scoped3A_178 = arith.constant 0 : i32
      "tpu.region"() ({
        %run_scoped3A_215 = tpu.sem_alloc : memref<!tpu.dma_semaphore, #tpu.memory_space<semaphore_mem>>
        %dma_start3A_216 = arith.constant 0 : i32
        %dma_start3A_217 = arith.constant 0 : i32
        %dma_start3A_218 = tpu.memref_slice %arg9[%run_scoped3A_178, %dma_start3A_216, %dma_start3A_217] : memref<2x128x128xf32, #tpu.memory_space<vmem>> -> memref<1x128x128xf32, #tpu.memory_space<vmem>>
        %dma_start3A_219 = tpu.memref_squeeze %dma_start3A_218 : memref<1x128x128xf32, #tpu.memory_space<vmem>> -> memref<128x128xf32, #tpu.memory_space<vmem>>
        %dma_start3A_220 = arith.constant 0 : i32
        %dma_start3A_221 = tpu.memref_slice %arg7[%add3A_161, %dma_start3A_220] : memref<80x128xi32, #tpu.memory_space<vmem>> -> memref<1x128xi32, #tpu.memory_space<vmem>>
        %dma_start3A_222 = tpu.memref_squeeze %dma_start3A_221 : memref<1x128xi32, #tpu.memory_space<vmem>> -> memref<128xi32, #tpu.memory_space<vmem>>
        %dma_start3A_223 = arith.constant 0 : i32
        %dma_start3A_224 = arith.constant 0 : i32
        %dma_start3A_225 = tpu.memref_slice %arg10[%dma_start3A_223, %dma_start3A_224] : memref<10240x128xf32, #tpu.memory_space<vmem_shared>> -> memref<10240x128xf32, #tpu.memory_space<vmem_shared>>
        tpu.enqueue_indirect_dma source(%dma_start3A_219 : memref<128x128xf32, #tpu.memory_space<vmem>>) target(%dma_start3A_225 : memref<10240x128xf32, #tpu.memory_space<vmem_shared>>) offsets(%dma_start3A_222 : memref<128xi32, #tpu.memory_space<vmem>>) semaphore(%run_scoped3A_215 : memref<!tpu.dma_semaphore, #tpu.memory_space<semaphore_mem>>) {add = true}
        %dma_wait3A_226 = arith.constant 0 : i32
        %dma_wait3A_227 = arith.constant 0 : i32
        %dma_wait3A_228 = tpu.memref_slice %arg9[%run_scoped3A_178, %dma_wait3A_226, %dma_wait3A_227] : memref<2x128x128xf32, #tpu.memory_space<vmem>> -> memref<1x128x128xf32, #tpu.memory_space<vmem>>
        %dma_wait3A_229 = tpu.memref_squeeze %dma_wait3A_228 : memref<1x128x128xf32, #tpu.memory_space<vmem>> -> memref<128x128xf32, #tpu.memory_space<vmem>>
        %dma_wait3A_230 = arith.constant 0 : i32
        %dma_wait3A_231 = tpu.memref_slice %arg7[%add3A_161, %dma_wait3A_230] : memref<80x128xi32, #tpu.memory_space<vmem>> -> memref<1x128xi32, #tpu.memory_space<vmem>>
        %dma_wait3A_232 = tpu.memref_squeeze %dma_wait3A_231 : memref<1x128xi32, #tpu.memory_space<vmem>> -> memref<128xi32, #tpu.memory_space<vmem>>
        %dma_wait3A_233 = arith.constant 0 : i32
        %dma_wait3A_234 = arith.constant 0 : i32
        %dma_wait3A_235 = tpu.memref_slice %arg10[%dma_wait3A_233, %dma_wait3A_234] : memref<10240x128xf32, #tpu.memory_space<vmem_shared>> -> memref<10240x128xf32, #tpu.memory_space<vmem_shared>>
        tpu.wait_indirect_dma semaphore(%run_scoped3A_215 : memref<!tpu.dma_semaphore, #tpu.memory_space<semaphore_mem>>) src(%dma_wait3A_229 : memref<128x128xf32, #tpu.memory_space<vmem>>) dst(%dma_wait3A_235 : memref<10240x128xf32, #tpu.memory_space<vmem_shared>>)
        tpu.yield
      }) : () -> ()
      %add3A_179 = arith.constant 2 : i32
      %add3A_180 = arith.addi %add3A_161, %add3A_179 : i32
      %lt3A_181 = arith.constant 80 : i32
      %lt3A_182 = arith.cmpi slt, %add3A_180, %lt3A_181 : i32
      %convert_element_type3A_183 = arith.extui %lt3A_182 : i1 to i32
      %cond3A_184 = arith.constant 0 : i32
      %cond3A_185 = arith.cmpi ne, %convert_element_type3A_183, %cond3A_184 : i32
      scf.if %cond3A_185 {
        %dma_wait3A_215 = arith.constant 0 : i32
        %dma_wait3A_216 = arith.constant 0 : i32
        %dma_wait3A_217 = arith.constant 0 : i32
        %dma_wait3A_218 = tpu.memref_slice %arg8[%dma_wait3A_216, %dma_wait3A_217] : memref<2x128xi32, #tpu.memory_space<vmem>> -> memref<1x128xi32, #tpu.memory_space<vmem>>
        %dma_wait3A_219 = tpu.memref_squeeze %dma_wait3A_218 : memref<1x128xi32, #tpu.memory_space<vmem>> -> memref<128xi32, #tpu.memory_space<vmem>>
        %dma_wait3A_220 = arith.constant 0 : i32
        %dma_wait3A_221 = tpu.memref_slice %arg3[%add3A, %dma_wait3A_215, %dma_wait3A_220] : memref<32x80x128xi32, #tpu.memory_space<hbm>> -> memref<1x1x128xi32, #tpu.memory_space<hbm>>
        %dma_wait3A_222 = tpu.memref_squeeze %dma_wait3A_221 : memref<1x1x128xi32, #tpu.memory_space<hbm>> -> memref<128xi32, #tpu.memory_space<hbm>>
        %dma_wait3A_223 = arith.constant 0 : i32
        %dma_wait3A_224 = tpu.memref_slice %arg8[%dma_wait3A_216, %dma_wait3A_223] : memref<2x128xi32, #tpu.memory_space<vmem>> -> memref<1x128xi32, #tpu.memory_space<vmem>>
        %dma_wait3A_225 = tpu.memref_squeeze %dma_wait3A_224 : memref<1x128xi32, #tpu.memory_space<vmem>> -> memref<128xi32, #tpu.memory_space<vmem>>
        %dma_wait3A_226 = arith.constant 0 : i32
        %dma_wait3A_227 = tpu.memref_slice %arg3[%add3A, %dma_wait3A_215, %dma_wait3A_226] : memref<32x80x128xi32, #tpu.memory_space<hbm>> -> memref<1x1x128xi32, #tpu.memory_space<hbm>>
        %dma_wait3A_228 = tpu.memref_squeeze %dma_wait3A_227 : memref<1x1x128xi32, #tpu.memory_space<hbm>> -> memref<128xi32, #tpu.memory_space<hbm>>
        tpu.wait_dma2 semaphore(%arg13 : memref<!tpu.dma_semaphore, #tpu.memory_space<semaphore_mem>>) src(%dma_wait3A_228 : memref<128xi32, #tpu.memory_space<hbm>>) dst(%dma_wait3A_225 : memref<128xi32, #tpu.memory_space<vmem>>)
        %dma_start3A_229 = arith.constant 0 : i32
        %dma_start3A_230 = arith.constant 0 : i32
        %dma_start3A_231 = arith.constant 0 : i32
        %dma_start3A_232 = arith.constant 0 : i32
        %dma_start3A_233 = tpu.memref_slice %arg9[%dma_start3A_230, %dma_start3A_231, %dma_start3A_232] : memref<2x128x128xf32, #tpu.memory_space<vmem>> -> memref<1x128x128xf32, #tpu.memory_space<vmem>>
        %dma_start3A_234 = tpu.memref_squeeze %dma_start3A_233 : memref<1x128x128xf32, #tpu.memory_space<vmem>> -> memref<128x128xf32, #tpu.memory_space<vmem>>
        %dma_start3A_235 = arith.constant 0 : i32
        %dma_start3A_236 = tpu.memref_slice %arg8[%dma_start3A_229, %dma_start3A_235] : memref<2x128xi32, #tpu.memory_space<vmem>> -> memref<1x128xi32, #tpu.memory_space<vmem>>
        %dma_start3A_237 = tpu.memref_squeeze %dma_start3A_236 : memref<1x128xi32, #tpu.memory_space<vmem>> -> memref<128xi32, #tpu.memory_space<vmem>>
        %dma_start3A_238 = arith.constant 0 : i32
        %dma_start3A_239 = arith.constant 0 : i32
        %dma_start3A_240 = tpu.memref_slice %arg2[%dma_start3A_238, %dma_start3A_239] : memref<10000x128xf32, #tpu.memory_space<hbm>> -> memref<10000x128xf32, #tpu.memory_space<hbm>>
        tpu.enqueue_indirect_dma source(%dma_start3A_240 : memref<10000x128xf32, #tpu.memory_space<hbm>>) target(%dma_start3A_234 : memref<128x128xf32, #tpu.memory_space<vmem>>) offsets(%dma_start3A_237 : memref<128xi32, #tpu.memory_space<vmem>>) semaphore(%arg11 : memref<!tpu.dma_semaphore, #tpu.memory_space<semaphore_mem>>)
      } else {
      }
      %add3A_186 = arith.constant 1 : i32
      %add3A_187 = arith.addi %add3A_159, %add3A_186 : i32
      %dma_wait3A_188 = arith.constant 1 : i32
      %dma_wait3A_189 = arith.constant 1 : i32
      %dma_wait3A_190 = arith.constant 0 : i32
      %dma_wait3A_191 = arith.constant 0 : i32
      %dma_wait3A_192 = tpu.memref_slice %arg9[%dma_wait3A_189, %dma_wait3A_190, %dma_wait3A_191] : memref<2x128x128xf32, #tpu.memory_space<vmem>> -> memref<1x128x128xf32, #tpu.memory_space<vmem>>
      %dma_wait3A_193 = tpu.memref_squeeze %dma_wait3A_192 : memref<1x128x128xf32, #tpu.memory_space<vmem>> -> memref<128x128xf32, #tpu.memory_space<vmem>>
      %dma_wait3A_194 = arith.constant 0 : i32
      %dma_wait3A_195 = tpu.memref_slice %arg8[%dma_wait3A_188, %dma_wait3A_194] : memref<2x128xi32, #tpu.memory_space<vmem>> -> memref<1x128xi32, #tpu.memory_space<vmem>>
      %dma_wait3A_196 = tpu.memref_squeeze %dma_wait3A_195 : memref<1x128xi32, #tpu.memory_space<vmem>> -> memref<128xi32, #tpu.memory_space<vmem>>
      %dma_wait3A_197 = arith.constant 0 : i32
      %dma_wait3A_198 = arith.constant 0 : i32
      %dma_wait3A_199 = tpu.memref_slice %arg2[%dma_wait3A_197, %dma_wait3A_198] : memref<10000x128xf32, #tpu.memory_space<hbm>> -> memref<10000x128xf32, #tpu.memory_space<hbm>>
      tpu.wait_indirect_dma semaphore(%arg12 : memref<!tpu.dma_semaphore, #tpu.memory_space<semaphore_mem>>) src(%dma_wait3A_199 : memref<10000x128xf32, #tpu.memory_space<hbm>>) dst(%dma_wait3A_193 : memref<128x128xf32, #tpu.memory_space<vmem>>)
      %add3A_200 = arith.constant 2 : i32
      %add3A_201 = arith.addi %add3A_187, %add3A_200 : i32
      %lt3A_202 = arith.constant 80 : i32
      %lt3A_203 = arith.cmpi slt, %add3A_201, %lt3A_202 : i32
      %convert_element_type3A_204 = arith.extui %lt3A_203 : i1 to i32
      %cond3A_205 = arith.constant 0 : i32
      %cond3A_206 = arith.cmpi ne, %convert_element_type3A_204, %cond3A_205 : i32
      scf.if %cond3A_206 {
        %add3A_215 = arith.constant 2 : i32
        %add3A_216 = arith.addi %add3A_187, %add3A_215 : i32
        %dma_start3A_217 = arith.constant 1 : i32
        %dma_start3A_218 = arith.constant 0 : i32
        %dma_start3A_219 = tpu.memref_slice %arg8[%dma_start3A_217, %dma_start3A_218] : memref<2x128xi32, #tpu.memory_space<vmem>> -> memref<1x128xi32, #tpu.memory_space<vmem>>
        %dma_start3A_220 = tpu.memref_squeeze %dma_start3A_219 : memref<1x128xi32, #tpu.memory_space<vmem>> -> memref<128xi32, #tpu.memory_space<vmem>>
        %dma_start3A_221 = arith.constant 0 : i32
        %dma_start3A_222 = tpu.memref_slice %arg3[%add3A, %add3A_216, %dma_start3A_221] : memref<32x80x128xi32, #tpu.memory_space<hbm>> -> memref<1x1x128xi32, #tpu.memory_space<hbm>>
        %dma_start3A_223 = tpu.memref_squeeze %dma_start3A_222 : memref<1x1x128xi32, #tpu.memory_space<hbm>> -> memref<128xi32, #tpu.memory_space<hbm>>
        %dma_start3A_224 = arith.constant 0 : i32
        %dma_start3A_225 = tpu.memref_slice %arg8[%dma_start3A_217, %dma_start3A_224] : memref<2x128xi32, #tpu.memory_space<vmem>> -> memref<1x128xi32, #tpu.memory_space<vmem>>
        %dma_start3A_226 = tpu.memref_squeeze %dma_start3A_225 : memref<1x128xi32, #tpu.memory_space<vmem>> -> memref<128xi32, #tpu.memory_space<vmem>>
        %dma_start3A_227 = arith.constant 0 : i32
        %dma_start3A_228 = tpu.memref_slice %arg3[%add3A, %add3A_216, %dma_start3A_227] : memref<32x80x128xi32, #tpu.memory_space<hbm>> -> memref<1x1x128xi32, #tpu.memory_space<hbm>>
        %dma_start3A_229 = tpu.memref_squeeze %dma_start3A_228 : memref<1x1x128xi32, #tpu.memory_space<hbm>> -> memref<128xi32, #tpu.memory_space<hbm>>
        tpu.enqueue_dma source(%dma_start3A_229 : memref<128xi32, #tpu.memory_space<hbm>>) target(%dma_start3A_226 : memref<128xi32, #tpu.memory_space<vmem>>) target_semaphore(%arg14 : memref<!tpu.dma_semaphore, #tpu.memory_space<semaphore_mem>>)
      } else {
      }
      %run_scoped3A_207 = arith.constant 1 : i32
      "tpu.region"() ({
        %run_scoped3A_215 = tpu.sem_alloc : memref<!tpu.dma_semaphore, #tpu.memory_space<semaphore_mem>>
        %dma_start3A_216 = arith.constant 0 : i32
        %dma_start3A_217 = arith.constant 0 : i32
        %dma_start3A_218 = tpu.memref_slice %arg9[%run_scoped3A_207, %dma_start3A_216, %dma_start3A_217] : memref<2x128x128xf32, #tpu.memory_space<vmem>> -> memref<1x128x128xf32, #tpu.memory_space<vmem>>
        %dma_start3A_219 = tpu.memref_squeeze %dma_start3A_218 : memref<1x128x128xf32, #tpu.memory_space<vmem>> -> memref<128x128xf32, #tpu.memory_space<vmem>>
        %dma_start3A_220 = arith.constant 0 : i32
        %dma_start3A_221 = tpu.memref_slice %arg7[%add3A_187, %dma_start3A_220] : memref<80x128xi32, #tpu.memory_space<vmem>> -> memref<1x128xi32, #tpu.memory_space<vmem>>
        %dma_start3A_222 = tpu.memref_squeeze %dma_start3A_221 : memref<1x128xi32, #tpu.memory_space<vmem>> -> memref<128xi32, #tpu.memory_space<vmem>>
        %dma_start3A_223 = arith.constant 0 : i32
        %dma_start3A_224 = arith.constant 0 : i32
        %dma_start3A_225 = tpu.memref_slice %arg10[%dma_start3A_223, %dma_start3A_224] : memref<10240x128xf32, #tpu.memory_space<vmem_shared>> -> memref<10240x128xf32, #tpu.memory_space<vmem_shared>>
        tpu.enqueue_indirect_dma source(%dma_start3A_219 : memref<128x128xf32, #tpu.memory_space<vmem>>) target(%dma_start3A_225 : memref<10240x128xf32, #tpu.memory_space<vmem_shared>>) offsets(%dma_start3A_222 : memref<128xi32, #tpu.memory_space<vmem>>) semaphore(%run_scoped3A_215 : memref<!tpu.dma_semaphore, #tpu.memory_space<semaphore_mem>>) {add = true}
        %dma_wait3A_226 = arith.constant 0 : i32
        %dma_wait3A_227 = arith.constant 0 : i32
        %dma_wait3A_228 = tpu.memref_slice %arg9[%run_scoped3A_207, %dma_wait3A_226, %dma_wait3A_227] : memref<2x128x128xf32, #tpu.memory_space<vmem>> -> memref<1x128x128xf32, #tpu.memory_space<vmem>>
        %dma_wait3A_229 = tpu.memref_squeeze %dma_wait3A_228 : memref<1x128x128xf32, #tpu.memory_space<vmem>> -> memref<128x128xf32, #tpu.memory_space<vmem>>
        %dma_wait3A_230 = arith.constant 0 : i32
        %dma_wait3A_231 = tpu.memref_slice %arg7[%add3A_187, %dma_wait3A_230] : memref<80x128xi32, #tpu.memory_space<vmem>> -> memref<1x128xi32, #tpu.memory_space<vmem>>
        %dma_wait3A_232 = tpu.memref_squeeze %dma_wait3A_231 : memref<1x128xi32, #tpu.memory_space<vmem>> -> memref<128xi32, #tpu.memory_space<vmem>>
        %dma_wait3A_233 = arith.constant 0 : i32
        %dma_wait3A_234 = arith.constant 0 : i32
        %dma_wait3A_235 = tpu.memref_slice %arg10[%dma_wait3A_233, %dma_wait3A_234] : memref<10240x128xf32, #tpu.memory_space<vmem_shared>> -> memref<10240x128xf32, #tpu.memory_space<vmem_shared>>
        tpu.wait_indirect_dma semaphore(%run_scoped3A_215 : memref<!tpu.dma_semaphore, #tpu.memory_space<semaphore_mem>>) src(%dma_wait3A_229 : memref<128x128xf32, #tpu.memory_space<vmem>>) dst(%dma_wait3A_235 : memref<10240x128xf32, #tpu.memory_space<vmem_shared>>)
        tpu.yield
      }) : () -> ()
      %add3A_208 = arith.constant 2 : i32
      %add3A_209 = arith.addi %add3A_187, %add3A_208 : i32
      %lt3A_210 = arith.constant 80 : i32
      %lt3A_211 = arith.cmpi slt, %add3A_209, %lt3A_210 : i32
      %convert_element_type3A_212 = arith.extui %lt3A_211 : i1 to i32
      %cond3A_213 = arith.constant 0 : i32
      %cond3A_214 = arith.cmpi ne, %convert_element_type3A_212, %cond3A_213 : i32
      scf.if %cond3A_214 {
        %dma_wait3A_215 = arith.constant 0 : i32
        %dma_wait3A_216 = arith.constant 1 : i32
        %dma_wait3A_217 = arith.constant 0 : i32
        %dma_wait3A_218 = tpu.memref_slice %arg8[%dma_wait3A_216, %dma_wait3A_217] : memref<2x128xi32, #tpu.memory_space<vmem>> -> memref<1x128xi32, #tpu.memory_space<vmem>>
        %dma_wait3A_219 = tpu.memref_squeeze %dma_wait3A_218 : memref<1x128xi32, #tpu.memory_space<vmem>> -> memref<128xi32, #tpu.memory_space<vmem>>
        %dma_wait3A_220 = arith.constant 0 : i32
        %dma_wait3A_221 = tpu.memref_slice %arg3[%add3A, %dma_wait3A_215, %dma_wait3A_220] : memref<32x80x128xi32, #tpu.memory_space<hbm>> -> memref<1x1x128xi32, #tpu.memory_space<hbm>>
        %dma_wait3A_222 = tpu.memref_squeeze %dma_wait3A_221 : memref<1x1x128xi32, #tpu.memory_space<hbm>> -> memref<128xi32, #tpu.memory_space<hbm>>
        %dma_wait3A_223 = arith.constant 0 : i32
        %dma_wait3A_224 = tpu.memref_slice %arg8[%dma_wait3A_216, %dma_wait3A_223] : memref<2x128xi32, #tpu.memory_space<vmem>> -> memref<1x128xi32, #tpu.memory_space<vmem>>
        %dma_wait3A_225 = tpu.memref_squeeze %dma_wait3A_224 : memref<1x128xi32, #tpu.memory_space<vmem>> -> memref<128xi32, #tpu.memory_space<vmem>>
        %dma_wait3A_226 = arith.constant 0 : i32
        %dma_wait3A_227 = tpu.memref_slice %arg3[%add3A, %dma_wait3A_215, %dma_wait3A_226] : memref<32x80x128xi32, #tpu.memory_space<hbm>> -> memref<1x1x128xi32, #tpu.memory_space<hbm>>
        %dma_wait3A_228 = tpu.memref_squeeze %dma_wait3A_227 : memref<1x1x128xi32, #tpu.memory_space<hbm>> -> memref<128xi32, #tpu.memory_space<hbm>>
        tpu.wait_dma2 semaphore(%arg14 : memref<!tpu.dma_semaphore, #tpu.memory_space<semaphore_mem>>) src(%dma_wait3A_228 : memref<128xi32, #tpu.memory_space<hbm>>) dst(%dma_wait3A_225 : memref<128xi32, #tpu.memory_space<vmem>>)
        %dma_start3A_229 = arith.constant 1 : i32
        %dma_start3A_230 = arith.constant 1 : i32
        %dma_start3A_231 = arith.constant 0 : i32
        %dma_start3A_232 = arith.constant 0 : i32
        %dma_start3A_233 = tpu.memref_slice %arg9[%dma_start3A_230, %dma_start3A_231, %dma_start3A_232] : memref<2x128x128xf32, #tpu.memory_space<vmem>> -> memref<1x128x128xf32, #tpu.memory_space<vmem>>
        %dma_start3A_234 = tpu.memref_squeeze %dma_start3A_233 : memref<1x128x128xf32, #tpu.memory_space<vmem>> -> memref<128x128xf32, #tpu.memory_space<vmem>>
        %dma_start3A_235 = arith.constant 0 : i32
        %dma_start3A_236 = tpu.memref_slice %arg8[%dma_start3A_229, %dma_start3A_235] : memref<2x128xi32, #tpu.memory_space<vmem>> -> memref<1x128xi32, #tpu.memory_space<vmem>>
        %dma_start3A_237 = tpu.memref_squeeze %dma_start3A_236 : memref<1x128xi32, #tpu.memory_space<vmem>> -> memref<128xi32, #tpu.memory_space<vmem>>
        %dma_start3A_238 = arith.constant 0 : i32
        %dma_start3A_239 = arith.constant 0 : i32
        %dma_start3A_240 = tpu.memref_slice %arg2[%dma_start3A_238, %dma_start3A_239] : memref<10000x128xf32, #tpu.memory_space<hbm>> -> memref<10000x128xf32, #tpu.memory_space<hbm>>
        tpu.enqueue_indirect_dma source(%dma_start3A_240 : memref<10000x128xf32, #tpu.memory_space<hbm>>) target(%dma_start3A_234 : memref<128x128xf32, #tpu.memory_space<vmem>>) offsets(%dma_start3A_237 : memref<128xi32, #tpu.memory_space<vmem>>) semaphore(%arg12 : memref<!tpu.dma_semaphore, #tpu.memory_space<semaphore_mem>>)
      } else {
      }
    }
    %scan3A_123 = arith.constant 40 : i32
    %barrier3A_124 = arith.constant 0 : index
    tpu.barrier barrier_id(%barrier3A_124)
    %mul3A_125 = arith.constant 640 : i32
    %mul3A_126 = arith.muli %arg1, %mul3A_125 : i32
    %add3A_127 = arith.constant 0 : i32
    %add3A_128 = arith.addi %mul3A_126, %add3A_127 : i32
    %run_scoped3A_129 = arith.constant 0 : i32
    "tpu.region"() ({
      %run_scoped3A_155 = tpu.sem_alloc : memref<!tpu.dma_semaphore, #tpu.memory_space<semaphore_mem>>
      %dma_start3A_156 = arith.constant 0 : i32
      %dma_start3A_157 = arith.constant 0 : i32
      %dma_start3A_158 = tpu.memref_slice %arg9[%run_scoped3A_129, %dma_start3A_156, %dma_start3A_157] : memref<2x128x128xf32, #tpu.memory_space<vmem>> -> memref<1x128x128xf32, #tpu.memory_space<vmem>>
      %dma_start3A_159 = tpu.memref_squeeze %dma_start3A_158 : memref<1x128x128xf32, #tpu.memory_space<vmem>> -> memref<128x128xf32, #tpu.memory_space<vmem>>
      %dma_start3A_160 = arith.constant 0 : i32
      %dma_start3A_161 = tpu.memref_slice %arg10[%add3A_128, %dma_start3A_160] : memref<10240x128xf32, #tpu.memory_space<vmem_shared>> -> memref<128x128xf32, #tpu.memory_space<vmem_shared>>
      %dma_start3A_162 = arith.constant 0 : i32
      %dma_start3A_163 = arith.constant 0 : i32
      %dma_start3A_164 = tpu.memref_slice %arg9[%run_scoped3A_129, %dma_start3A_162, %dma_start3A_163] : memref<2x128x128xf32, #tpu.memory_space<vmem>> -> memref<1x128x128xf32, #tpu.memory_space<vmem>>
      %dma_start3A_165 = tpu.memref_squeeze %dma_start3A_164 : memref<1x128x128xf32, #tpu.memory_space<vmem>> -> memref<128x128xf32, #tpu.memory_space<vmem>>
      %dma_start3A_166 = arith.constant 0 : i32
      %dma_start3A_167 = tpu.memref_slice %arg10[%add3A_128, %dma_start3A_166] : memref<10240x128xf32, #tpu.memory_space<vmem_shared>> -> memref<128x128xf32, #tpu.memory_space<vmem_shared>>
      tpu.enqueue_dma source(%dma_start3A_167 : memref<128x128xf32, #tpu.memory_space<vmem_shared>>) target(%dma_start3A_165 : memref<128x128xf32, #tpu.memory_space<vmem>>) target_semaphore(%run_scoped3A_155 : memref<!tpu.dma_semaphore, #tpu.memory_space<semaphore_mem>>)
      %dma_wait3A_168 = arith.constant 0 : i32
      %dma_wait3A_169 = arith.constant 0 : i32
      %dma_wait3A_170 = tpu.memref_slice %arg9[%run_scoped3A_129, %dma_wait3A_168, %dma_wait3A_169] : memref<2x128x128xf32, #tpu.memory_space<vmem>> -> memref<1x128x128xf32, #tpu.memory_space<vmem>>
      %dma_wait3A_171 = tpu.memref_squeeze %dma_wait3A_170 : memref<1x128x128xf32, #tpu.memory_space<vmem>> -> memref<128x128xf32, #tpu.memory_space<vmem>>
      %dma_wait3A_172 = arith.constant 0 : i32
      %dma_wait3A_173 = tpu.memref_slice %arg10[%add3A_128, %dma_wait3A_172] : memref<10240x128xf32, #tpu.memory_space<vmem_shared>> -> memref<128x128xf32, #tpu.memory_space<vmem_shared>>
      %dma_wait3A_174 = arith.constant 0 : i32
      %dma_wait3A_175 = arith.constant 0 : i32
      %dma_wait3A_176 = tpu.memref_slice %arg9[%run_scoped3A_129, %dma_wait3A_174, %dma_wait3A_175] : memref<2x128x128xf32, #tpu.memory_space<vmem>> -> memref<1x128x128xf32, #tpu.memory_space<vmem>>
      %dma_wait3A_177 = tpu.memref_squeeze %dma_wait3A_176 : memref<1x128x128xf32, #tpu.memory_space<vmem>> -> memref<128x128xf32, #tpu.memory_space<vmem>>
      %dma_wait3A_178 = arith.constant 0 : i32
      %dma_wait3A_179 = tpu.memref_slice %arg10[%add3A_128, %dma_wait3A_178] : memref<10240x128xf32, #tpu.memory_space<vmem_shared>> -> memref<128x128xf32, #tpu.memory_space<vmem_shared>>
      tpu.wait_dma2 semaphore(%run_scoped3A_155 : memref<!tpu.dma_semaphore, #tpu.memory_space<semaphore_mem>>) src(%dma_wait3A_179 : memref<128x128xf32, #tpu.memory_space<vmem_shared>>) dst(%dma_wait3A_177 : memref<128x128xf32, #tpu.memory_space<vmem>>)
      tpu.yield
    }) : () -> ()
    %run_scoped3A_130 = arith.constant 0 : i32
    "tpu.region"() ({
      %run_scoped3A_155 = tpu.sem_alloc : memref<!tpu.dma_semaphore, #tpu.memory_space<semaphore_mem>>
      %dma_start3A_156 = arith.constant 0 : i32
      %dma_start3A_157 = arith.constant 0 : i32
      %dma_start3A_158 = tpu.memref_slice %arg9[%run_scoped3A_130, %dma_start3A_156, %dma_start3A_157] : memref<2x128x128xf32, #tpu.memory_space<vmem>> -> memref<1x128x128xf32, #tpu.memory_space<vmem>>
      %dma_start3A_159 = tpu.memref_squeeze %dma_start3A_158 : memref<1x128x128xf32, #tpu.memory_space<vmem>> -> memref<128x128xf32, #tpu.memory_space<vmem>>
      %dma_start3A_160 = arith.constant 0 : i32
      %dma_start3A_161 = tpu.memref_slice %arg6[%arg0, %add3A_128, %dma_start3A_160] : memref<2x10240x128xf32, #tpu.memory_space<hbm>> -> memref<1x128x128xf32, #tpu.memory_space<hbm>>
      %dma_start3A_162 = tpu.memref_squeeze %dma_start3A_161 : memref<1x128x128xf32, #tpu.memory_space<hbm>> -> memref<128x128xf32, #tpu.memory_space<hbm>>
      %dma_start3A_163 = arith.constant 0 : i32
      %dma_start3A_164 = tpu.memref_slice %arg6[%arg0, %add3A_128, %dma_start3A_163] : memref<2x10240x128xf32, #tpu.memory_space<hbm>> -> memref<1x128x128xf32, #tpu.memory_space<hbm>>
      %dma_start3A_165 = tpu.memref_squeeze %dma_start3A_164 : memref<1x128x128xf32, #tpu.memory_space<hbm>> -> memref<128x128xf32, #tpu.memory_space<hbm>>
      %dma_start3A_166 = arith.constant 0 : i32
      %dma_start3A_167 = arith.constant 0 : i32
      %dma_start3A_168 = tpu.memref_slice %arg9[%run_scoped3A_130, %dma_start3A_166, %dma_start3A_167] : memref<2x128x128xf32, #tpu.memory_space<vmem>> -> memref<1x128x128xf32, #tpu.memory_space<vmem>>
      %dma_start3A_169 = tpu.memref_squeeze %dma_start3A_168 : memref<1x128x128xf32, #tpu.memory_space<vmem>> -> memref<128x128xf32, #tpu.memory_space<vmem>>
      tpu.enqueue_dma source(%dma_start3A_169 : memref<128x128xf32, #tpu.memory_space<vmem>>) target(%dma_start3A_165 : memref<128x128xf32, #tpu.memory_space<hbm>>) target_semaphore(%run_scoped3A_155 : memref<!tpu.dma_semaphore, #tpu.memory_space<semaphore_mem>>)
      %dma_wait3A_170 = arith.constant 0 : i32
      %dma_wait3A_171 = arith.constant 0 : i32
      %dma_wait3A_172 = tpu.memref_slice %arg9[%run_scoped3A_130, %dma_wait3A_170, %dma_wait3A_171] : memref<2x128x128xf32, #tpu.memory_space<vmem>> -> memref<1x128x128xf32, #tpu.memory_space<vmem>>
      %dma_wait3A_173 = tpu.memref_squeeze %dma_wait3A_172 : memref<1x128x128xf32, #tpu.memory_space<vmem>> -> memref<128x128xf32, #tpu.memory_space<vmem>>
      %dma_wait3A_174 = arith.constant 0 : i32
      %dma_wait3A_175 = tpu.memref_slice %arg6[%arg0, %add3A_128, %dma_wait3A_174] : memref<2x10240x128xf32, #tpu.memory_space<hbm>> -> memref<1x128x128xf32, #tpu.memory_space<hbm>>
      %dma_wait3A_176 = tpu.memref_squeeze %dma_wait3A_175 : memref<1x128x128xf32, #tpu.memory_space<hbm>> -> memref<128x128xf32, #tpu.memory_space<hbm>>
      %dma_wait3A_177 = arith.constant 0 : i32
      %dma_wait3A_178 = tpu.memref_slice %arg6[%arg0, %add3A_128, %dma_wait3A_177] : memref<2x10240x128xf32, #tpu.memory_space<hbm>> -> memref<1x128x128xf32, #tpu.memory_space<hbm>>
      %dma_wait3A_179 = tpu.memref_squeeze %dma_wait3A_178 : memref<1x128x128xf32, #tpu.memory_space<hbm>> -> memref<128x128xf32, #tpu.memory_space<hbm>>
      %dma_wait3A_180 = arith.constant 0 : i32
      %dma_wait3A_181 = arith.constant 0 : i32
      %dma_wait3A_182 = tpu.memref_slice %arg9[%run_scoped3A_130, %dma_wait3A_180, %dma_wait3A_181] : memref<2x128x128xf32, #tpu.memory_space<vmem>> -> memref<1x128x128xf32, #tpu.memory_space<vmem>>
      %dma_wait3A_183 = tpu.memref_squeeze %dma_wait3A_182 : memref<1x128x128xf32, #tpu.memory_space<vmem>> -> memref<128x128xf32, #tpu.memory_space<vmem>>
      tpu.wait_dma2 semaphore(%run_scoped3A_155 : memref<!tpu.dma_semaphore, #tpu.memory_space<semaphore_mem>>) src(%dma_wait3A_183 : memref<128x128xf32, #tpu.memory_space<vmem>>) dst(%dma_wait3A_179 : memref<128x128xf32, #tpu.memory_space<hbm>>)
      tpu.yield
    }) : () -> ()
    %mul3A_131 = arith.constant 640 : i32
    %mul3A_132 = arith.muli %arg1, %mul3A_131 : i32
    %add3A_133 = arith.constant 128 : i32
    %add3A_134 = arith.addi %mul3A_132, %add3A_133 : i32
    %run_scoped3A_135 = arith.constant 0 : i32
    "tpu.region"() ({
      %run_scoped3A_155 = tpu.sem_alloc : memref<!tpu.dma_semaphore, #tpu.memory_space<semaphore_mem>>
      %dma_start3A_156 = arith.constant 0 : i32
      %dma_start3A_157 = arith.constant 0 : i32
      %dma_start3A_158 = tpu.memref_slice %arg9[%run_scoped3A_135, %dma_start3A_156, %dma_start3A_157] : memref<2x128x128xf32, #tpu.memory_space<vmem>> -> memref<1x128x128xf32, #tpu.memory_space<vmem>>
      %dma_start3A_159 = tpu.memref_squeeze %dma_start3A_158 : memref<1x128x128xf32, #tpu.memory_space<vmem>> -> memref<128x128xf32, #tpu.memory_space<vmem>>
      %dma_start3A_160 = arith.constant 0 : i32
      %dma_start3A_161 = tpu.memref_slice %arg10[%add3A_134, %dma_start3A_160] : memref<10240x128xf32, #tpu.memory_space<vmem_shared>> -> memref<128x128xf32, #tpu.memory_space<vmem_shared>>
      %dma_start3A_162 = arith.constant 0 : i32
      %dma_start3A_163 = arith.constant 0 : i32
      %dma_start3A_164 = tpu.memref_slice %arg9[%run_scoped3A_135, %dma_start3A_162, %dma_start3A_163] : memref<2x128x128xf32, #tpu.memory_space<vmem>> -> memref<1x128x128xf32, #tpu.memory_space<vmem>>
      %dma_start3A_165 = tpu.memref_squeeze %dma_start3A_164 : memref<1x128x128xf32, #tpu.memory_space<vmem>> -> memref<128x128xf32, #tpu.memory_space<vmem>>
      %dma_start3A_166 = arith.constant 0 : i32
      %dma_start3A_167 = tpu.memref_slice %arg10[%add3A_134, %dma_start3A_166] : memref<10240x128xf32, #tpu.memory_space<vmem_shared>> -> memref<128x128xf32, #tpu.memory_space<vmem_shared>>
      tpu.enqueue_dma source(%dma_start3A_167 : memref<128x128xf32, #tpu.memory_space<vmem_shared>>) target(%dma_start3A_165 : memref<128x128xf32, #tpu.memory_space<vmem>>) target_semaphore(%run_scoped3A_155 : memref<!tpu.dma_semaphore, #tpu.memory_space<semaphore_mem>>)
      %dma_wait3A_168 = arith.constant 0 : i32
      %dma_wait3A_169 = arith.constant 0 : i32
      %dma_wait3A_170 = tpu.memref_slice %arg9[%run_scoped3A_135, %dma_wait3A_168, %dma_wait3A_169] : memref<2x128x128xf32, #tpu.memory_space<vmem>> -> memref<1x128x128xf32, #tpu.memory_space<vmem>>
      %dma_wait3A_171 = tpu.memref_squeeze %dma_wait3A_170 : memref<1x128x128xf32, #tpu.memory_space<vmem>> -> memref<128x128xf32, #tpu.memory_space<vmem>>
      %dma_wait3A_172 = arith.constant 0 : i32
      %dma_wait3A_173 = tpu.memref_slice %arg10[%add3A_134, %dma_wait3A_172] : memref<10240x128xf32, #tpu.memory_space<vmem_shared>> -> memref<128x128xf32, #tpu.memory_space<vmem_shared>>
      %dma_wait3A_174 = arith.constant 0 : i32
      %dma_wait3A_175 = arith.constant 0 : i32
      %dma_wait3A_176 = tpu.memref_slice %arg9[%run_scoped3A_135, %dma_wait3A_174, %dma_wait3A_175] : memref<2x128x128xf32, #tpu.memory_space<vmem>> -> memref<1x128x128xf32, #tpu.memory_space<vmem>>
      %dma_wait3A_177 = tpu.memref_squeeze %dma_wait3A_176 : memref<1x128x128xf32, #tpu.memory_space<vmem>> -> memref<128x128xf32, #tpu.memory_space<vmem>>
      %dma_wait3A_178 = arith.constant 0 : i32
      %dma_wait3A_179 = tpu.memref_slice %arg10[%add3A_134, %dma_wait3A_178] : memref<10240x128xf32, #tpu.memory_space<vmem_shared>> -> memref<128x128xf32, #tpu.memory_space<vmem_shared>>
      tpu.wait_dma2 semaphore(%run_scoped3A_155 : memref<!tpu.dma_semaphore, #tpu.memory_space<semaphore_mem>>) src(%dma_wait3A_179 : memref<128x128xf32, #tpu.memory_space<vmem_shared>>) dst(%dma_wait3A_177 : memref<128x128xf32, #tpu.memory_space<vmem>>)
      tpu.yield
    }) : () -> ()
    %run_scoped3A_136 = arith.constant 0 : i32
    "tpu.region"() ({
      %run_scoped3A_155 = tpu.sem_alloc : memref<!tpu.dma_semaphore, #tpu.memory_space<semaphore_mem>>
      %dma_start3A_156 = arith.constant 0 : i32
      %dma_start3A_157 = arith.constant 0 : i32
      %dma_start3A_158 = tpu.memref_slice %arg9[%run_scoped3A_136, %dma_start3A_156, %dma_start3A_157] : memref<2x128x128xf32, #tpu.memory_space<vmem>> -> memref<1x128x128xf32, #tpu.memory_space<vmem>>
      %dma_start3A_159 = tpu.memref_squeeze %dma_start3A_158 : memref<1x128x128xf32, #tpu.memory_space<vmem>> -> memref<128x128xf32, #tpu.memory_space<vmem>>
      %dma_start3A_160 = arith.constant 0 : i32
      %dma_start3A_161 = tpu.memref_slice %arg6[%arg0, %add3A_134, %dma_start3A_160] : memref<2x10240x128xf32, #tpu.memory_space<hbm>> -> memref<1x128x128xf32, #tpu.memory_space<hbm>>
      %dma_start3A_162 = tpu.memref_squeeze %dma_start3A_161 : memref<1x128x128xf32, #tpu.memory_space<hbm>> -> memref<128x128xf32, #tpu.memory_space<hbm>>
      %dma_start3A_163 = arith.constant 0 : i32
      %dma_start3A_164 = tpu.memref_slice %arg6[%arg0, %add3A_134, %dma_start3A_163] : memref<2x10240x128xf32, #tpu.memory_space<hbm>> -> memref<1x128x128xf32, #tpu.memory_space<hbm>>
      %dma_start3A_165 = tpu.memref_squeeze %dma_start3A_164 : memref<1x128x128xf32, #tpu.memory_space<hbm>> -> memref<128x128xf32, #tpu.memory_space<hbm>>
      %dma_start3A_166 = arith.constant 0 : i32
      %dma_start3A_167 = arith.constant 0 : i32
      %dma_start3A_168 = tpu.memref_slice %arg9[%run_scoped3A_136, %dma_start3A_166, %dma_start3A_167] : memref<2x128x128xf32, #tpu.memory_space<vmem>> -> memref<1x128x128xf32, #tpu.memory_space<vmem>>
      %dma_start3A_169 = tpu.memref_squeeze %dma_start3A_168 : memref<1x128x128xf32, #tpu.memory_space<vmem>> -> memref<128x128xf32, #tpu.memory_space<vmem>>
      tpu.enqueue_dma source(%dma_start3A_169 : memref<128x128xf32, #tpu.memory_space<vmem>>) target(%dma_start3A_165 : memref<128x128xf32, #tpu.memory_space<hbm>>) target_semaphore(%run_scoped3A_155 : memref<!tpu.dma_semaphore, #tpu.memory_space<semaphore_mem>>)
      %dma_wait3A_170 = arith.constant 0 : i32
      %dma_wait3A_171 = arith.constant 0 : i32
      %dma_wait3A_172 = tpu.memref_slice %arg9[%run_scoped3A_136, %dma_wait3A_170, %dma_wait3A_171] : memref<2x128x128xf32, #tpu.memory_space<vmem>> -> memref<1x128x128xf32, #tpu.memory_space<vmem>>
      %dma_wait3A_173 = tpu.memref_squeeze %dma_wait3A_172 : memref<1x128x128xf32, #tpu.memory_space<vmem>> -> memref<128x128xf32, #tpu.memory_space<vmem>>
      %dma_wait3A_174 = arith.constant 0 : i32
      %dma_wait3A_175 = tpu.memref_slice %arg6[%arg0, %add3A_134, %dma_wait3A_174] : memref<2x10240x128xf32, #tpu.memory_space<hbm>> -> memref<1x128x128xf32, #tpu.memory_space<hbm>>
      %dma_wait3A_176 = tpu.memref_squeeze %dma_wait3A_175 : memref<1x128x128xf32, #tpu.memory_space<hbm>> -> memref<128x128xf32, #tpu.memory_space<hbm>>
      %dma_wait3A_177 = arith.constant 0 : i32
      %dma_wait3A_178 = tpu.memref_slice %arg6[%arg0, %add3A_134, %dma_wait3A_177] : memref<2x10240x128xf32, #tpu.memory_space<hbm>> -> memref<1x128x128xf32, #tpu.memory_space<hbm>>
      %dma_wait3A_179 = tpu.memref_squeeze %dma_wait3A_178 : memref<1x128x128xf32, #tpu.memory_space<hbm>> -> memref<128x128xf32, #tpu.memory_space<hbm>>
      %dma_wait3A_180 = arith.constant 0 : i32
      %dma_wait3A_181 = arith.constant 0 : i32
      %dma_wait3A_182 = tpu.memref_slice %arg9[%run_scoped3A_136, %dma_wait3A_180, %dma_wait3A_181] : memref<2x128x128xf32, #tpu.memory_space<vmem>> -> memref<1x128x128xf32, #tpu.memory_space<vmem>>
      %dma_wait3A_183 = tpu.memref_squeeze %dma_wait3A_182 : memref<1x128x128xf32, #tpu.memory_space<vmem>> -> memref<128x128xf32, #tpu.memory_space<vmem>>
      tpu.wait_dma2 semaphore(%run_scoped3A_155 : memref<!tpu.dma_semaphore, #tpu.memory_space<semaphore_mem>>) src(%dma_wait3A_183 : memref<128x128xf32, #tpu.memory_space<vmem>>) dst(%dma_wait3A_179 : memref<128x128xf32, #tpu.memory_space<hbm>>)
      tpu.yield
    }) : () -> ()
    %mul3A_137 = arith.constant 640 : i32
    %mul3A_138 = arith.muli %arg1, %mul3A_137 : i32
    %add3A_139 = arith.constant 256 : i32
    %add3A_140 = arith.addi %mul3A_138, %add3A_139 : i32
    %run_scoped3A_141 = arith.constant 0 : i32
    "tpu.region"() ({
      %run_scoped3A_155 = tpu.sem_alloc : memref<!tpu.dma_semaphore, #tpu.memory_space<semaphore_mem>>
      %dma_start3A_156 = arith.constant 0 : i32
      %dma_start3A_157 = arith.constant 0 : i32
      %dma_start3A_158 = tpu.memref_slice %arg9[%run_scoped3A_141, %dma_start3A_156, %dma_start3A_157] : memref<2x128x128xf32, #tpu.memory_space<vmem>> -> memref<1x128x128xf32, #tpu.memory_space<vmem>>
      %dma_start3A_159 = tpu.memref_squeeze %dma_start3A_158 : memref<1x128x128xf32, #tpu.memory_space<vmem>> -> memref<128x128xf32, #tpu.memory_space<vmem>>
      %dma_start3A_160 = arith.constant 0 : i32
      %dma_start3A_161 = tpu.memref_slice %arg10[%add3A_140, %dma_start3A_160] : memref<10240x128xf32, #tpu.memory_space<vmem_shared>> -> memref<128x128xf32, #tpu.memory_space<vmem_shared>>
      %dma_start3A_162 = arith.constant 0 : i32
      %dma_start3A_163 = arith.constant 0 : i32
      %dma_start3A_164 = tpu.memref_slice %arg9[%run_scoped3A_141, %dma_start3A_162, %dma_start3A_163] : memref<2x128x128xf32, #tpu.memory_space<vmem>> -> memref<1x128x128xf32, #tpu.memory_space<vmem>>
      %dma_start3A_165 = tpu.memref_squeeze %dma_start3A_164 : memref<1x128x128xf32, #tpu.memory_space<vmem>> -> memref<128x128xf32, #tpu.memory_space<vmem>>
      %dma_start3A_166 = arith.constant 0 : i32
      %dma_start3A_167 = tpu.memref_slice %arg10[%add3A_140, %dma_start3A_166] : memref<10240x128xf32, #tpu.memory_space<vmem_shared>> -> memref<128x128xf32, #tpu.memory_space<vmem_shared>>
      tpu.enqueue_dma source(%dma_start3A_167 : memref<128x128xf32, #tpu.memory_space<vmem_shared>>) target(%dma_start3A_165 : memref<128x128xf32, #tpu.memory_space<vmem>>) target_semaphore(%run_scoped3A_155 : memref<!tpu.dma_semaphore, #tpu.memory_space<semaphore_mem>>)
      %dma_wait3A_168 = arith.constant 0 : i32
      %dma_wait3A_169 = arith.constant 0 : i32
      %dma_wait3A_170 = tpu.memref_slice %arg9[%run_scoped3A_141, %dma_wait3A_168, %dma_wait3A_169] : memref<2x128x128xf32, #tpu.memory_space<vmem>> -> memref<1x128x128xf32, #tpu.memory_space<vmem>>
      %dma_wait3A_171 = tpu.memref_squeeze %dma_wait3A_170 : memref<1x128x128xf32, #tpu.memory_space<vmem>> -> memref<128x128xf32, #tpu.memory_space<vmem>>
      %dma_wait3A_172 = arith.constant 0 : i32
      %dma_wait3A_173 = tpu.memref_slice %arg10[%add3A_140, %dma_wait3A_172] : memref<10240x128xf32, #tpu.memory_space<vmem_shared>> -> memref<128x128xf32, #tpu.memory_space<vmem_shared>>
      %dma_wait3A_174 = arith.constant 0 : i32
      %dma_wait3A_175 = arith.constant 0 : i32
      %dma_wait3A_176 = tpu.memref_slice %arg9[%run_scoped3A_141, %dma_wait3A_174, %dma_wait3A_175] : memref<2x128x128xf32, #tpu.memory_space<vmem>> -> memref<1x128x128xf32, #tpu.memory_space<vmem>>
      %dma_wait3A_177 = tpu.memref_squeeze %dma_wait3A_176 : memref<1x128x128xf32, #tpu.memory_space<vmem>> -> memref<128x128xf32, #tpu.memory_space<vmem>>
      %dma_wait3A_178 = arith.constant 0 : i32
      %dma_wait3A_179 = tpu.memref_slice %arg10[%add3A_140, %dma_wait3A_178] : memref<10240x128xf32, #tpu.memory_space<vmem_shared>> -> memref<128x128xf32, #tpu.memory_space<vmem_shared>>
      tpu.wait_dma2 semaphore(%run_scoped3A_155 : memref<!tpu.dma_semaphore, #tpu.memory_space<semaphore_mem>>) src(%dma_wait3A_179 : memref<128x128xf32, #tpu.memory_space<vmem_shared>>) dst(%dma_wait3A_177 : memref<128x128xf32, #tpu.memory_space<vmem>>)
      tpu.yield
    }) : () -> ()
    %run_scoped3A_142 = arith.constant 0 : i32
    "tpu.region"() ({
      %run_scoped3A_155 = tpu.sem_alloc : memref<!tpu.dma_semaphore, #tpu.memory_space<semaphore_mem>>
      %dma_start3A_156 = arith.constant 0 : i32
      %dma_start3A_157 = arith.constant 0 : i32
      %dma_start3A_158 = tpu.memref_slice %arg9[%run_scoped3A_142, %dma_start3A_156, %dma_start3A_157] : memref<2x128x128xf32, #tpu.memory_space<vmem>> -> memref<1x128x128xf32, #tpu.memory_space<vmem>>
      %dma_start3A_159 = tpu.memref_squeeze %dma_start3A_158 : memref<1x128x128xf32, #tpu.memory_space<vmem>> -> memref<128x128xf32, #tpu.memory_space<vmem>>
      %dma_start3A_160 = arith.constant 0 : i32
      %dma_start3A_161 = tpu.memref_slice %arg6[%arg0, %add3A_140, %dma_start3A_160] : memref<2x10240x128xf32, #tpu.memory_space<hbm>> -> memref<1x128x128xf32, #tpu.memory_space<hbm>>
      %dma_start3A_162 = tpu.memref_squeeze %dma_start3A_161 : memref<1x128x128xf32, #tpu.memory_space<hbm>> -> memref<128x128xf32, #tpu.memory_space<hbm>>
      %dma_start3A_163 = arith.constant 0 : i32
      %dma_start3A_164 = tpu.memref_slice %arg6[%arg0, %add3A_140, %dma_start3A_163] : memref<2x10240x128xf32, #tpu.memory_space<hbm>> -> memref<1x128x128xf32, #tpu.memory_space<hbm>>
      %dma_start3A_165 = tpu.memref_squeeze %dma_start3A_164 : memref<1x128x128xf32, #tpu.memory_space<hbm>> -> memref<128x128xf32, #tpu.memory_space<hbm>>
      %dma_start3A_166 = arith.constant 0 : i32
      %dma_start3A_167 = arith.constant 0 : i32
      %dma_start3A_168 = tpu.memref_slice %arg9[%run_scoped3A_142, %dma_start3A_166, %dma_start3A_167] : memref<2x128x128xf32, #tpu.memory_space<vmem>> -> memref<1x128x128xf32, #tpu.memory_space<vmem>>
      %dma_start3A_169 = tpu.memref_squeeze %dma_start3A_168 : memref<1x128x128xf32, #tpu.memory_space<vmem>> -> memref<128x128xf32, #tpu.memory_space<vmem>>
      tpu.enqueue_dma source(%dma_start3A_169 : memref<128x128xf32, #tpu.memory_space<vmem>>) target(%dma_start3A_165 : memref<128x128xf32, #tpu.memory_space<hbm>>) target_semaphore(%run_scoped3A_155 : memref<!tpu.dma_semaphore, #tpu.memory_space<semaphore_mem>>)
      %dma_wait3A_170 = arith.constant 0 : i32
      %dma_wait3A_171 = arith.constant 0 : i32
      %dma_wait3A_172 = tpu.memref_slice %arg9[%run_scoped3A_142, %dma_wait3A_170, %dma_wait3A_171] : memref<2x128x128xf32, #tpu.memory_space<vmem>> -> memref<1x128x128xf32, #tpu.memory_space<vmem>>
      %dma_wait3A_173 = tpu.memref_squeeze %dma_wait3A_172 : memref<1x128x128xf32, #tpu.memory_space<vmem>> -> memref<128x128xf32, #tpu.memory_space<vmem>>
      %dma_wait3A_174 = arith.constant 0 : i32
      %dma_wait3A_175 = tpu.memref_slice %arg6[%arg0, %add3A_140, %dma_wait3A_174] : memref<2x10240x128xf32, #tpu.memory_space<hbm>> -> memref<1x128x128xf32, #tpu.memory_space<hbm>>
      %dma_wait3A_176 = tpu.memref_squeeze %dma_wait3A_175 : memref<1x128x128xf32, #tpu.memory_space<hbm>> -> memref<128x128xf32, #tpu.memory_space<hbm>>
      %dma_wait3A_177 = arith.constant 0 : i32
      %dma_wait3A_178 = tpu.memref_slice %arg6[%arg0, %add3A_140, %dma_wait3A_177] : memref<2x10240x128xf32, #tpu.memory_space<hbm>> -> memref<1x128x128xf32, #tpu.memory_space<hbm>>
      %dma_wait3A_179 = tpu.memref_squeeze %dma_wait3A_178 : memref<1x128x128xf32, #tpu.memory_space<hbm>> -> memref<128x128xf32, #tpu.memory_space<hbm>>
      %dma_wait3A_180 = arith.constant 0 : i32
      %dma_wait3A_181 = arith.constant 0 : i32
      %dma_wait3A_182 = tpu.memref_slice %arg9[%run_scoped3A_142, %dma_wait3A_180, %dma_wait3A_181] : memref<2x128x128xf32, #tpu.memory_space<vmem>> -> memref<1x128x128xf32, #tpu.memory_space<vmem>>
      %dma_wait3A_183 = tpu.memref_squeeze %dma_wait3A_182 : memref<1x128x128xf32, #tpu.memory_space<vmem>> -> memref<128x128xf32, #tpu.memory_space<vmem>>
      tpu.wait_dma2 semaphore(%run_scoped3A_155 : memref<!tpu.dma_semaphore, #tpu.memory_space<semaphore_mem>>) src(%dma_wait3A_183 : memref<128x128xf32, #tpu.memory_space<vmem>>) dst(%dma_wait3A_179 : memref<128x128xf32, #tpu.memory_space<hbm>>)
      tpu.yield
    }) : () -> ()
    %mul3A_143 = arith.constant 640 : i32
    %mul3A_144 = arith.muli %arg1, %mul3A_143 : i32
    %add3A_145 = arith.constant 384 : i32
    %add3A_146 = arith.addi %mul3A_144, %add3A_145 : i32
    %run_scoped3A_147 = arith.constant 0 : i32
    "tpu.region"() ({
      %run_scoped3A_155 = tpu.sem_alloc : memref<!tpu.dma_semaphore, #tpu.memory_space<semaphore_mem>>
      %dma_start3A_156 = arith.constant 0 : i32
      %dma_start3A_157 = arith.constant 0 : i32
      %dma_start3A_158 = tpu.memref_slice %arg9[%run_scoped3A_147, %dma_start3A_156, %dma_start3A_157] : memref<2x128x128xf32, #tpu.memory_space<vmem>> -> memref<1x128x128xf32, #tpu.memory_space<vmem>>
      %dma_start3A_159 = tpu.memref_squeeze %dma_start3A_158 : memref<1x128x128xf32, #tpu.memory_space<vmem>> -> memref<128x128xf32, #tpu.memory_space<vmem>>
      %dma_start3A_160 = arith.constant 0 : i32
      %dma_start3A_161 = tpu.memref_slice %arg10[%add3A_146, %dma_start3A_160] : memref<10240x128xf32, #tpu.memory_space<vmem_shared>> -> memref<128x128xf32, #tpu.memory_space<vmem_shared>>
      %dma_start3A_162 = arith.constant 0 : i32
      %dma_start3A_163 = arith.constant 0 : i32
      %dma_start3A_164 = tpu.memref_slice %arg9[%run_scoped3A_147, %dma_start3A_162, %dma_start3A_163] : memref<2x128x128xf32, #tpu.memory_space<vmem>> -> memref<1x128x128xf32, #tpu.memory_space<vmem>>
      %dma_start3A_165 = tpu.memref_squeeze %dma_start3A_164 : memref<1x128x128xf32, #tpu.memory_space<vmem>> -> memref<128x128xf32, #tpu.memory_space<vmem>>
      %dma_start3A_166 = arith.constant 0 : i32
      %dma_start3A_167 = tpu.memref_slice %arg10[%add3A_146, %dma_start3A_166] : memref<10240x128xf32, #tpu.memory_space<vmem_shared>> -> memref<128x128xf32, #tpu.memory_space<vmem_shared>>
      tpu.enqueue_dma source(%dma_start3A_167 : memref<128x128xf32, #tpu.memory_space<vmem_shared>>) target(%dma_start3A_165 : memref<128x128xf32, #tpu.memory_space<vmem>>) target_semaphore(%run_scoped3A_155 : memref<!tpu.dma_semaphore, #tpu.memory_space<semaphore_mem>>)
      %dma_wait3A_168 = arith.constant 0 : i32
      %dma_wait3A_169 = arith.constant 0 : i32
      %dma_wait3A_170 = tpu.memref_slice %arg9[%run_scoped3A_147, %dma_wait3A_168, %dma_wait3A_169] : memref<2x128x128xf32, #tpu.memory_space<vmem>> -> memref<1x128x128xf32, #tpu.memory_space<vmem>>
      %dma_wait3A_171 = tpu.memref_squeeze %dma_wait3A_170 : memref<1x128x128xf32, #tpu.memory_space<vmem>> -> memref<128x128xf32, #tpu.memory_space<vmem>>
      %dma_wait3A_172 = arith.constant 0 : i32
      %dma_wait3A_173 = tpu.memref_slice %arg10[%add3A_146, %dma_wait3A_172] : memref<10240x128xf32, #tpu.memory_space<vmem_shared>> -> memref<128x128xf32, #tpu.memory_space<vmem_shared>>
      %dma_wait3A_174 = arith.constant 0 : i32
      %dma_wait3A_175 = arith.constant 0 : i32
      %dma_wait3A_176 = tpu.memref_slice %arg9[%run_scoped3A_147, %dma_wait3A_174, %dma_wait3A_175] : memref<2x128x128xf32, #tpu.memory_space<vmem>> -> memref<1x128x128xf32, #tpu.memory_space<vmem>>
      %dma_wait3A_177 = tpu.memref_squeeze %dma_wait3A_176 : memref<1x128x128xf32, #tpu.memory_space<vmem>> -> memref<128x128xf32, #tpu.memory_space<vmem>>
      %dma_wait3A_178 = arith.constant 0 : i32
      %dma_wait3A_179 = tpu.memref_slice %arg10[%add3A_146, %dma_wait3A_178] : memref<10240x128xf32, #tpu.memory_space<vmem_shared>> -> memref<128x128xf32, #tpu.memory_space<vmem_shared>>
      tpu.wait_dma2 semaphore(%run_scoped3A_155 : memref<!tpu.dma_semaphore, #tpu.memory_space<semaphore_mem>>) src(%dma_wait3A_179 : memref<128x128xf32, #tpu.memory_space<vmem_shared>>) dst(%dma_wait3A_177 : memref<128x128xf32, #tpu.memory_space<vmem>>)
      tpu.yield
    }) : () -> ()
    %run_scoped3A_148 = arith.constant 0 : i32
    "tpu.region"() ({
      %run_scoped3A_155 = tpu.sem_alloc : memref<!tpu.dma_semaphore, #tpu.memory_space<semaphore_mem>>
      %dma_start3A_156 = arith.constant 0 : i32
      %dma_start3A_157 = arith.constant 0 : i32
      %dma_start3A_158 = tpu.memref_slice %arg9[%run_scoped3A_148, %dma_start3A_156, %dma_start3A_157] : memref<2x128x128xf32, #tpu.memory_space<vmem>> -> memref<1x128x128xf32, #tpu.memory_space<vmem>>
      %dma_start3A_159 = tpu.memref_squeeze %dma_start3A_158 : memref<1x128x128xf32, #tpu.memory_space<vmem>> -> memref<128x128xf32, #tpu.memory_space<vmem>>
      %dma_start3A_160 = arith.constant 0 : i32
      %dma_start3A_161 = tpu.memref_slice %arg6[%arg0, %add3A_146, %dma_start3A_160] : memref<2x10240x128xf32, #tpu.memory_space<hbm>> -> memref<1x128x128xf32, #tpu.memory_space<hbm>>
      %dma_start3A_162 = tpu.memref_squeeze %dma_start3A_161 : memref<1x128x128xf32, #tpu.memory_space<hbm>> -> memref<128x128xf32, #tpu.memory_space<hbm>>
      %dma_start3A_163 = arith.constant 0 : i32
      %dma_start3A_164 = tpu.memref_slice %arg6[%arg0, %add3A_146, %dma_start3A_163] : memref<2x10240x128xf32, #tpu.memory_space<hbm>> -> memref<1x128x128xf32, #tpu.memory_space<hbm>>
      %dma_start3A_165 = tpu.memref_squeeze %dma_start3A_164 : memref<1x128x128xf32, #tpu.memory_space<hbm>> -> memref<128x128xf32, #tpu.memory_space<hbm>>
      %dma_start3A_166 = arith.constant 0 : i32
      %dma_start3A_167 = arith.constant 0 : i32
      %dma_start3A_168 = tpu.memref_slice %arg9[%run_scoped3A_148, %dma_start3A_166, %dma_start3A_167] : memref<2x128x128xf32, #tpu.memory_space<vmem>> -> memref<1x128x128xf32, #tpu.memory_space<vmem>>
      %dma_start3A_169 = tpu.memref_squeeze %dma_start3A_168 : memref<1x128x128xf32, #tpu.memory_space<vmem>> -> memref<128x128xf32, #tpu.memory_space<vmem>>
      tpu.enqueue_dma source(%dma_start3A_169 : memref<128x128xf32, #tpu.memory_space<vmem>>) target(%dma_start3A_165 : memref<128x128xf32, #tpu.memory_space<hbm>>) target_semaphore(%run_scoped3A_155 : memref<!tpu.dma_semaphore, #tpu.memory_space<semaphore_mem>>)
      %dma_wait3A_170 = arith.constant 0 : i32
      %dma_wait3A_171 = arith.constant 0 : i32
      %dma_wait3A_172 = tpu.memref_slice %arg9[%run_scoped3A_148, %dma_wait3A_170, %dma_wait3A_171] : memref<2x128x128xf32, #tpu.memory_space<vmem>> -> memref<1x128x128xf32, #tpu.memory_space<vmem>>
      %dma_wait3A_173 = tpu.memref_squeeze %dma_wait3A_172 : memref<1x128x128xf32, #tpu.memory_space<vmem>> -> memref<128x128xf32, #tpu.memory_space<vmem>>
      %dma_wait3A_174 = arith.constant 0 : i32
      %dma_wait3A_175 = tpu.memref_slice %arg6[%arg0, %add3A_146, %dma_wait3A_174] : memref<2x10240x128xf32, #tpu.memory_space<hbm>> -> memref<1x128x128xf32, #tpu.memory_space<hbm>>
      %dma_wait3A_176 = tpu.memref_squeeze %dma_wait3A_175 : memref<1x128x128xf32, #tpu.memory_space<hbm>> -> memref<128x128xf32, #tpu.memory_space<hbm>>
      %dma_wait3A_177 = arith.constant 0 : i32
      %dma_wait3A_178 = tpu.memref_slice %arg6[%arg0, %add3A_146, %dma_wait3A_177] : memref<2x10240x128xf32, #tpu.memory_space<hbm>> -> memref<1x128x128xf32, #tpu.memory_space<hbm>>
      %dma_wait3A_179 = tpu.memref_squeeze %dma_wait3A_178 : memref<1x128x128xf32, #tpu.memory_space<hbm>> -> memref<128x128xf32, #tpu.memory_space<hbm>>
      %dma_wait3A_180 = arith.constant 0 : i32
      %dma_wait3A_181 = arith.constant 0 : i32
      %dma_wait3A_182 = tpu.memref_slice %arg9[%run_scoped3A_148, %dma_wait3A_180, %dma_wait3A_181] : memref<2x128x128xf32, #tpu.memory_space<vmem>> -> memref<1x128x128xf32, #tpu.memory_space<vmem>>
      %dma_wait3A_183 = tpu.memref_squeeze %dma_wait3A_182 : memref<1x128x128xf32, #tpu.memory_space<vmem>> -> memref<128x128xf32, #tpu.memory_space<vmem>>
      tpu.wait_dma2 semaphore(%run_scoped3A_155 : memref<!tpu.dma_semaphore, #tpu.memory_space<semaphore_mem>>) src(%dma_wait3A_183 : memref<128x128xf32, #tpu.memory_space<vmem>>) dst(%dma_wait3A_179 : memref<128x128xf32, #tpu.memory_space<hbm>>)
      tpu.yield
    }) : () -> ()
    %mul3A_149 = arith.constant 640 : i32
    %mul3A_150 = arith.muli %arg1, %mul3A_149 : i32
    %add3A_151 = arith.constant 512 : i32
    %add3A_152 = arith.addi %mul3A_150, %add3A_151 : i32
    %run_scoped3A_153 = arith.constant 0 : i32
    "tpu.region"() ({
      %run_scoped3A_155 = tpu.sem_alloc : memref<!tpu.dma_semaphore, #tpu.memory_space<semaphore_mem>>
      %dma_start3A_156 = arith.constant 0 : i32
      %dma_start3A_157 = arith.constant 0 : i32
      %dma_start3A_158 = tpu.memref_slice %arg9[%run_scoped3A_153, %dma_start3A_156, %dma_start3A_157] : memref<2x128x128xf32, #tpu.memory_space<vmem>> -> memref<1x128x128xf32, #tpu.memory_space<vmem>>
      %dma_start3A_159 = tpu.memref_squeeze %dma_start3A_158 : memref<1x128x128xf32, #tpu.memory_space<vmem>> -> memref<128x128xf32, #tpu.memory_space<vmem>>
      %dma_start3A_160 = arith.constant 0 : i32
      %dma_start3A_161 = tpu.memref_slice %arg10[%add3A_152, %dma_start3A_160] : memref<10240x128xf32, #tpu.memory_space<vmem_shared>> -> memref<128x128xf32, #tpu.memory_space<vmem_shared>>
      %dma_start3A_162 = arith.constant 0 : i32
      %dma_start3A_163 = arith.constant 0 : i32
      %dma_start3A_164 = tpu.memref_slice %arg9[%run_scoped3A_153, %dma_start3A_162, %dma_start3A_163] : memref<2x128x128xf32, #tpu.memory_space<vmem>> -> memref<1x128x128xf32, #tpu.memory_space<vmem>>
      %dma_start3A_165 = tpu.memref_squeeze %dma_start3A_164 : memref<1x128x128xf32, #tpu.memory_space<vmem>> -> memref<128x128xf32, #tpu.memory_space<vmem>>
      %dma_start3A_166 = arith.constant 0 : i32
      %dma_start3A_167 = tpu.memref_slice %arg10[%add3A_152, %dma_start3A_166] : memref<10240x128xf32, #tpu.memory_space<vmem_shared>> -> memref<128x128xf32, #tpu.memory_space<vmem_shared>>
      tpu.enqueue_dma source(%dma_start3A_167 : memref<128x128xf32, #tpu.memory_space<vmem_shared>>) target(%dma_start3A_165 : memref<128x128xf32, #tpu.memory_space<vmem>>) target_semaphore(%run_scoped3A_155 : memref<!tpu.dma_semaphore, #tpu.memory_space<semaphore_mem>>)
      %dma_wait3A_168 = arith.constant 0 : i32
      %dma_wait3A_169 = arith.constant 0 : i32
      %dma_wait3A_170 = tpu.memref_slice %arg9[%run_scoped3A_153, %dma_wait3A_168, %dma_wait3A_169] : memref<2x128x128xf32, #tpu.memory_space<vmem>> -> memref<1x128x128xf32, #tpu.memory_space<vmem>>
      %dma_wait3A_171 = tpu.memref_squeeze %dma_wait3A_170 : memref<1x128x128xf32, #tpu.memory_space<vmem>> -> memref<128x128xf32, #tpu.memory_space<vmem>>
      %dma_wait3A_172 = arith.constant 0 : i32
      %dma_wait3A_173 = tpu.memref_slice %arg10[%add3A_152, %dma_wait3A_172] : memref<10240x128xf32, #tpu.memory_space<vmem_shared>> -> memref<128x128xf32, #tpu.memory_space<vmem_shared>>
      %dma_wait3A_174 = arith.constant 0 : i32
      %dma_wait3A_175 = arith.constant 0 : i32
      %dma_wait3A_176 = tpu.memref_slice %arg9[%run_scoped3A_153, %dma_wait3A_174, %dma_wait3A_175] : memref<2x128x128xf32, #tpu.memory_space<vmem>> -> memref<1x128x128xf32, #tpu.memory_space<vmem>>
      %dma_wait3A_177 = tpu.memref_squeeze %dma_wait3A_176 : memref<1x128x128xf32, #tpu.memory_space<vmem>> -> memref<128x128xf32, #tpu.memory_space<vmem>>
      %dma_wait3A_178 = arith.constant 0 : i32
      %dma_wait3A_179 = tpu.memref_slice %arg10[%add3A_152, %dma_wait3A_178] : memref<10240x128xf32, #tpu.memory_space<vmem_shared>> -> memref<128x128xf32, #tpu.memory_space<vmem_shared>>
      tpu.wait_dma2 semaphore(%run_scoped3A_155 : memref<!tpu.dma_semaphore, #tpu.memory_space<semaphore_mem>>) src(%dma_wait3A_179 : memref<128x128xf32, #tpu.memory_space<vmem_shared>>) dst(%dma_wait3A_177 : memref<128x128xf32, #tpu.memory_space<vmem>>)
      tpu.yield
    }) : () -> ()
    %run_scoped3A_154 = arith.constant 0 : i32
    "tpu.region"() ({
      %run_scoped3A_155 = tpu.sem_alloc : memref<!tpu.dma_semaphore, #tpu.memory_space<semaphore_mem>>
      %dma_start3A_156 = arith.constant 0 : i32
      %dma_start3A_157 = arith.constant 0 : i32
      %dma_start3A_158 = tpu.memref_slice %arg9[%run_scoped3A_154, %dma_start3A_156, %dma_start3A_157] : memref<2x128x128xf32, #tpu.memory_space<vmem>> -> memref<1x128x128xf32, #tpu.memory_space<vmem>>
      %dma_start3A_159 = tpu.memref_squeeze %dma_start3A_158 : memref<1x128x128xf32, #tpu.memory_space<vmem>> -> memref<128x128xf32, #tpu.memory_space<vmem>>
      %dma_start3A_160 = arith.constant 0 : i32
      %dma_start3A_161 = tpu.memref_slice %arg6[%arg0, %add3A_152, %dma_start3A_160] : memref<2x10240x128xf32, #tpu.memory_space<hbm>> -> memref<1x128x128xf32, #tpu.memory_space<hbm>>
      %dma_start3A_162 = tpu.memref_squeeze %dma_start3A_161 : memref<1x128x128xf32, #tpu.memory_space<hbm>> -> memref<128x128xf32, #tpu.memory_space<hbm>>
      %dma_start3A_163 = arith.constant 0 : i32
      %dma_start3A_164 = tpu.memref_slice %arg6[%arg0, %add3A_152, %dma_start3A_163] : memref<2x10240x128xf32, #tpu.memory_space<hbm>> -> memref<1x128x128xf32, #tpu.memory_space<hbm>>
      %dma_start3A_165 = tpu.memref_squeeze %dma_start3A_164 : memref<1x128x128xf32, #tpu.memory_space<hbm>> -> memref<128x128xf32, #tpu.memory_space<hbm>>
      %dma_start3A_166 = arith.constant 0 : i32
      %dma_start3A_167 = arith.constant 0 : i32
      %dma_start3A_168 = tpu.memref_slice %arg9[%run_scoped3A_154, %dma_start3A_166, %dma_start3A_167] : memref<2x128x128xf32, #tpu.memory_space<vmem>> -> memref<1x128x128xf32, #tpu.memory_space<vmem>>
      %dma_start3A_169 = tpu.memref_squeeze %dma_start3A_168 : memref<1x128x128xf32, #tpu.memory_space<vmem>> -> memref<128x128xf32, #tpu.memory_space<vmem>>
      tpu.enqueue_dma source(%dma_start3A_169 : memref<128x128xf32, #tpu.memory_space<vmem>>) target(%dma_start3A_165 : memref<128x128xf32, #tpu.memory_space<hbm>>) target_semaphore(%run_scoped3A_155 : memref<!tpu.dma_semaphore, #tpu.memory_space<semaphore_mem>>)
      %dma_wait3A_170 = arith.constant 0 : i32
      %dma_wait3A_171 = arith.constant 0 : i32
      %dma_wait3A_172 = tpu.memref_slice %arg9[%run_scoped3A_154, %dma_wait3A_170, %dma_wait3A_171] : memref<2x128x128xf32, #tpu.memory_space<vmem>> -> memref<1x128x128xf32, #tpu.memory_space<vmem>>
      %dma_wait3A_173 = tpu.memref_squeeze %dma_wait3A_172 : memref<1x128x128xf32, #tpu.memory_space<vmem>> -> memref<128x128xf32, #tpu.memory_space<vmem>>
      %dma_wait3A_174 = arith.constant 0 : i32
      %dma_wait3A_175 = tpu.memref_slice %arg6[%arg0, %add3A_152, %dma_wait3A_174] : memref<2x10240x128xf32, #tpu.memory_space<hbm>> -> memref<1x128x128xf32, #tpu.memory_space<hbm>>
      %dma_wait3A_176 = tpu.memref_squeeze %dma_wait3A_175 : memref<1x128x128xf32, #tpu.memory_space<hbm>> -> memref<128x128xf32, #tpu.memory_space<hbm>>
      %dma_wait3A_177 = arith.constant 0 : i32
      %dma_wait3A_178 = tpu.memref_slice %arg6[%arg0, %add3A_152, %dma_wait3A_177] : memref<2x10240x128xf32, #tpu.memory_space<hbm>> -> memref<1x128x128xf32, #tpu.memory_space<hbm>>
      %dma_wait3A_179 = tpu.memref_squeeze %dma_wait3A_178 : memref<1x128x128xf32, #tpu.memory_space<hbm>> -> memref<128x128xf32, #tpu.memory_space<hbm>>
      %dma_wait3A_180 = arith.constant 0 : i32
      %dma_wait3A_181 = arith.constant 0 : i32
      %dma_wait3A_182 = tpu.memref_slice %arg9[%run_scoped3A_154, %dma_wait3A_180, %dma_wait3A_181] : memref<2x128x128xf32, #tpu.memory_space<vmem>> -> memref<1x128x128xf32, #tpu.memory_space<vmem>>
      %dma_wait3A_183 = tpu.memref_squeeze %dma_wait3A_182 : memref<1x128x128xf32, #tpu.memory_space<vmem>> -> memref<128x128xf32, #tpu.memory_space<vmem>>
      tpu.wait_dma2 semaphore(%run_scoped3A_155 : memref<!tpu.dma_semaphore, #tpu.memory_space<semaphore_mem>>) src(%dma_wait3A_183 : memref<128x128xf32, #tpu.memory_space<vmem>>) dst(%dma_wait3A_179 : memref<128x128xf32, #tpu.memory_space<hbm>>)
      tpu.yield
    }) : () -> ()
    return
  }
}

#map = affine_map<(d0, d1) -> (0, 0)>
#map1 = affine_map<(d0, d1) -> (0, 0, 0)>
module attributes {stable_mosaic.version = 14 : i64} {
  func.func @_spmm_k(%arg0: i32, %arg1: i32, %arg2: memref<10000x128xf32, #tpu.memory_space<hbm>>, %arg3: memref<32x80x128xi32, #tpu.memory_space<hbm>>, %arg4: memref<32x80x128xi32, #tpu.memory_space<hbm>>, %arg5: memref<128x128xf32, #tpu.memory_space<hbm>>, %arg6: memref<2x10240x128xf32, #tpu.memory_space<hbm>>, %arg7: memref<80x128xi32, #tpu.memory_space<vmem>>, %arg8: memref<2x128xi32, #tpu.memory_space<vmem>>, %arg9: memref<2x128x128xf32, #tpu.memory_space<vmem>>, %arg10: memref<10240x128xf32, #tpu.memory_space<vmem_shared>>, %arg11: memref<!tpu.dma_semaphore, #tpu.memory_space<semaphore_mem>>, %arg12: memref<!tpu.dma_semaphore, #tpu.memory_space<semaphore_mem>>, %arg13: memref<!tpu.dma_semaphore, #tpu.memory_space<semaphore_mem>>, %arg14: memref<!tpu.dma_semaphore, #tpu.memory_space<semaphore_mem>>, %arg15: memref<!tpu.dma_semaphore, #tpu.memory_space<semaphore_mem>>) attributes {dimension_semantics = [#tpu.dimension_semantics<core_parallel>, #tpu.dimension_semantics<subcore_parallel>], iteration_bounds = array<i64: 2, 16>, scalar_prefetch = 0 : i64, scratch_operands = 9 : i64, tpu.core_type = #tpu.core_type<sc_vector_subcore>, window_params = [{transform_indices = #map}, {transform_indices = #map1}, {transform_indices = #map1}, {transform_indices = #map}, {transform_indices = #map1}]} {
    %mul3A = arith.constant 16 : i32
    %mul3A_0 = arith.muli %arg0, %mul3A : i32
    %add3A = arith.addi %mul3A_0, %arg1 : i32
    %dma_start3A = arith.constant 0 : i32
    %dma_start3A_1 = arith.constant 0 : i32
    %dma_start3A_2 = tpu.memref_slice %arg4[%add3A, %dma_start3A, %dma_start3A_1] : memref<32x80x128xi32, #tpu.memory_space<hbm>> -> memref<1x80x128xi32, #tpu.memory_space<hbm>>
    %dma_start3A_3 = tpu.memref_squeeze %dma_start3A_2 : memref<1x80x128xi32, #tpu.memory_space<hbm>> -> memref<80x128xi32, #tpu.memory_space<hbm>>
    %dma_start3A_4 = arith.constant 0 : i32
    %dma_start3A_5 = arith.constant 0 : i32
    %dma_start3A_6 = tpu.memref_slice %arg4[%add3A, %dma_start3A_4, %dma_start3A_5] : memref<32x80x128xi32, #tpu.memory_space<hbm>> -> memref<1x80x128xi32, #tpu.memory_space<hbm>>
    %dma_start3A_7 = tpu.memref_squeeze %dma_start3A_6 : memref<1x80x128xi32, #tpu.memory_space<hbm>> -> memref<80x128xi32, #tpu.memory_space<hbm>>
    tpu.enqueue_dma source(%dma_start3A_7 : memref<80x128xi32, #tpu.memory_space<hbm>>) target(%arg7 : memref<80x128xi32, #tpu.memory_space<vmem>>) target_semaphore(%arg15 : memref<!tpu.dma_semaphore, #tpu.memory_space<semaphore_mem>>)
    %run_scoped3A = arith.constant 0 : i32
    "tpu.region"() ({
      %run_scoped3A_155 = tpu.sem_alloc : memref<!tpu.dma_semaphore, #tpu.memory_space<semaphore_mem>>
      %dma_start3A_156 = arith.constant 0 : i32
      %dma_start3A_157 = arith.constant 0 : i32
      %dma_start3A_158 = tpu.memref_slice %arg9[%run_scoped3A, %dma_start3A_156, %dma_start3A_157] : memref<2x128x128xf32, #tpu.memory_space<vmem>> -> memref<1x128x128xf32, #tpu.memory_space<vmem>>
      %dma_start3A_159 = tpu.memref_squeeze %dma_start3A_158 : memref<1x128x128xf32, #tpu.memory_space<vmem>> -> memref<128x128xf32, #tpu.memory_space<vmem>>
      %dma_start3A_160 = arith.constant 0 : i32
      %dma_start3A_161 = arith.constant 0 : i32
      %dma_start3A_162 = tpu.memref_slice %arg9[%run_scoped3A, %dma_start3A_160, %dma_start3A_161] : memref<2x128x128xf32, #tpu.memory_space<vmem>> -> memref<1x128x128xf32, #tpu.memory_space<vmem>>
      %dma_start3A_163 = tpu.memref_squeeze %dma_start3A_162 : memref<1x128x128xf32, #tpu.memory_space<vmem>> -> memref<128x128xf32, #tpu.memory_space<vmem>>
      tpu.enqueue_dma source(%arg5 : memref<128x128xf32, #tpu.memory_space<hbm>>) target(%dma_start3A_163 : memref<128x128xf32, #tpu.memory_space<vmem>>) target_semaphore(%run_scoped3A_155 : memref<!tpu.dma_semaphore, #tpu.memory_space<semaphore_mem>>)
      %dma_wait3A_164 = arith.constant 0 : i32
      %dma_wait3A_165 = arith.constant 0 : i32
      %dma_wait3A_166 = tpu.memref_slice %arg9[%run_scoped3A, %dma_wait3A_164, %dma_wait3A_165] : memref<2x128x128xf32, #tpu.memory_space<vmem>> -> memref<1x128x128xf32, #tpu.memory_space<vmem>>
      %dma_wait3A_167 = tpu.memref_squeeze %dma_wait3A_166 : memref<1x128x128xf32, #tpu.memory_space<vmem>> -> memref<128x128xf32, #tpu.memory_space<vmem>>
      %dma_wait3A_168 = arith.constant 0 : i32
      %dma_wait3A_169 = arith.constant 0 : i32
      %dma_wait3A_170 = tpu.memref_slice %arg9[%run_scoped3A, %dma_wait3A_168, %dma_wait3A_169] : memref<2x128x128xf32, #tpu.memory_space<vmem>> -> memref<1x128x128xf32, #tpu.memory_space<vmem>>
      %dma_wait3A_171 = tpu.memref_squeeze %dma_wait3A_170 : memref<1x128x128xf32, #tpu.memory_space<vmem>> -> memref<128x128xf32, #tpu.memory_space<vmem>>
      tpu.wait_dma2 semaphore(%run_scoped3A_155 : memref<!tpu.dma_semaphore, #tpu.memory_space<semaphore_mem>>) src(%arg5 : memref<128x128xf32, #tpu.memory_space<hbm>>) dst(%dma_wait3A_171 : memref<128x128xf32, #tpu.memory_space<vmem>>)
      tpu.yield
    }) : () -> ()
    %mul3A_8 = arith.constant 640 : i32
    %mul3A_9 = arith.muli %arg1, %mul3A_8 : i32
    %add3A_10 = arith.constant 0 : i32
    %add3A_11 = arith.addi %mul3A_9, %add3A_10 : i32
    %run_scoped3A_12 = arith.constant 0 : i32
    "tpu.region"() ({
      %run_scoped3A_155 = tpu.sem_alloc : memref<!tpu.dma_semaphore, #tpu.memory_space<semaphore_mem>>
      %dma_start3A_156 = arith.constant 0 : i32
      %dma_start3A_157 = arith.constant 0 : i32
      %dma_start3A_158 = tpu.memref_slice %arg9[%run_scoped3A_12, %dma_start3A_156, %dma_start3A_157] : memref<2x128x128xf32, #tpu.memory_space<vmem>> -> memref<1x128x128xf32, #tpu.memory_space<vmem>>
      %dma_start3A_159 = tpu.memref_squeeze %dma_start3A_158 : memref<1x128x128xf32, #tpu.memory_space<vmem>> -> memref<128x128xf32, #tpu.memory_space<vmem>>
      %dma_start3A_160 = arith.constant 0 : i32
      %dma_start3A_161 = tpu.memref_slice %arg10[%add3A_11, %dma_start3A_160] : memref<10240x128xf32, #tpu.memory_space<vmem_shared>> -> memref<128x128xf32, #tpu.memory_space<vmem_shared>>
      %dma_start3A_162 = arith.constant 0 : i32
      %dma_start3A_163 = tpu.memref_slice %arg10[%add3A_11, %dma_start3A_162] : memref<10240x128xf32, #tpu.memory_space<vmem_shared>> -> memref<128x128xf32, #tpu.memory_space<vmem_shared>>
      %dma_start3A_164 = arith.constant 0 : i32
      %dma_start3A_165 = arith.constant 0 : i32
      %dma_start3A_166 = tpu.memref_slice %arg9[%run_scoped3A_12, %dma_start3A_164, %dma_start3A_165] : memref<2x128x128xf32, #tpu.memory_space<vmem>> -> memref<1x128x128xf32, #tpu.memory_space<vmem>>
      %dma_start3A_167 = tpu.memref_squeeze %dma_start3A_166 : memref<1x128x128xf32, #tpu.memory_space<vmem>> -> memref<128x128xf32, #tpu.memory_space<vmem>>
      tpu.enqueue_dma source(%dma_start3A_167 : memref<128x128xf32, #tpu.memory_space<vmem>>) target(%dma_start3A_163 : memref<128x128xf32, #tpu.memory_space<vmem_shared>>) target_semaphore(%run_scoped3A_155 : memref<!tpu.dma_semaphore, #tpu.memory_space<semaphore_mem>>)
      %dma_wait3A_168 = arith.constant 0 : i32
      %dma_wait3A_169 = arith.constant 0 : i32
      %dma_wait3A_170 = tpu.memref_slice %arg9[%run_scoped3A_12, %dma_wait3A_168, %dma_wait3A_169] : memref<2x128x128xf32, #tpu.memory_space<vmem>> -> memref<1x128x128xf32, #tpu.memory_space<vmem>>
      %dma_wait3A_171 = tpu.memref_squeeze %dma_wait3A_170 : memref<1x128x128xf32, #tpu.memory_space<vmem>> -> memref<128x128xf32, #tpu.memory_space<vmem>>
      %dma_wait3A_172 = arith.constant 0 : i32
      %dma_wait3A_173 = tpu.memref_slice %arg10[%add3A_11, %dma_wait3A_172] : memref<10240x128xf32, #tpu.memory_space<vmem_shared>> -> memref<128x128xf32, #tpu.memory_space<vmem_shared>>
      %dma_wait3A_174 = arith.constant 0 : i32
      %dma_wait3A_175 = tpu.memref_slice %arg10[%add3A_11, %dma_wait3A_174] : memref<10240x128xf32, #tpu.memory_space<vmem_shared>> -> memref<128x128xf32, #tpu.memory_space<vmem_shared>>
      %dma_wait3A_176 = arith.constant 0 : i32
      %dma_wait3A_177 = arith.constant 0 : i32
      %dma_wait3A_178 = tpu.memref_slice %arg9[%run_scoped3A_12, %dma_wait3A_176, %dma_wait3A_177] : memref<2x128x128xf32, #tpu.memory_space<vmem>> -> memref<1x128x128xf32, #tpu.memory_space<vmem>>
      %dma_wait3A_179 = tpu.memref_squeeze %dma_wait3A_178 : memref<1x128x128xf32, #tpu.memory_space<vmem>> -> memref<128x128xf32, #tpu.memory_space<vmem>>
      tpu.wait_dma2 semaphore(%run_scoped3A_155 : memref<!tpu.dma_semaphore, #tpu.memory_space<semaphore_mem>>) src(%dma_wait3A_179 : memref<128x128xf32, #tpu.memory_space<vmem>>) dst(%dma_wait3A_175 : memref<128x128xf32, #tpu.memory_space<vmem_shared>>)
      tpu.yield
    }) : () -> ()
    %mul3A_13 = arith.constant 640 : i32
    %mul3A_14 = arith.muli %arg1, %mul3A_13 : i32
    %add3A_15 = arith.constant 128 : i32
    %add3A_16 = arith.addi %mul3A_14, %add3A_15 : i32
    %run_scoped3A_17 = arith.constant 0 : i32
    "tpu.region"() ({
      %run_scoped3A_155 = tpu.sem_alloc : memref<!tpu.dma_semaphore, #tpu.memory_space<semaphore_mem>>
      %dma_start3A_156 = arith.constant 0 : i32
      %dma_start3A_157 = arith.constant 0 : i32
      %dma_start3A_158 = tpu.memref_slice %arg9[%run_scoped3A_17, %dma_start3A_156, %dma_start3A_157] : memref<2x128x128xf32, #tpu.memory_space<vmem>> -> memref<1x128x128xf32, #tpu.memory_space<vmem>>
      %dma_start3A_159 = tpu.memref_squeeze %dma_start3A_158 : memref<1x128x128xf32, #tpu.memory_space<vmem>> -> memref<128x128xf32, #tpu.memory_space<vmem>>
      %dma_start3A_160 = arith.constant 0 : i32
      %dma_start3A_161 = tpu.memref_slice %arg10[%add3A_16, %dma_start3A_160] : memref<10240x128xf32, #tpu.memory_space<vmem_shared>> -> memref<128x128xf32, #tpu.memory_space<vmem_shared>>
      %dma_start3A_162 = arith.constant 0 : i32
      %dma_start3A_163 = tpu.memref_slice %arg10[%add3A_16, %dma_start3A_162] : memref<10240x128xf32, #tpu.memory_space<vmem_shared>> -> memref<128x128xf32, #tpu.memory_space<vmem_shared>>
      %dma_start3A_164 = arith.constant 0 : i32
      %dma_start3A_165 = arith.constant 0 : i32
      %dma_start3A_166 = tpu.memref_slice %arg9[%run_scoped3A_17, %dma_start3A_164, %dma_start3A_165] : memref<2x128x128xf32, #tpu.memory_space<vmem>> -> memref<1x128x128xf32, #tpu.memory_space<vmem>>
      %dma_start3A_167 = tpu.memref_squeeze %dma_start3A_166 : memref<1x128x128xf32, #tpu.memory_space<vmem>> -> memref<128x128xf32, #tpu.memory_space<vmem>>
      tpu.enqueue_dma source(%dma_start3A_167 : memref<128x128xf32, #tpu.memory_space<vmem>>) target(%dma_start3A_163 : memref<128x128xf32, #tpu.memory_space<vmem_shared>>) target_semaphore(%run_scoped3A_155 : memref<!tpu.dma_semaphore, #tpu.memory_space<semaphore_mem>>)
      %dma_wait3A_168 = arith.constant 0 : i32
      %dma_wait3A_169 = arith.constant 0 : i32
      %dma_wait3A_170 = tpu.memref_slice %arg9[%run_scoped3A_17, %dma_wait3A_168, %dma_wait3A_169] : memref<2x128x128xf32, #tpu.memory_space<vmem>> -> memref<1x128x128xf32, #tpu.memory_space<vmem>>
      %dma_wait3A_171 = tpu.memref_squeeze %dma_wait3A_170 : memref<1x128x128xf32, #tpu.memory_space<vmem>> -> memref<128x128xf32, #tpu.memory_space<vmem>>
      %dma_wait3A_172 = arith.constant 0 : i32
      %dma_wait3A_173 = tpu.memref_slice %arg10[%add3A_16, %dma_wait3A_172] : memref<10240x128xf32, #tpu.memory_space<vmem_shared>> -> memref<128x128xf32, #tpu.memory_space<vmem_shared>>
      %dma_wait3A_174 = arith.constant 0 : i32
      %dma_wait3A_175 = tpu.memref_slice %arg10[%add3A_16, %dma_wait3A_174] : memref<10240x128xf32, #tpu.memory_space<vmem_shared>> -> memref<128x128xf32, #tpu.memory_space<vmem_shared>>
      %dma_wait3A_176 = arith.constant 0 : i32
      %dma_wait3A_177 = arith.constant 0 : i32
      %dma_wait3A_178 = tpu.memref_slice %arg9[%run_scoped3A_17, %dma_wait3A_176, %dma_wait3A_177] : memref<2x128x128xf32, #tpu.memory_space<vmem>> -> memref<1x128x128xf32, #tpu.memory_space<vmem>>
      %dma_wait3A_179 = tpu.memref_squeeze %dma_wait3A_178 : memref<1x128x128xf32, #tpu.memory_space<vmem>> -> memref<128x128xf32, #tpu.memory_space<vmem>>
      tpu.wait_dma2 semaphore(%run_scoped3A_155 : memref<!tpu.dma_semaphore, #tpu.memory_space<semaphore_mem>>) src(%dma_wait3A_179 : memref<128x128xf32, #tpu.memory_space<vmem>>) dst(%dma_wait3A_175 : memref<128x128xf32, #tpu.memory_space<vmem_shared>>)
      tpu.yield
    }) : () -> ()
    %mul3A_18 = arith.constant 640 : i32
    %mul3A_19 = arith.muli %arg1, %mul3A_18 : i32
    %add3A_20 = arith.constant 256 : i32
    %add3A_21 = arith.addi %mul3A_19, %add3A_20 : i32
    %run_scoped3A_22 = arith.constant 0 : i32
    "tpu.region"() ({
      %run_scoped3A_155 = tpu.sem_alloc : memref<!tpu.dma_semaphore, #tpu.memory_space<semaphore_mem>>
      %dma_start3A_156 = arith.constant 0 : i32
      %dma_start3A_157 = arith.constant 0 : i32
      %dma_start3A_158 = tpu.memref_slice %arg9[%run_scoped3A_22, %dma_start3A_156, %dma_start3A_157] : memref<2x128x128xf32, #tpu.memory_space<vmem>> -> memref<1x128x128xf32, #tpu.memory_space<vmem>>
      %dma_start3A_159 = tpu.memref_squeeze %dma_start3A_158 : memref<1x128x128xf32, #tpu.memory_space<vmem>> -> memref<128x128xf32, #tpu.memory_space<vmem>>
      %dma_start3A_160 = arith.constant 0 : i32
      %dma_start3A_161 = tpu.memref_slice %arg10[%add3A_21, %dma_start3A_160] : memref<10240x128xf32, #tpu.memory_space<vmem_shared>> -> memref<128x128xf32, #tpu.memory_space<vmem_shared>>
      %dma_start3A_162 = arith.constant 0 : i32
      %dma_start3A_163 = tpu.memref_slice %arg10[%add3A_21, %dma_start3A_162] : memref<10240x128xf32, #tpu.memory_space<vmem_shared>> -> memref<128x128xf32, #tpu.memory_space<vmem_shared>>
      %dma_start3A_164 = arith.constant 0 : i32
      %dma_start3A_165 = arith.constant 0 : i32
      %dma_start3A_166 = tpu.memref_slice %arg9[%run_scoped3A_22, %dma_start3A_164, %dma_start3A_165] : memref<2x128x128xf32, #tpu.memory_space<vmem>> -> memref<1x128x128xf32, #tpu.memory_space<vmem>>
      %dma_start3A_167 = tpu.memref_squeeze %dma_start3A_166 : memref<1x128x128xf32, #tpu.memory_space<vmem>> -> memref<128x128xf32, #tpu.memory_space<vmem>>
      tpu.enqueue_dma source(%dma_start3A_167 : memref<128x128xf32, #tpu.memory_space<vmem>>) target(%dma_start3A_163 : memref<128x128xf32, #tpu.memory_space<vmem_shared>>) target_semaphore(%run_scoped3A_155 : memref<!tpu.dma_semaphore, #tpu.memory_space<semaphore_mem>>)
      %dma_wait3A_168 = arith.constant 0 : i32
      %dma_wait3A_169 = arith.constant 0 : i32
      %dma_wait3A_170 = tpu.memref_slice %arg9[%run_scoped3A_22, %dma_wait3A_168, %dma_wait3A_169] : memref<2x128x128xf32, #tpu.memory_space<vmem>> -> memref<1x128x128xf32, #tpu.memory_space<vmem>>
      %dma_wait3A_171 = tpu.memref_squeeze %dma_wait3A_170 : memref<1x128x128xf32, #tpu.memory_space<vmem>> -> memref<128x128xf32, #tpu.memory_space<vmem>>
      %dma_wait3A_172 = arith.constant 0 : i32
      %dma_wait3A_173 = tpu.memref_slice %arg10[%add3A_21, %dma_wait3A_172] : memref<10240x128xf32, #tpu.memory_space<vmem_shared>> -> memref<128x128xf32, #tpu.memory_space<vmem_shared>>
      %dma_wait3A_174 = arith.constant 0 : i32
      %dma_wait3A_175 = tpu.memref_slice %arg10[%add3A_21, %dma_wait3A_174] : memref<10240x128xf32, #tpu.memory_space<vmem_shared>> -> memref<128x128xf32, #tpu.memory_space<vmem_shared>>
      %dma_wait3A_176 = arith.constant 0 : i32
      %dma_wait3A_177 = arith.constant 0 : i32
      %dma_wait3A_178 = tpu.memref_slice %arg9[%run_scoped3A_22, %dma_wait3A_176, %dma_wait3A_177] : memref<2x128x128xf32, #tpu.memory_space<vmem>> -> memref<1x128x128xf32, #tpu.memory_space<vmem>>
      %dma_wait3A_179 = tpu.memref_squeeze %dma_wait3A_178 : memref<1x128x128xf32, #tpu.memory_space<vmem>> -> memref<128x128xf32, #tpu.memory_space<vmem>>
      tpu.wait_dma2 semaphore(%run_scoped3A_155 : memref<!tpu.dma_semaphore, #tpu.memory_space<semaphore_mem>>) src(%dma_wait3A_179 : memref<128x128xf32, #tpu.memory_space<vmem>>) dst(%dma_wait3A_175 : memref<128x128xf32, #tpu.memory_space<vmem_shared>>)
      tpu.yield
    }) : () -> ()
    %mul3A_23 = arith.constant 640 : i32
    %mul3A_24 = arith.muli %arg1, %mul3A_23 : i32
    %add3A_25 = arith.constant 384 : i32
    %add3A_26 = arith.addi %mul3A_24, %add3A_25 : i32
    %run_scoped3A_27 = arith.constant 0 : i32
    "tpu.region"() ({
      %run_scoped3A_155 = tpu.sem_alloc : memref<!tpu.dma_semaphore, #tpu.memory_space<semaphore_mem>>
      %dma_start3A_156 = arith.constant 0 : i32
      %dma_start3A_157 = arith.constant 0 : i32
      %dma_start3A_158 = tpu.memref_slice %arg9[%run_scoped3A_27, %dma_start3A_156, %dma_start3A_157] : memref<2x128x128xf32, #tpu.memory_space<vmem>> -> memref<1x128x128xf32, #tpu.memory_space<vmem>>
      %dma_start3A_159 = tpu.memref_squeeze %dma_start3A_158 : memref<1x128x128xf32, #tpu.memory_space<vmem>> -> memref<128x128xf32, #tpu.memory_space<vmem>>
      %dma_start3A_160 = arith.constant 0 : i32
      %dma_start3A_161 = tpu.memref_slice %arg10[%add3A_26, %dma_start3A_160] : memref<10240x128xf32, #tpu.memory_space<vmem_shared>> -> memref<128x128xf32, #tpu.memory_space<vmem_shared>>
      %dma_start3A_162 = arith.constant 0 : i32
      %dma_start3A_163 = tpu.memref_slice %arg10[%add3A_26, %dma_start3A_162] : memref<10240x128xf32, #tpu.memory_space<vmem_shared>> -> memref<128x128xf32, #tpu.memory_space<vmem_shared>>
      %dma_start3A_164 = arith.constant 0 : i32
      %dma_start3A_165 = arith.constant 0 : i32
      %dma_start3A_166 = tpu.memref_slice %arg9[%run_scoped3A_27, %dma_start3A_164, %dma_start3A_165] : memref<2x128x128xf32, #tpu.memory_space<vmem>> -> memref<1x128x128xf32, #tpu.memory_space<vmem>>
      %dma_start3A_167 = tpu.memref_squeeze %dma_start3A_166 : memref<1x128x128xf32, #tpu.memory_space<vmem>> -> memref<128x128xf32, #tpu.memory_space<vmem>>
      tpu.enqueue_dma source(%dma_start3A_167 : memref<128x128xf32, #tpu.memory_space<vmem>>) target(%dma_start3A_163 : memref<128x128xf32, #tpu.memory_space<vmem_shared>>) target_semaphore(%run_scoped3A_155 : memref<!tpu.dma_semaphore, #tpu.memory_space<semaphore_mem>>)
      %dma_wait3A_168 = arith.constant 0 : i32
      %dma_wait3A_169 = arith.constant 0 : i32
      %dma_wait3A_170 = tpu.memref_slice %arg9[%run_scoped3A_27, %dma_wait3A_168, %dma_wait3A_169] : memref<2x128x128xf32, #tpu.memory_space<vmem>> -> memref<1x128x128xf32, #tpu.memory_space<vmem>>
      %dma_wait3A_171 = tpu.memref_squeeze %dma_wait3A_170 : memref<1x128x128xf32, #tpu.memory_space<vmem>> -> memref<128x128xf32, #tpu.memory_space<vmem>>
      %dma_wait3A_172 = arith.constant 0 : i32
      %dma_wait3A_173 = tpu.memref_slice %arg10[%add3A_26, %dma_wait3A_172] : memref<10240x128xf32, #tpu.memory_space<vmem_shared>> -> memref<128x128xf32, #tpu.memory_space<vmem_shared>>
      %dma_wait3A_174 = arith.constant 0 : i32
      %dma_wait3A_175 = tpu.memref_slice %arg10[%add3A_26, %dma_wait3A_174] : memref<10240x128xf32, #tpu.memory_space<vmem_shared>> -> memref<128x128xf32, #tpu.memory_space<vmem_shared>>
      %dma_wait3A_176 = arith.constant 0 : i32
      %dma_wait3A_177 = arith.constant 0 : i32
      %dma_wait3A_178 = tpu.memref_slice %arg9[%run_scoped3A_27, %dma_wait3A_176, %dma_wait3A_177] : memref<2x128x128xf32, #tpu.memory_space<vmem>> -> memref<1x128x128xf32, #tpu.memory_space<vmem>>
      %dma_wait3A_179 = tpu.memref_squeeze %dma_wait3A_178 : memref<1x128x128xf32, #tpu.memory_space<vmem>> -> memref<128x128xf32, #tpu.memory_space<vmem>>
      tpu.wait_dma2 semaphore(%run_scoped3A_155 : memref<!tpu.dma_semaphore, #tpu.memory_space<semaphore_mem>>) src(%dma_wait3A_179 : memref<128x128xf32, #tpu.memory_space<vmem>>) dst(%dma_wait3A_175 : memref<128x128xf32, #tpu.memory_space<vmem_shared>>)
      tpu.yield
    }) : () -> ()
    %mul3A_28 = arith.constant 640 : i32
    %mul3A_29 = arith.muli %arg1, %mul3A_28 : i32
    %add3A_30 = arith.constant 512 : i32
    %add3A_31 = arith.addi %mul3A_29, %add3A_30 : i32
    %run_scoped3A_32 = arith.constant 0 : i32
    "tpu.region"() ({
      %run_scoped3A_155 = tpu.sem_alloc : memref<!tpu.dma_semaphore, #tpu.memory_space<semaphore_mem>>
      %dma_start3A_156 = arith.constant 0 : i32
      %dma_start3A_157 = arith.constant 0 : i32
      %dma_start3A_158 = tpu.memref_slice %arg9[%run_scoped3A_32, %dma_start3A_156, %dma_start3A_157] : memref<2x128x128xf32, #tpu.memory_space<vmem>> -> memref<1x128x128xf32, #tpu.memory_space<vmem>>
      %dma_start3A_159 = tpu.memref_squeeze %dma_start3A_158 : memref<1x128x128xf32, #tpu.memory_space<vmem>> -> memref<128x128xf32, #tpu.memory_space<vmem>>
      %dma_start3A_160 = arith.constant 0 : i32
      %dma_start3A_161 = tpu.memref_slice %arg10[%add3A_31, %dma_start3A_160] : memref<10240x128xf32, #tpu.memory_space<vmem_shared>> -> memref<128x128xf32, #tpu.memory_space<vmem_shared>>
      %dma_start3A_162 = arith.constant 0 : i32
      %dma_start3A_163 = tpu.memref_slice %arg10[%add3A_31, %dma_start3A_162] : memref<10240x128xf32, #tpu.memory_space<vmem_shared>> -> memref<128x128xf32, #tpu.memory_space<vmem_shared>>
      %dma_start3A_164 = arith.constant 0 : i32
      %dma_start3A_165 = arith.constant 0 : i32
      %dma_start3A_166 = tpu.memref_slice %arg9[%run_scoped3A_32, %dma_start3A_164, %dma_start3A_165] : memref<2x128x128xf32, #tpu.memory_space<vmem>> -> memref<1x128x128xf32, #tpu.memory_space<vmem>>
      %dma_start3A_167 = tpu.memref_squeeze %dma_start3A_166 : memref<1x128x128xf32, #tpu.memory_space<vmem>> -> memref<128x128xf32, #tpu.memory_space<vmem>>
      tpu.enqueue_dma source(%dma_start3A_167 : memref<128x128xf32, #tpu.memory_space<vmem>>) target(%dma_start3A_163 : memref<128x128xf32, #tpu.memory_space<vmem_shared>>) target_semaphore(%run_scoped3A_155 : memref<!tpu.dma_semaphore, #tpu.memory_space<semaphore_mem>>)
      %dma_wait3A_168 = arith.constant 0 : i32
      %dma_wait3A_169 = arith.constant 0 : i32
      %dma_wait3A_170 = tpu.memref_slice %arg9[%run_scoped3A_32, %dma_wait3A_168, %dma_wait3A_169] : memref<2x128x128xf32, #tpu.memory_space<vmem>> -> memref<1x128x128xf32, #tpu.memory_space<vmem>>
      %dma_wait3A_171 = tpu.memref_squeeze %dma_wait3A_170 : memref<1x128x128xf32, #tpu.memory_space<vmem>> -> memref<128x128xf32, #tpu.memory_space<vmem>>
      %dma_wait3A_172 = arith.constant 0 : i32
      %dma_wait3A_173 = tpu.memref_slice %arg10[%add3A_31, %dma_wait3A_172] : memref<10240x128xf32, #tpu.memory_space<vmem_shared>> -> memref<128x128xf32, #tpu.memory_space<vmem_shared>>
      %dma_wait3A_174 = arith.constant 0 : i32
      %dma_wait3A_175 = tpu.memref_slice %arg10[%add3A_31, %dma_wait3A_174] : memref<10240x128xf32, #tpu.memory_space<vmem_shared>> -> memref<128x128xf32, #tpu.memory_space<vmem_shared>>
      %dma_wait3A_176 = arith.constant 0 : i32
      %dma_wait3A_177 = arith.constant 0 : i32
      %dma_wait3A_178 = tpu.memref_slice %arg9[%run_scoped3A_32, %dma_wait3A_176, %dma_wait3A_177] : memref<2x128x128xf32, #tpu.memory_space<vmem>> -> memref<1x128x128xf32, #tpu.memory_space<vmem>>
      %dma_wait3A_179 = tpu.memref_squeeze %dma_wait3A_178 : memref<1x128x128xf32, #tpu.memory_space<vmem>> -> memref<128x128xf32, #tpu.memory_space<vmem>>
      tpu.wait_dma2 semaphore(%run_scoped3A_155 : memref<!tpu.dma_semaphore, #tpu.memory_space<semaphore_mem>>) src(%dma_wait3A_179 : memref<128x128xf32, #tpu.memory_space<vmem>>) dst(%dma_wait3A_175 : memref<128x128xf32, #tpu.memory_space<vmem_shared>>)
      tpu.yield
    }) : () -> ()
    %dma_wait3A = arith.constant 0 : i32
    %dma_wait3A_33 = arith.constant 0 : i32
    %dma_wait3A_34 = tpu.memref_slice %arg4[%add3A, %dma_wait3A, %dma_wait3A_33] : memref<32x80x128xi32, #tpu.memory_space<hbm>> -> memref<1x80x128xi32, #tpu.memory_space<hbm>>
    %dma_wait3A_35 = tpu.memref_squeeze %dma_wait3A_34 : memref<1x80x128xi32, #tpu.memory_space<hbm>> -> memref<80x128xi32, #tpu.memory_space<hbm>>
    %dma_wait3A_36 = arith.constant 0 : i32
    %dma_wait3A_37 = arith.constant 0 : i32
    %dma_wait3A_38 = tpu.memref_slice %arg4[%add3A, %dma_wait3A_36, %dma_wait3A_37] : memref<32x80x128xi32, #tpu.memory_space<hbm>> -> memref<1x80x128xi32, #tpu.memory_space<hbm>>
    %dma_wait3A_39 = tpu.memref_squeeze %dma_wait3A_38 : memref<1x80x128xi32, #tpu.memory_space<hbm>> -> memref<80x128xi32, #tpu.memory_space<hbm>>
    tpu.wait_dma2 semaphore(%arg15 : memref<!tpu.dma_semaphore, #tpu.memory_space<semaphore_mem>>) src(%dma_wait3A_39 : memref<80x128xi32, #tpu.memory_space<hbm>>) dst(%arg7 : memref<80x128xi32, #tpu.memory_space<vmem>>)
    %barrier3A = arith.constant 0 : index
    tpu.barrier barrier_id(%barrier3A)
    %dma_start3A_40 = arith.constant 0 : i32
    %dma_start3A_41 = arith.constant 0 : i32
    %dma_start3A_42 = arith.constant 0 : i32
    %dma_start3A_43 = tpu.memref_slice %arg8[%dma_start3A_41, %dma_start3A_42] : memref<2x128xi32, #tpu.memory_space<vmem>> -> memref<1x128xi32, #tpu.memory_space<vmem>>
    %dma_start3A_44 = tpu.memref_squeeze %dma_start3A_43 : memref<1x128xi32, #tpu.memory_space<vmem>> -> memref<128xi32, #tpu.memory_space<vmem>>
    %dma_start3A_45 = arith.constant 0 : i32
    %dma_start3A_46 = tpu.memref_slice %arg3[%add3A, %dma_start3A_40, %dma_start3A_45] : memref<32x80x128xi32, #tpu.memory_space<hbm>> -> memref<1x1x128xi32, #tpu.memory_space<hbm>>
    %dma_start3A_47 = tpu.memref_squeeze %dma_start3A_46 : memref<1x1x128xi32, #tpu.memory_space<hbm>> -> memref<128xi32, #tpu.memory_space<hbm>>
    %dma_start3A_48 = arith.constant 0 : i32
    %dma_start3A_49 = tpu.memref_slice %arg8[%dma_start3A_41, %dma_start3A_48] : memref<2x128xi32, #tpu.memory_space<vmem>> -> memref<1x128xi32, #tpu.memory_space<vmem>>
    %dma_start3A_50 = tpu.memref_squeeze %dma_start3A_49 : memref<1x128xi32, #tpu.memory_space<vmem>> -> memref<128xi32, #tpu.memory_space<vmem>>
    %dma_start3A_51 = arith.constant 0 : i32
    %dma_start3A_52 = tpu.memref_slice %arg3[%add3A, %dma_start3A_40, %dma_start3A_51] : memref<32x80x128xi32, #tpu.memory_space<hbm>> -> memref<1x1x128xi32, #tpu.memory_space<hbm>>
    %dma_start3A_53 = tpu.memref_squeeze %dma_start3A_52 : memref<1x1x128xi32, #tpu.memory_space<hbm>> -> memref<128xi32, #tpu.memory_space<hbm>>
    tpu.enqueue_dma source(%dma_start3A_53 : memref<128xi32, #tpu.memory_space<hbm>>) target(%dma_start3A_50 : memref<128xi32, #tpu.memory_space<vmem>>) target_semaphore(%arg13 : memref<!tpu.dma_semaphore, #tpu.memory_space<semaphore_mem>>)
    %dma_start3A_54 = arith.constant 1 : i32
    %dma_start3A_55 = arith.constant 1 : i32
    %dma_start3A_56 = arith.constant 0 : i32
    %dma_start3A_57 = tpu.memref_slice %arg8[%dma_start3A_55, %dma_start3A_56] : memref<2x128xi32, #tpu.memory_space<vmem>> -> memref<1x128xi32, #tpu.memory_space<vmem>>
    %dma_start3A_58 = tpu.memref_squeeze %dma_start3A_57 : memref<1x128xi32, #tpu.memory_space<vmem>> -> memref<128xi32, #tpu.memory_space<vmem>>
    %dma_start3A_59 = arith.constant 0 : i32
    %dma_start3A_60 = tpu.memref_slice %arg3[%add3A, %dma_start3A_54, %dma_start3A_59] : memref<32x80x128xi32, #tpu.memory_space<hbm>> -> memref<1x1x128xi32, #tpu.memory_space<hbm>>
    %dma_start3A_61 = tpu.memref_squeeze %dma_start3A_60 : memref<1x1x128xi32, #tpu.memory_space<hbm>> -> memref<128xi32, #tpu.memory_space<hbm>>
    %dma_start3A_62 = arith.constant 0 : i32
    %dma_start3A_63 = tpu.memref_slice %arg8[%dma_start3A_55, %dma_start3A_62] : memref<2x128xi32, #tpu.memory_space<vmem>> -> memref<1x128xi32, #tpu.memory_space<vmem>>
    %dma_start3A_64 = tpu.memref_squeeze %dma_start3A_63 : memref<1x128xi32, #tpu.memory_space<vmem>> -> memref<128xi32, #tpu.memory_space<vmem>>
    %dma_start3A_65 = arith.constant 0 : i32
    %dma_start3A_66 = tpu.memref_slice %arg3[%add3A, %dma_start3A_54, %dma_start3A_65] : memref<32x80x128xi32, #tpu.memory_space<hbm>> -> memref<1x1x128xi32, #tpu.memory_space<hbm>>
    %dma_start3A_67 = tpu.memref_squeeze %dma_start3A_66 : memref<1x1x128xi32, #tpu.memory_space<hbm>> -> memref<128xi32, #tpu.memory_space<hbm>>
    tpu.enqueue_dma source(%dma_start3A_67 : memref<128xi32, #tpu.memory_space<hbm>>) target(%dma_start3A_64 : memref<128xi32, #tpu.memory_space<vmem>>) target_semaphore(%arg14 : memref<!tpu.dma_semaphore, #tpu.memory_space<semaphore_mem>>)
    %dma_wait3A_68 = arith.constant 0 : i32
    %dma_wait3A_69 = arith.constant 0 : i32
    %dma_wait3A_70 = arith.constant 0 : i32
    %dma_wait3A_71 = tpu.memref_slice %arg8[%dma_wait3A_69, %dma_wait3A_70] : memref<2x128xi32, #tpu.memory_space<vmem>> -> memref<1x128xi32, #tpu.memory_space<vmem>>
    %dma_wait3A_72 = tpu.memref_squeeze %dma_wait3A_71 : memref<1x128xi32, #tpu.memory_space<vmem>> -> memref<128xi32, #tpu.memory_space<vmem>>
    %dma_wait3A_73 = arith.constant 0 : i32
    %dma_wait3A_74 = tpu.memref_slice %arg3[%add3A, %dma_wait3A_68, %dma_wait3A_73] : memref<32x80x128xi32, #tpu.memory_space<hbm>> -> memref<1x1x128xi32, #tpu.memory_space<hbm>>
    %dma_wait3A_75 = tpu.memref_squeeze %dma_wait3A_74 : memref<1x1x128xi32, #tpu.memory_space<hbm>> -> memref<128xi32, #tpu.memory_space<hbm>>
    %dma_wait3A_76 = arith.constant 0 : i32
    %dma_wait3A_77 = tpu.memref_slice %arg8[%dma_wait3A_69, %dma_wait3A_76] : memref<2x128xi32, #tpu.memory_space<vmem>> -> memref<1x128xi32, #tpu.memory_space<vmem>>
    %dma_wait3A_78 = tpu.memref_squeeze %dma_wait3A_77 : memref<1x128xi32, #tpu.memory_space<vmem>> -> memref<128xi32, #tpu.memory_space<vmem>>
    %dma_wait3A_79 = arith.constant 0 : i32
    %dma_wait3A_80 = tpu.memref_slice %arg3[%add3A, %dma_wait3A_68, %dma_wait3A_79] : memref<32x80x128xi32, #tpu.memory_space<hbm>> -> memref<1x1x128xi32, #tpu.memory_space<hbm>>
    %dma_wait3A_81 = tpu.memref_squeeze %dma_wait3A_80 : memref<1x1x128xi32, #tpu.memory_space<hbm>> -> memref<128xi32, #tpu.memory_space<hbm>>
    tpu.wait_dma2 semaphore(%arg13 : memref<!tpu.dma_semaphore, #tpu.memory_space<semaphore_mem>>) src(%dma_wait3A_81 : memref<128xi32, #tpu.memory_space<hbm>>) dst(%dma_wait3A_78 : memref<128xi32, #tpu.memory_space<vmem>>)
    %dma_start3A_82 = arith.constant 0 : i32
    %dma_start3A_83 = arith.constant 0 : i32
    %dma_start3A_84 = arith.constant 0 : i32
    %dma_start3A_85 = arith.constant 0 : i32
    %dma_start3A_86 = tpu.memref_slice %arg9[%dma_start3A_83, %dma_start3A_84, %dma_start3A_85] : memref<2x128x128xf32, #tpu.memory_space<vmem>> -> memref<1x128x128xf32, #tpu.memory_space<vmem>>
    %dma_start3A_87 = tpu.memref_squeeze %dma_start3A_86 : memref<1x128x128xf32, #tpu.memory_space<vmem>> -> memref<128x128xf32, #tpu.memory_space<vmem>>
    %dma_start3A_88 = arith.constant 0 : i32
    %dma_start3A_89 = tpu.memref_slice %arg8[%dma_start3A_82, %dma_start3A_88] : memref<2x128xi32, #tpu.memory_space<vmem>> -> memref<1x128xi32, #tpu.memory_space<vmem>>
    %dma_start3A_90 = tpu.memref_squeeze %dma_start3A_89 : memref<1x128xi32, #tpu.memory_space<vmem>> -> memref<128xi32, #tpu.memory_space<vmem>>
    %dma_start3A_91 = arith.constant 0 : i32
    %dma_start3A_92 = arith.constant 0 : i32
    %dma_start3A_93 = tpu.memref_slice %arg2[%dma_start3A_91, %dma_start3A_92] : memref<10000x128xf32, #tpu.memory_space<hbm>> -> memref<10000x128xf32, #tpu.memory_space<hbm>>
    tpu.enqueue_indirect_dma source(%dma_start3A_93 : memref<10000x128xf32, #tpu.memory_space<hbm>>) target(%dma_start3A_87 : memref<128x128xf32, #tpu.memory_space<vmem>>) offsets(%dma_start3A_90 : memref<128xi32, #tpu.memory_space<vmem>>) semaphore(%arg11 : memref<!tpu.dma_semaphore, #tpu.memory_space<semaphore_mem>>)
    %dma_wait3A_94 = arith.constant 0 : i32
    %dma_wait3A_95 = arith.constant 1 : i32
    %dma_wait3A_96 = arith.constant 0 : i32
    %dma_wait3A_97 = tpu.memref_slice %arg8[%dma_wait3A_95, %dma_wait3A_96] : memref<2x128xi32, #tpu.memory_space<vmem>> -> memref<1x128xi32, #tpu.memory_space<vmem>>
    %dma_wait3A_98 = tpu.memref_squeeze %dma_wait3A_97 : memref<1x128xi32, #tpu.memory_space<vmem>> -> memref<128xi32, #tpu.memory_space<vmem>>
    %dma_wait3A_99 = arith.constant 0 : i32
    %dma_wait3A_100 = tpu.memref_slice %arg3[%add3A, %dma_wait3A_94, %dma_wait3A_99] : memref<32x80x128xi32, #tpu.memory_space<hbm>> -> memref<1x1x128xi32, #tpu.memory_space<hbm>>
    %dma_wait3A_101 = tpu.memref_squeeze %dma_wait3A_100 : memref<1x1x128xi32, #tpu.memory_space<hbm>> -> memref<128xi32, #tpu.memory_space<hbm>>
    %dma_wait3A_102 = arith.constant 0 : i32
    %dma_wait3A_103 = tpu.memref_slice %arg8[%dma_wait3A_95, %dma_wait3A_102] : memref<2x128xi32, #tpu.memory_space<vmem>> -> memref<1x128xi32, #tpu.memory_space<vmem>>
    %dma_wait3A_104 = tpu.memref_squeeze %dma_wait3A_103 : memref<1x128xi32, #tpu.memory_space<vmem>> -> memref<128xi32, #tpu.memory_space<vmem>>
    %dma_wait3A_105 = arith.constant 0 : i32
    %dma_wait3A_106 = tpu.memref_slice %arg3[%add3A, %dma_wait3A_94, %dma_wait3A_105] : memref<32x80x128xi32, #tpu.memory_space<hbm>> -> memref<1x1x128xi32, #tpu.memory_space<hbm>>
    %dma_wait3A_107 = tpu.memref_squeeze %dma_wait3A_106 : memref<1x1x128xi32, #tpu.memory_space<hbm>> -> memref<128xi32, #tpu.memory_space<hbm>>
    tpu.wait_dma2 semaphore(%arg14 : memref<!tpu.dma_semaphore, #tpu.memory_space<semaphore_mem>>) src(%dma_wait3A_107 : memref<128xi32, #tpu.memory_space<hbm>>) dst(%dma_wait3A_104 : memref<128xi32, #tpu.memory_space<vmem>>)
    %dma_start3A_108 = arith.constant 1 : i32
    %dma_start3A_109 = arith.constant 1 : i32
    %dma_start3A_110 = arith.constant 0 : i32
    %dma_start3A_111 = arith.constant 0 : i32
    %dma_start3A_112 = tpu.memref_slice %arg9[%dma_start3A_109, %dma_start3A_110, %dma_start3A_111] : memref<2x128x128xf32, #tpu.memory_space<vmem>> -> memref<1x128x128xf32, #tpu.memory_space<vmem>>
    %dma_start3A_113 = tpu.memref_squeeze %dma_start3A_112 : memref<1x128x128xf32, #tpu.memory_space<vmem>> -> memref<128x128xf32, #tpu.memory_space<vmem>>
    %dma_start3A_114 = arith.constant 0 : i32
    %dma_start3A_115 = tpu.memref_slice %arg8[%dma_start3A_108, %dma_start3A_114] : memref<2x128xi32, #tpu.memory_space<vmem>> -> memref<1x128xi32, #tpu.memory_space<vmem>>
    %dma_start3A_116 = tpu.memref_squeeze %dma_start3A_115 : memref<1x128xi32, #tpu.memory_space<vmem>> -> memref<128xi32, #tpu.memory_space<vmem>>
    %dma_start3A_117 = arith.constant 0 : i32
    %dma_start3A_118 = arith.constant 0 : i32
    %dma_start3A_119 = tpu.memref_slice %arg2[%dma_start3A_117, %dma_start3A_118] : memref<10000x128xf32, #tpu.memory_space<hbm>> -> memref<10000x128xf32, #tpu.memory_space<hbm>>
    tpu.enqueue_indirect_dma source(%dma_start3A_119 : memref<10000x128xf32, #tpu.memory_space<hbm>>) target(%dma_start3A_113 : memref<128x128xf32, #tpu.memory_space<vmem>>) offsets(%dma_start3A_116 : memref<128xi32, #tpu.memory_space<vmem>>) semaphore(%arg12 : memref<!tpu.dma_semaphore, #tpu.memory_space<semaphore_mem>>)
    %scan3A = arith.constant 0 : i32
    %scan3A_120 = arith.constant 40 : i32
    %scan3A_121 = arith.addi %scan3A, %scan3A_120 : i32
    %scan3A_122 = arith.constant 1 : i32
    scf.for %scan3A_155 = %scan3A to %scan3A_121 step %scan3A_122  : i32 {
      %mul3A_156 = arith.constant 2 : i32
      %mul3A_157 = arith.muli %scan3A_155, %mul3A_156 : i32
      %add3A_158 = arith.constant 0 : i32
      %add3A_159 = arith.addi %add3A_158, %mul3A_157 : i32
      %add3A_160 = arith.constant 0 : i32
      %add3A_161 = arith.addi %add3A_159, %add3A_160 : i32
      %dma_wait3A_162 = arith.constant 0 : i32
      %dma_wait3A_163 = arith.constant 0 : i32
      %dma_wait3A_164 = arith.constant 0 : i32
      %dma_wait3A_165 = arith.constant 0 : i32
      %dma_wait3A_166 = tpu.memref_slice %arg9[%dma_wait3A_163, %dma_wait3A_164, %dma_wait3A_165] : memref<2x128x128xf32, #tpu.memory_space<vmem>> -> memref<1x128x128xf32, #tpu.memory_space<vmem>>
      %dma_wait3A_167 = tpu.memref_squeeze %dma_wait3A_166 : memref<1x128x128xf32, #tpu.memory_space<vmem>> -> memref<128x128xf32, #tpu.memory_space<vmem>>
      %dma_wait3A_168 = arith.constant 0 : i32
      %dma_wait3A_169 = tpu.memref_slice %arg8[%dma_wait3A_162, %dma_wait3A_168] : memref<2x128xi32, #tpu.memory_space<vmem>> -> memref<1x128xi32, #tpu.memory_space<vmem>>
      %dma_wait3A_170 = tpu.memref_squeeze %dma_wait3A_169 : memref<1x128xi32, #tpu.memory_space<vmem>> -> memref<128xi32, #tpu.memory_space<vmem>>
      %dma_wait3A_171 = arith.constant 0 : i32
      %dma_wait3A_172 = arith.constant 0 : i32
      %dma_wait3A_173 = tpu.memref_slice %arg2[%dma_wait3A_171, %dma_wait3A_172] : memref<10000x128xf32, #tpu.memory_space<hbm>> -> memref<10000x128xf32, #tpu.memory_space<hbm>>
      tpu.wait_indirect_dma semaphore(%arg11 : memref<!tpu.dma_semaphore, #tpu.memory_space<semaphore_mem>>) src(%dma_wait3A_173 : memref<10000x128xf32, #tpu.memory_space<hbm>>) dst(%dma_wait3A_167 : memref<128x128xf32, #tpu.memory_space<vmem>>)
      %add3A_174 = arith.constant 2 : i32
      %add3A_175 = arith.addi %add3A_161, %add3A_174 : i32
      %lt3A = arith.constant 80 : i32
      %lt3A_176 = arith.cmpi slt, %add3A_175, %lt3A : i32
      %convert_element_type3A = arith.extui %lt3A_176 : i1 to i32
      %cond3A = arith.constant 0 : i32
      %cond3A_177 = arith.cmpi ne, %convert_element_type3A, %cond3A : i32
      scf.if %cond3A_177 {
        %add3A_215 = arith.constant 2 : i32
        %add3A_216 = arith.addi %add3A_161, %add3A_215 : i32
        %dma_start3A_217 = arith.constant 0 : i32
        %dma_start3A_218 = arith.constant 0 : i32
        %dma_start3A_219 = tpu.memref_slice %arg8[%dma_start3A_217, %dma_start3A_218] : memref<2x128xi32, #tpu.memory_space<vmem>> -> memref<1x128xi32, #tpu.memory_space<vmem>>
        %dma_start3A_220 = tpu.memref_squeeze %dma_start3A_219 : memref<1x128xi32, #tpu.memory_space<vmem>> -> memref<128xi32, #tpu.memory_space<vmem>>
        %dma_start3A_221 = arith.constant 0 : i32
        %dma_start3A_222 = tpu.memref_slice %arg3[%add3A, %add3A_216, %dma_start3A_221] : memref<32x80x128xi32, #tpu.memory_space<hbm>> -> memref<1x1x128xi32, #tpu.memory_space<hbm>>
        %dma_start3A_223 = tpu.memref_squeeze %dma_start3A_222 : memref<1x1x128xi32, #tpu.memory_space<hbm>> -> memref<128xi32, #tpu.memory_space<hbm>>
        %dma_start3A_224 = arith.constant 0 : i32
        %dma_start3A_225 = tpu.memref_slice %arg8[%dma_start3A_217, %dma_start3A_224] : memref<2x128xi32, #tpu.memory_space<vmem>> -> memref<1x128xi32, #tpu.memory_space<vmem>>
        %dma_start3A_226 = tpu.memref_squeeze %dma_start3A_225 : memref<1x128xi32, #tpu.memory_space<vmem>> -> memref<128xi32, #tpu.memory_space<vmem>>
        %dma_start3A_227 = arith.constant 0 : i32
        %dma_start3A_228 = tpu.memref_slice %arg3[%add3A, %add3A_216, %dma_start3A_227] : memref<32x80x128xi32, #tpu.memory_space<hbm>> -> memref<1x1x128xi32, #tpu.memory_space<hbm>>
        %dma_start3A_229 = tpu.memref_squeeze %dma_start3A_228 : memref<1x1x128xi32, #tpu.memory_space<hbm>> -> memref<128xi32, #tpu.memory_space<hbm>>
        tpu.enqueue_dma source(%dma_start3A_229 : memref<128xi32, #tpu.memory_space<hbm>>) target(%dma_start3A_226 : memref<128xi32, #tpu.memory_space<vmem>>) target_semaphore(%arg13 : memref<!tpu.dma_semaphore, #tpu.memory_space<semaphore_mem>>)
      } else {
      }
      %run_scoped3A_178 = arith.constant 0 : i32
      "tpu.region"() ({
        %run_scoped3A_215 = tpu.sem_alloc : memref<!tpu.dma_semaphore, #tpu.memory_space<semaphore_mem>>
        %dma_start3A_216 = arith.constant 0 : i32
        %dma_start3A_217 = arith.constant 0 : i32
        %dma_start3A_218 = tpu.memref_slice %arg9[%run_scoped3A_178, %dma_start3A_216, %dma_start3A_217] : memref<2x128x128xf32, #tpu.memory_space<vmem>> -> memref<1x128x128xf32, #tpu.memory_space<vmem>>
        %dma_start3A_219 = tpu.memref_squeeze %dma_start3A_218 : memref<1x128x128xf32, #tpu.memory_space<vmem>> -> memref<128x128xf32, #tpu.memory_space<vmem>>
        %dma_start3A_220 = arith.constant 0 : i32
        %dma_start3A_221 = tpu.memref_slice %arg7[%add3A_161, %dma_start3A_220] : memref<80x128xi32, #tpu.memory_space<vmem>> -> memref<1x128xi32, #tpu.memory_space<vmem>>
        %dma_start3A_222 = tpu.memref_squeeze %dma_start3A_221 : memref<1x128xi32, #tpu.memory_space<vmem>> -> memref<128xi32, #tpu.memory_space<vmem>>
        %dma_start3A_223 = arith.constant 0 : i32
        %dma_start3A_224 = arith.constant 0 : i32
        %dma_start3A_225 = tpu.memref_slice %arg10[%dma_start3A_223, %dma_start3A_224] : memref<10240x128xf32, #tpu.memory_space<vmem_shared>> -> memref<10240x128xf32, #tpu.memory_space<vmem_shared>>
        tpu.enqueue_indirect_dma source(%dma_start3A_219 : memref<128x128xf32, #tpu.memory_space<vmem>>) target(%dma_start3A_225 : memref<10240x128xf32, #tpu.memory_space<vmem_shared>>) offsets(%dma_start3A_222 : memref<128xi32, #tpu.memory_space<vmem>>) semaphore(%run_scoped3A_215 : memref<!tpu.dma_semaphore, #tpu.memory_space<semaphore_mem>>) {add = true}
        %dma_wait3A_226 = arith.constant 0 : i32
        %dma_wait3A_227 = arith.constant 0 : i32
        %dma_wait3A_228 = tpu.memref_slice %arg9[%run_scoped3A_178, %dma_wait3A_226, %dma_wait3A_227] : memref<2x128x128xf32, #tpu.memory_space<vmem>> -> memref<1x128x128xf32, #tpu.memory_space<vmem>>
        %dma_wait3A_229 = tpu.memref_squeeze %dma_wait3A_228 : memref<1x128x128xf32, #tpu.memory_space<vmem>> -> memref<128x128xf32, #tpu.memory_space<vmem>>
        %dma_wait3A_230 = arith.constant 0 : i32
        %dma_wait3A_231 = tpu.memref_slice %arg7[%add3A_161, %dma_wait3A_230] : memref<80x128xi32, #tpu.memory_space<vmem>> -> memref<1x128xi32, #tpu.memory_space<vmem>>
        %dma_wait3A_232 = tpu.memref_squeeze %dma_wait3A_231 : memref<1x128xi32, #tpu.memory_space<vmem>> -> memref<128xi32, #tpu.memory_space<vmem>>
        %dma_wait3A_233 = arith.constant 0 : i32
        %dma_wait3A_234 = arith.constant 0 : i32
        %dma_wait3A_235 = tpu.memref_slice %arg10[%dma_wait3A_233, %dma_wait3A_234] : memref<10240x128xf32, #tpu.memory_space<vmem_shared>> -> memref<10240x128xf32, #tpu.memory_space<vmem_shared>>
        tpu.wait_indirect_dma semaphore(%run_scoped3A_215 : memref<!tpu.dma_semaphore, #tpu.memory_space<semaphore_mem>>) src(%dma_wait3A_229 : memref<128x128xf32, #tpu.memory_space<vmem>>) dst(%dma_wait3A_235 : memref<10240x128xf32, #tpu.memory_space<vmem_shared>>)
        tpu.yield
      }) : () -> ()
      %add3A_179 = arith.constant 2 : i32
      %add3A_180 = arith.addi %add3A_161, %add3A_179 : i32
      %lt3A_181 = arith.constant 80 : i32
      %lt3A_182 = arith.cmpi slt, %add3A_180, %lt3A_181 : i32
      %convert_element_type3A_183 = arith.extui %lt3A_182 : i1 to i32
      %cond3A_184 = arith.constant 0 : i32
      %cond3A_185 = arith.cmpi ne, %convert_element_type3A_183, %cond3A_184 : i32
      scf.if %cond3A_185 {
        %dma_wait3A_215 = arith.constant 0 : i32
        %dma_wait3A_216 = arith.constant 0 : i32
        %dma_wait3A_217 = arith.constant 0 : i32
        %dma_wait3A_218 = tpu.memref_slice %arg8[%dma_wait3A_216, %dma_wait3A_217] : memref<2x128xi32, #tpu.memory_space<vmem>> -> memref<1x128xi32, #tpu.memory_space<vmem>>
        %dma_wait3A_219 = tpu.memref_squeeze %dma_wait3A_218 : memref<1x128xi32, #tpu.memory_space<vmem>> -> memref<128xi32, #tpu.memory_space<vmem>>
        %dma_wait3A_220 = arith.constant 0 : i32
        %dma_wait3A_221 = tpu.memref_slice %arg3[%add3A, %dma_wait3A_215, %dma_wait3A_220] : memref<32x80x128xi32, #tpu.memory_space<hbm>> -> memref<1x1x128xi32, #tpu.memory_space<hbm>>
        %dma_wait3A_222 = tpu.memref_squeeze %dma_wait3A_221 : memref<1x1x128xi32, #tpu.memory_space<hbm>> -> memref<128xi32, #tpu.memory_space<hbm>>
        %dma_wait3A_223 = arith.constant 0 : i32
        %dma_wait3A_224 = tpu.memref_slice %arg8[%dma_wait3A_216, %dma_wait3A_223] : memref<2x128xi32, #tpu.memory_space<vmem>> -> memref<1x128xi32, #tpu.memory_space<vmem>>
        %dma_wait3A_225 = tpu.memref_squeeze %dma_wait3A_224 : memref<1x128xi32, #tpu.memory_space<vmem>> -> memref<128xi32, #tpu.memory_space<vmem>>
        %dma_wait3A_226 = arith.constant 0 : i32
        %dma_wait3A_227 = tpu.memref_slice %arg3[%add3A, %dma_wait3A_215, %dma_wait3A_226] : memref<32x80x128xi32, #tpu.memory_space<hbm>> -> memref<1x1x128xi32, #tpu.memory_space<hbm>>
        %dma_wait3A_228 = tpu.memref_squeeze %dma_wait3A_227 : memref<1x1x128xi32, #tpu.memory_space<hbm>> -> memref<128xi32, #tpu.memory_space<hbm>>
        tpu.wait_dma2 semaphore(%arg13 : memref<!tpu.dma_semaphore, #tpu.memory_space<semaphore_mem>>) src(%dma_wait3A_228 : memref<128xi32, #tpu.memory_space<hbm>>) dst(%dma_wait3A_225 : memref<128xi32, #tpu.memory_space<vmem>>)
        %dma_start3A_229 = arith.constant 0 : i32
        %dma_start3A_230 = arith.constant 0 : i32
        %dma_start3A_231 = arith.constant 0 : i32
        %dma_start3A_232 = arith.constant 0 : i32
        %dma_start3A_233 = tpu.memref_slice %arg9[%dma_start3A_230, %dma_start3A_231, %dma_start3A_232] : memref<2x128x128xf32, #tpu.memory_space<vmem>> -> memref<1x128x128xf32, #tpu.memory_space<vmem>>
        %dma_start3A_234 = tpu.memref_squeeze %dma_start3A_233 : memref<1x128x128xf32, #tpu.memory_space<vmem>> -> memref<128x128xf32, #tpu.memory_space<vmem>>
        %dma_start3A_235 = arith.constant 0 : i32
        %dma_start3A_236 = tpu.memref_slice %arg8[%dma_start3A_229, %dma_start3A_235] : memref<2x128xi32, #tpu.memory_space<vmem>> -> memref<1x128xi32, #tpu.memory_space<vmem>>
        %dma_start3A_237 = tpu.memref_squeeze %dma_start3A_236 : memref<1x128xi32, #tpu.memory_space<vmem>> -> memref<128xi32, #tpu.memory_space<vmem>>
        %dma_start3A_238 = arith.constant 0 : i32
        %dma_start3A_239 = arith.constant 0 : i32
        %dma_start3A_240 = tpu.memref_slice %arg2[%dma_start3A_238, %dma_start3A_239] : memref<10000x128xf32, #tpu.memory_space<hbm>> -> memref<10000x128xf32, #tpu.memory_space<hbm>>
        tpu.enqueue_indirect_dma source(%dma_start3A_240 : memref<10000x128xf32, #tpu.memory_space<hbm>>) target(%dma_start3A_234 : memref<128x128xf32, #tpu.memory_space<vmem>>) offsets(%dma_start3A_237 : memref<128xi32, #tpu.memory_space<vmem>>) semaphore(%arg11 : memref<!tpu.dma_semaphore, #tpu.memory_space<semaphore_mem>>)
      } else {
      }
      %add3A_186 = arith.constant 1 : i32
      %add3A_187 = arith.addi %add3A_159, %add3A_186 : i32
      %dma_wait3A_188 = arith.constant 1 : i32
      %dma_wait3A_189 = arith.constant 1 : i32
      %dma_wait3A_190 = arith.constant 0 : i32
      %dma_wait3A_191 = arith.constant 0 : i32
      %dma_wait3A_192 = tpu.memref_slice %arg9[%dma_wait3A_189, %dma_wait3A_190, %dma_wait3A_191] : memref<2x128x128xf32, #tpu.memory_space<vmem>> -> memref<1x128x128xf32, #tpu.memory_space<vmem>>
      %dma_wait3A_193 = tpu.memref_squeeze %dma_wait3A_192 : memref<1x128x128xf32, #tpu.memory_space<vmem>> -> memref<128x128xf32, #tpu.memory_space<vmem>>
      %dma_wait3A_194 = arith.constant 0 : i32
      %dma_wait3A_195 = tpu.memref_slice %arg8[%dma_wait3A_188, %dma_wait3A_194] : memref<2x128xi32, #tpu.memory_space<vmem>> -> memref<1x128xi32, #tpu.memory_space<vmem>>
      %dma_wait3A_196 = tpu.memref_squeeze %dma_wait3A_195 : memref<1x128xi32, #tpu.memory_space<vmem>> -> memref<128xi32, #tpu.memory_space<vmem>>
      %dma_wait3A_197 = arith.constant 0 : i32
      %dma_wait3A_198 = arith.constant 0 : i32
      %dma_wait3A_199 = tpu.memref_slice %arg2[%dma_wait3A_197, %dma_wait3A_198] : memref<10000x128xf32, #tpu.memory_space<hbm>> -> memref<10000x128xf32, #tpu.memory_space<hbm>>
      tpu.wait_indirect_dma semaphore(%arg12 : memref<!tpu.dma_semaphore, #tpu.memory_space<semaphore_mem>>) src(%dma_wait3A_199 : memref<10000x128xf32, #tpu.memory_space<hbm>>) dst(%dma_wait3A_193 : memref<128x128xf32, #tpu.memory_space<vmem>>)
      %add3A_200 = arith.constant 2 : i32
      %add3A_201 = arith.addi %add3A_187, %add3A_200 : i32
      %lt3A_202 = arith.constant 80 : i32
      %lt3A_203 = arith.cmpi slt, %add3A_201, %lt3A_202 : i32
      %convert_element_type3A_204 = arith.extui %lt3A_203 : i1 to i32
      %cond3A_205 = arith.constant 0 : i32
      %cond3A_206 = arith.cmpi ne, %convert_element_type3A_204, %cond3A_205 : i32
      scf.if %cond3A_206 {
        %add3A_215 = arith.constant 2 : i32
        %add3A_216 = arith.addi %add3A_187, %add3A_215 : i32
        %dma_start3A_217 = arith.constant 1 : i32
        %dma_start3A_218 = arith.constant 0 : i32
        %dma_start3A_219 = tpu.memref_slice %arg8[%dma_start3A_217, %dma_start3A_218] : memref<2x128xi32, #tpu.memory_space<vmem>> -> memref<1x128xi32, #tpu.memory_space<vmem>>
        %dma_start3A_220 = tpu.memref_squeeze %dma_start3A_219 : memref<1x128xi32, #tpu.memory_space<vmem>> -> memref<128xi32, #tpu.memory_space<vmem>>
        %dma_start3A_221 = arith.constant 0 : i32
        %dma_start3A_222 = tpu.memref_slice %arg3[%add3A, %add3A_216, %dma_start3A_221] : memref<32x80x128xi32, #tpu.memory_space<hbm>> -> memref<1x1x128xi32, #tpu.memory_space<hbm>>
        %dma_start3A_223 = tpu.memref_squeeze %dma_start3A_222 : memref<1x1x128xi32, #tpu.memory_space<hbm>> -> memref<128xi32, #tpu.memory_space<hbm>>
        %dma_start3A_224 = arith.constant 0 : i32
        %dma_start3A_225 = tpu.memref_slice %arg8[%dma_start3A_217, %dma_start3A_224] : memref<2x128xi32, #tpu.memory_space<vmem>> -> memref<1x128xi32, #tpu.memory_space<vmem>>
        %dma_start3A_226 = tpu.memref_squeeze %dma_start3A_225 : memref<1x128xi32, #tpu.memory_space<vmem>> -> memref<128xi32, #tpu.memory_space<vmem>>
        %dma_start3A_227 = arith.constant 0 : i32
        %dma_start3A_228 = tpu.memref_slice %arg3[%add3A, %add3A_216, %dma_start3A_227] : memref<32x80x128xi32, #tpu.memory_space<hbm>> -> memref<1x1x128xi32, #tpu.memory_space<hbm>>
        %dma_start3A_229 = tpu.memref_squeeze %dma_start3A_228 : memref<1x1x128xi32, #tpu.memory_space<hbm>> -> memref<128xi32, #tpu.memory_space<hbm>>
        tpu.enqueue_dma source(%dma_start3A_229 : memref<128xi32, #tpu.memory_space<hbm>>) target(%dma_start3A_226 : memref<128xi32, #tpu.memory_space<vmem>>) target_semaphore(%arg14 : memref<!tpu.dma_semaphore, #tpu.memory_space<semaphore_mem>>)
      } else {
      }
      %run_scoped3A_207 = arith.constant 1 : i32
      "tpu.region"() ({
        %run_scoped3A_215 = tpu.sem_alloc : memref<!tpu.dma_semaphore, #tpu.memory_space<semaphore_mem>>
        %dma_start3A_216 = arith.constant 0 : i32
        %dma_start3A_217 = arith.constant 0 : i32
        %dma_start3A_218 = tpu.memref_slice %arg9[%run_scoped3A_207, %dma_start3A_216, %dma_start3A_217] : memref<2x128x128xf32, #tpu.memory_space<vmem>> -> memref<1x128x128xf32, #tpu.memory_space<vmem>>
        %dma_start3A_219 = tpu.memref_squeeze %dma_start3A_218 : memref<1x128x128xf32, #tpu.memory_space<vmem>> -> memref<128x128xf32, #tpu.memory_space<vmem>>
        %dma_start3A_220 = arith.constant 0 : i32
        %dma_start3A_221 = tpu.memref_slice %arg7[%add3A_187, %dma_start3A_220] : memref<80x128xi32, #tpu.memory_space<vmem>> -> memref<1x128xi32, #tpu.memory_space<vmem>>
        %dma_start3A_222 = tpu.memref_squeeze %dma_start3A_221 : memref<1x128xi32, #tpu.memory_space<vmem>> -> memref<128xi32, #tpu.memory_space<vmem>>
        %dma_start3A_223 = arith.constant 0 : i32
        %dma_start3A_224 = arith.constant 0 : i32
        %dma_start3A_225 = tpu.memref_slice %arg10[%dma_start3A_223, %dma_start3A_224] : memref<10240x128xf32, #tpu.memory_space<vmem_shared>> -> memref<10240x128xf32, #tpu.memory_space<vmem_shared>>
        tpu.enqueue_indirect_dma source(%dma_start3A_219 : memref<128x128xf32, #tpu.memory_space<vmem>>) target(%dma_start3A_225 : memref<10240x128xf32, #tpu.memory_space<vmem_shared>>) offsets(%dma_start3A_222 : memref<128xi32, #tpu.memory_space<vmem>>) semaphore(%run_scoped3A_215 : memref<!tpu.dma_semaphore, #tpu.memory_space<semaphore_mem>>) {add = true}
        %dma_wait3A_226 = arith.constant 0 : i32
        %dma_wait3A_227 = arith.constant 0 : i32
        %dma_wait3A_228 = tpu.memref_slice %arg9[%run_scoped3A_207, %dma_wait3A_226, %dma_wait3A_227] : memref<2x128x128xf32, #tpu.memory_space<vmem>> -> memref<1x128x128xf32, #tpu.memory_space<vmem>>
        %dma_wait3A_229 = tpu.memref_squeeze %dma_wait3A_228 : memref<1x128x128xf32, #tpu.memory_space<vmem>> -> memref<128x128xf32, #tpu.memory_space<vmem>>
        %dma_wait3A_230 = arith.constant 0 : i32
        %dma_wait3A_231 = tpu.memref_slice %arg7[%add3A_187, %dma_wait3A_230] : memref<80x128xi32, #tpu.memory_space<vmem>> -> memref<1x128xi32, #tpu.memory_space<vmem>>
        %dma_wait3A_232 = tpu.memref_squeeze %dma_wait3A_231 : memref<1x128xi32, #tpu.memory_space<vmem>> -> memref<128xi32, #tpu.memory_space<vmem>>
        %dma_wait3A_233 = arith.constant 0 : i32
        %dma_wait3A_234 = arith.constant 0 : i32
        %dma_wait3A_235 = tpu.memref_slice %arg10[%dma_wait3A_233, %dma_wait3A_234] : memref<10240x128xf32, #tpu.memory_space<vmem_shared>> -> memref<10240x128xf32, #tpu.memory_space<vmem_shared>>
        tpu.wait_indirect_dma semaphore(%run_scoped3A_215 : memref<!tpu.dma_semaphore, #tpu.memory_space<semaphore_mem>>) src(%dma_wait3A_229 : memref<128x128xf32, #tpu.memory_space<vmem>>) dst(%dma_wait3A_235 : memref<10240x128xf32, #tpu.memory_space<vmem_shared>>)
        tpu.yield
      }) : () -> ()
      %add3A_208 = arith.constant 2 : i32
      %add3A_209 = arith.addi %add3A_187, %add3A_208 : i32
      %lt3A_210 = arith.constant 80 : i32
      %lt3A_211 = arith.cmpi slt, %add3A_209, %lt3A_210 : i32
      %convert_element_type3A_212 = arith.extui %lt3A_211 : i1 to i32
      %cond3A_213 = arith.constant 0 : i32
      %cond3A_214 = arith.cmpi ne, %convert_element_type3A_212, %cond3A_213 : i32
      scf.if %cond3A_214 {
        %dma_wait3A_215 = arith.constant 0 : i32
        %dma_wait3A_216 = arith.constant 1 : i32
        %dma_wait3A_217 = arith.constant 0 : i32
        %dma_wait3A_218 = tpu.memref_slice %arg8[%dma_wait3A_216, %dma_wait3A_217] : memref<2x128xi32, #tpu.memory_space<vmem>> -> memref<1x128xi32, #tpu.memory_space<vmem>>
        %dma_wait3A_219 = tpu.memref_squeeze %dma_wait3A_218 : memref<1x128xi32, #tpu.memory_space<vmem>> -> memref<128xi32, #tpu.memory_space<vmem>>
        %dma_wait3A_220 = arith.constant 0 : i32
        %dma_wait3A_221 = tpu.memref_slice %arg3[%add3A, %dma_wait3A_215, %dma_wait3A_220] : memref<32x80x128xi32, #tpu.memory_space<hbm>> -> memref<1x1x128xi32, #tpu.memory_space<hbm>>
        %dma_wait3A_222 = tpu.memref_squeeze %dma_wait3A_221 : memref<1x1x128xi32, #tpu.memory_space<hbm>> -> memref<128xi32, #tpu.memory_space<hbm>>
        %dma_wait3A_223 = arith.constant 0 : i32
        %dma_wait3A_224 = tpu.memref_slice %arg8[%dma_wait3A_216, %dma_wait3A_223] : memref<2x128xi32, #tpu.memory_space<vmem>> -> memref<1x128xi32, #tpu.memory_space<vmem>>
        %dma_wait3A_225 = tpu.memref_squeeze %dma_wait3A_224 : memref<1x128xi32, #tpu.memory_space<vmem>> -> memref<128xi32, #tpu.memory_space<vmem>>
        %dma_wait3A_226 = arith.constant 0 : i32
        %dma_wait3A_227 = tpu.memref_slice %arg3[%add3A, %dma_wait3A_215, %dma_wait3A_226] : memref<32x80x128xi32, #tpu.memory_space<hbm>> -> memref<1x1x128xi32, #tpu.memory_space<hbm>>
        %dma_wait3A_228 = tpu.memref_squeeze %dma_wait3A_227 : memref<1x1x128xi32, #tpu.memory_space<hbm>> -> memref<128xi32, #tpu.memory_space<hbm>>
        tpu.wait_dma2 semaphore(%arg14 : memref<!tpu.dma_semaphore, #tpu.memory_space<semaphore_mem>>) src(%dma_wait3A_228 : memref<128xi32, #tpu.memory_space<hbm>>) dst(%dma_wait3A_225 : memref<128xi32, #tpu.memory_space<vmem>>)
        %dma_start3A_229 = arith.constant 1 : i32
        %dma_start3A_230 = arith.constant 1 : i32
        %dma_start3A_231 = arith.constant 0 : i32
        %dma_start3A_232 = arith.constant 0 : i32
        %dma_start3A_233 = tpu.memref_slice %arg9[%dma_start3A_230, %dma_start3A_231, %dma_start3A_232] : memref<2x128x128xf32, #tpu.memory_space<vmem>> -> memref<1x128x128xf32, #tpu.memory_space<vmem>>
        %dma_start3A_234 = tpu.memref_squeeze %dma_start3A_233 : memref<1x128x128xf32, #tpu.memory_space<vmem>> -> memref<128x128xf32, #tpu.memory_space<vmem>>
        %dma_start3A_235 = arith.constant 0 : i32
        %dma_start3A_236 = tpu.memref_slice %arg8[%dma_start3A_229, %dma_start3A_235] : memref<2x128xi32, #tpu.memory_space<vmem>> -> memref<1x128xi32, #tpu.memory_space<vmem>>
        %dma_start3A_237 = tpu.memref_squeeze %dma_start3A_236 : memref<1x128xi32, #tpu.memory_space<vmem>> -> memref<128xi32, #tpu.memory_space<vmem>>
        %dma_start3A_238 = arith.constant 0 : i32
        %dma_start3A_239 = arith.constant 0 : i32
        %dma_start3A_240 = tpu.memref_slice %arg2[%dma_start3A_238, %dma_start3A_239] : memref<10000x128xf32, #tpu.memory_space<hbm>> -> memref<10000x128xf32, #tpu.memory_space<hbm>>
        tpu.enqueue_indirect_dma source(%dma_start3A_240 : memref<10000x128xf32, #tpu.memory_space<hbm>>) target(%dma_start3A_234 : memref<128x128xf32, #tpu.memory_space<vmem>>) offsets(%dma_start3A_237 : memref<128xi32, #tpu.memory_space<vmem>>) semaphore(%arg12 : memref<!tpu.dma_semaphore, #tpu.memory_space<semaphore_mem>>)
      } else {
      }
    }
    %scan3A_123 = arith.constant 40 : i32
    %barrier3A_124 = arith.constant 0 : index
    tpu.barrier barrier_id(%barrier3A_124)
    %mul3A_125 = arith.constant 640 : i32
    %mul3A_126 = arith.muli %arg1, %mul3A_125 : i32
    %add3A_127 = arith.constant 0 : i32
    %add3A_128 = arith.addi %mul3A_126, %add3A_127 : i32
    %run_scoped3A_129 = arith.constant 0 : i32
    "tpu.region"() ({
      %run_scoped3A_155 = tpu.sem_alloc : memref<!tpu.dma_semaphore, #tpu.memory_space<semaphore_mem>>
      %dma_start3A_156 = arith.constant 0 : i32
      %dma_start3A_157 = arith.constant 0 : i32
      %dma_start3A_158 = tpu.memref_slice %arg9[%run_scoped3A_129, %dma_start3A_156, %dma_start3A_157] : memref<2x128x128xf32, #tpu.memory_space<vmem>> -> memref<1x128x128xf32, #tpu.memory_space<vmem>>
      %dma_start3A_159 = tpu.memref_squeeze %dma_start3A_158 : memref<1x128x128xf32, #tpu.memory_space<vmem>> -> memref<128x128xf32, #tpu.memory_space<vmem>>
      %dma_start3A_160 = arith.constant 0 : i32
      %dma_start3A_161 = tpu.memref_slice %arg10[%add3A_128, %dma_start3A_160] : memref<10240x128xf32, #tpu.memory_space<vmem_shared>> -> memref<128x128xf32, #tpu.memory_space<vmem_shared>>
      %dma_start3A_162 = arith.constant 0 : i32
      %dma_start3A_163 = arith.constant 0 : i32
      %dma_start3A_164 = tpu.memref_slice %arg9[%run_scoped3A_129, %dma_start3A_162, %dma_start3A_163] : memref<2x128x128xf32, #tpu.memory_space<vmem>> -> memref<1x128x128xf32, #tpu.memory_space<vmem>>
      %dma_start3A_165 = tpu.memref_squeeze %dma_start3A_164 : memref<1x128x128xf32, #tpu.memory_space<vmem>> -> memref<128x128xf32, #tpu.memory_space<vmem>>
      %dma_start3A_166 = arith.constant 0 : i32
      %dma_start3A_167 = tpu.memref_slice %arg10[%add3A_128, %dma_start3A_166] : memref<10240x128xf32, #tpu.memory_space<vmem_shared>> -> memref<128x128xf32, #tpu.memory_space<vmem_shared>>
      tpu.enqueue_dma source(%dma_start3A_167 : memref<128x128xf32, #tpu.memory_space<vmem_shared>>) target(%dma_start3A_165 : memref<128x128xf32, #tpu.memory_space<vmem>>) target_semaphore(%run_scoped3A_155 : memref<!tpu.dma_semaphore, #tpu.memory_space<semaphore_mem>>)
      %dma_wait3A_168 = arith.constant 0 : i32
      %dma_wait3A_169 = arith.constant 0 : i32
      %dma_wait3A_170 = tpu.memref_slice %arg9[%run_scoped3A_129, %dma_wait3A_168, %dma_wait3A_169] : memref<2x128x128xf32, #tpu.memory_space<vmem>> -> memref<1x128x128xf32, #tpu.memory_space<vmem>>
      %dma_wait3A_171 = tpu.memref_squeeze %dma_wait3A_170 : memref<1x128x128xf32, #tpu.memory_space<vmem>> -> memref<128x128xf32, #tpu.memory_space<vmem>>
      %dma_wait3A_172 = arith.constant 0 : i32
      %dma_wait3A_173 = tpu.memref_slice %arg10[%add3A_128, %dma_wait3A_172] : memref<10240x128xf32, #tpu.memory_space<vmem_shared>> -> memref<128x128xf32, #tpu.memory_space<vmem_shared>>
      %dma_wait3A_174 = arith.constant 0 : i32
      %dma_wait3A_175 = arith.constant 0 : i32
      %dma_wait3A_176 = tpu.memref_slice %arg9[%run_scoped3A_129, %dma_wait3A_174, %dma_wait3A_175] : memref<2x128x128xf32, #tpu.memory_space<vmem>> -> memref<1x128x128xf32, #tpu.memory_space<vmem>>
      %dma_wait3A_177 = tpu.memref_squeeze %dma_wait3A_176 : memref<1x128x128xf32, #tpu.memory_space<vmem>> -> memref<128x128xf32, #tpu.memory_space<vmem>>
      %dma_wait3A_178 = arith.constant 0 : i32
      %dma_wait3A_179 = tpu.memref_slice %arg10[%add3A_128, %dma_wait3A_178] : memref<10240x128xf32, #tpu.memory_space<vmem_shared>> -> memref<128x128xf32, #tpu.memory_space<vmem_shared>>
      tpu.wait_dma2 semaphore(%run_scoped3A_155 : memref<!tpu.dma_semaphore, #tpu.memory_space<semaphore_mem>>) src(%dma_wait3A_179 : memref<128x128xf32, #tpu.memory_space<vmem_shared>>) dst(%dma_wait3A_177 : memref<128x128xf32, #tpu.memory_space<vmem>>)
      tpu.yield
    }) : () -> ()
    %run_scoped3A_130 = arith.constant 0 : i32
    "tpu.region"() ({
      %run_scoped3A_155 = tpu.sem_alloc : memref<!tpu.dma_semaphore, #tpu.memory_space<semaphore_mem>>
      %dma_start3A_156 = arith.constant 0 : i32
      %dma_start3A_157 = arith.constant 0 : i32
      %dma_start3A_158 = tpu.memref_slice %arg9[%run_scoped3A_130, %dma_start3A_156, %dma_start3A_157] : memref<2x128x128xf32, #tpu.memory_space<vmem>> -> memref<1x128x128xf32, #tpu.memory_space<vmem>>
      %dma_start3A_159 = tpu.memref_squeeze %dma_start3A_158 : memref<1x128x128xf32, #tpu.memory_space<vmem>> -> memref<128x128xf32, #tpu.memory_space<vmem>>
      %dma_start3A_160 = arith.constant 0 : i32
      %dma_start3A_161 = tpu.memref_slice %arg6[%arg0, %add3A_128, %dma_start3A_160] : memref<2x10240x128xf32, #tpu.memory_space<hbm>> -> memref<1x128x128xf32, #tpu.memory_space<hbm>>
      %dma_start3A_162 = tpu.memref_squeeze %dma_start3A_161 : memref<1x128x128xf32, #tpu.memory_space<hbm>> -> memref<128x128xf32, #tpu.memory_space<hbm>>
      %dma_start3A_163 = arith.constant 0 : i32
      %dma_start3A_164 = tpu.memref_slice %arg6[%arg0, %add3A_128, %dma_start3A_163] : memref<2x10240x128xf32, #tpu.memory_space<hbm>> -> memref<1x128x128xf32, #tpu.memory_space<hbm>>
      %dma_start3A_165 = tpu.memref_squeeze %dma_start3A_164 : memref<1x128x128xf32, #tpu.memory_space<hbm>> -> memref<128x128xf32, #tpu.memory_space<hbm>>
      %dma_start3A_166 = arith.constant 0 : i32
      %dma_start3A_167 = arith.constant 0 : i32
      %dma_start3A_168 = tpu.memref_slice %arg9[%run_scoped3A_130, %dma_start3A_166, %dma_start3A_167] : memref<2x128x128xf32, #tpu.memory_space<vmem>> -> memref<1x128x128xf32, #tpu.memory_space<vmem>>
      %dma_start3A_169 = tpu.memref_squeeze %dma_start3A_168 : memref<1x128x128xf32, #tpu.memory_space<vmem>> -> memref<128x128xf32, #tpu.memory_space<vmem>>
      tpu.enqueue_dma source(%dma_start3A_169 : memref<128x128xf32, #tpu.memory_space<vmem>>) target(%dma_start3A_165 : memref<128x128xf32, #tpu.memory_space<hbm>>) target_semaphore(%run_scoped3A_155 : memref<!tpu.dma_semaphore, #tpu.memory_space<semaphore_mem>>)
      %dma_wait3A_170 = arith.constant 0 : i32
      %dma_wait3A_171 = arith.constant 0 : i32
      %dma_wait3A_172 = tpu.memref_slice %arg9[%run_scoped3A_130, %dma_wait3A_170, %dma_wait3A_171] : memref<2x128x128xf32, #tpu.memory_space<vmem>> -> memref<1x128x128xf32, #tpu.memory_space<vmem>>
      %dma_wait3A_173 = tpu.memref_squeeze %dma_wait3A_172 : memref<1x128x128xf32, #tpu.memory_space<vmem>> -> memref<128x128xf32, #tpu.memory_space<vmem>>
      %dma_wait3A_174 = arith.constant 0 : i32
      %dma_wait3A_175 = tpu.memref_slice %arg6[%arg0, %add3A_128, %dma_wait3A_174] : memref<2x10240x128xf32, #tpu.memory_space<hbm>> -> memref<1x128x128xf32, #tpu.memory_space<hbm>>
      %dma_wait3A_176 = tpu.memref_squeeze %dma_wait3A_175 : memref<1x128x128xf32, #tpu.memory_space<hbm>> -> memref<128x128xf32, #tpu.memory_space<hbm>>
      %dma_wait3A_177 = arith.constant 0 : i32
      %dma_wait3A_178 = tpu.memref_slice %arg6[%arg0, %add3A_128, %dma_wait3A_177] : memref<2x10240x128xf32, #tpu.memory_space<hbm>> -> memref<1x128x128xf32, #tpu.memory_space<hbm>>
      %dma_wait3A_179 = tpu.memref_squeeze %dma_wait3A_178 : memref<1x128x128xf32, #tpu.memory_space<hbm>> -> memref<128x128xf32, #tpu.memory_space<hbm>>
      %dma_wait3A_180 = arith.constant 0 : i32
      %dma_wait3A_181 = arith.constant 0 : i32
      %dma_wait3A_182 = tpu.memref_slice %arg9[%run_scoped3A_130, %dma_wait3A_180, %dma_wait3A_181] : memref<2x128x128xf32, #tpu.memory_space<vmem>> -> memref<1x128x128xf32, #tpu.memory_space<vmem>>
      %dma_wait3A_183 = tpu.memref_squeeze %dma_wait3A_182 : memref<1x128x128xf32, #tpu.memory_space<vmem>> -> memref<128x128xf32, #tpu.memory_space<vmem>>
      tpu.wait_dma2 semaphore(%run_scoped3A_155 : memref<!tpu.dma_semaphore, #tpu.memory_space<semaphore_mem>>) src(%dma_wait3A_183 : memref<128x128xf32, #tpu.memory_space<vmem>>) dst(%dma_wait3A_179 : memref<128x128xf32, #tpu.memory_space<hbm>>)
      tpu.yield
    }) : () -> ()
    %mul3A_131 = arith.constant 640 : i32
    %mul3A_132 = arith.muli %arg1, %mul3A_131 : i32
    %add3A_133 = arith.constant 128 : i32
    %add3A_134 = arith.addi %mul3A_132, %add3A_133 : i32
    %run_scoped3A_135 = arith.constant 0 : i32
    "tpu.region"() ({
      %run_scoped3A_155 = tpu.sem_alloc : memref<!tpu.dma_semaphore, #tpu.memory_space<semaphore_mem>>
      %dma_start3A_156 = arith.constant 0 : i32
      %dma_start3A_157 = arith.constant 0 : i32
      %dma_start3A_158 = tpu.memref_slice %arg9[%run_scoped3A_135, %dma_start3A_156, %dma_start3A_157] : memref<2x128x128xf32, #tpu.memory_space<vmem>> -> memref<1x128x128xf32, #tpu.memory_space<vmem>>
      %dma_start3A_159 = tpu.memref_squeeze %dma_start3A_158 : memref<1x128x128xf32, #tpu.memory_space<vmem>> -> memref<128x128xf32, #tpu.memory_space<vmem>>
      %dma_start3A_160 = arith.constant 0 : i32
      %dma_start3A_161 = tpu.memref_slice %arg10[%add3A_134, %dma_start3A_160] : memref<10240x128xf32, #tpu.memory_space<vmem_shared>> -> memref<128x128xf32, #tpu.memory_space<vmem_shared>>
      %dma_start3A_162 = arith.constant 0 : i32
      %dma_start3A_163 = arith.constant 0 : i32
      %dma_start3A_164 = tpu.memref_slice %arg9[%run_scoped3A_135, %dma_start3A_162, %dma_start3A_163] : memref<2x128x128xf32, #tpu.memory_space<vmem>> -> memref<1x128x128xf32, #tpu.memory_space<vmem>>
      %dma_start3A_165 = tpu.memref_squeeze %dma_start3A_164 : memref<1x128x128xf32, #tpu.memory_space<vmem>> -> memref<128x128xf32, #tpu.memory_space<vmem>>
      %dma_start3A_166 = arith.constant 0 : i32
      %dma_start3A_167 = tpu.memref_slice %arg10[%add3A_134, %dma_start3A_166] : memref<10240x128xf32, #tpu.memory_space<vmem_shared>> -> memref<128x128xf32, #tpu.memory_space<vmem_shared>>
      tpu.enqueue_dma source(%dma_start3A_167 : memref<128x128xf32, #tpu.memory_space<vmem_shared>>) target(%dma_start3A_165 : memref<128x128xf32, #tpu.memory_space<vmem>>) target_semaphore(%run_scoped3A_155 : memref<!tpu.dma_semaphore, #tpu.memory_space<semaphore_mem>>)
      %dma_wait3A_168 = arith.constant 0 : i32
      %dma_wait3A_169 = arith.constant 0 : i32
      %dma_wait3A_170 = tpu.memref_slice %arg9[%run_scoped3A_135, %dma_wait3A_168, %dma_wait3A_169] : memref<2x128x128xf32, #tpu.memory_space<vmem>> -> memref<1x128x128xf32, #tpu.memory_space<vmem>>
      %dma_wait3A_171 = tpu.memref_squeeze %dma_wait3A_170 : memref<1x128x128xf32, #tpu.memory_space<vmem>> -> memref<128x128xf32, #tpu.memory_space<vmem>>
      %dma_wait3A_172 = arith.constant 0 : i32
      %dma_wait3A_173 = tpu.memref_slice %arg10[%add3A_134, %dma_wait3A_172] : memref<10240x128xf32, #tpu.memory_space<vmem_shared>> -> memref<128x128xf32, #tpu.memory_space<vmem_shared>>
      %dma_wait3A_174 = arith.constant 0 : i32
      %dma_wait3A_175 = arith.constant 0 : i32
      %dma_wait3A_176 = tpu.memref_slice %arg9[%run_scoped3A_135, %dma_wait3A_174, %dma_wait3A_175] : memref<2x128x128xf32, #tpu.memory_space<vmem>> -> memref<1x128x128xf32, #tpu.memory_space<vmem>>
      %dma_wait3A_177 = tpu.memref_squeeze %dma_wait3A_176 : memref<1x128x128xf32, #tpu.memory_space<vmem>> -> memref<128x128xf32, #tpu.memory_space<vmem>>
      %dma_wait3A_178 = arith.constant 0 : i32
      %dma_wait3A_179 = tpu.memref_slice %arg10[%add3A_134, %dma_wait3A_178] : memref<10240x128xf32, #tpu.memory_space<vmem_shared>> -> memref<128x128xf32, #tpu.memory_space<vmem_shared>>
      tpu.wait_dma2 semaphore(%run_scoped3A_155 : memref<!tpu.dma_semaphore, #tpu.memory_space<semaphore_mem>>) src(%dma_wait3A_179 : memref<128x128xf32, #tpu.memory_space<vmem_shared>>) dst(%dma_wait3A_177 : memref<128x128xf32, #tpu.memory_space<vmem>>)
      tpu.yield
    }) : () -> ()
    %run_scoped3A_136 = arith.constant 0 : i32
    "tpu.region"() ({
      %run_scoped3A_155 = tpu.sem_alloc : memref<!tpu.dma_semaphore, #tpu.memory_space<semaphore_mem>>
      %dma_start3A_156 = arith.constant 0 : i32
      %dma_start3A_157 = arith.constant 0 : i32
      %dma_start3A_158 = tpu.memref_slice %arg9[%run_scoped3A_136, %dma_start3A_156, %dma_start3A_157] : memref<2x128x128xf32, #tpu.memory_space<vmem>> -> memref<1x128x128xf32, #tpu.memory_space<vmem>>
      %dma_start3A_159 = tpu.memref_squeeze %dma_start3A_158 : memref<1x128x128xf32, #tpu.memory_space<vmem>> -> memref<128x128xf32, #tpu.memory_space<vmem>>
      %dma_start3A_160 = arith.constant 0 : i32
      %dma_start3A_161 = tpu.memref_slice %arg6[%arg0, %add3A_134, %dma_start3A_160] : memref<2x10240x128xf32, #tpu.memory_space<hbm>> -> memref<1x128x128xf32, #tpu.memory_space<hbm>>
      %dma_start3A_162 = tpu.memref_squeeze %dma_start3A_161 : memref<1x128x128xf32, #tpu.memory_space<hbm>> -> memref<128x128xf32, #tpu.memory_space<hbm>>
      %dma_start3A_163 = arith.constant 0 : i32
      %dma_start3A_164 = tpu.memref_slice %arg6[%arg0, %add3A_134, %dma_start3A_163] : memref<2x10240x128xf32, #tpu.memory_space<hbm>> -> memref<1x128x128xf32, #tpu.memory_space<hbm>>
      %dma_start3A_165 = tpu.memref_squeeze %dma_start3A_164 : memref<1x128x128xf32, #tpu.memory_space<hbm>> -> memref<128x128xf32, #tpu.memory_space<hbm>>
      %dma_start3A_166 = arith.constant 0 : i32
      %dma_start3A_167 = arith.constant 0 : i32
      %dma_start3A_168 = tpu.memref_slice %arg9[%run_scoped3A_136, %dma_start3A_166, %dma_start3A_167] : memref<2x128x128xf32, #tpu.memory_space<vmem>> -> memref<1x128x128xf32, #tpu.memory_space<vmem>>
      %dma_start3A_169 = tpu.memref_squeeze %dma_start3A_168 : memref<1x128x128xf32, #tpu.memory_space<vmem>> -> memref<128x128xf32, #tpu.memory_space<vmem>>
      tpu.enqueue_dma source(%dma_start3A_169 : memref<128x128xf32, #tpu.memory_space<vmem>>) target(%dma_start3A_165 : memref<128x128xf32, #tpu.memory_space<hbm>>) target_semaphore(%run_scoped3A_155 : memref<!tpu.dma_semaphore, #tpu.memory_space<semaphore_mem>>)
      %dma_wait3A_170 = arith.constant 0 : i32
      %dma_wait3A_171 = arith.constant 0 : i32
      %dma_wait3A_172 = tpu.memref_slice %arg9[%run_scoped3A_136, %dma_wait3A_170, %dma_wait3A_171] : memref<2x128x128xf32, #tpu.memory_space<vmem>> -> memref<1x128x128xf32, #tpu.memory_space<vmem>>
      %dma_wait3A_173 = tpu.memref_squeeze %dma_wait3A_172 : memref<1x128x128xf32, #tpu.memory_space<vmem>> -> memref<128x128xf32, #tpu.memory_space<vmem>>
      %dma_wait3A_174 = arith.constant 0 : i32
      %dma_wait3A_175 = tpu.memref_slice %arg6[%arg0, %add3A_134, %dma_wait3A_174] : memref<2x10240x128xf32, #tpu.memory_space<hbm>> -> memref<1x128x128xf32, #tpu.memory_space<hbm>>
      %dma_wait3A_176 = tpu.memref_squeeze %dma_wait3A_175 : memref<1x128x128xf32, #tpu.memory_space<hbm>> -> memref<128x128xf32, #tpu.memory_space<hbm>>
      %dma_wait3A_177 = arith.constant 0 : i32
      %dma_wait3A_178 = tpu.memref_slice %arg6[%arg0, %add3A_134, %dma_wait3A_177] : memref<2x10240x128xf32, #tpu.memory_space<hbm>> -> memref<1x128x128xf32, #tpu.memory_space<hbm>>
      %dma_wait3A_179 = tpu.memref_squeeze %dma_wait3A_178 : memref<1x128x128xf32, #tpu.memory_space<hbm>> -> memref<128x128xf32, #tpu.memory_space<hbm>>
      %dma_wait3A_180 = arith.constant 0 : i32
      %dma_wait3A_181 = arith.constant 0 : i32
      %dma_wait3A_182 = tpu.memref_slice %arg9[%run_scoped3A_136, %dma_wait3A_180, %dma_wait3A_181] : memref<2x128x128xf32, #tpu.memory_space<vmem>> -> memref<1x128x128xf32, #tpu.memory_space<vmem>>
      %dma_wait3A_183 = tpu.memref_squeeze %dma_wait3A_182 : memref<1x128x128xf32, #tpu.memory_space<vmem>> -> memref<128x128xf32, #tpu.memory_space<vmem>>
      tpu.wait_dma2 semaphore(%run_scoped3A_155 : memref<!tpu.dma_semaphore, #tpu.memory_space<semaphore_mem>>) src(%dma_wait3A_183 : memref<128x128xf32, #tpu.memory_space<vmem>>) dst(%dma_wait3A_179 : memref<128x128xf32, #tpu.memory_space<hbm>>)
      tpu.yield
    }) : () -> ()
    %mul3A_137 = arith.constant 640 : i32
    %mul3A_138 = arith.muli %arg1, %mul3A_137 : i32
    %add3A_139 = arith.constant 256 : i32
    %add3A_140 = arith.addi %mul3A_138, %add3A_139 : i32
    %run_scoped3A_141 = arith.constant 0 : i32
    "tpu.region"() ({
      %run_scoped3A_155 = tpu.sem_alloc : memref<!tpu.dma_semaphore, #tpu.memory_space<semaphore_mem>>
      %dma_start3A_156 = arith.constant 0 : i32
      %dma_start3A_157 = arith.constant 0 : i32
      %dma_start3A_158 = tpu.memref_slice %arg9[%run_scoped3A_141, %dma_start3A_156, %dma_start3A_157] : memref<2x128x128xf32, #tpu.memory_space<vmem>> -> memref<1x128x128xf32, #tpu.memory_space<vmem>>
      %dma_start3A_159 = tpu.memref_squeeze %dma_start3A_158 : memref<1x128x128xf32, #tpu.memory_space<vmem>> -> memref<128x128xf32, #tpu.memory_space<vmem>>
      %dma_start3A_160 = arith.constant 0 : i32
      %dma_start3A_161 = tpu.memref_slice %arg10[%add3A_140, %dma_start3A_160] : memref<10240x128xf32, #tpu.memory_space<vmem_shared>> -> memref<128x128xf32, #tpu.memory_space<vmem_shared>>
      %dma_start3A_162 = arith.constant 0 : i32
      %dma_start3A_163 = arith.constant 0 : i32
      %dma_start3A_164 = tpu.memref_slice %arg9[%run_scoped3A_141, %dma_start3A_162, %dma_start3A_163] : memref<2x128x128xf32, #tpu.memory_space<vmem>> -> memref<1x128x128xf32, #tpu.memory_space<vmem>>
      %dma_start3A_165 = tpu.memref_squeeze %dma_start3A_164 : memref<1x128x128xf32, #tpu.memory_space<vmem>> -> memref<128x128xf32, #tpu.memory_space<vmem>>
      %dma_start3A_166 = arith.constant 0 : i32
      %dma_start3A_167 = tpu.memref_slice %arg10[%add3A_140, %dma_start3A_166] : memref<10240x128xf32, #tpu.memory_space<vmem_shared>> -> memref<128x128xf32, #tpu.memory_space<vmem_shared>>
      tpu.enqueue_dma source(%dma_start3A_167 : memref<128x128xf32, #tpu.memory_space<vmem_shared>>) target(%dma_start3A_165 : memref<128x128xf32, #tpu.memory_space<vmem>>) target_semaphore(%run_scoped3A_155 : memref<!tpu.dma_semaphore, #tpu.memory_space<semaphore_mem>>)
      %dma_wait3A_168 = arith.constant 0 : i32
      %dma_wait3A_169 = arith.constant 0 : i32
      %dma_wait3A_170 = tpu.memref_slice %arg9[%run_scoped3A_141, %dma_wait3A_168, %dma_wait3A_169] : memref<2x128x128xf32, #tpu.memory_space<vmem>> -> memref<1x128x128xf32, #tpu.memory_space<vmem>>
      %dma_wait3A_171 = tpu.memref_squeeze %dma_wait3A_170 : memref<1x128x128xf32, #tpu.memory_space<vmem>> -> memref<128x128xf32, #tpu.memory_space<vmem>>
      %dma_wait3A_172 = arith.constant 0 : i32
      %dma_wait3A_173 = tpu.memref_slice %arg10[%add3A_140, %dma_wait3A_172] : memref<10240x128xf32, #tpu.memory_space<vmem_shared>> -> memref<128x128xf32, #tpu.memory_space<vmem_shared>>
      %dma_wait3A_174 = arith.constant 0 : i32
      %dma_wait3A_175 = arith.constant 0 : i32
      %dma_wait3A_176 = tpu.memref_slice %arg9[%run_scoped3A_141, %dma_wait3A_174, %dma_wait3A_175] : memref<2x128x128xf32, #tpu.memory_space<vmem>> -> memref<1x128x128xf32, #tpu.memory_space<vmem>>
      %dma_wait3A_177 = tpu.memref_squeeze %dma_wait3A_176 : memref<1x128x128xf32, #tpu.memory_space<vmem>> -> memref<128x128xf32, #tpu.memory_space<vmem>>
      %dma_wait3A_178 = arith.constant 0 : i32
      %dma_wait3A_179 = tpu.memref_slice %arg10[%add3A_140, %dma_wait3A_178] : memref<10240x128xf32, #tpu.memory_space<vmem_shared>> -> memref<128x128xf32, #tpu.memory_space<vmem_shared>>
      tpu.wait_dma2 semaphore(%run_scoped3A_155 : memref<!tpu.dma_semaphore, #tpu.memory_space<semaphore_mem>>) src(%dma_wait3A_179 : memref<128x128xf32, #tpu.memory_space<vmem_shared>>) dst(%dma_wait3A_177 : memref<128x128xf32, #tpu.memory_space<vmem>>)
      tpu.yield
    }) : () -> ()
    %run_scoped3A_142 = arith.constant 0 : i32
    "tpu.region"() ({
      %run_scoped3A_155 = tpu.sem_alloc : memref<!tpu.dma_semaphore, #tpu.memory_space<semaphore_mem>>
      %dma_start3A_156 = arith.constant 0 : i32
      %dma_start3A_157 = arith.constant 0 : i32
      %dma_start3A_158 = tpu.memref_slice %arg9[%run_scoped3A_142, %dma_start3A_156, %dma_start3A_157] : memref<2x128x128xf32, #tpu.memory_space<vmem>> -> memref<1x128x128xf32, #tpu.memory_space<vmem>>
      %dma_start3A_159 = tpu.memref_squeeze %dma_start3A_158 : memref<1x128x128xf32, #tpu.memory_space<vmem>> -> memref<128x128xf32, #tpu.memory_space<vmem>>
      %dma_start3A_160 = arith.constant 0 : i32
      %dma_start3A_161 = tpu.memref_slice %arg6[%arg0, %add3A_140, %dma_start3A_160] : memref<2x10240x128xf32, #tpu.memory_space<hbm>> -> memref<1x128x128xf32, #tpu.memory_space<hbm>>
      %dma_start3A_162 = tpu.memref_squeeze %dma_start3A_161 : memref<1x128x128xf32, #tpu.memory_space<hbm>> -> memref<128x128xf32, #tpu.memory_space<hbm>>
      %dma_start3A_163 = arith.constant 0 : i32
      %dma_start3A_164 = tpu.memref_slice %arg6[%arg0, %add3A_140, %dma_start3A_163] : memref<2x10240x128xf32, #tpu.memory_space<hbm>> -> memref<1x128x128xf32, #tpu.memory_space<hbm>>
      %dma_start3A_165 = tpu.memref_squeeze %dma_start3A_164 : memref<1x128x128xf32, #tpu.memory_space<hbm>> -> memref<128x128xf32, #tpu.memory_space<hbm>>
      %dma_start3A_166 = arith.constant 0 : i32
      %dma_start3A_167 = arith.constant 0 : i32
      %dma_start3A_168 = tpu.memref_slice %arg9[%run_scoped3A_142, %dma_start3A_166, %dma_start3A_167] : memref<2x128x128xf32, #tpu.memory_space<vmem>> -> memref<1x128x128xf32, #tpu.memory_space<vmem>>
      %dma_start3A_169 = tpu.memref_squeeze %dma_start3A_168 : memref<1x128x128xf32, #tpu.memory_space<vmem>> -> memref<128x128xf32, #tpu.memory_space<vmem>>
      tpu.enqueue_dma source(%dma_start3A_169 : memref<128x128xf32, #tpu.memory_space<vmem>>) target(%dma_start3A_165 : memref<128x128xf32, #tpu.memory_space<hbm>>) target_semaphore(%run_scoped3A_155 : memref<!tpu.dma_semaphore, #tpu.memory_space<semaphore_mem>>)
      %dma_wait3A_170 = arith.constant 0 : i32
      %dma_wait3A_171 = arith.constant 0 : i32
      %dma_wait3A_172 = tpu.memref_slice %arg9[%run_scoped3A_142, %dma_wait3A_170, %dma_wait3A_171] : memref<2x128x128xf32, #tpu.memory_space<vmem>> -> memref<1x128x128xf32, #tpu.memory_space<vmem>>
      %dma_wait3A_173 = tpu.memref_squeeze %dma_wait3A_172 : memref<1x128x128xf32, #tpu.memory_space<vmem>> -> memref<128x128xf32, #tpu.memory_space<vmem>>
      %dma_wait3A_174 = arith.constant 0 : i32
      %dma_wait3A_175 = tpu.memref_slice %arg6[%arg0, %add3A_140, %dma_wait3A_174] : memref<2x10240x128xf32, #tpu.memory_space<hbm>> -> memref<1x128x128xf32, #tpu.memory_space<hbm>>
      %dma_wait3A_176 = tpu.memref_squeeze %dma_wait3A_175 : memref<1x128x128xf32, #tpu.memory_space<hbm>> -> memref<128x128xf32, #tpu.memory_space<hbm>>
      %dma_wait3A_177 = arith.constant 0 : i32
      %dma_wait3A_178 = tpu.memref_slice %arg6[%arg0, %add3A_140, %dma_wait3A_177] : memref<2x10240x128xf32, #tpu.memory_space<hbm>> -> memref<1x128x128xf32, #tpu.memory_space<hbm>>
      %dma_wait3A_179 = tpu.memref_squeeze %dma_wait3A_178 : memref<1x128x128xf32, #tpu.memory_space<hbm>> -> memref<128x128xf32, #tpu.memory_space<hbm>>
      %dma_wait3A_180 = arith.constant 0 : i32
      %dma_wait3A_181 = arith.constant 0 : i32
      %dma_wait3A_182 = tpu.memref_slice %arg9[%run_scoped3A_142, %dma_wait3A_180, %dma_wait3A_181] : memref<2x128x128xf32, #tpu.memory_space<vmem>> -> memref<1x128x128xf32, #tpu.memory_space<vmem>>
      %dma_wait3A_183 = tpu.memref_squeeze %dma_wait3A_182 : memref<1x128x128xf32, #tpu.memory_space<vmem>> -> memref<128x128xf32, #tpu.memory_space<vmem>>
      tpu.wait_dma2 semaphore(%run_scoped3A_155 : memref<!tpu.dma_semaphore, #tpu.memory_space<semaphore_mem>>) src(%dma_wait3A_183 : memref<128x128xf32, #tpu.memory_space<vmem>>) dst(%dma_wait3A_179 : memref<128x128xf32, #tpu.memory_space<hbm>>)
      tpu.yield
    }) : () -> ()
    %mul3A_143 = arith.constant 640 : i32
    %mul3A_144 = arith.muli %arg1, %mul3A_143 : i32
    %add3A_145 = arith.constant 384 : i32
    %add3A_146 = arith.addi %mul3A_144, %add3A_145 : i32
    %run_scoped3A_147 = arith.constant 0 : i32
    "tpu.region"() ({
      %run_scoped3A_155 = tpu.sem_alloc : memref<!tpu.dma_semaphore, #tpu.memory_space<semaphore_mem>>
      %dma_start3A_156 = arith.constant 0 : i32
      %dma_start3A_157 = arith.constant 0 : i32
      %dma_start3A_158 = tpu.memref_slice %arg9[%run_scoped3A_147, %dma_start3A_156, %dma_start3A_157] : memref<2x128x128xf32, #tpu.memory_space<vmem>> -> memref<1x128x128xf32, #tpu.memory_space<vmem>>
      %dma_start3A_159 = tpu.memref_squeeze %dma_start3A_158 : memref<1x128x128xf32, #tpu.memory_space<vmem>> -> memref<128x128xf32, #tpu.memory_space<vmem>>
      %dma_start3A_160 = arith.constant 0 : i32
      %dma_start3A_161 = tpu.memref_slice %arg10[%add3A_146, %dma_start3A_160] : memref<10240x128xf32, #tpu.memory_space<vmem_shared>> -> memref<128x128xf32, #tpu.memory_space<vmem_shared>>
      %dma_start3A_162 = arith.constant 0 : i32
      %dma_start3A_163 = arith.constant 0 : i32
      %dma_start3A_164 = tpu.memref_slice %arg9[%run_scoped3A_147, %dma_start3A_162, %dma_start3A_163] : memref<2x128x128xf32, #tpu.memory_space<vmem>> -> memref<1x128x128xf32, #tpu.memory_space<vmem>>
      %dma_start3A_165 = tpu.memref_squeeze %dma_start3A_164 : memref<1x128x128xf32, #tpu.memory_space<vmem>> -> memref<128x128xf32, #tpu.memory_space<vmem>>
      %dma_start3A_166 = arith.constant 0 : i32
      %dma_start3A_167 = tpu.memref_slice %arg10[%add3A_146, %dma_start3A_166] : memref<10240x128xf32, #tpu.memory_space<vmem_shared>> -> memref<128x128xf32, #tpu.memory_space<vmem_shared>>
      tpu.enqueue_dma source(%dma_start3A_167 : memref<128x128xf32, #tpu.memory_space<vmem_shared>>) target(%dma_start3A_165 : memref<128x128xf32, #tpu.memory_space<vmem>>) target_semaphore(%run_scoped3A_155 : memref<!tpu.dma_semaphore, #tpu.memory_space<semaphore_mem>>)
      %dma_wait3A_168 = arith.constant 0 : i32
      %dma_wait3A_169 = arith.constant 0 : i32
      %dma_wait3A_170 = tpu.memref_slice %arg9[%run_scoped3A_147, %dma_wait3A_168, %dma_wait3A_169] : memref<2x128x128xf32, #tpu.memory_space<vmem>> -> memref<1x128x128xf32, #tpu.memory_space<vmem>>
      %dma_wait3A_171 = tpu.memref_squeeze %dma_wait3A_170 : memref<1x128x128xf32, #tpu.memory_space<vmem>> -> memref<128x128xf32, #tpu.memory_space<vmem>>
      %dma_wait3A_172 = arith.constant 0 : i32
      %dma_wait3A_173 = tpu.memref_slice %arg10[%add3A_146, %dma_wait3A_172] : memref<10240x128xf32, #tpu.memory_space<vmem_shared>> -> memref<128x128xf32, #tpu.memory_space<vmem_shared>>
      %dma_wait3A_174 = arith.constant 0 : i32
      %dma_wait3A_175 = arith.constant 0 : i32
      %dma_wait3A_176 = tpu.memref_slice %arg9[%run_scoped3A_147, %dma_wait3A_174, %dma_wait3A_175] : memref<2x128x128xf32, #tpu.memory_space<vmem>> -> memref<1x128x128xf32, #tpu.memory_space<vmem>>
      %dma_wait3A_177 = tpu.memref_squeeze %dma_wait3A_176 : memref<1x128x128xf32, #tpu.memory_space<vmem>> -> memref<128x128xf32, #tpu.memory_space<vmem>>
      %dma_wait3A_178 = arith.constant 0 : i32
      %dma_wait3A_179 = tpu.memref_slice %arg10[%add3A_146, %dma_wait3A_178] : memref<10240x128xf32, #tpu.memory_space<vmem_shared>> -> memref<128x128xf32, #tpu.memory_space<vmem_shared>>
      tpu.wait_dma2 semaphore(%run_scoped3A_155 : memref<!tpu.dma_semaphore, #tpu.memory_space<semaphore_mem>>) src(%dma_wait3A_179 : memref<128x128xf32, #tpu.memory_space<vmem_shared>>) dst(%dma_wait3A_177 : memref<128x128xf32, #tpu.memory_space<vmem>>)
      tpu.yield
    }) : () -> ()
    %run_scoped3A_148 = arith.constant 0 : i32
    "tpu.region"() ({
      %run_scoped3A_155 = tpu.sem_alloc : memref<!tpu.dma_semaphore, #tpu.memory_space<semaphore_mem>>
      %dma_start3A_156 = arith.constant 0 : i32
      %dma_start3A_157 = arith.constant 0 : i32
      %dma_start3A_158 = tpu.memref_slice %arg9[%run_scoped3A_148, %dma_start3A_156, %dma_start3A_157] : memref<2x128x128xf32, #tpu.memory_space<vmem>> -> memref<1x128x128xf32, #tpu.memory_space<vmem>>
      %dma_start3A_159 = tpu.memref_squeeze %dma_start3A_158 : memref<1x128x128xf32, #tpu.memory_space<vmem>> -> memref<128x128xf32, #tpu.memory_space<vmem>>
      %dma_start3A_160 = arith.constant 0 : i32
      %dma_start3A_161 = tpu.memref_slice %arg6[%arg0, %add3A_146, %dma_start3A_160] : memref<2x10240x128xf32, #tpu.memory_space<hbm>> -> memref<1x128x128xf32, #tpu.memory_space<hbm>>
      %dma_start3A_162 = tpu.memref_squeeze %dma_start3A_161 : memref<1x128x128xf32, #tpu.memory_space<hbm>> -> memref<128x128xf32, #tpu.memory_space<hbm>>
      %dma_start3A_163 = arith.constant 0 : i32
      %dma_start3A_164 = tpu.memref_slice %arg6[%arg0, %add3A_146, %dma_start3A_163] : memref<2x10240x128xf32, #tpu.memory_space<hbm>> -> memref<1x128x128xf32, #tpu.memory_space<hbm>>
      %dma_start3A_165 = tpu.memref_squeeze %dma_start3A_164 : memref<1x128x128xf32, #tpu.memory_space<hbm>> -> memref<128x128xf32, #tpu.memory_space<hbm>>
      %dma_start3A_166 = arith.constant 0 : i32
      %dma_start3A_167 = arith.constant 0 : i32
      %dma_start3A_168 = tpu.memref_slice %arg9[%run_scoped3A_148, %dma_start3A_166, %dma_start3A_167] : memref<2x128x128xf32, #tpu.memory_space<vmem>> -> memref<1x128x128xf32, #tpu.memory_space<vmem>>
      %dma_start3A_169 = tpu.memref_squeeze %dma_start3A_168 : memref<1x128x128xf32, #tpu.memory_space<vmem>> -> memref<128x128xf32, #tpu.memory_space<vmem>>
      tpu.enqueue_dma source(%dma_start3A_169 : memref<128x128xf32, #tpu.memory_space<vmem>>) target(%dma_start3A_165 : memref<128x128xf32, #tpu.memory_space<hbm>>) target_semaphore(%run_scoped3A_155 : memref<!tpu.dma_semaphore, #tpu.memory_space<semaphore_mem>>)
      %dma_wait3A_170 = arith.constant 0 : i32
      %dma_wait3A_171 = arith.constant 0 : i32
      %dma_wait3A_172 = tpu.memref_slice %arg9[%run_scoped3A_148, %dma_wait3A_170, %dma_wait3A_171] : memref<2x128x128xf32, #tpu.memory_space<vmem>> -> memref<1x128x128xf32, #tpu.memory_space<vmem>>
      %dma_wait3A_173 = tpu.memref_squeeze %dma_wait3A_172 : memref<1x128x128xf32, #tpu.memory_space<vmem>> -> memref<128x128xf32, #tpu.memory_space<vmem>>
      %dma_wait3A_174 = arith.constant 0 : i32
      %dma_wait3A_175 = tpu.memref_slice %arg6[%arg0, %add3A_146, %dma_wait3A_174] : memref<2x10240x128xf32, #tpu.memory_space<hbm>> -> memref<1x128x128xf32, #tpu.memory_space<hbm>>
      %dma_wait3A_176 = tpu.memref_squeeze %dma_wait3A_175 : memref<1x128x128xf32, #tpu.memory_space<hbm>> -> memref<128x128xf32, #tpu.memory_space<hbm>>
      %dma_wait3A_177 = arith.constant 0 : i32
      %dma_wait3A_178 = tpu.memref_slice %arg6[%arg0, %add3A_146, %dma_wait3A_177] : memref<2x10240x128xf32, #tpu.memory_space<hbm>> -> memref<1x128x128xf32, #tpu.memory_space<hbm>>
      %dma_wait3A_179 = tpu.memref_squeeze %dma_wait3A_178 : memref<1x128x128xf32, #tpu.memory_space<hbm>> -> memref<128x128xf32, #tpu.memory_space<hbm>>
      %dma_wait3A_180 = arith.constant 0 : i32
      %dma_wait3A_181 = arith.constant 0 : i32
      %dma_wait3A_182 = tpu.memref_slice %arg9[%run_scoped3A_148, %dma_wait3A_180, %dma_wait3A_181] : memref<2x128x128xf32, #tpu.memory_space<vmem>> -> memref<1x128x128xf32, #tpu.memory_space<vmem>>
      %dma_wait3A_183 = tpu.memref_squeeze %dma_wait3A_182 : memref<1x128x128xf32, #tpu.memory_space<vmem>> -> memref<128x128xf32, #tpu.memory_space<vmem>>
      tpu.wait_dma2 semaphore(%run_scoped3A_155 : memref<!tpu.dma_semaphore, #tpu.memory_space<semaphore_mem>>) src(%dma_wait3A_183 : memref<128x128xf32, #tpu.memory_space<vmem>>) dst(%dma_wait3A_179 : memref<128x128xf32, #tpu.memory_space<hbm>>)
      tpu.yield
    }) : () -> ()
    %mul3A_149 = arith.constant 640 : i32
    %mul3A_150 = arith.muli %arg1, %mul3A_149 : i32
    %add3A_151 = arith.constant 512 : i32
    %add3A_152 = arith.addi %mul3A_150, %add3A_151 : i32
    %run_scoped3A_153 = arith.constant 0 : i32
    "tpu.region"() ({
      %run_scoped3A_155 = tpu.sem_alloc : memref<!tpu.dma_semaphore, #tpu.memory_space<semaphore_mem>>
      %dma_start3A_156 = arith.constant 0 : i32
      %dma_start3A_157 = arith.constant 0 : i32
      %dma_start3A_158 = tpu.memref_slice %arg9[%run_scoped3A_153, %dma_start3A_156, %dma_start3A_157] : memref<2x128x128xf32, #tpu.memory_space<vmem>> -> memref<1x128x128xf32, #tpu.memory_space<vmem>>
      %dma_start3A_159 = tpu.memref_squeeze %dma_start3A_158 : memref<1x128x128xf32, #tpu.memory_space<vmem>> -> memref<128x128xf32, #tpu.memory_space<vmem>>
      %dma_start3A_160 = arith.constant 0 : i32
      %dma_start3A_161 = tpu.memref_slice %arg10[%add3A_152, %dma_start3A_160] : memref<10240x128xf32, #tpu.memory_space<vmem_shared>> -> memref<128x128xf32, #tpu.memory_space<vmem_shared>>
      %dma_start3A_162 = arith.constant 0 : i32
      %dma_start3A_163 = arith.constant 0 : i32
      %dma_start3A_164 = tpu.memref_slice %arg9[%run_scoped3A_153, %dma_start3A_162, %dma_start3A_163] : memref<2x128x128xf32, #tpu.memory_space<vmem>> -> memref<1x128x128xf32, #tpu.memory_space<vmem>>
      %dma_start3A_165 = tpu.memref_squeeze %dma_start3A_164 : memref<1x128x128xf32, #tpu.memory_space<vmem>> -> memref<128x128xf32, #tpu.memory_space<vmem>>
      %dma_start3A_166 = arith.constant 0 : i32
      %dma_start3A_167 = tpu.memref_slice %arg10[%add3A_152, %dma_start3A_166] : memref<10240x128xf32, #tpu.memory_space<vmem_shared>> -> memref<128x128xf32, #tpu.memory_space<vmem_shared>>
      tpu.enqueue_dma source(%dma_start3A_167 : memref<128x128xf32, #tpu.memory_space<vmem_shared>>) target(%dma_start3A_165 : memref<128x128xf32, #tpu.memory_space<vmem>>) target_semaphore(%run_scoped3A_155 : memref<!tpu.dma_semaphore, #tpu.memory_space<semaphore_mem>>)
      %dma_wait3A_168 = arith.constant 0 : i32
      %dma_wait3A_169 = arith.constant 0 : i32
      %dma_wait3A_170 = tpu.memref_slice %arg9[%run_scoped3A_153, %dma_wait3A_168, %dma_wait3A_169] : memref<2x128x128xf32, #tpu.memory_space<vmem>> -> memref<1x128x128xf32, #tpu.memory_space<vmem>>
      %dma_wait3A_171 = tpu.memref_squeeze %dma_wait3A_170 : memref<1x128x128xf32, #tpu.memory_space<vmem>> -> memref<128x128xf32, #tpu.memory_space<vmem>>
      %dma_wait3A_172 = arith.constant 0 : i32
      %dma_wait3A_173 = tpu.memref_slice %arg10[%add3A_152, %dma_wait3A_172] : memref<10240x128xf32, #tpu.memory_space<vmem_shared>> -> memref<128x128xf32, #tpu.memory_space<vmem_shared>>
      %dma_wait3A_174 = arith.constant 0 : i32
      %dma_wait3A_175 = arith.constant 0 : i32
      %dma_wait3A_176 = tpu.memref_slice %arg9[%run_scoped3A_153, %dma_wait3A_174, %dma_wait3A_175] : memref<2x128x128xf32, #tpu.memory_space<vmem>> -> memref<1x128x128xf32, #tpu.memory_space<vmem>>
      %dma_wait3A_177 = tpu.memref_squeeze %dma_wait3A_176 : memref<1x128x128xf32, #tpu.memory_space<vmem>> -> memref<128x128xf32, #tpu.memory_space<vmem>>
      %dma_wait3A_178 = arith.constant 0 : i32
      %dma_wait3A_179 = tpu.memref_slice %arg10[%add3A_152, %dma_wait3A_178] : memref<10240x128xf32, #tpu.memory_space<vmem_shared>> -> memref<128x128xf32, #tpu.memory_space<vmem_shared>>
      tpu.wait_dma2 semaphore(%run_scoped3A_155 : memref<!tpu.dma_semaphore, #tpu.memory_space<semaphore_mem>>) src(%dma_wait3A_179 : memref<128x128xf32, #tpu.memory_space<vmem_shared>>) dst(%dma_wait3A_177 : memref<128x128xf32, #tpu.memory_space<vmem>>)
      tpu.yield
    }) : () -> ()
    %run_scoped3A_154 = arith.constant 0 : i32
    "tpu.region"() ({
      %run_scoped3A_155 = tpu.sem_alloc : memref<!tpu.dma_semaphore, #tpu.memory_space<semaphore_mem>>
      %dma_start3A_156 = arith.constant 0 : i32
      %dma_start3A_157 = arith.constant 0 : i32
      %dma_start3A_158 = tpu.memref_slice %arg9[%run_scoped3A_154, %dma_start3A_156, %dma_start3A_157] : memref<2x128x128xf32, #tpu.memory_space<vmem>> -> memref<1x128x128xf32, #tpu.memory_space<vmem>>
      %dma_start3A_159 = tpu.memref_squeeze %dma_start3A_158 : memref<1x128x128xf32, #tpu.memory_space<vmem>> -> memref<128x128xf32, #tpu.memory_space<vmem>>
      %dma_start3A_160 = arith.constant 0 : i32
      %dma_start3A_161 = tpu.memref_slice %arg6[%arg0, %add3A_152, %dma_start3A_160] : memref<2x10240x128xf32, #tpu.memory_space<hbm>> -> memref<1x128x128xf32, #tpu.memory_space<hbm>>
      %dma_start3A_162 = tpu.memref_squeeze %dma_start3A_161 : memref<1x128x128xf32, #tpu.memory_space<hbm>> -> memref<128x128xf32, #tpu.memory_space<hbm>>
      %dma_start3A_163 = arith.constant 0 : i32
      %dma_start3A_164 = tpu.memref_slice %arg6[%arg0, %add3A_152, %dma_start3A_163] : memref<2x10240x128xf32, #tpu.memory_space<hbm>> -> memref<1x128x128xf32, #tpu.memory_space<hbm>>
      %dma_start3A_165 = tpu.memref_squeeze %dma_start3A_164 : memref<1x128x128xf32, #tpu.memory_space<hbm>> -> memref<128x128xf32, #tpu.memory_space<hbm>>
      %dma_start3A_166 = arith.constant 0 : i32
      %dma_start3A_167 = arith.constant 0 : i32
      %dma_start3A_168 = tpu.memref_slice %arg9[%run_scoped3A_154, %dma_start3A_166, %dma_start3A_167] : memref<2x128x128xf32, #tpu.memory_space<vmem>> -> memref<1x128x128xf32, #tpu.memory_space<vmem>>
      %dma_start3A_169 = tpu.memref_squeeze %dma_start3A_168 : memref<1x128x128xf32, #tpu.memory_space<vmem>> -> memref<128x128xf32, #tpu.memory_space<vmem>>
      tpu.enqueue_dma source(%dma_start3A_169 : memref<128x128xf32, #tpu.memory_space<vmem>>) target(%dma_start3A_165 : memref<128x128xf32, #tpu.memory_space<hbm>>) target_semaphore(%run_scoped3A_155 : memref<!tpu.dma_semaphore, #tpu.memory_space<semaphore_mem>>)
      %dma_wait3A_170 = arith.constant 0 : i32
      %dma_wait3A_171 = arith.constant 0 : i32
      %dma_wait3A_172 = tpu.memref_slice %arg9[%run_scoped3A_154, %dma_wait3A_170, %dma_wait3A_171] : memref<2x128x128xf32, #tpu.memory_space<vmem>> -> memref<1x128x128xf32, #tpu.memory_space<vmem>>
      %dma_wait3A_173 = tpu.memref_squeeze %dma_wait3A_172 : memref<1x128x128xf32, #tpu.memory_space<vmem>> -> memref<128x128xf32, #tpu.memory_space<vmem>>
      %dma_wait3A_174 = arith.constant 0 : i32
      %dma_wait3A_175 = tpu.memref_slice %arg6[%arg0, %add3A_152, %dma_wait3A_174] : memref<2x10240x128xf32, #tpu.memory_space<hbm>> -> memref<1x128x128xf32, #tpu.memory_space<hbm>>
      %dma_wait3A_176 = tpu.memref_squeeze %dma_wait3A_175 : memref<1x128x128xf32, #tpu.memory_space<hbm>> -> memref<128x128xf32, #tpu.memory_space<hbm>>
      %dma_wait3A_177 = arith.constant 0 : i32
      %dma_wait3A_178 = tpu.memref_slice %arg6[%arg0, %add3A_152, %dma_wait3A_177] : memref<2x10240x128xf32, #tpu.memory_space<hbm>> -> memref<1x128x128xf32, #tpu.memory_space<hbm>>
      %dma_wait3A_179 = tpu.memref_squeeze %dma_wait3A_178 : memref<1x128x128xf32, #tpu.memory_space<hbm>> -> memref<128x128xf32, #tpu.memory_space<hbm>>
      %dma_wait3A_180 = arith.constant 0 : i32
      %dma_wait3A_181 = arith.constant 0 : i32
      %dma_wait3A_182 = tpu.memref_slice %arg9[%run_scoped3A_154, %dma_wait3A_180, %dma_wait3A_181] : memref<2x128x128xf32, #tpu.memory_space<vmem>> -> memref<1x128x128xf32, #tpu.memory_space<vmem>>
      %dma_wait3A_183 = tpu.memref_squeeze %dma_wait3A_182 : memref<1x128x128xf32, #tpu.memory_space<vmem>> -> memref<128x128xf32, #tpu.memory_space<vmem>>
      tpu.wait_dma2 semaphore(%run_scoped3A_155 : memref<!tpu.dma_semaphore, #tpu.memory_space<semaphore_mem>>) src(%dma_wait3A_183 : memref<128x128xf32, #tpu.memory_space<vmem>>) dst(%dma_wait3A_179 : memref<128x128xf32, #tpu.memory_space<hbm>>)
      tpu.yield
    }) : () -> ()
    return
  }
}

#map = affine_map<(d0, d1) -> (0, 0)>
#map1 = affine_map<(d0, d1) -> (0, 0, 0)>
module attributes {stable_mosaic.version = 14 : i64} {
  func.func @_spmm_k(%arg0: i32, %arg1: i32, %arg2: memref<10000x128xf32, #tpu.memory_space<hbm>>, %arg3: memref<32x80x128xi32, #tpu.memory_space<hbm>>, %arg4: memref<32x80x128xi32, #tpu.memory_space<hbm>>, %arg5: memref<128x128xf32, #tpu.memory_space<hbm>>, %arg6: memref<2x10240x128xf32, #tpu.memory_space<hbm>>, %arg7: memref<80x128xi32, #tpu.memory_space<vmem>>, %arg8: memref<2x128xi32, #tpu.memory_space<vmem>>, %arg9: memref<2x128x128xf32, #tpu.memory_space<vmem>>, %arg10: memref<10240x128xf32, #tpu.memory_space<vmem_shared>>, %arg11: memref<!tpu.dma_semaphore, #tpu.memory_space<semaphore_mem>>, %arg12: memref<!tpu.dma_semaphore, #tpu.memory_space<semaphore_mem>>, %arg13: memref<!tpu.dma_semaphore, #tpu.memory_space<semaphore_mem>>, %arg14: memref<!tpu.dma_semaphore, #tpu.memory_space<semaphore_mem>>, %arg15: memref<!tpu.dma_semaphore, #tpu.memory_space<semaphore_mem>>) attributes {dimension_semantics = [#tpu.dimension_semantics<core_parallel>, #tpu.dimension_semantics<subcore_parallel>], iteration_bounds = array<i64: 2, 16>, scalar_prefetch = 0 : i64, scratch_operands = 9 : i64, tpu.core_type = #tpu.core_type<sc_vector_subcore>, window_params = [{transform_indices = #map}, {transform_indices = #map1}, {transform_indices = #map1}, {transform_indices = #map}, {transform_indices = #map1}]} {
    %mul3A = arith.constant 16 : i32
    %mul3A_0 = arith.muli %arg0, %mul3A : i32
    %add3A = arith.addi %mul3A_0, %arg1 : i32
    %dma_start3A = arith.constant 0 : i32
    %dma_start3A_1 = arith.constant 0 : i32
    %dma_start3A_2 = tpu.memref_slice %arg4[%add3A, %dma_start3A, %dma_start3A_1] : memref<32x80x128xi32, #tpu.memory_space<hbm>> -> memref<1x80x128xi32, #tpu.memory_space<hbm>>
    %dma_start3A_3 = tpu.memref_squeeze %dma_start3A_2 : memref<1x80x128xi32, #tpu.memory_space<hbm>> -> memref<80x128xi32, #tpu.memory_space<hbm>>
    %dma_start3A_4 = arith.constant 0 : i32
    %dma_start3A_5 = arith.constant 0 : i32
    %dma_start3A_6 = tpu.memref_slice %arg4[%add3A, %dma_start3A_4, %dma_start3A_5] : memref<32x80x128xi32, #tpu.memory_space<hbm>> -> memref<1x80x128xi32, #tpu.memory_space<hbm>>
    %dma_start3A_7 = tpu.memref_squeeze %dma_start3A_6 : memref<1x80x128xi32, #tpu.memory_space<hbm>> -> memref<80x128xi32, #tpu.memory_space<hbm>>
    tpu.enqueue_dma source(%dma_start3A_7 : memref<80x128xi32, #tpu.memory_space<hbm>>) target(%arg7 : memref<80x128xi32, #tpu.memory_space<vmem>>) target_semaphore(%arg15 : memref<!tpu.dma_semaphore, #tpu.memory_space<semaphore_mem>>)
    %run_scoped3A = arith.constant 0 : i32
    "tpu.region"() ({
      %run_scoped3A_155 = tpu.sem_alloc : memref<!tpu.dma_semaphore, #tpu.memory_space<semaphore_mem>>
      %dma_start3A_156 = arith.constant 0 : i32
      %dma_start3A_157 = arith.constant 0 : i32
      %dma_start3A_158 = tpu.memref_slice %arg9[%run_scoped3A, %dma_start3A_156, %dma_start3A_157] : memref<2x128x128xf32, #tpu.memory_space<vmem>> -> memref<1x128x128xf32, #tpu.memory_space<vmem>>
      %dma_start3A_159 = tpu.memref_squeeze %dma_start3A_158 : memref<1x128x128xf32, #tpu.memory_space<vmem>> -> memref<128x128xf32, #tpu.memory_space<vmem>>
      %dma_start3A_160 = arith.constant 0 : i32
      %dma_start3A_161 = arith.constant 0 : i32
      %dma_start3A_162 = tpu.memref_slice %arg9[%run_scoped3A, %dma_start3A_160, %dma_start3A_161] : memref<2x128x128xf32, #tpu.memory_space<vmem>> -> memref<1x128x128xf32, #tpu.memory_space<vmem>>
      %dma_start3A_163 = tpu.memref_squeeze %dma_start3A_162 : memref<1x128x128xf32, #tpu.memory_space<vmem>> -> memref<128x128xf32, #tpu.memory_space<vmem>>
      tpu.enqueue_dma source(%arg5 : memref<128x128xf32, #tpu.memory_space<hbm>>) target(%dma_start3A_163 : memref<128x128xf32, #tpu.memory_space<vmem>>) target_semaphore(%run_scoped3A_155 : memref<!tpu.dma_semaphore, #tpu.memory_space<semaphore_mem>>)
      %dma_wait3A_164 = arith.constant 0 : i32
      %dma_wait3A_165 = arith.constant 0 : i32
      %dma_wait3A_166 = tpu.memref_slice %arg9[%run_scoped3A, %dma_wait3A_164, %dma_wait3A_165] : memref<2x128x128xf32, #tpu.memory_space<vmem>> -> memref<1x128x128xf32, #tpu.memory_space<vmem>>
      %dma_wait3A_167 = tpu.memref_squeeze %dma_wait3A_166 : memref<1x128x128xf32, #tpu.memory_space<vmem>> -> memref<128x128xf32, #tpu.memory_space<vmem>>
      %dma_wait3A_168 = arith.constant 0 : i32
      %dma_wait3A_169 = arith.constant 0 : i32
      %dma_wait3A_170 = tpu.memref_slice %arg9[%run_scoped3A, %dma_wait3A_168, %dma_wait3A_169] : memref<2x128x128xf32, #tpu.memory_space<vmem>> -> memref<1x128x128xf32, #tpu.memory_space<vmem>>
      %dma_wait3A_171 = tpu.memref_squeeze %dma_wait3A_170 : memref<1x128x128xf32, #tpu.memory_space<vmem>> -> memref<128x128xf32, #tpu.memory_space<vmem>>
      tpu.wait_dma2 semaphore(%run_scoped3A_155 : memref<!tpu.dma_semaphore, #tpu.memory_space<semaphore_mem>>) src(%arg5 : memref<128x128xf32, #tpu.memory_space<hbm>>) dst(%dma_wait3A_171 : memref<128x128xf32, #tpu.memory_space<vmem>>)
      tpu.yield
    }) : () -> ()
    %mul3A_8 = arith.constant 640 : i32
    %mul3A_9 = arith.muli %arg1, %mul3A_8 : i32
    %add3A_10 = arith.constant 0 : i32
    %add3A_11 = arith.addi %mul3A_9, %add3A_10 : i32
    %run_scoped3A_12 = arith.constant 0 : i32
    "tpu.region"() ({
      %run_scoped3A_155 = tpu.sem_alloc : memref<!tpu.dma_semaphore, #tpu.memory_space<semaphore_mem>>
      %dma_start3A_156 = arith.constant 0 : i32
      %dma_start3A_157 = arith.constant 0 : i32
      %dma_start3A_158 = tpu.memref_slice %arg9[%run_scoped3A_12, %dma_start3A_156, %dma_start3A_157] : memref<2x128x128xf32, #tpu.memory_space<vmem>> -> memref<1x128x128xf32, #tpu.memory_space<vmem>>
      %dma_start3A_159 = tpu.memref_squeeze %dma_start3A_158 : memref<1x128x128xf32, #tpu.memory_space<vmem>> -> memref<128x128xf32, #tpu.memory_space<vmem>>
      %dma_start3A_160 = arith.constant 0 : i32
      %dma_start3A_161 = tpu.memref_slice %arg10[%add3A_11, %dma_start3A_160] : memref<10240x128xf32, #tpu.memory_space<vmem_shared>> -> memref<128x128xf32, #tpu.memory_space<vmem_shared>>
      %dma_start3A_162 = arith.constant 0 : i32
      %dma_start3A_163 = tpu.memref_slice %arg10[%add3A_11, %dma_start3A_162] : memref<10240x128xf32, #tpu.memory_space<vmem_shared>> -> memref<128x128xf32, #tpu.memory_space<vmem_shared>>
      %dma_start3A_164 = arith.constant 0 : i32
      %dma_start3A_165 = arith.constant 0 : i32
      %dma_start3A_166 = tpu.memref_slice %arg9[%run_scoped3A_12, %dma_start3A_164, %dma_start3A_165] : memref<2x128x128xf32, #tpu.memory_space<vmem>> -> memref<1x128x128xf32, #tpu.memory_space<vmem>>
      %dma_start3A_167 = tpu.memref_squeeze %dma_start3A_166 : memref<1x128x128xf32, #tpu.memory_space<vmem>> -> memref<128x128xf32, #tpu.memory_space<vmem>>
      tpu.enqueue_dma source(%dma_start3A_167 : memref<128x128xf32, #tpu.memory_space<vmem>>) target(%dma_start3A_163 : memref<128x128xf32, #tpu.memory_space<vmem_shared>>) target_semaphore(%run_scoped3A_155 : memref<!tpu.dma_semaphore, #tpu.memory_space<semaphore_mem>>)
      %dma_wait3A_168 = arith.constant 0 : i32
      %dma_wait3A_169 = arith.constant 0 : i32
      %dma_wait3A_170 = tpu.memref_slice %arg9[%run_scoped3A_12, %dma_wait3A_168, %dma_wait3A_169] : memref<2x128x128xf32, #tpu.memory_space<vmem>> -> memref<1x128x128xf32, #tpu.memory_space<vmem>>
      %dma_wait3A_171 = tpu.memref_squeeze %dma_wait3A_170 : memref<1x128x128xf32, #tpu.memory_space<vmem>> -> memref<128x128xf32, #tpu.memory_space<vmem>>
      %dma_wait3A_172 = arith.constant 0 : i32
      %dma_wait3A_173 = tpu.memref_slice %arg10[%add3A_11, %dma_wait3A_172] : memref<10240x128xf32, #tpu.memory_space<vmem_shared>> -> memref<128x128xf32, #tpu.memory_space<vmem_shared>>
      %dma_wait3A_174 = arith.constant 0 : i32
      %dma_wait3A_175 = tpu.memref_slice %arg10[%add3A_11, %dma_wait3A_174] : memref<10240x128xf32, #tpu.memory_space<vmem_shared>> -> memref<128x128xf32, #tpu.memory_space<vmem_shared>>
      %dma_wait3A_176 = arith.constant 0 : i32
      %dma_wait3A_177 = arith.constant 0 : i32
      %dma_wait3A_178 = tpu.memref_slice %arg9[%run_scoped3A_12, %dma_wait3A_176, %dma_wait3A_177] : memref<2x128x128xf32, #tpu.memory_space<vmem>> -> memref<1x128x128xf32, #tpu.memory_space<vmem>>
      %dma_wait3A_179 = tpu.memref_squeeze %dma_wait3A_178 : memref<1x128x128xf32, #tpu.memory_space<vmem>> -> memref<128x128xf32, #tpu.memory_space<vmem>>
      tpu.wait_dma2 semaphore(%run_scoped3A_155 : memref<!tpu.dma_semaphore, #tpu.memory_space<semaphore_mem>>) src(%dma_wait3A_179 : memref<128x128xf32, #tpu.memory_space<vmem>>) dst(%dma_wait3A_175 : memref<128x128xf32, #tpu.memory_space<vmem_shared>>)
      tpu.yield
    }) : () -> ()
    %mul3A_13 = arith.constant 640 : i32
    %mul3A_14 = arith.muli %arg1, %mul3A_13 : i32
    %add3A_15 = arith.constant 128 : i32
    %add3A_16 = arith.addi %mul3A_14, %add3A_15 : i32
    %run_scoped3A_17 = arith.constant 0 : i32
    "tpu.region"() ({
      %run_scoped3A_155 = tpu.sem_alloc : memref<!tpu.dma_semaphore, #tpu.memory_space<semaphore_mem>>
      %dma_start3A_156 = arith.constant 0 : i32
      %dma_start3A_157 = arith.constant 0 : i32
      %dma_start3A_158 = tpu.memref_slice %arg9[%run_scoped3A_17, %dma_start3A_156, %dma_start3A_157] : memref<2x128x128xf32, #tpu.memory_space<vmem>> -> memref<1x128x128xf32, #tpu.memory_space<vmem>>
      %dma_start3A_159 = tpu.memref_squeeze %dma_start3A_158 : memref<1x128x128xf32, #tpu.memory_space<vmem>> -> memref<128x128xf32, #tpu.memory_space<vmem>>
      %dma_start3A_160 = arith.constant 0 : i32
      %dma_start3A_161 = tpu.memref_slice %arg10[%add3A_16, %dma_start3A_160] : memref<10240x128xf32, #tpu.memory_space<vmem_shared>> -> memref<128x128xf32, #tpu.memory_space<vmem_shared>>
      %dma_start3A_162 = arith.constant 0 : i32
      %dma_start3A_163 = tpu.memref_slice %arg10[%add3A_16, %dma_start3A_162] : memref<10240x128xf32, #tpu.memory_space<vmem_shared>> -> memref<128x128xf32, #tpu.memory_space<vmem_shared>>
      %dma_start3A_164 = arith.constant 0 : i32
      %dma_start3A_165 = arith.constant 0 : i32
      %dma_start3A_166 = tpu.memref_slice %arg9[%run_scoped3A_17, %dma_start3A_164, %dma_start3A_165] : memref<2x128x128xf32, #tpu.memory_space<vmem>> -> memref<1x128x128xf32, #tpu.memory_space<vmem>>
      %dma_start3A_167 = tpu.memref_squeeze %dma_start3A_166 : memref<1x128x128xf32, #tpu.memory_space<vmem>> -> memref<128x128xf32, #tpu.memory_space<vmem>>
      tpu.enqueue_dma source(%dma_start3A_167 : memref<128x128xf32, #tpu.memory_space<vmem>>) target(%dma_start3A_163 : memref<128x128xf32, #tpu.memory_space<vmem_shared>>) target_semaphore(%run_scoped3A_155 : memref<!tpu.dma_semaphore, #tpu.memory_space<semaphore_mem>>)
      %dma_wait3A_168 = arith.constant 0 : i32
      %dma_wait3A_169 = arith.constant 0 : i32
      %dma_wait3A_170 = tpu.memref_slice %arg9[%run_scoped3A_17, %dma_wait3A_168, %dma_wait3A_169] : memref<2x128x128xf32, #tpu.memory_space<vmem>> -> memref<1x128x128xf32, #tpu.memory_space<vmem>>
      %dma_wait3A_171 = tpu.memref_squeeze %dma_wait3A_170 : memref<1x128x128xf32, #tpu.memory_space<vmem>> -> memref<128x128xf32, #tpu.memory_space<vmem>>
      %dma_wait3A_172 = arith.constant 0 : i32
      %dma_wait3A_173 = tpu.memref_slice %arg10[%add3A_16, %dma_wait3A_172] : memref<10240x128xf32, #tpu.memory_space<vmem_shared>> -> memref<128x128xf32, #tpu.memory_space<vmem_shared>>
      %dma_wait3A_174 = arith.constant 0 : i32
      %dma_wait3A_175 = tpu.memref_slice %arg10[%add3A_16, %dma_wait3A_174] : memref<10240x128xf32, #tpu.memory_space<vmem_shared>> -> memref<128x128xf32, #tpu.memory_space<vmem_shared>>
      %dma_wait3A_176 = arith.constant 0 : i32
      %dma_wait3A_177 = arith.constant 0 : i32
      %dma_wait3A_178 = tpu.memref_slice %arg9[%run_scoped3A_17, %dma_wait3A_176, %dma_wait3A_177] : memref<2x128x128xf32, #tpu.memory_space<vmem>> -> memref<1x128x128xf32, #tpu.memory_space<vmem>>
      %dma_wait3A_179 = tpu.memref_squeeze %dma_wait3A_178 : memref<1x128x128xf32, #tpu.memory_space<vmem>> -> memref<128x128xf32, #tpu.memory_space<vmem>>
      tpu.wait_dma2 semaphore(%run_scoped3A_155 : memref<!tpu.dma_semaphore, #tpu.memory_space<semaphore_mem>>) src(%dma_wait3A_179 : memref<128x128xf32, #tpu.memory_space<vmem>>) dst(%dma_wait3A_175 : memref<128x128xf32, #tpu.memory_space<vmem_shared>>)
      tpu.yield
    }) : () -> ()
    %mul3A_18 = arith.constant 640 : i32
    %mul3A_19 = arith.muli %arg1, %mul3A_18 : i32
    %add3A_20 = arith.constant 256 : i32
    %add3A_21 = arith.addi %mul3A_19, %add3A_20 : i32
    %run_scoped3A_22 = arith.constant 0 : i32
    "tpu.region"() ({
      %run_scoped3A_155 = tpu.sem_alloc : memref<!tpu.dma_semaphore, #tpu.memory_space<semaphore_mem>>
      %dma_start3A_156 = arith.constant 0 : i32
      %dma_start3A_157 = arith.constant 0 : i32
      %dma_start3A_158 = tpu.memref_slice %arg9[%run_scoped3A_22, %dma_start3A_156, %dma_start3A_157] : memref<2x128x128xf32, #tpu.memory_space<vmem>> -> memref<1x128x128xf32, #tpu.memory_space<vmem>>
      %dma_start3A_159 = tpu.memref_squeeze %dma_start3A_158 : memref<1x128x128xf32, #tpu.memory_space<vmem>> -> memref<128x128xf32, #tpu.memory_space<vmem>>
      %dma_start3A_160 = arith.constant 0 : i32
      %dma_start3A_161 = tpu.memref_slice %arg10[%add3A_21, %dma_start3A_160] : memref<10240x128xf32, #tpu.memory_space<vmem_shared>> -> memref<128x128xf32, #tpu.memory_space<vmem_shared>>
      %dma_start3A_162 = arith.constant 0 : i32
      %dma_start3A_163 = tpu.memref_slice %arg10[%add3A_21, %dma_start3A_162] : memref<10240x128xf32, #tpu.memory_space<vmem_shared>> -> memref<128x128xf32, #tpu.memory_space<vmem_shared>>
      %dma_start3A_164 = arith.constant 0 : i32
      %dma_start3A_165 = arith.constant 0 : i32
      %dma_start3A_166 = tpu.memref_slice %arg9[%run_scoped3A_22, %dma_start3A_164, %dma_start3A_165] : memref<2x128x128xf32, #tpu.memory_space<vmem>> -> memref<1x128x128xf32, #tpu.memory_space<vmem>>
      %dma_start3A_167 = tpu.memref_squeeze %dma_start3A_166 : memref<1x128x128xf32, #tpu.memory_space<vmem>> -> memref<128x128xf32, #tpu.memory_space<vmem>>
      tpu.enqueue_dma source(%dma_start3A_167 : memref<128x128xf32, #tpu.memory_space<vmem>>) target(%dma_start3A_163 : memref<128x128xf32, #tpu.memory_space<vmem_shared>>) target_semaphore(%run_scoped3A_155 : memref<!tpu.dma_semaphore, #tpu.memory_space<semaphore_mem>>)
      %dma_wait3A_168 = arith.constant 0 : i32
      %dma_wait3A_169 = arith.constant 0 : i32
      %dma_wait3A_170 = tpu.memref_slice %arg9[%run_scoped3A_22, %dma_wait3A_168, %dma_wait3A_169] : memref<2x128x128xf32, #tpu.memory_space<vmem>> -> memref<1x128x128xf32, #tpu.memory_space<vmem>>
      %dma_wait3A_171 = tpu.memref_squeeze %dma_wait3A_170 : memref<1x128x128xf32, #tpu.memory_space<vmem>> -> memref<128x128xf32, #tpu.memory_space<vmem>>
      %dma_wait3A_172 = arith.constant 0 : i32
      %dma_wait3A_173 = tpu.memref_slice %arg10[%add3A_21, %dma_wait3A_172] : memref<10240x128xf32, #tpu.memory_space<vmem_shared>> -> memref<128x128xf32, #tpu.memory_space<vmem_shared>>
      %dma_wait3A_174 = arith.constant 0 : i32
      %dma_wait3A_175 = tpu.memref_slice %arg10[%add3A_21, %dma_wait3A_174] : memref<10240x128xf32, #tpu.memory_space<vmem_shared>> -> memref<128x128xf32, #tpu.memory_space<vmem_shared>>
      %dma_wait3A_176 = arith.constant 0 : i32
      %dma_wait3A_177 = arith.constant 0 : i32
      %dma_wait3A_178 = tpu.memref_slice %arg9[%run_scoped3A_22, %dma_wait3A_176, %dma_wait3A_177] : memref<2x128x128xf32, #tpu.memory_space<vmem>> -> memref<1x128x128xf32, #tpu.memory_space<vmem>>
      %dma_wait3A_179 = tpu.memref_squeeze %dma_wait3A_178 : memref<1x128x128xf32, #tpu.memory_space<vmem>> -> memref<128x128xf32, #tpu.memory_space<vmem>>
      tpu.wait_dma2 semaphore(%run_scoped3A_155 : memref<!tpu.dma_semaphore, #tpu.memory_space<semaphore_mem>>) src(%dma_wait3A_179 : memref<128x128xf32, #tpu.memory_space<vmem>>) dst(%dma_wait3A_175 : memref<128x128xf32, #tpu.memory_space<vmem_shared>>)
      tpu.yield
    }) : () -> ()
    %mul3A_23 = arith.constant 640 : i32
    %mul3A_24 = arith.muli %arg1, %mul3A_23 : i32
    %add3A_25 = arith.constant 384 : i32
    %add3A_26 = arith.addi %mul3A_24, %add3A_25 : i32
    %run_scoped3A_27 = arith.constant 0 : i32
    "tpu.region"() ({
      %run_scoped3A_155 = tpu.sem_alloc : memref<!tpu.dma_semaphore, #tpu.memory_space<semaphore_mem>>
      %dma_start3A_156 = arith.constant 0 : i32
      %dma_start3A_157 = arith.constant 0 : i32
      %dma_start3A_158 = tpu.memref_slice %arg9[%run_scoped3A_27, %dma_start3A_156, %dma_start3A_157] : memref<2x128x128xf32, #tpu.memory_space<vmem>> -> memref<1x128x128xf32, #tpu.memory_space<vmem>>
      %dma_start3A_159 = tpu.memref_squeeze %dma_start3A_158 : memref<1x128x128xf32, #tpu.memory_space<vmem>> -> memref<128x128xf32, #tpu.memory_space<vmem>>
      %dma_start3A_160 = arith.constant 0 : i32
      %dma_start3A_161 = tpu.memref_slice %arg10[%add3A_26, %dma_start3A_160] : memref<10240x128xf32, #tpu.memory_space<vmem_shared>> -> memref<128x128xf32, #tpu.memory_space<vmem_shared>>
      %dma_start3A_162 = arith.constant 0 : i32
      %dma_start3A_163 = tpu.memref_slice %arg10[%add3A_26, %dma_start3A_162] : memref<10240x128xf32, #tpu.memory_space<vmem_shared>> -> memref<128x128xf32, #tpu.memory_space<vmem_shared>>
      %dma_start3A_164 = arith.constant 0 : i32
      %dma_start3A_165 = arith.constant 0 : i32
      %dma_start3A_166 = tpu.memref_slice %arg9[%run_scoped3A_27, %dma_start3A_164, %dma_start3A_165] : memref<2x128x128xf32, #tpu.memory_space<vmem>> -> memref<1x128x128xf32, #tpu.memory_space<vmem>>
      %dma_start3A_167 = tpu.memref_squeeze %dma_start3A_166 : memref<1x128x128xf32, #tpu.memory_space<vmem>> -> memref<128x128xf32, #tpu.memory_space<vmem>>
      tpu.enqueue_dma source(%dma_start3A_167 : memref<128x128xf32, #tpu.memory_space<vmem>>) target(%dma_start3A_163 : memref<128x128xf32, #tpu.memory_space<vmem_shared>>) target_semaphore(%run_scoped3A_155 : memref<!tpu.dma_semaphore, #tpu.memory_space<semaphore_mem>>)
      %dma_wait3A_168 = arith.constant 0 : i32
      %dma_wait3A_169 = arith.constant 0 : i32
      %dma_wait3A_170 = tpu.memref_slice %arg9[%run_scoped3A_27, %dma_wait3A_168, %dma_wait3A_169] : memref<2x128x128xf32, #tpu.memory_space<vmem>> -> memref<1x128x128xf32, #tpu.memory_space<vmem>>
      %dma_wait3A_171 = tpu.memref_squeeze %dma_wait3A_170 : memref<1x128x128xf32, #tpu.memory_space<vmem>> -> memref<128x128xf32, #tpu.memory_space<vmem>>
      %dma_wait3A_172 = arith.constant 0 : i32
      %dma_wait3A_173 = tpu.memref_slice %arg10[%add3A_26, %dma_wait3A_172] : memref<10240x128xf32, #tpu.memory_space<vmem_shared>> -> memref<128x128xf32, #tpu.memory_space<vmem_shared>>
      %dma_wait3A_174 = arith.constant 0 : i32
      %dma_wait3A_175 = tpu.memref_slice %arg10[%add3A_26, %dma_wait3A_174] : memref<10240x128xf32, #tpu.memory_space<vmem_shared>> -> memref<128x128xf32, #tpu.memory_space<vmem_shared>>
      %dma_wait3A_176 = arith.constant 0 : i32
      %dma_wait3A_177 = arith.constant 0 : i32
      %dma_wait3A_178 = tpu.memref_slice %arg9[%run_scoped3A_27, %dma_wait3A_176, %dma_wait3A_177] : memref<2x128x128xf32, #tpu.memory_space<vmem>> -> memref<1x128x128xf32, #tpu.memory_space<vmem>>
      %dma_wait3A_179 = tpu.memref_squeeze %dma_wait3A_178 : memref<1x128x128xf32, #tpu.memory_space<vmem>> -> memref<128x128xf32, #tpu.memory_space<vmem>>
      tpu.wait_dma2 semaphore(%run_scoped3A_155 : memref<!tpu.dma_semaphore, #tpu.memory_space<semaphore_mem>>) src(%dma_wait3A_179 : memref<128x128xf32, #tpu.memory_space<vmem>>) dst(%dma_wait3A_175 : memref<128x128xf32, #tpu.memory_space<vmem_shared>>)
      tpu.yield
    }) : () -> ()
    %mul3A_28 = arith.constant 640 : i32
    %mul3A_29 = arith.muli %arg1, %mul3A_28 : i32
    %add3A_30 = arith.constant 512 : i32
    %add3A_31 = arith.addi %mul3A_29, %add3A_30 : i32
    %run_scoped3A_32 = arith.constant 0 : i32
    "tpu.region"() ({
      %run_scoped3A_155 = tpu.sem_alloc : memref<!tpu.dma_semaphore, #tpu.memory_space<semaphore_mem>>
      %dma_start3A_156 = arith.constant 0 : i32
      %dma_start3A_157 = arith.constant 0 : i32
      %dma_start3A_158 = tpu.memref_slice %arg9[%run_scoped3A_32, %dma_start3A_156, %dma_start3A_157] : memref<2x128x128xf32, #tpu.memory_space<vmem>> -> memref<1x128x128xf32, #tpu.memory_space<vmem>>
      %dma_start3A_159 = tpu.memref_squeeze %dma_start3A_158 : memref<1x128x128xf32, #tpu.memory_space<vmem>> -> memref<128x128xf32, #tpu.memory_space<vmem>>
      %dma_start3A_160 = arith.constant 0 : i32
      %dma_start3A_161 = tpu.memref_slice %arg10[%add3A_31, %dma_start3A_160] : memref<10240x128xf32, #tpu.memory_space<vmem_shared>> -> memref<128x128xf32, #tpu.memory_space<vmem_shared>>
      %dma_start3A_162 = arith.constant 0 : i32
      %dma_start3A_163 = tpu.memref_slice %arg10[%add3A_31, %dma_start3A_162] : memref<10240x128xf32, #tpu.memory_space<vmem_shared>> -> memref<128x128xf32, #tpu.memory_space<vmem_shared>>
      %dma_start3A_164 = arith.constant 0 : i32
      %dma_start3A_165 = arith.constant 0 : i32
      %dma_start3A_166 = tpu.memref_slice %arg9[%run_scoped3A_32, %dma_start3A_164, %dma_start3A_165] : memref<2x128x128xf32, #tpu.memory_space<vmem>> -> memref<1x128x128xf32, #tpu.memory_space<vmem>>
      %dma_start3A_167 = tpu.memref_squeeze %dma_start3A_166 : memref<1x128x128xf32, #tpu.memory_space<vmem>> -> memref<128x128xf32, #tpu.memory_space<vmem>>
      tpu.enqueue_dma source(%dma_start3A_167 : memref<128x128xf32, #tpu.memory_space<vmem>>) target(%dma_start3A_163 : memref<128x128xf32, #tpu.memory_space<vmem_shared>>) target_semaphore(%run_scoped3A_155 : memref<!tpu.dma_semaphore, #tpu.memory_space<semaphore_mem>>)
      %dma_wait3A_168 = arith.constant 0 : i32
      %dma_wait3A_169 = arith.constant 0 : i32
      %dma_wait3A_170 = tpu.memref_slice %arg9[%run_scoped3A_32, %dma_wait3A_168, %dma_wait3A_169] : memref<2x128x128xf32, #tpu.memory_space<vmem>> -> memref<1x128x128xf32, #tpu.memory_space<vmem>>
      %dma_wait3A_171 = tpu.memref_squeeze %dma_wait3A_170 : memref<1x128x128xf32, #tpu.memory_space<vmem>> -> memref<128x128xf32, #tpu.memory_space<vmem>>
      %dma_wait3A_172 = arith.constant 0 : i32
      %dma_wait3A_173 = tpu.memref_slice %arg10[%add3A_31, %dma_wait3A_172] : memref<10240x128xf32, #tpu.memory_space<vmem_shared>> -> memref<128x128xf32, #tpu.memory_space<vmem_shared>>
      %dma_wait3A_174 = arith.constant 0 : i32
      %dma_wait3A_175 = tpu.memref_slice %arg10[%add3A_31, %dma_wait3A_174] : memref<10240x128xf32, #tpu.memory_space<vmem_shared>> -> memref<128x128xf32, #tpu.memory_space<vmem_shared>>
      %dma_wait3A_176 = arith.constant 0 : i32
      %dma_wait3A_177 = arith.constant 0 : i32
      %dma_wait3A_178 = tpu.memref_slice %arg9[%run_scoped3A_32, %dma_wait3A_176, %dma_wait3A_177] : memref<2x128x128xf32, #tpu.memory_space<vmem>> -> memref<1x128x128xf32, #tpu.memory_space<vmem>>
      %dma_wait3A_179 = tpu.memref_squeeze %dma_wait3A_178 : memref<1x128x128xf32, #tpu.memory_space<vmem>> -> memref<128x128xf32, #tpu.memory_space<vmem>>
      tpu.wait_dma2 semaphore(%run_scoped3A_155 : memref<!tpu.dma_semaphore, #tpu.memory_space<semaphore_mem>>) src(%dma_wait3A_179 : memref<128x128xf32, #tpu.memory_space<vmem>>) dst(%dma_wait3A_175 : memref<128x128xf32, #tpu.memory_space<vmem_shared>>)
      tpu.yield
    }) : () -> ()
    %dma_wait3A = arith.constant 0 : i32
    %dma_wait3A_33 = arith.constant 0 : i32
    %dma_wait3A_34 = tpu.memref_slice %arg4[%add3A, %dma_wait3A, %dma_wait3A_33] : memref<32x80x128xi32, #tpu.memory_space<hbm>> -> memref<1x80x128xi32, #tpu.memory_space<hbm>>
    %dma_wait3A_35 = tpu.memref_squeeze %dma_wait3A_34 : memref<1x80x128xi32, #tpu.memory_space<hbm>> -> memref<80x128xi32, #tpu.memory_space<hbm>>
    %dma_wait3A_36 = arith.constant 0 : i32
    %dma_wait3A_37 = arith.constant 0 : i32
    %dma_wait3A_38 = tpu.memref_slice %arg4[%add3A, %dma_wait3A_36, %dma_wait3A_37] : memref<32x80x128xi32, #tpu.memory_space<hbm>> -> memref<1x80x128xi32, #tpu.memory_space<hbm>>
    %dma_wait3A_39 = tpu.memref_squeeze %dma_wait3A_38 : memref<1x80x128xi32, #tpu.memory_space<hbm>> -> memref<80x128xi32, #tpu.memory_space<hbm>>
    tpu.wait_dma2 semaphore(%arg15 : memref<!tpu.dma_semaphore, #tpu.memory_space<semaphore_mem>>) src(%dma_wait3A_39 : memref<80x128xi32, #tpu.memory_space<hbm>>) dst(%arg7 : memref<80x128xi32, #tpu.memory_space<vmem>>)
    %barrier3A = arith.constant 0 : index
    tpu.barrier barrier_id(%barrier3A)
    %dma_start3A_40 = arith.constant 0 : i32
    %dma_start3A_41 = arith.constant 0 : i32
    %dma_start3A_42 = arith.constant 0 : i32
    %dma_start3A_43 = tpu.memref_slice %arg8[%dma_start3A_41, %dma_start3A_42] : memref<2x128xi32, #tpu.memory_space<vmem>> -> memref<1x128xi32, #tpu.memory_space<vmem>>
    %dma_start3A_44 = tpu.memref_squeeze %dma_start3A_43 : memref<1x128xi32, #tpu.memory_space<vmem>> -> memref<128xi32, #tpu.memory_space<vmem>>
    %dma_start3A_45 = arith.constant 0 : i32
    %dma_start3A_46 = tpu.memref_slice %arg3[%add3A, %dma_start3A_40, %dma_start3A_45] : memref<32x80x128xi32, #tpu.memory_space<hbm>> -> memref<1x1x128xi32, #tpu.memory_space<hbm>>
    %dma_start3A_47 = tpu.memref_squeeze %dma_start3A_46 : memref<1x1x128xi32, #tpu.memory_space<hbm>> -> memref<128xi32, #tpu.memory_space<hbm>>
    %dma_start3A_48 = arith.constant 0 : i32
    %dma_start3A_49 = tpu.memref_slice %arg8[%dma_start3A_41, %dma_start3A_48] : memref<2x128xi32, #tpu.memory_space<vmem>> -> memref<1x128xi32, #tpu.memory_space<vmem>>
    %dma_start3A_50 = tpu.memref_squeeze %dma_start3A_49 : memref<1x128xi32, #tpu.memory_space<vmem>> -> memref<128xi32, #tpu.memory_space<vmem>>
    %dma_start3A_51 = arith.constant 0 : i32
    %dma_start3A_52 = tpu.memref_slice %arg3[%add3A, %dma_start3A_40, %dma_start3A_51] : memref<32x80x128xi32, #tpu.memory_space<hbm>> -> memref<1x1x128xi32, #tpu.memory_space<hbm>>
    %dma_start3A_53 = tpu.memref_squeeze %dma_start3A_52 : memref<1x1x128xi32, #tpu.memory_space<hbm>> -> memref<128xi32, #tpu.memory_space<hbm>>
    tpu.enqueue_dma source(%dma_start3A_53 : memref<128xi32, #tpu.memory_space<hbm>>) target(%dma_start3A_50 : memref<128xi32, #tpu.memory_space<vmem>>) target_semaphore(%arg13 : memref<!tpu.dma_semaphore, #tpu.memory_space<semaphore_mem>>)
    %dma_start3A_54 = arith.constant 1 : i32
    %dma_start3A_55 = arith.constant 1 : i32
    %dma_start3A_56 = arith.constant 0 : i32
    %dma_start3A_57 = tpu.memref_slice %arg8[%dma_start3A_55, %dma_start3A_56] : memref<2x128xi32, #tpu.memory_space<vmem>> -> memref<1x128xi32, #tpu.memory_space<vmem>>
    %dma_start3A_58 = tpu.memref_squeeze %dma_start3A_57 : memref<1x128xi32, #tpu.memory_space<vmem>> -> memref<128xi32, #tpu.memory_space<vmem>>
    %dma_start3A_59 = arith.constant 0 : i32
    %dma_start3A_60 = tpu.memref_slice %arg3[%add3A, %dma_start3A_54, %dma_start3A_59] : memref<32x80x128xi32, #tpu.memory_space<hbm>> -> memref<1x1x128xi32, #tpu.memory_space<hbm>>
    %dma_start3A_61 = tpu.memref_squeeze %dma_start3A_60 : memref<1x1x128xi32, #tpu.memory_space<hbm>> -> memref<128xi32, #tpu.memory_space<hbm>>
    %dma_start3A_62 = arith.constant 0 : i32
    %dma_start3A_63 = tpu.memref_slice %arg8[%dma_start3A_55, %dma_start3A_62] : memref<2x128xi32, #tpu.memory_space<vmem>> -> memref<1x128xi32, #tpu.memory_space<vmem>>
    %dma_start3A_64 = tpu.memref_squeeze %dma_start3A_63 : memref<1x128xi32, #tpu.memory_space<vmem>> -> memref<128xi32, #tpu.memory_space<vmem>>
    %dma_start3A_65 = arith.constant 0 : i32
    %dma_start3A_66 = tpu.memref_slice %arg3[%add3A, %dma_start3A_54, %dma_start3A_65] : memref<32x80x128xi32, #tpu.memory_space<hbm>> -> memref<1x1x128xi32, #tpu.memory_space<hbm>>
    %dma_start3A_67 = tpu.memref_squeeze %dma_start3A_66 : memref<1x1x128xi32, #tpu.memory_space<hbm>> -> memref<128xi32, #tpu.memory_space<hbm>>
    tpu.enqueue_dma source(%dma_start3A_67 : memref<128xi32, #tpu.memory_space<hbm>>) target(%dma_start3A_64 : memref<128xi32, #tpu.memory_space<vmem>>) target_semaphore(%arg14 : memref<!tpu.dma_semaphore, #tpu.memory_space<semaphore_mem>>)
    %dma_wait3A_68 = arith.constant 0 : i32
    %dma_wait3A_69 = arith.constant 0 : i32
    %dma_wait3A_70 = arith.constant 0 : i32
    %dma_wait3A_71 = tpu.memref_slice %arg8[%dma_wait3A_69, %dma_wait3A_70] : memref<2x128xi32, #tpu.memory_space<vmem>> -> memref<1x128xi32, #tpu.memory_space<vmem>>
    %dma_wait3A_72 = tpu.memref_squeeze %dma_wait3A_71 : memref<1x128xi32, #tpu.memory_space<vmem>> -> memref<128xi32, #tpu.memory_space<vmem>>
    %dma_wait3A_73 = arith.constant 0 : i32
    %dma_wait3A_74 = tpu.memref_slice %arg3[%add3A, %dma_wait3A_68, %dma_wait3A_73] : memref<32x80x128xi32, #tpu.memory_space<hbm>> -> memref<1x1x128xi32, #tpu.memory_space<hbm>>
    %dma_wait3A_75 = tpu.memref_squeeze %dma_wait3A_74 : memref<1x1x128xi32, #tpu.memory_space<hbm>> -> memref<128xi32, #tpu.memory_space<hbm>>
    %dma_wait3A_76 = arith.constant 0 : i32
    %dma_wait3A_77 = tpu.memref_slice %arg8[%dma_wait3A_69, %dma_wait3A_76] : memref<2x128xi32, #tpu.memory_space<vmem>> -> memref<1x128xi32, #tpu.memory_space<vmem>>
    %dma_wait3A_78 = tpu.memref_squeeze %dma_wait3A_77 : memref<1x128xi32, #tpu.memory_space<vmem>> -> memref<128xi32, #tpu.memory_space<vmem>>
    %dma_wait3A_79 = arith.constant 0 : i32
    %dma_wait3A_80 = tpu.memref_slice %arg3[%add3A, %dma_wait3A_68, %dma_wait3A_79] : memref<32x80x128xi32, #tpu.memory_space<hbm>> -> memref<1x1x128xi32, #tpu.memory_space<hbm>>
    %dma_wait3A_81 = tpu.memref_squeeze %dma_wait3A_80 : memref<1x1x128xi32, #tpu.memory_space<hbm>> -> memref<128xi32, #tpu.memory_space<hbm>>
    tpu.wait_dma2 semaphore(%arg13 : memref<!tpu.dma_semaphore, #tpu.memory_space<semaphore_mem>>) src(%dma_wait3A_81 : memref<128xi32, #tpu.memory_space<hbm>>) dst(%dma_wait3A_78 : memref<128xi32, #tpu.memory_space<vmem>>)
    %dma_start3A_82 = arith.constant 0 : i32
    %dma_start3A_83 = arith.constant 0 : i32
    %dma_start3A_84 = arith.constant 0 : i32
    %dma_start3A_85 = arith.constant 0 : i32
    %dma_start3A_86 = tpu.memref_slice %arg9[%dma_start3A_83, %dma_start3A_84, %dma_start3A_85] : memref<2x128x128xf32, #tpu.memory_space<vmem>> -> memref<1x128x128xf32, #tpu.memory_space<vmem>>
    %dma_start3A_87 = tpu.memref_squeeze %dma_start3A_86 : memref<1x128x128xf32, #tpu.memory_space<vmem>> -> memref<128x128xf32, #tpu.memory_space<vmem>>
    %dma_start3A_88 = arith.constant 0 : i32
    %dma_start3A_89 = tpu.memref_slice %arg8[%dma_start3A_82, %dma_start3A_88] : memref<2x128xi32, #tpu.memory_space<vmem>> -> memref<1x128xi32, #tpu.memory_space<vmem>>
    %dma_start3A_90 = tpu.memref_squeeze %dma_start3A_89 : memref<1x128xi32, #tpu.memory_space<vmem>> -> memref<128xi32, #tpu.memory_space<vmem>>
    %dma_start3A_91 = arith.constant 0 : i32
    %dma_start3A_92 = arith.constant 0 : i32
    %dma_start3A_93 = tpu.memref_slice %arg2[%dma_start3A_91, %dma_start3A_92] : memref<10000x128xf32, #tpu.memory_space<hbm>> -> memref<10000x128xf32, #tpu.memory_space<hbm>>
    tpu.enqueue_indirect_dma source(%dma_start3A_93 : memref<10000x128xf32, #tpu.memory_space<hbm>>) target(%dma_start3A_87 : memref<128x128xf32, #tpu.memory_space<vmem>>) offsets(%dma_start3A_90 : memref<128xi32, #tpu.memory_space<vmem>>) semaphore(%arg11 : memref<!tpu.dma_semaphore, #tpu.memory_space<semaphore_mem>>)
    %dma_wait3A_94 = arith.constant 0 : i32
    %dma_wait3A_95 = arith.constant 1 : i32
    %dma_wait3A_96 = arith.constant 0 : i32
    %dma_wait3A_97 = tpu.memref_slice %arg8[%dma_wait3A_95, %dma_wait3A_96] : memref<2x128xi32, #tpu.memory_space<vmem>> -> memref<1x128xi32, #tpu.memory_space<vmem>>
    %dma_wait3A_98 = tpu.memref_squeeze %dma_wait3A_97 : memref<1x128xi32, #tpu.memory_space<vmem>> -> memref<128xi32, #tpu.memory_space<vmem>>
    %dma_wait3A_99 = arith.constant 0 : i32
    %dma_wait3A_100 = tpu.memref_slice %arg3[%add3A, %dma_wait3A_94, %dma_wait3A_99] : memref<32x80x128xi32, #tpu.memory_space<hbm>> -> memref<1x1x128xi32, #tpu.memory_space<hbm>>
    %dma_wait3A_101 = tpu.memref_squeeze %dma_wait3A_100 : memref<1x1x128xi32, #tpu.memory_space<hbm>> -> memref<128xi32, #tpu.memory_space<hbm>>
    %dma_wait3A_102 = arith.constant 0 : i32
    %dma_wait3A_103 = tpu.memref_slice %arg8[%dma_wait3A_95, %dma_wait3A_102] : memref<2x128xi32, #tpu.memory_space<vmem>> -> memref<1x128xi32, #tpu.memory_space<vmem>>
    %dma_wait3A_104 = tpu.memref_squeeze %dma_wait3A_103 : memref<1x128xi32, #tpu.memory_space<vmem>> -> memref<128xi32, #tpu.memory_space<vmem>>
    %dma_wait3A_105 = arith.constant 0 : i32
    %dma_wait3A_106 = tpu.memref_slice %arg3[%add3A, %dma_wait3A_94, %dma_wait3A_105] : memref<32x80x128xi32, #tpu.memory_space<hbm>> -> memref<1x1x128xi32, #tpu.memory_space<hbm>>
    %dma_wait3A_107 = tpu.memref_squeeze %dma_wait3A_106 : memref<1x1x128xi32, #tpu.memory_space<hbm>> -> memref<128xi32, #tpu.memory_space<hbm>>
    tpu.wait_dma2 semaphore(%arg14 : memref<!tpu.dma_semaphore, #tpu.memory_space<semaphore_mem>>) src(%dma_wait3A_107 : memref<128xi32, #tpu.memory_space<hbm>>) dst(%dma_wait3A_104 : memref<128xi32, #tpu.memory_space<vmem>>)
    %dma_start3A_108 = arith.constant 1 : i32
    %dma_start3A_109 = arith.constant 1 : i32
    %dma_start3A_110 = arith.constant 0 : i32
    %dma_start3A_111 = arith.constant 0 : i32
    %dma_start3A_112 = tpu.memref_slice %arg9[%dma_start3A_109, %dma_start3A_110, %dma_start3A_111] : memref<2x128x128xf32, #tpu.memory_space<vmem>> -> memref<1x128x128xf32, #tpu.memory_space<vmem>>
    %dma_start3A_113 = tpu.memref_squeeze %dma_start3A_112 : memref<1x128x128xf32, #tpu.memory_space<vmem>> -> memref<128x128xf32, #tpu.memory_space<vmem>>
    %dma_start3A_114 = arith.constant 0 : i32
    %dma_start3A_115 = tpu.memref_slice %arg8[%dma_start3A_108, %dma_start3A_114] : memref<2x128xi32, #tpu.memory_space<vmem>> -> memref<1x128xi32, #tpu.memory_space<vmem>>
    %dma_start3A_116 = tpu.memref_squeeze %dma_start3A_115 : memref<1x128xi32, #tpu.memory_space<vmem>> -> memref<128xi32, #tpu.memory_space<vmem>>
    %dma_start3A_117 = arith.constant 0 : i32
    %dma_start3A_118 = arith.constant 0 : i32
    %dma_start3A_119 = tpu.memref_slice %arg2[%dma_start3A_117, %dma_start3A_118] : memref<10000x128xf32, #tpu.memory_space<hbm>> -> memref<10000x128xf32, #tpu.memory_space<hbm>>
    tpu.enqueue_indirect_dma source(%dma_start3A_119 : memref<10000x128xf32, #tpu.memory_space<hbm>>) target(%dma_start3A_113 : memref<128x128xf32, #tpu.memory_space<vmem>>) offsets(%dma_start3A_116 : memref<128xi32, #tpu.memory_space<vmem>>) semaphore(%arg12 : memref<!tpu.dma_semaphore, #tpu.memory_space<semaphore_mem>>)
    %scan3A = arith.constant 0 : i32
    %scan3A_120 = arith.constant 40 : i32
    %scan3A_121 = arith.addi %scan3A, %scan3A_120 : i32
    %scan3A_122 = arith.constant 1 : i32
    scf.for %scan3A_155 = %scan3A to %scan3A_121 step %scan3A_122  : i32 {
      %mul3A_156 = arith.constant 2 : i32
      %mul3A_157 = arith.muli %scan3A_155, %mul3A_156 : i32
      %add3A_158 = arith.constant 0 : i32
      %add3A_159 = arith.addi %add3A_158, %mul3A_157 : i32
      %add3A_160 = arith.constant 0 : i32
      %add3A_161 = arith.addi %add3A_159, %add3A_160 : i32
      %dma_wait3A_162 = arith.constant 0 : i32
      %dma_wait3A_163 = arith.constant 0 : i32
      %dma_wait3A_164 = arith.constant 0 : i32
      %dma_wait3A_165 = arith.constant 0 : i32
      %dma_wait3A_166 = tpu.memref_slice %arg9[%dma_wait3A_163, %dma_wait3A_164, %dma_wait3A_165] : memref<2x128x128xf32, #tpu.memory_space<vmem>> -> memref<1x128x128xf32, #tpu.memory_space<vmem>>
      %dma_wait3A_167 = tpu.memref_squeeze %dma_wait3A_166 : memref<1x128x128xf32, #tpu.memory_space<vmem>> -> memref<128x128xf32, #tpu.memory_space<vmem>>
      %dma_wait3A_168 = arith.constant 0 : i32
      %dma_wait3A_169 = tpu.memref_slice %arg8[%dma_wait3A_162, %dma_wait3A_168] : memref<2x128xi32, #tpu.memory_space<vmem>> -> memref<1x128xi32, #tpu.memory_space<vmem>>
      %dma_wait3A_170 = tpu.memref_squeeze %dma_wait3A_169 : memref<1x128xi32, #tpu.memory_space<vmem>> -> memref<128xi32, #tpu.memory_space<vmem>>
      %dma_wait3A_171 = arith.constant 0 : i32
      %dma_wait3A_172 = arith.constant 0 : i32
      %dma_wait3A_173 = tpu.memref_slice %arg2[%dma_wait3A_171, %dma_wait3A_172] : memref<10000x128xf32, #tpu.memory_space<hbm>> -> memref<10000x128xf32, #tpu.memory_space<hbm>>
      tpu.wait_indirect_dma semaphore(%arg11 : memref<!tpu.dma_semaphore, #tpu.memory_space<semaphore_mem>>) src(%dma_wait3A_173 : memref<10000x128xf32, #tpu.memory_space<hbm>>) dst(%dma_wait3A_167 : memref<128x128xf32, #tpu.memory_space<vmem>>)
      %add3A_174 = arith.constant 2 : i32
      %add3A_175 = arith.addi %add3A_161, %add3A_174 : i32
      %lt3A = arith.constant 80 : i32
      %lt3A_176 = arith.cmpi slt, %add3A_175, %lt3A : i32
      %convert_element_type3A = arith.extui %lt3A_176 : i1 to i32
      %cond3A = arith.constant 0 : i32
      %cond3A_177 = arith.cmpi ne, %convert_element_type3A, %cond3A : i32
      scf.if %cond3A_177 {
        %add3A_215 = arith.constant 2 : i32
        %add3A_216 = arith.addi %add3A_161, %add3A_215 : i32
        %dma_start3A_217 = arith.constant 0 : i32
        %dma_start3A_218 = arith.constant 0 : i32
        %dma_start3A_219 = tpu.memref_slice %arg8[%dma_start3A_217, %dma_start3A_218] : memref<2x128xi32, #tpu.memory_space<vmem>> -> memref<1x128xi32, #tpu.memory_space<vmem>>
        %dma_start3A_220 = tpu.memref_squeeze %dma_start3A_219 : memref<1x128xi32, #tpu.memory_space<vmem>> -> memref<128xi32, #tpu.memory_space<vmem>>
        %dma_start3A_221 = arith.constant 0 : i32
        %dma_start3A_222 = tpu.memref_slice %arg3[%add3A, %add3A_216, %dma_start3A_221] : memref<32x80x128xi32, #tpu.memory_space<hbm>> -> memref<1x1x128xi32, #tpu.memory_space<hbm>>
        %dma_start3A_223 = tpu.memref_squeeze %dma_start3A_222 : memref<1x1x128xi32, #tpu.memory_space<hbm>> -> memref<128xi32, #tpu.memory_space<hbm>>
        %dma_start3A_224 = arith.constant 0 : i32
        %dma_start3A_225 = tpu.memref_slice %arg8[%dma_start3A_217, %dma_start3A_224] : memref<2x128xi32, #tpu.memory_space<vmem>> -> memref<1x128xi32, #tpu.memory_space<vmem>>
        %dma_start3A_226 = tpu.memref_squeeze %dma_start3A_225 : memref<1x128xi32, #tpu.memory_space<vmem>> -> memref<128xi32, #tpu.memory_space<vmem>>
        %dma_start3A_227 = arith.constant 0 : i32
        %dma_start3A_228 = tpu.memref_slice %arg3[%add3A, %add3A_216, %dma_start3A_227] : memref<32x80x128xi32, #tpu.memory_space<hbm>> -> memref<1x1x128xi32, #tpu.memory_space<hbm>>
        %dma_start3A_229 = tpu.memref_squeeze %dma_start3A_228 : memref<1x1x128xi32, #tpu.memory_space<hbm>> -> memref<128xi32, #tpu.memory_space<hbm>>
        tpu.enqueue_dma source(%dma_start3A_229 : memref<128xi32, #tpu.memory_space<hbm>>) target(%dma_start3A_226 : memref<128xi32, #tpu.memory_space<vmem>>) target_semaphore(%arg13 : memref<!tpu.dma_semaphore, #tpu.memory_space<semaphore_mem>>)
      } else {
      }
      %run_scoped3A_178 = arith.constant 0 : i32
      "tpu.region"() ({
        %run_scoped3A_215 = tpu.sem_alloc : memref<!tpu.dma_semaphore, #tpu.memory_space<semaphore_mem>>
        %dma_start3A_216 = arith.constant 0 : i32
        %dma_start3A_217 = arith.constant 0 : i32
        %dma_start3A_218 = tpu.memref_slice %arg9[%run_scoped3A_178, %dma_start3A_216, %dma_start3A_217] : memref<2x128x128xf32, #tpu.memory_space<vmem>> -> memref<1x128x128xf32, #tpu.memory_space<vmem>>
        %dma_start3A_219 = tpu.memref_squeeze %dma_start3A_218 : memref<1x128x128xf32, #tpu.memory_space<vmem>> -> memref<128x128xf32, #tpu.memory_space<vmem>>
        %dma_start3A_220 = arith.constant 0 : i32
        %dma_start3A_221 = tpu.memref_slice %arg7[%add3A_161, %dma_start3A_220] : memref<80x128xi32, #tpu.memory_space<vmem>> -> memref<1x128xi32, #tpu.memory_space<vmem>>
        %dma_start3A_222 = tpu.memref_squeeze %dma_start3A_221 : memref<1x128xi32, #tpu.memory_space<vmem>> -> memref<128xi32, #tpu.memory_space<vmem>>
        %dma_start3A_223 = arith.constant 0 : i32
        %dma_start3A_224 = arith.constant 0 : i32
        %dma_start3A_225 = tpu.memref_slice %arg10[%dma_start3A_223, %dma_start3A_224] : memref<10240x128xf32, #tpu.memory_space<vmem_shared>> -> memref<10240x128xf32, #tpu.memory_space<vmem_shared>>
        tpu.enqueue_indirect_dma source(%dma_start3A_219 : memref<128x128xf32, #tpu.memory_space<vmem>>) target(%dma_start3A_225 : memref<10240x128xf32, #tpu.memory_space<vmem_shared>>) offsets(%dma_start3A_222 : memref<128xi32, #tpu.memory_space<vmem>>) semaphore(%run_scoped3A_215 : memref<!tpu.dma_semaphore, #tpu.memory_space<semaphore_mem>>) {add = true}
        %dma_wait3A_226 = arith.constant 0 : i32
        %dma_wait3A_227 = arith.constant 0 : i32
        %dma_wait3A_228 = tpu.memref_slice %arg9[%run_scoped3A_178, %dma_wait3A_226, %dma_wait3A_227] : memref<2x128x128xf32, #tpu.memory_space<vmem>> -> memref<1x128x128xf32, #tpu.memory_space<vmem>>
        %dma_wait3A_229 = tpu.memref_squeeze %dma_wait3A_228 : memref<1x128x128xf32, #tpu.memory_space<vmem>> -> memref<128x128xf32, #tpu.memory_space<vmem>>
        %dma_wait3A_230 = arith.constant 0 : i32
        %dma_wait3A_231 = tpu.memref_slice %arg7[%add3A_161, %dma_wait3A_230] : memref<80x128xi32, #tpu.memory_space<vmem>> -> memref<1x128xi32, #tpu.memory_space<vmem>>
        %dma_wait3A_232 = tpu.memref_squeeze %dma_wait3A_231 : memref<1x128xi32, #tpu.memory_space<vmem>> -> memref<128xi32, #tpu.memory_space<vmem>>
        %dma_wait3A_233 = arith.constant 0 : i32
        %dma_wait3A_234 = arith.constant 0 : i32
        %dma_wait3A_235 = tpu.memref_slice %arg10[%dma_wait3A_233, %dma_wait3A_234] : memref<10240x128xf32, #tpu.memory_space<vmem_shared>> -> memref<10240x128xf32, #tpu.memory_space<vmem_shared>>
        tpu.wait_indirect_dma semaphore(%run_scoped3A_215 : memref<!tpu.dma_semaphore, #tpu.memory_space<semaphore_mem>>) src(%dma_wait3A_229 : memref<128x128xf32, #tpu.memory_space<vmem>>) dst(%dma_wait3A_235 : memref<10240x128xf32, #tpu.memory_space<vmem_shared>>)
        tpu.yield
      }) : () -> ()
      %add3A_179 = arith.constant 2 : i32
      %add3A_180 = arith.addi %add3A_161, %add3A_179 : i32
      %lt3A_181 = arith.constant 80 : i32
      %lt3A_182 = arith.cmpi slt, %add3A_180, %lt3A_181 : i32
      %convert_element_type3A_183 = arith.extui %lt3A_182 : i1 to i32
      %cond3A_184 = arith.constant 0 : i32
      %cond3A_185 = arith.cmpi ne, %convert_element_type3A_183, %cond3A_184 : i32
      scf.if %cond3A_185 {
        %dma_wait3A_215 = arith.constant 0 : i32
        %dma_wait3A_216 = arith.constant 0 : i32
        %dma_wait3A_217 = arith.constant 0 : i32
        %dma_wait3A_218 = tpu.memref_slice %arg8[%dma_wait3A_216, %dma_wait3A_217] : memref<2x128xi32, #tpu.memory_space<vmem>> -> memref<1x128xi32, #tpu.memory_space<vmem>>
        %dma_wait3A_219 = tpu.memref_squeeze %dma_wait3A_218 : memref<1x128xi32, #tpu.memory_space<vmem>> -> memref<128xi32, #tpu.memory_space<vmem>>
        %dma_wait3A_220 = arith.constant 0 : i32
        %dma_wait3A_221 = tpu.memref_slice %arg3[%add3A, %dma_wait3A_215, %dma_wait3A_220] : memref<32x80x128xi32, #tpu.memory_space<hbm>> -> memref<1x1x128xi32, #tpu.memory_space<hbm>>
        %dma_wait3A_222 = tpu.memref_squeeze %dma_wait3A_221 : memref<1x1x128xi32, #tpu.memory_space<hbm>> -> memref<128xi32, #tpu.memory_space<hbm>>
        %dma_wait3A_223 = arith.constant 0 : i32
        %dma_wait3A_224 = tpu.memref_slice %arg8[%dma_wait3A_216, %dma_wait3A_223] : memref<2x128xi32, #tpu.memory_space<vmem>> -> memref<1x128xi32, #tpu.memory_space<vmem>>
        %dma_wait3A_225 = tpu.memref_squeeze %dma_wait3A_224 : memref<1x128xi32, #tpu.memory_space<vmem>> -> memref<128xi32, #tpu.memory_space<vmem>>
        %dma_wait3A_226 = arith.constant 0 : i32
        %dma_wait3A_227 = tpu.memref_slice %arg3[%add3A, %dma_wait3A_215, %dma_wait3A_226] : memref<32x80x128xi32, #tpu.memory_space<hbm>> -> memref<1x1x128xi32, #tpu.memory_space<hbm>>
        %dma_wait3A_228 = tpu.memref_squeeze %dma_wait3A_227 : memref<1x1x128xi32, #tpu.memory_space<hbm>> -> memref<128xi32, #tpu.memory_space<hbm>>
        tpu.wait_dma2 semaphore(%arg13 : memref<!tpu.dma_semaphore, #tpu.memory_space<semaphore_mem>>) src(%dma_wait3A_228 : memref<128xi32, #tpu.memory_space<hbm>>) dst(%dma_wait3A_225 : memref<128xi32, #tpu.memory_space<vmem>>)
        %dma_start3A_229 = arith.constant 0 : i32
        %dma_start3A_230 = arith.constant 0 : i32
        %dma_start3A_231 = arith.constant 0 : i32
        %dma_start3A_232 = arith.constant 0 : i32
        %dma_start3A_233 = tpu.memref_slice %arg9[%dma_start3A_230, %dma_start3A_231, %dma_start3A_232] : memref<2x128x128xf32, #tpu.memory_space<vmem>> -> memref<1x128x128xf32, #tpu.memory_space<vmem>>
        %dma_start3A_234 = tpu.memref_squeeze %dma_start3A_233 : memref<1x128x128xf32, #tpu.memory_space<vmem>> -> memref<128x128xf32, #tpu.memory_space<vmem>>
        %dma_start3A_235 = arith.constant 0 : i32
        %dma_start3A_236 = tpu.memref_slice %arg8[%dma_start3A_229, %dma_start3A_235] : memref<2x128xi32, #tpu.memory_space<vmem>> -> memref<1x128xi32, #tpu.memory_space<vmem>>
        %dma_start3A_237 = tpu.memref_squeeze %dma_start3A_236 : memref<1x128xi32, #tpu.memory_space<vmem>> -> memref<128xi32, #tpu.memory_space<vmem>>
        %dma_start3A_238 = arith.constant 0 : i32
        %dma_start3A_239 = arith.constant 0 : i32
        %dma_start3A_240 = tpu.memref_slice %arg2[%dma_start3A_238, %dma_start3A_239] : memref<10000x128xf32, #tpu.memory_space<hbm>> -> memref<10000x128xf32, #tpu.memory_space<hbm>>
        tpu.enqueue_indirect_dma source(%dma_start3A_240 : memref<10000x128xf32, #tpu.memory_space<hbm>>) target(%dma_start3A_234 : memref<128x128xf32, #tpu.memory_space<vmem>>) offsets(%dma_start3A_237 : memref<128xi32, #tpu.memory_space<vmem>>) semaphore(%arg11 : memref<!tpu.dma_semaphore, #tpu.memory_space<semaphore_mem>>)
      } else {
      }
      %add3A_186 = arith.constant 1 : i32
      %add3A_187 = arith.addi %add3A_159, %add3A_186 : i32
      %dma_wait3A_188 = arith.constant 1 : i32
      %dma_wait3A_189 = arith.constant 1 : i32
      %dma_wait3A_190 = arith.constant 0 : i32
      %dma_wait3A_191 = arith.constant 0 : i32
      %dma_wait3A_192 = tpu.memref_slice %arg9[%dma_wait3A_189, %dma_wait3A_190, %dma_wait3A_191] : memref<2x128x128xf32, #tpu.memory_space<vmem>> -> memref<1x128x128xf32, #tpu.memory_space<vmem>>
      %dma_wait3A_193 = tpu.memref_squeeze %dma_wait3A_192 : memref<1x128x128xf32, #tpu.memory_space<vmem>> -> memref<128x128xf32, #tpu.memory_space<vmem>>
      %dma_wait3A_194 = arith.constant 0 : i32
      %dma_wait3A_195 = tpu.memref_slice %arg8[%dma_wait3A_188, %dma_wait3A_194] : memref<2x128xi32, #tpu.memory_space<vmem>> -> memref<1x128xi32, #tpu.memory_space<vmem>>
      %dma_wait3A_196 = tpu.memref_squeeze %dma_wait3A_195 : memref<1x128xi32, #tpu.memory_space<vmem>> -> memref<128xi32, #tpu.memory_space<vmem>>
      %dma_wait3A_197 = arith.constant 0 : i32
      %dma_wait3A_198 = arith.constant 0 : i32
      %dma_wait3A_199 = tpu.memref_slice %arg2[%dma_wait3A_197, %dma_wait3A_198] : memref<10000x128xf32, #tpu.memory_space<hbm>> -> memref<10000x128xf32, #tpu.memory_space<hbm>>
      tpu.wait_indirect_dma semaphore(%arg12 : memref<!tpu.dma_semaphore, #tpu.memory_space<semaphore_mem>>) src(%dma_wait3A_199 : memref<10000x128xf32, #tpu.memory_space<hbm>>) dst(%dma_wait3A_193 : memref<128x128xf32, #tpu.memory_space<vmem>>)
      %add3A_200 = arith.constant 2 : i32
      %add3A_201 = arith.addi %add3A_187, %add3A_200 : i32
      %lt3A_202 = arith.constant 80 : i32
      %lt3A_203 = arith.cmpi slt, %add3A_201, %lt3A_202 : i32
      %convert_element_type3A_204 = arith.extui %lt3A_203 : i1 to i32
      %cond3A_205 = arith.constant 0 : i32
      %cond3A_206 = arith.cmpi ne, %convert_element_type3A_204, %cond3A_205 : i32
      scf.if %cond3A_206 {
        %add3A_215 = arith.constant 2 : i32
        %add3A_216 = arith.addi %add3A_187, %add3A_215 : i32
        %dma_start3A_217 = arith.constant 1 : i32
        %dma_start3A_218 = arith.constant 0 : i32
        %dma_start3A_219 = tpu.memref_slice %arg8[%dma_start3A_217, %dma_start3A_218] : memref<2x128xi32, #tpu.memory_space<vmem>> -> memref<1x128xi32, #tpu.memory_space<vmem>>
        %dma_start3A_220 = tpu.memref_squeeze %dma_start3A_219 : memref<1x128xi32, #tpu.memory_space<vmem>> -> memref<128xi32, #tpu.memory_space<vmem>>
        %dma_start3A_221 = arith.constant 0 : i32
        %dma_start3A_222 = tpu.memref_slice %arg3[%add3A, %add3A_216, %dma_start3A_221] : memref<32x80x128xi32, #tpu.memory_space<hbm>> -> memref<1x1x128xi32, #tpu.memory_space<hbm>>
        %dma_start3A_223 = tpu.memref_squeeze %dma_start3A_222 : memref<1x1x128xi32, #tpu.memory_space<hbm>> -> memref<128xi32, #tpu.memory_space<hbm>>
        %dma_start3A_224 = arith.constant 0 : i32
        %dma_start3A_225 = tpu.memref_slice %arg8[%dma_start3A_217, %dma_start3A_224] : memref<2x128xi32, #tpu.memory_space<vmem>> -> memref<1x128xi32, #tpu.memory_space<vmem>>
        %dma_start3A_226 = tpu.memref_squeeze %dma_start3A_225 : memref<1x128xi32, #tpu.memory_space<vmem>> -> memref<128xi32, #tpu.memory_space<vmem>>
        %dma_start3A_227 = arith.constant 0 : i32
        %dma_start3A_228 = tpu.memref_slice %arg3[%add3A, %add3A_216, %dma_start3A_227] : memref<32x80x128xi32, #tpu.memory_space<hbm>> -> memref<1x1x128xi32, #tpu.memory_space<hbm>>
        %dma_start3A_229 = tpu.memref_squeeze %dma_start3A_228 : memref<1x1x128xi32, #tpu.memory_space<hbm>> -> memref<128xi32, #tpu.memory_space<hbm>>
        tpu.enqueue_dma source(%dma_start3A_229 : memref<128xi32, #tpu.memory_space<hbm>>) target(%dma_start3A_226 : memref<128xi32, #tpu.memory_space<vmem>>) target_semaphore(%arg14 : memref<!tpu.dma_semaphore, #tpu.memory_space<semaphore_mem>>)
      } else {
      }
      %run_scoped3A_207 = arith.constant 1 : i32
      "tpu.region"() ({
        %run_scoped3A_215 = tpu.sem_alloc : memref<!tpu.dma_semaphore, #tpu.memory_space<semaphore_mem>>
        %dma_start3A_216 = arith.constant 0 : i32
        %dma_start3A_217 = arith.constant 0 : i32
        %dma_start3A_218 = tpu.memref_slice %arg9[%run_scoped3A_207, %dma_start3A_216, %dma_start3A_217] : memref<2x128x128xf32, #tpu.memory_space<vmem>> -> memref<1x128x128xf32, #tpu.memory_space<vmem>>
        %dma_start3A_219 = tpu.memref_squeeze %dma_start3A_218 : memref<1x128x128xf32, #tpu.memory_space<vmem>> -> memref<128x128xf32, #tpu.memory_space<vmem>>
        %dma_start3A_220 = arith.constant 0 : i32
        %dma_start3A_221 = tpu.memref_slice %arg7[%add3A_187, %dma_start3A_220] : memref<80x128xi32, #tpu.memory_space<vmem>> -> memref<1x128xi32, #tpu.memory_space<vmem>>
        %dma_start3A_222 = tpu.memref_squeeze %dma_start3A_221 : memref<1x128xi32, #tpu.memory_space<vmem>> -> memref<128xi32, #tpu.memory_space<vmem>>
        %dma_start3A_223 = arith.constant 0 : i32
        %dma_start3A_224 = arith.constant 0 : i32
        %dma_start3A_225 = tpu.memref_slice %arg10[%dma_start3A_223, %dma_start3A_224] : memref<10240x128xf32, #tpu.memory_space<vmem_shared>> -> memref<10240x128xf32, #tpu.memory_space<vmem_shared>>
        tpu.enqueue_indirect_dma source(%dma_start3A_219 : memref<128x128xf32, #tpu.memory_space<vmem>>) target(%dma_start3A_225 : memref<10240x128xf32, #tpu.memory_space<vmem_shared>>) offsets(%dma_start3A_222 : memref<128xi32, #tpu.memory_space<vmem>>) semaphore(%run_scoped3A_215 : memref<!tpu.dma_semaphore, #tpu.memory_space<semaphore_mem>>) {add = true}
        %dma_wait3A_226 = arith.constant 0 : i32
        %dma_wait3A_227 = arith.constant 0 : i32
        %dma_wait3A_228 = tpu.memref_slice %arg9[%run_scoped3A_207, %dma_wait3A_226, %dma_wait3A_227] : memref<2x128x128xf32, #tpu.memory_space<vmem>> -> memref<1x128x128xf32, #tpu.memory_space<vmem>>
        %dma_wait3A_229 = tpu.memref_squeeze %dma_wait3A_228 : memref<1x128x128xf32, #tpu.memory_space<vmem>> -> memref<128x128xf32, #tpu.memory_space<vmem>>
        %dma_wait3A_230 = arith.constant 0 : i32
        %dma_wait3A_231 = tpu.memref_slice %arg7[%add3A_187, %dma_wait3A_230] : memref<80x128xi32, #tpu.memory_space<vmem>> -> memref<1x128xi32, #tpu.memory_space<vmem>>
        %dma_wait3A_232 = tpu.memref_squeeze %dma_wait3A_231 : memref<1x128xi32, #tpu.memory_space<vmem>> -> memref<128xi32, #tpu.memory_space<vmem>>
        %dma_wait3A_233 = arith.constant 0 : i32
        %dma_wait3A_234 = arith.constant 0 : i32
        %dma_wait3A_235 = tpu.memref_slice %arg10[%dma_wait3A_233, %dma_wait3A_234] : memref<10240x128xf32, #tpu.memory_space<vmem_shared>> -> memref<10240x128xf32, #tpu.memory_space<vmem_shared>>
        tpu.wait_indirect_dma semaphore(%run_scoped3A_215 : memref<!tpu.dma_semaphore, #tpu.memory_space<semaphore_mem>>) src(%dma_wait3A_229 : memref<128x128xf32, #tpu.memory_space<vmem>>) dst(%dma_wait3A_235 : memref<10240x128xf32, #tpu.memory_space<vmem_shared>>)
        tpu.yield
      }) : () -> ()
      %add3A_208 = arith.constant 2 : i32
      %add3A_209 = arith.addi %add3A_187, %add3A_208 : i32
      %lt3A_210 = arith.constant 80 : i32
      %lt3A_211 = arith.cmpi slt, %add3A_209, %lt3A_210 : i32
      %convert_element_type3A_212 = arith.extui %lt3A_211 : i1 to i32
      %cond3A_213 = arith.constant 0 : i32
      %cond3A_214 = arith.cmpi ne, %convert_element_type3A_212, %cond3A_213 : i32
      scf.if %cond3A_214 {
        %dma_wait3A_215 = arith.constant 0 : i32
        %dma_wait3A_216 = arith.constant 1 : i32
        %dma_wait3A_217 = arith.constant 0 : i32
        %dma_wait3A_218 = tpu.memref_slice %arg8[%dma_wait3A_216, %dma_wait3A_217] : memref<2x128xi32, #tpu.memory_space<vmem>> -> memref<1x128xi32, #tpu.memory_space<vmem>>
        %dma_wait3A_219 = tpu.memref_squeeze %dma_wait3A_218 : memref<1x128xi32, #tpu.memory_space<vmem>> -> memref<128xi32, #tpu.memory_space<vmem>>
        %dma_wait3A_220 = arith.constant 0 : i32
        %dma_wait3A_221 = tpu.memref_slice %arg3[%add3A, %dma_wait3A_215, %dma_wait3A_220] : memref<32x80x128xi32, #tpu.memory_space<hbm>> -> memref<1x1x128xi32, #tpu.memory_space<hbm>>
        %dma_wait3A_222 = tpu.memref_squeeze %dma_wait3A_221 : memref<1x1x128xi32, #tpu.memory_space<hbm>> -> memref<128xi32, #tpu.memory_space<hbm>>
        %dma_wait3A_223 = arith.constant 0 : i32
        %dma_wait3A_224 = tpu.memref_slice %arg8[%dma_wait3A_216, %dma_wait3A_223] : memref<2x128xi32, #tpu.memory_space<vmem>> -> memref<1x128xi32, #tpu.memory_space<vmem>>
        %dma_wait3A_225 = tpu.memref_squeeze %dma_wait3A_224 : memref<1x128xi32, #tpu.memory_space<vmem>> -> memref<128xi32, #tpu.memory_space<vmem>>
        %dma_wait3A_226 = arith.constant 0 : i32
        %dma_wait3A_227 = tpu.memref_slice %arg3[%add3A, %dma_wait3A_215, %dma_wait3A_226] : memref<32x80x128xi32, #tpu.memory_space<hbm>> -> memref<1x1x128xi32, #tpu.memory_space<hbm>>
        %dma_wait3A_228 = tpu.memref_squeeze %dma_wait3A_227 : memref<1x1x128xi32, #tpu.memory_space<hbm>> -> memref<128xi32, #tpu.memory_space<hbm>>
        tpu.wait_dma2 semaphore(%arg14 : memref<!tpu.dma_semaphore, #tpu.memory_space<semaphore_mem>>) src(%dma_wait3A_228 : memref<128xi32, #tpu.memory_space<hbm>>) dst(%dma_wait3A_225 : memref<128xi32, #tpu.memory_space<vmem>>)
        %dma_start3A_229 = arith.constant 1 : i32
        %dma_start3A_230 = arith.constant 1 : i32
        %dma_start3A_231 = arith.constant 0 : i32
        %dma_start3A_232 = arith.constant 0 : i32
        %dma_start3A_233 = tpu.memref_slice %arg9[%dma_start3A_230, %dma_start3A_231, %dma_start3A_232] : memref<2x128x128xf32, #tpu.memory_space<vmem>> -> memref<1x128x128xf32, #tpu.memory_space<vmem>>
        %dma_start3A_234 = tpu.memref_squeeze %dma_start3A_233 : memref<1x128x128xf32, #tpu.memory_space<vmem>> -> memref<128x128xf32, #tpu.memory_space<vmem>>
        %dma_start3A_235 = arith.constant 0 : i32
        %dma_start3A_236 = tpu.memref_slice %arg8[%dma_start3A_229, %dma_start3A_235] : memref<2x128xi32, #tpu.memory_space<vmem>> -> memref<1x128xi32, #tpu.memory_space<vmem>>
        %dma_start3A_237 = tpu.memref_squeeze %dma_start3A_236 : memref<1x128xi32, #tpu.memory_space<vmem>> -> memref<128xi32, #tpu.memory_space<vmem>>
        %dma_start3A_238 = arith.constant 0 : i32
        %dma_start3A_239 = arith.constant 0 : i32
        %dma_start3A_240 = tpu.memref_slice %arg2[%dma_start3A_238, %dma_start3A_239] : memref<10000x128xf32, #tpu.memory_space<hbm>> -> memref<10000x128xf32, #tpu.memory_space<hbm>>
        tpu.enqueue_indirect_dma source(%dma_start3A_240 : memref<10000x128xf32, #tpu.memory_space<hbm>>) target(%dma_start3A_234 : memref<128x128xf32, #tpu.memory_space<vmem>>) offsets(%dma_start3A_237 : memref<128xi32, #tpu.memory_space<vmem>>) semaphore(%arg12 : memref<!tpu.dma_semaphore, #tpu.memory_space<semaphore_mem>>)
      } else {
      }
    }
    %scan3A_123 = arith.constant 40 : i32
    %barrier3A_124 = arith.constant 0 : index
    tpu.barrier barrier_id(%barrier3A_124)
    %mul3A_125 = arith.constant 640 : i32
    %mul3A_126 = arith.muli %arg1, %mul3A_125 : i32
    %add3A_127 = arith.constant 0 : i32
    %add3A_128 = arith.addi %mul3A_126, %add3A_127 : i32
    %run_scoped3A_129 = arith.constant 0 : i32
    "tpu.region"() ({
      %run_scoped3A_155 = tpu.sem_alloc : memref<!tpu.dma_semaphore, #tpu.memory_space<semaphore_mem>>
      %dma_start3A_156 = arith.constant 0 : i32
      %dma_start3A_157 = arith.constant 0 : i32
      %dma_start3A_158 = tpu.memref_slice %arg9[%run_scoped3A_129, %dma_start3A_156, %dma_start3A_157] : memref<2x128x128xf32, #tpu.memory_space<vmem>> -> memref<1x128x128xf32, #tpu.memory_space<vmem>>
      %dma_start3A_159 = tpu.memref_squeeze %dma_start3A_158 : memref<1x128x128xf32, #tpu.memory_space<vmem>> -> memref<128x128xf32, #tpu.memory_space<vmem>>
      %dma_start3A_160 = arith.constant 0 : i32
      %dma_start3A_161 = tpu.memref_slice %arg10[%add3A_128, %dma_start3A_160] : memref<10240x128xf32, #tpu.memory_space<vmem_shared>> -> memref<128x128xf32, #tpu.memory_space<vmem_shared>>
      %dma_start3A_162 = arith.constant 0 : i32
      %dma_start3A_163 = arith.constant 0 : i32
      %dma_start3A_164 = tpu.memref_slice %arg9[%run_scoped3A_129, %dma_start3A_162, %dma_start3A_163] : memref<2x128x128xf32, #tpu.memory_space<vmem>> -> memref<1x128x128xf32, #tpu.memory_space<vmem>>
      %dma_start3A_165 = tpu.memref_squeeze %dma_start3A_164 : memref<1x128x128xf32, #tpu.memory_space<vmem>> -> memref<128x128xf32, #tpu.memory_space<vmem>>
      %dma_start3A_166 = arith.constant 0 : i32
      %dma_start3A_167 = tpu.memref_slice %arg10[%add3A_128, %dma_start3A_166] : memref<10240x128xf32, #tpu.memory_space<vmem_shared>> -> memref<128x128xf32, #tpu.memory_space<vmem_shared>>
      tpu.enqueue_dma source(%dma_start3A_167 : memref<128x128xf32, #tpu.memory_space<vmem_shared>>) target(%dma_start3A_165 : memref<128x128xf32, #tpu.memory_space<vmem>>) target_semaphore(%run_scoped3A_155 : memref<!tpu.dma_semaphore, #tpu.memory_space<semaphore_mem>>)
      %dma_wait3A_168 = arith.constant 0 : i32
      %dma_wait3A_169 = arith.constant 0 : i32
      %dma_wait3A_170 = tpu.memref_slice %arg9[%run_scoped3A_129, %dma_wait3A_168, %dma_wait3A_169] : memref<2x128x128xf32, #tpu.memory_space<vmem>> -> memref<1x128x128xf32, #tpu.memory_space<vmem>>
      %dma_wait3A_171 = tpu.memref_squeeze %dma_wait3A_170 : memref<1x128x128xf32, #tpu.memory_space<vmem>> -> memref<128x128xf32, #tpu.memory_space<vmem>>
      %dma_wait3A_172 = arith.constant 0 : i32
      %dma_wait3A_173 = tpu.memref_slice %arg10[%add3A_128, %dma_wait3A_172] : memref<10240x128xf32, #tpu.memory_space<vmem_shared>> -> memref<128x128xf32, #tpu.memory_space<vmem_shared>>
      %dma_wait3A_174 = arith.constant 0 : i32
      %dma_wait3A_175 = arith.constant 0 : i32
      %dma_wait3A_176 = tpu.memref_slice %arg9[%run_scoped3A_129, %dma_wait3A_174, %dma_wait3A_175] : memref<2x128x128xf32, #tpu.memory_space<vmem>> -> memref<1x128x128xf32, #tpu.memory_space<vmem>>
      %dma_wait3A_177 = tpu.memref_squeeze %dma_wait3A_176 : memref<1x128x128xf32, #tpu.memory_space<vmem>> -> memref<128x128xf32, #tpu.memory_space<vmem>>
      %dma_wait3A_178 = arith.constant 0 : i32
      %dma_wait3A_179 = tpu.memref_slice %arg10[%add3A_128, %dma_wait3A_178] : memref<10240x128xf32, #tpu.memory_space<vmem_shared>> -> memref<128x128xf32, #tpu.memory_space<vmem_shared>>
      tpu.wait_dma2 semaphore(%run_scoped3A_155 : memref<!tpu.dma_semaphore, #tpu.memory_space<semaphore_mem>>) src(%dma_wait3A_179 : memref<128x128xf32, #tpu.memory_space<vmem_shared>>) dst(%dma_wait3A_177 : memref<128x128xf32, #tpu.memory_space<vmem>>)
      tpu.yield
    }) : () -> ()
    %run_scoped3A_130 = arith.constant 0 : i32
    "tpu.region"() ({
      %run_scoped3A_155 = tpu.sem_alloc : memref<!tpu.dma_semaphore, #tpu.memory_space<semaphore_mem>>
      %dma_start3A_156 = arith.constant 0 : i32
      %dma_start3A_157 = arith.constant 0 : i32
      %dma_start3A_158 = tpu.memref_slice %arg9[%run_scoped3A_130, %dma_start3A_156, %dma_start3A_157] : memref<2x128x128xf32, #tpu.memory_space<vmem>> -> memref<1x128x128xf32, #tpu.memory_space<vmem>>
      %dma_start3A_159 = tpu.memref_squeeze %dma_start3A_158 : memref<1x128x128xf32, #tpu.memory_space<vmem>> -> memref<128x128xf32, #tpu.memory_space<vmem>>
      %dma_start3A_160 = arith.constant 0 : i32
      %dma_start3A_161 = tpu.memref_slice %arg6[%arg0, %add3A_128, %dma_start3A_160] : memref<2x10240x128xf32, #tpu.memory_space<hbm>> -> memref<1x128x128xf32, #tpu.memory_space<hbm>>
      %dma_start3A_162 = tpu.memref_squeeze %dma_start3A_161 : memref<1x128x128xf32, #tpu.memory_space<hbm>> -> memref<128x128xf32, #tpu.memory_space<hbm>>
      %dma_start3A_163 = arith.constant 0 : i32
      %dma_start3A_164 = tpu.memref_slice %arg6[%arg0, %add3A_128, %dma_start3A_163] : memref<2x10240x128xf32, #tpu.memory_space<hbm>> -> memref<1x128x128xf32, #tpu.memory_space<hbm>>
      %dma_start3A_165 = tpu.memref_squeeze %dma_start3A_164 : memref<1x128x128xf32, #tpu.memory_space<hbm>> -> memref<128x128xf32, #tpu.memory_space<hbm>>
      %dma_start3A_166 = arith.constant 0 : i32
      %dma_start3A_167 = arith.constant 0 : i32
      %dma_start3A_168 = tpu.memref_slice %arg9[%run_scoped3A_130, %dma_start3A_166, %dma_start3A_167] : memref<2x128x128xf32, #tpu.memory_space<vmem>> -> memref<1x128x128xf32, #tpu.memory_space<vmem>>
      %dma_start3A_169 = tpu.memref_squeeze %dma_start3A_168 : memref<1x128x128xf32, #tpu.memory_space<vmem>> -> memref<128x128xf32, #tpu.memory_space<vmem>>
      tpu.enqueue_dma source(%dma_start3A_169 : memref<128x128xf32, #tpu.memory_space<vmem>>) target(%dma_start3A_165 : memref<128x128xf32, #tpu.memory_space<hbm>>) target_semaphore(%run_scoped3A_155 : memref<!tpu.dma_semaphore, #tpu.memory_space<semaphore_mem>>)
      %dma_wait3A_170 = arith.constant 0 : i32
      %dma_wait3A_171 = arith.constant 0 : i32
      %dma_wait3A_172 = tpu.memref_slice %arg9[%run_scoped3A_130, %dma_wait3A_170, %dma_wait3A_171] : memref<2x128x128xf32, #tpu.memory_space<vmem>> -> memref<1x128x128xf32, #tpu.memory_space<vmem>>
      %dma_wait3A_173 = tpu.memref_squeeze %dma_wait3A_172 : memref<1x128x128xf32, #tpu.memory_space<vmem>> -> memref<128x128xf32, #tpu.memory_space<vmem>>
      %dma_wait3A_174 = arith.constant 0 : i32
      %dma_wait3A_175 = tpu.memref_slice %arg6[%arg0, %add3A_128, %dma_wait3A_174] : memref<2x10240x128xf32, #tpu.memory_space<hbm>> -> memref<1x128x128xf32, #tpu.memory_space<hbm>>
      %dma_wait3A_176 = tpu.memref_squeeze %dma_wait3A_175 : memref<1x128x128xf32, #tpu.memory_space<hbm>> -> memref<128x128xf32, #tpu.memory_space<hbm>>
      %dma_wait3A_177 = arith.constant 0 : i32
      %dma_wait3A_178 = tpu.memref_slice %arg6[%arg0, %add3A_128, %dma_wait3A_177] : memref<2x10240x128xf32, #tpu.memory_space<hbm>> -> memref<1x128x128xf32, #tpu.memory_space<hbm>>
      %dma_wait3A_179 = tpu.memref_squeeze %dma_wait3A_178 : memref<1x128x128xf32, #tpu.memory_space<hbm>> -> memref<128x128xf32, #tpu.memory_space<hbm>>
      %dma_wait3A_180 = arith.constant 0 : i32
      %dma_wait3A_181 = arith.constant 0 : i32
      %dma_wait3A_182 = tpu.memref_slice %arg9[%run_scoped3A_130, %dma_wait3A_180, %dma_wait3A_181] : memref<2x128x128xf32, #tpu.memory_space<vmem>> -> memref<1x128x128xf32, #tpu.memory_space<vmem>>
      %dma_wait3A_183 = tpu.memref_squeeze %dma_wait3A_182 : memref<1x128x128xf32, #tpu.memory_space<vmem>> -> memref<128x128xf32, #tpu.memory_space<vmem>>
      tpu.wait_dma2 semaphore(%run_scoped3A_155 : memref<!tpu.dma_semaphore, #tpu.memory_space<semaphore_mem>>) src(%dma_wait3A_183 : memref<128x128xf32, #tpu.memory_space<vmem>>) dst(%dma_wait3A_179 : memref<128x128xf32, #tpu.memory_space<hbm>>)
      tpu.yield
    }) : () -> ()
    %mul3A_131 = arith.constant 640 : i32
    %mul3A_132 = arith.muli %arg1, %mul3A_131 : i32
    %add3A_133 = arith.constant 128 : i32
    %add3A_134 = arith.addi %mul3A_132, %add3A_133 : i32
    %run_scoped3A_135 = arith.constant 0 : i32
    "tpu.region"() ({
      %run_scoped3A_155 = tpu.sem_alloc : memref<!tpu.dma_semaphore, #tpu.memory_space<semaphore_mem>>
      %dma_start3A_156 = arith.constant 0 : i32
      %dma_start3A_157 = arith.constant 0 : i32
      %dma_start3A_158 = tpu.memref_slice %arg9[%run_scoped3A_135, %dma_start3A_156, %dma_start3A_157] : memref<2x128x128xf32, #tpu.memory_space<vmem>> -> memref<1x128x128xf32, #tpu.memory_space<vmem>>
      %dma_start3A_159 = tpu.memref_squeeze %dma_start3A_158 : memref<1x128x128xf32, #tpu.memory_space<vmem>> -> memref<128x128xf32, #tpu.memory_space<vmem>>
      %dma_start3A_160 = arith.constant 0 : i32
      %dma_start3A_161 = tpu.memref_slice %arg10[%add3A_134, %dma_start3A_160] : memref<10240x128xf32, #tpu.memory_space<vmem_shared>> -> memref<128x128xf32, #tpu.memory_space<vmem_shared>>
      %dma_start3A_162 = arith.constant 0 : i32
      %dma_start3A_163 = arith.constant 0 : i32
      %dma_start3A_164 = tpu.memref_slice %arg9[%run_scoped3A_135, %dma_start3A_162, %dma_start3A_163] : memref<2x128x128xf32, #tpu.memory_space<vmem>> -> memref<1x128x128xf32, #tpu.memory_space<vmem>>
      %dma_start3A_165 = tpu.memref_squeeze %dma_start3A_164 : memref<1x128x128xf32, #tpu.memory_space<vmem>> -> memref<128x128xf32, #tpu.memory_space<vmem>>
      %dma_start3A_166 = arith.constant 0 : i32
      %dma_start3A_167 = tpu.memref_slice %arg10[%add3A_134, %dma_start3A_166] : memref<10240x128xf32, #tpu.memory_space<vmem_shared>> -> memref<128x128xf32, #tpu.memory_space<vmem_shared>>
      tpu.enqueue_dma source(%dma_start3A_167 : memref<128x128xf32, #tpu.memory_space<vmem_shared>>) target(%dma_start3A_165 : memref<128x128xf32, #tpu.memory_space<vmem>>) target_semaphore(%run_scoped3A_155 : memref<!tpu.dma_semaphore, #tpu.memory_space<semaphore_mem>>)
      %dma_wait3A_168 = arith.constant 0 : i32
      %dma_wait3A_169 = arith.constant 0 : i32
      %dma_wait3A_170 = tpu.memref_slice %arg9[%run_scoped3A_135, %dma_wait3A_168, %dma_wait3A_169] : memref<2x128x128xf32, #tpu.memory_space<vmem>> -> memref<1x128x128xf32, #tpu.memory_space<vmem>>
      %dma_wait3A_171 = tpu.memref_squeeze %dma_wait3A_170 : memref<1x128x128xf32, #tpu.memory_space<vmem>> -> memref<128x128xf32, #tpu.memory_space<vmem>>
      %dma_wait3A_172 = arith.constant 0 : i32
      %dma_wait3A_173 = tpu.memref_slice %arg10[%add3A_134, %dma_wait3A_172] : memref<10240x128xf32, #tpu.memory_space<vmem_shared>> -> memref<128x128xf32, #tpu.memory_space<vmem_shared>>
      %dma_wait3A_174 = arith.constant 0 : i32
      %dma_wait3A_175 = arith.constant 0 : i32
      %dma_wait3A_176 = tpu.memref_slice %arg9[%run_scoped3A_135, %dma_wait3A_174, %dma_wait3A_175] : memref<2x128x128xf32, #tpu.memory_space<vmem>> -> memref<1x128x128xf32, #tpu.memory_space<vmem>>
      %dma_wait3A_177 = tpu.memref_squeeze %dma_wait3A_176 : memref<1x128x128xf32, #tpu.memory_space<vmem>> -> memref<128x128xf32, #tpu.memory_space<vmem>>
      %dma_wait3A_178 = arith.constant 0 : i32
      %dma_wait3A_179 = tpu.memref_slice %arg10[%add3A_134, %dma_wait3A_178] : memref<10240x128xf32, #tpu.memory_space<vmem_shared>> -> memref<128x128xf32, #tpu.memory_space<vmem_shared>>
      tpu.wait_dma2 semaphore(%run_scoped3A_155 : memref<!tpu.dma_semaphore, #tpu.memory_space<semaphore_mem>>) src(%dma_wait3A_179 : memref<128x128xf32, #tpu.memory_space<vmem_shared>>) dst(%dma_wait3A_177 : memref<128x128xf32, #tpu.memory_space<vmem>>)
      tpu.yield
    }) : () -> ()
    %run_scoped3A_136 = arith.constant 0 : i32
    "tpu.region"() ({
      %run_scoped3A_155 = tpu.sem_alloc : memref<!tpu.dma_semaphore, #tpu.memory_space<semaphore_mem>>
      %dma_start3A_156 = arith.constant 0 : i32
      %dma_start3A_157 = arith.constant 0 : i32
      %dma_start3A_158 = tpu.memref_slice %arg9[%run_scoped3A_136, %dma_start3A_156, %dma_start3A_157] : memref<2x128x128xf32, #tpu.memory_space<vmem>> -> memref<1x128x128xf32, #tpu.memory_space<vmem>>
      %dma_start3A_159 = tpu.memref_squeeze %dma_start3A_158 : memref<1x128x128xf32, #tpu.memory_space<vmem>> -> memref<128x128xf32, #tpu.memory_space<vmem>>
      %dma_start3A_160 = arith.constant 0 : i32
      %dma_start3A_161 = tpu.memref_slice %arg6[%arg0, %add3A_134, %dma_start3A_160] : memref<2x10240x128xf32, #tpu.memory_space<hbm>> -> memref<1x128x128xf32, #tpu.memory_space<hbm>>
      %dma_start3A_162 = tpu.memref_squeeze %dma_start3A_161 : memref<1x128x128xf32, #tpu.memory_space<hbm>> -> memref<128x128xf32, #tpu.memory_space<hbm>>
      %dma_start3A_163 = arith.constant 0 : i32
      %dma_start3A_164 = tpu.memref_slice %arg6[%arg0, %add3A_134, %dma_start3A_163] : memref<2x10240x128xf32, #tpu.memory_space<hbm>> -> memref<1x128x128xf32, #tpu.memory_space<hbm>>
      %dma_start3A_165 = tpu.memref_squeeze %dma_start3A_164 : memref<1x128x128xf32, #tpu.memory_space<hbm>> -> memref<128x128xf32, #tpu.memory_space<hbm>>
      %dma_start3A_166 = arith.constant 0 : i32
      %dma_start3A_167 = arith.constant 0 : i32
      %dma_start3A_168 = tpu.memref_slice %arg9[%run_scoped3A_136, %dma_start3A_166, %dma_start3A_167] : memref<2x128x128xf32, #tpu.memory_space<vmem>> -> memref<1x128x128xf32, #tpu.memory_space<vmem>>
      %dma_start3A_169 = tpu.memref_squeeze %dma_start3A_168 : memref<1x128x128xf32, #tpu.memory_space<vmem>> -> memref<128x128xf32, #tpu.memory_space<vmem>>
      tpu.enqueue_dma source(%dma_start3A_169 : memref<128x128xf32, #tpu.memory_space<vmem>>) target(%dma_start3A_165 : memref<128x128xf32, #tpu.memory_space<hbm>>) target_semaphore(%run_scoped3A_155 : memref<!tpu.dma_semaphore, #tpu.memory_space<semaphore_mem>>)
      %dma_wait3A_170 = arith.constant 0 : i32
      %dma_wait3A_171 = arith.constant 0 : i32
      %dma_wait3A_172 = tpu.memref_slice %arg9[%run_scoped3A_136, %dma_wait3A_170, %dma_wait3A_171] : memref<2x128x128xf32, #tpu.memory_space<vmem>> -> memref<1x128x128xf32, #tpu.memory_space<vmem>>
      %dma_wait3A_173 = tpu.memref_squeeze %dma_wait3A_172 : memref<1x128x128xf32, #tpu.memory_space<vmem>> -> memref<128x128xf32, #tpu.memory_space<vmem>>
      %dma_wait3A_174 = arith.constant 0 : i32
      %dma_wait3A_175 = tpu.memref_slice %arg6[%arg0, %add3A_134, %dma_wait3A_174] : memref<2x10240x128xf32, #tpu.memory_space<hbm>> -> memref<1x128x128xf32, #tpu.memory_space<hbm>>
      %dma_wait3A_176 = tpu.memref_squeeze %dma_wait3A_175 : memref<1x128x128xf32, #tpu.memory_space<hbm>> -> memref<128x128xf32, #tpu.memory_space<hbm>>
      %dma_wait3A_177 = arith.constant 0 : i32
      %dma_wait3A_178 = tpu.memref_slice %arg6[%arg0, %add3A_134, %dma_wait3A_177] : memref<2x10240x128xf32, #tpu.memory_space<hbm>> -> memref<1x128x128xf32, #tpu.memory_space<hbm>>
      %dma_wait3A_179 = tpu.memref_squeeze %dma_wait3A_178 : memref<1x128x128xf32, #tpu.memory_space<hbm>> -> memref<128x128xf32, #tpu.memory_space<hbm>>
      %dma_wait3A_180 = arith.constant 0 : i32
      %dma_wait3A_181 = arith.constant 0 : i32
      %dma_wait3A_182 = tpu.memref_slice %arg9[%run_scoped3A_136, %dma_wait3A_180, %dma_wait3A_181] : memref<2x128x128xf32, #tpu.memory_space<vmem>> -> memref<1x128x128xf32, #tpu.memory_space<vmem>>
      %dma_wait3A_183 = tpu.memref_squeeze %dma_wait3A_182 : memref<1x128x128xf32, #tpu.memory_space<vmem>> -> memref<128x128xf32, #tpu.memory_space<vmem>>
      tpu.wait_dma2 semaphore(%run_scoped3A_155 : memref<!tpu.dma_semaphore, #tpu.memory_space<semaphore_mem>>) src(%dma_wait3A_183 : memref<128x128xf32, #tpu.memory_space<vmem>>) dst(%dma_wait3A_179 : memref<128x128xf32, #tpu.memory_space<hbm>>)
      tpu.yield
    }) : () -> ()
    %mul3A_137 = arith.constant 640 : i32
    %mul3A_138 = arith.muli %arg1, %mul3A_137 : i32
    %add3A_139 = arith.constant 256 : i32
    %add3A_140 = arith.addi %mul3A_138, %add3A_139 : i32
    %run_scoped3A_141 = arith.constant 0 : i32
    "tpu.region"() ({
      %run_scoped3A_155 = tpu.sem_alloc : memref<!tpu.dma_semaphore, #tpu.memory_space<semaphore_mem>>
      %dma_start3A_156 = arith.constant 0 : i32
      %dma_start3A_157 = arith.constant 0 : i32
      %dma_start3A_158 = tpu.memref_slice %arg9[%run_scoped3A_141, %dma_start3A_156, %dma_start3A_157] : memref<2x128x128xf32, #tpu.memory_space<vmem>> -> memref<1x128x128xf32, #tpu.memory_space<vmem>>
      %dma_start3A_159 = tpu.memref_squeeze %dma_start3A_158 : memref<1x128x128xf32, #tpu.memory_space<vmem>> -> memref<128x128xf32, #tpu.memory_space<vmem>>
      %dma_start3A_160 = arith.constant 0 : i32
      %dma_start3A_161 = tpu.memref_slice %arg10[%add3A_140, %dma_start3A_160] : memref<10240x128xf32, #tpu.memory_space<vmem_shared>> -> memref<128x128xf32, #tpu.memory_space<vmem_shared>>
      %dma_start3A_162 = arith.constant 0 : i32
      %dma_start3A_163 = arith.constant 0 : i32
      %dma_start3A_164 = tpu.memref_slice %arg9[%run_scoped3A_141, %dma_start3A_162, %dma_start3A_163] : memref<2x128x128xf32, #tpu.memory_space<vmem>> -> memref<1x128x128xf32, #tpu.memory_space<vmem>>
      %dma_start3A_165 = tpu.memref_squeeze %dma_start3A_164 : memref<1x128x128xf32, #tpu.memory_space<vmem>> -> memref<128x128xf32, #tpu.memory_space<vmem>>
      %dma_start3A_166 = arith.constant 0 : i32
      %dma_start3A_167 = tpu.memref_slice %arg10[%add3A_140, %dma_start3A_166] : memref<10240x128xf32, #tpu.memory_space<vmem_shared>> -> memref<128x128xf32, #tpu.memory_space<vmem_shared>>
      tpu.enqueue_dma source(%dma_start3A_167 : memref<128x128xf32, #tpu.memory_space<vmem_shared>>) target(%dma_start3A_165 : memref<128x128xf32, #tpu.memory_space<vmem>>) target_semaphore(%run_scoped3A_155 : memref<!tpu.dma_semaphore, #tpu.memory_space<semaphore_mem>>)
      %dma_wait3A_168 = arith.constant 0 : i32
      %dma_wait3A_169 = arith.constant 0 : i32
      %dma_wait3A_170 = tpu.memref_slice %arg9[%run_scoped3A_141, %dma_wait3A_168, %dma_wait3A_169] : memref<2x128x128xf32, #tpu.memory_space<vmem>> -> memref<1x128x128xf32, #tpu.memory_space<vmem>>
      %dma_wait3A_171 = tpu.memref_squeeze %dma_wait3A_170 : memref<1x128x128xf32, #tpu.memory_space<vmem>> -> memref<128x128xf32, #tpu.memory_space<vmem>>
      %dma_wait3A_172 = arith.constant 0 : i32
      %dma_wait3A_173 = tpu.memref_slice %arg10[%add3A_140, %dma_wait3A_172] : memref<10240x128xf32, #tpu.memory_space<vmem_shared>> -> memref<128x128xf32, #tpu.memory_space<vmem_shared>>
      %dma_wait3A_174 = arith.constant 0 : i32
      %dma_wait3A_175 = arith.constant 0 : i32
      %dma_wait3A_176 = tpu.memref_slice %arg9[%run_scoped3A_141, %dma_wait3A_174, %dma_wait3A_175] : memref<2x128x128xf32, #tpu.memory_space<vmem>> -> memref<1x128x128xf32, #tpu.memory_space<vmem>>
      %dma_wait3A_177 = tpu.memref_squeeze %dma_wait3A_176 : memref<1x128x128xf32, #tpu.memory_space<vmem>> -> memref<128x128xf32, #tpu.memory_space<vmem>>
      %dma_wait3A_178 = arith.constant 0 : i32
      %dma_wait3A_179 = tpu.memref_slice %arg10[%add3A_140, %dma_wait3A_178] : memref<10240x128xf32, #tpu.memory_space<vmem_shared>> -> memref<128x128xf32, #tpu.memory_space<vmem_shared>>
      tpu.wait_dma2 semaphore(%run_scoped3A_155 : memref<!tpu.dma_semaphore, #tpu.memory_space<semaphore_mem>>) src(%dma_wait3A_179 : memref<128x128xf32, #tpu.memory_space<vmem_shared>>) dst(%dma_wait3A_177 : memref<128x128xf32, #tpu.memory_space<vmem>>)
      tpu.yield
    }) : () -> ()
    %run_scoped3A_142 = arith.constant 0 : i32
    "tpu.region"() ({
      %run_scoped3A_155 = tpu.sem_alloc : memref<!tpu.dma_semaphore, #tpu.memory_space<semaphore_mem>>
      %dma_start3A_156 = arith.constant 0 : i32
      %dma_start3A_157 = arith.constant 0 : i32
      %dma_start3A_158 = tpu.memref_slice %arg9[%run_scoped3A_142, %dma_start3A_156, %dma_start3A_157] : memref<2x128x128xf32, #tpu.memory_space<vmem>> -> memref<1x128x128xf32, #tpu.memory_space<vmem>>
      %dma_start3A_159 = tpu.memref_squeeze %dma_start3A_158 : memref<1x128x128xf32, #tpu.memory_space<vmem>> -> memref<128x128xf32, #tpu.memory_space<vmem>>
      %dma_start3A_160 = arith.constant 0 : i32
      %dma_start3A_161 = tpu.memref_slice %arg6[%arg0, %add3A_140, %dma_start3A_160] : memref<2x10240x128xf32, #tpu.memory_space<hbm>> -> memref<1x128x128xf32, #tpu.memory_space<hbm>>
      %dma_start3A_162 = tpu.memref_squeeze %dma_start3A_161 : memref<1x128x128xf32, #tpu.memory_space<hbm>> -> memref<128x128xf32, #tpu.memory_space<hbm>>
      %dma_start3A_163 = arith.constant 0 : i32
      %dma_start3A_164 = tpu.memref_slice %arg6[%arg0, %add3A_140, %dma_start3A_163] : memref<2x10240x128xf32, #tpu.memory_space<hbm>> -> memref<1x128x128xf32, #tpu.memory_space<hbm>>
      %dma_start3A_165 = tpu.memref_squeeze %dma_start3A_164 : memref<1x128x128xf32, #tpu.memory_space<hbm>> -> memref<128x128xf32, #tpu.memory_space<hbm>>
      %dma_start3A_166 = arith.constant 0 : i32
      %dma_start3A_167 = arith.constant 0 : i32
      %dma_start3A_168 = tpu.memref_slice %arg9[%run_scoped3A_142, %dma_start3A_166, %dma_start3A_167] : memref<2x128x128xf32, #tpu.memory_space<vmem>> -> memref<1x128x128xf32, #tpu.memory_space<vmem>>
      %dma_start3A_169 = tpu.memref_squeeze %dma_start3A_168 : memref<1x128x128xf32, #tpu.memory_space<vmem>> -> memref<128x128xf32, #tpu.memory_space<vmem>>
      tpu.enqueue_dma source(%dma_start3A_169 : memref<128x128xf32, #tpu.memory_space<vmem>>) target(%dma_start3A_165 : memref<128x128xf32, #tpu.memory_space<hbm>>) target_semaphore(%run_scoped3A_155 : memref<!tpu.dma_semaphore, #tpu.memory_space<semaphore_mem>>)
      %dma_wait3A_170 = arith.constant 0 : i32
      %dma_wait3A_171 = arith.constant 0 : i32
      %dma_wait3A_172 = tpu.memref_slice %arg9[%run_scoped3A_142, %dma_wait3A_170, %dma_wait3A_171] : memref<2x128x128xf32, #tpu.memory_space<vmem>> -> memref<1x128x128xf32, #tpu.memory_space<vmem>>
      %dma_wait3A_173 = tpu.memref_squeeze %dma_wait3A_172 : memref<1x128x128xf32, #tpu.memory_space<vmem>> -> memref<128x128xf32, #tpu.memory_space<vmem>>
      %dma_wait3A_174 = arith.constant 0 : i32
      %dma_wait3A_175 = tpu.memref_slice %arg6[%arg0, %add3A_140, %dma_wait3A_174] : memref<2x10240x128xf32, #tpu.memory_space<hbm>> -> memref<1x128x128xf32, #tpu.memory_space<hbm>>
      %dma_wait3A_176 = tpu.memref_squeeze %dma_wait3A_175 : memref<1x128x128xf32, #tpu.memory_space<hbm>> -> memref<128x128xf32, #tpu.memory_space<hbm>>
      %dma_wait3A_177 = arith.constant 0 : i32
      %dma_wait3A_178 = tpu.memref_slice %arg6[%arg0, %add3A_140, %dma_wait3A_177] : memref<2x10240x128xf32, #tpu.memory_space<hbm>> -> memref<1x128x128xf32, #tpu.memory_space<hbm>>
      %dma_wait3A_179 = tpu.memref_squeeze %dma_wait3A_178 : memref<1x128x128xf32, #tpu.memory_space<hbm>> -> memref<128x128xf32, #tpu.memory_space<hbm>>
      %dma_wait3A_180 = arith.constant 0 : i32
      %dma_wait3A_181 = arith.constant 0 : i32
      %dma_wait3A_182 = tpu.memref_slice %arg9[%run_scoped3A_142, %dma_wait3A_180, %dma_wait3A_181] : memref<2x128x128xf32, #tpu.memory_space<vmem>> -> memref<1x128x128xf32, #tpu.memory_space<vmem>>
      %dma_wait3A_183 = tpu.memref_squeeze %dma_wait3A_182 : memref<1x128x128xf32, #tpu.memory_space<vmem>> -> memref<128x128xf32, #tpu.memory_space<vmem>>
      tpu.wait_dma2 semaphore(%run_scoped3A_155 : memref<!tpu.dma_semaphore, #tpu.memory_space<semaphore_mem>>) src(%dma_wait3A_183 : memref<128x128xf32, #tpu.memory_space<vmem>>) dst(%dma_wait3A_179 : memref<128x128xf32, #tpu.memory_space<hbm>>)
      tpu.yield
    }) : () -> ()
    %mul3A_143 = arith.constant 640 : i32
    %mul3A_144 = arith.muli %arg1, %mul3A_143 : i32
    %add3A_145 = arith.constant 384 : i32
    %add3A_146 = arith.addi %mul3A_144, %add3A_145 : i32
    %run_scoped3A_147 = arith.constant 0 : i32
    "tpu.region"() ({
      %run_scoped3A_155 = tpu.sem_alloc : memref<!tpu.dma_semaphore, #tpu.memory_space<semaphore_mem>>
      %dma_start3A_156 = arith.constant 0 : i32
      %dma_start3A_157 = arith.constant 0 : i32
      %dma_start3A_158 = tpu.memref_slice %arg9[%run_scoped3A_147, %dma_start3A_156, %dma_start3A_157] : memref<2x128x128xf32, #tpu.memory_space<vmem>> -> memref<1x128x128xf32, #tpu.memory_space<vmem>>
      %dma_start3A_159 = tpu.memref_squeeze %dma_start3A_158 : memref<1x128x128xf32, #tpu.memory_space<vmem>> -> memref<128x128xf32, #tpu.memory_space<vmem>>
      %dma_start3A_160 = arith.constant 0 : i32
      %dma_start3A_161 = tpu.memref_slice %arg10[%add3A_146, %dma_start3A_160] : memref<10240x128xf32, #tpu.memory_space<vmem_shared>> -> memref<128x128xf32, #tpu.memory_space<vmem_shared>>
      %dma_start3A_162 = arith.constant 0 : i32
      %dma_start3A_163 = arith.constant 0 : i32
      %dma_start3A_164 = tpu.memref_slice %arg9[%run_scoped3A_147, %dma_start3A_162, %dma_start3A_163] : memref<2x128x128xf32, #tpu.memory_space<vmem>> -> memref<1x128x128xf32, #tpu.memory_space<vmem>>
      %dma_start3A_165 = tpu.memref_squeeze %dma_start3A_164 : memref<1x128x128xf32, #tpu.memory_space<vmem>> -> memref<128x128xf32, #tpu.memory_space<vmem>>
      %dma_start3A_166 = arith.constant 0 : i32
      %dma_start3A_167 = tpu.memref_slice %arg10[%add3A_146, %dma_start3A_166] : memref<10240x128xf32, #tpu.memory_space<vmem_shared>> -> memref<128x128xf32, #tpu.memory_space<vmem_shared>>
      tpu.enqueue_dma source(%dma_start3A_167 : memref<128x128xf32, #tpu.memory_space<vmem_shared>>) target(%dma_start3A_165 : memref<128x128xf32, #tpu.memory_space<vmem>>) target_semaphore(%run_scoped3A_155 : memref<!tpu.dma_semaphore, #tpu.memory_space<semaphore_mem>>)
      %dma_wait3A_168 = arith.constant 0 : i32
      %dma_wait3A_169 = arith.constant 0 : i32
      %dma_wait3A_170 = tpu.memref_slice %arg9[%run_scoped3A_147, %dma_wait3A_168, %dma_wait3A_169] : memref<2x128x128xf32, #tpu.memory_space<vmem>> -> memref<1x128x128xf32, #tpu.memory_space<vmem>>
      %dma_wait3A_171 = tpu.memref_squeeze %dma_wait3A_170 : memref<1x128x128xf32, #tpu.memory_space<vmem>> -> memref<128x128xf32, #tpu.memory_space<vmem>>
      %dma_wait3A_172 = arith.constant 0 : i32
      %dma_wait3A_173 = tpu.memref_slice %arg10[%add3A_146, %dma_wait3A_172] : memref<10240x128xf32, #tpu.memory_space<vmem_shared>> -> memref<128x128xf32, #tpu.memory_space<vmem_shared>>
      %dma_wait3A_174 = arith.constant 0 : i32
      %dma_wait3A_175 = arith.constant 0 : i32
      %dma_wait3A_176 = tpu.memref_slice %arg9[%run_scoped3A_147, %dma_wait3A_174, %dma_wait3A_175] : memref<2x128x128xf32, #tpu.memory_space<vmem>> -> memref<1x128x128xf32, #tpu.memory_space<vmem>>
      %dma_wait3A_177 = tpu.memref_squeeze %dma_wait3A_176 : memref<1x128x128xf32, #tpu.memory_space<vmem>> -> memref<128x128xf32, #tpu.memory_space<vmem>>
      %dma_wait3A_178 = arith.constant 0 : i32
      %dma_wait3A_179 = tpu.memref_slice %arg10[%add3A_146, %dma_wait3A_178] : memref<10240x128xf32, #tpu.memory_space<vmem_shared>> -> memref<128x128xf32, #tpu.memory_space<vmem_shared>>
      tpu.wait_dma2 semaphore(%run_scoped3A_155 : memref<!tpu.dma_semaphore, #tpu.memory_space<semaphore_mem>>) src(%dma_wait3A_179 : memref<128x128xf32, #tpu.memory_space<vmem_shared>>) dst(%dma_wait3A_177 : memref<128x128xf32, #tpu.memory_space<vmem>>)
      tpu.yield
    }) : () -> ()
    %run_scoped3A_148 = arith.constant 0 : i32
    "tpu.region"() ({
      %run_scoped3A_155 = tpu.sem_alloc : memref<!tpu.dma_semaphore, #tpu.memory_space<semaphore_mem>>
      %dma_start3A_156 = arith.constant 0 : i32
      %dma_start3A_157 = arith.constant 0 : i32
      %dma_start3A_158 = tpu.memref_slice %arg9[%run_scoped3A_148, %dma_start3A_156, %dma_start3A_157] : memref<2x128x128xf32, #tpu.memory_space<vmem>> -> memref<1x128x128xf32, #tpu.memory_space<vmem>>
      %dma_start3A_159 = tpu.memref_squeeze %dma_start3A_158 : memref<1x128x128xf32, #tpu.memory_space<vmem>> -> memref<128x128xf32, #tpu.memory_space<vmem>>
      %dma_start3A_160 = arith.constant 0 : i32
      %dma_start3A_161 = tpu.memref_slice %arg6[%arg0, %add3A_146, %dma_start3A_160] : memref<2x10240x128xf32, #tpu.memory_space<hbm>> -> memref<1x128x128xf32, #tpu.memory_space<hbm>>
      %dma_start3A_162 = tpu.memref_squeeze %dma_start3A_161 : memref<1x128x128xf32, #tpu.memory_space<hbm>> -> memref<128x128xf32, #tpu.memory_space<hbm>>
      %dma_start3A_163 = arith.constant 0 : i32
      %dma_start3A_164 = tpu.memref_slice %arg6[%arg0, %add3A_146, %dma_start3A_163] : memref<2x10240x128xf32, #tpu.memory_space<hbm>> -> memref<1x128x128xf32, #tpu.memory_space<hbm>>
      %dma_start3A_165 = tpu.memref_squeeze %dma_start3A_164 : memref<1x128x128xf32, #tpu.memory_space<hbm>> -> memref<128x128xf32, #tpu.memory_space<hbm>>
      %dma_start3A_166 = arith.constant 0 : i32
      %dma_start3A_167 = arith.constant 0 : i32
      %dma_start3A_168 = tpu.memref_slice %arg9[%run_scoped3A_148, %dma_start3A_166, %dma_start3A_167] : memref<2x128x128xf32, #tpu.memory_space<vmem>> -> memref<1x128x128xf32, #tpu.memory_space<vmem>>
      %dma_start3A_169 = tpu.memref_squeeze %dma_start3A_168 : memref<1x128x128xf32, #tpu.memory_space<vmem>> -> memref<128x128xf32, #tpu.memory_space<vmem>>
      tpu.enqueue_dma source(%dma_start3A_169 : memref<128x128xf32, #tpu.memory_space<vmem>>) target(%dma_start3A_165 : memref<128x128xf32, #tpu.memory_space<hbm>>) target_semaphore(%run_scoped3A_155 : memref<!tpu.dma_semaphore, #tpu.memory_space<semaphore_mem>>)
      %dma_wait3A_170 = arith.constant 0 : i32
      %dma_wait3A_171 = arith.constant 0 : i32
      %dma_wait3A_172 = tpu.memref_slice %arg9[%run_scoped3A_148, %dma_wait3A_170, %dma_wait3A_171] : memref<2x128x128xf32, #tpu.memory_space<vmem>> -> memref<1x128x128xf32, #tpu.memory_space<vmem>>
      %dma_wait3A_173 = tpu.memref_squeeze %dma_wait3A_172 : memref<1x128x128xf32, #tpu.memory_space<vmem>> -> memref<128x128xf32, #tpu.memory_space<vmem>>
      %dma_wait3A_174 = arith.constant 0 : i32
      %dma_wait3A_175 = tpu.memref_slice %arg6[%arg0, %add3A_146, %dma_wait3A_174] : memref<2x10240x128xf32, #tpu.memory_space<hbm>> -> memref<1x128x128xf32, #tpu.memory_space<hbm>>
      %dma_wait3A_176 = tpu.memref_squeeze %dma_wait3A_175 : memref<1x128x128xf32, #tpu.memory_space<hbm>> -> memref<128x128xf32, #tpu.memory_space<hbm>>
      %dma_wait3A_177 = arith.constant 0 : i32
      %dma_wait3A_178 = tpu.memref_slice %arg6[%arg0, %add3A_146, %dma_wait3A_177] : memref<2x10240x128xf32, #tpu.memory_space<hbm>> -> memref<1x128x128xf32, #tpu.memory_space<hbm>>
      %dma_wait3A_179 = tpu.memref_squeeze %dma_wait3A_178 : memref<1x128x128xf32, #tpu.memory_space<hbm>> -> memref<128x128xf32, #tpu.memory_space<hbm>>
      %dma_wait3A_180 = arith.constant 0 : i32
      %dma_wait3A_181 = arith.constant 0 : i32
      %dma_wait3A_182 = tpu.memref_slice %arg9[%run_scoped3A_148, %dma_wait3A_180, %dma_wait3A_181] : memref<2x128x128xf32, #tpu.memory_space<vmem>> -> memref<1x128x128xf32, #tpu.memory_space<vmem>>
      %dma_wait3A_183 = tpu.memref_squeeze %dma_wait3A_182 : memref<1x128x128xf32, #tpu.memory_space<vmem>> -> memref<128x128xf32, #tpu.memory_space<vmem>>
      tpu.wait_dma2 semaphore(%run_scoped3A_155 : memref<!tpu.dma_semaphore, #tpu.memory_space<semaphore_mem>>) src(%dma_wait3A_183 : memref<128x128xf32, #tpu.memory_space<vmem>>) dst(%dma_wait3A_179 : memref<128x128xf32, #tpu.memory_space<hbm>>)
      tpu.yield
    }) : () -> ()
    %mul3A_149 = arith.constant 640 : i32
    %mul3A_150 = arith.muli %arg1, %mul3A_149 : i32
    %add3A_151 = arith.constant 512 : i32
    %add3A_152 = arith.addi %mul3A_150, %add3A_151 : i32
    %run_scoped3A_153 = arith.constant 0 : i32
    "tpu.region"() ({
      %run_scoped3A_155 = tpu.sem_alloc : memref<!tpu.dma_semaphore, #tpu.memory_space<semaphore_mem>>
      %dma_start3A_156 = arith.constant 0 : i32
      %dma_start3A_157 = arith.constant 0 : i32
      %dma_start3A_158 = tpu.memref_slice %arg9[%run_scoped3A_153, %dma_start3A_156, %dma_start3A_157] : memref<2x128x128xf32, #tpu.memory_space<vmem>> -> memref<1x128x128xf32, #tpu.memory_space<vmem>>
      %dma_start3A_159 = tpu.memref_squeeze %dma_start3A_158 : memref<1x128x128xf32, #tpu.memory_space<vmem>> -> memref<128x128xf32, #tpu.memory_space<vmem>>
      %dma_start3A_160 = arith.constant 0 : i32
      %dma_start3A_161 = tpu.memref_slice %arg10[%add3A_152, %dma_start3A_160] : memref<10240x128xf32, #tpu.memory_space<vmem_shared>> -> memref<128x128xf32, #tpu.memory_space<vmem_shared>>
      %dma_start3A_162 = arith.constant 0 : i32
      %dma_start3A_163 = arith.constant 0 : i32
      %dma_start3A_164 = tpu.memref_slice %arg9[%run_scoped3A_153, %dma_start3A_162, %dma_start3A_163] : memref<2x128x128xf32, #tpu.memory_space<vmem>> -> memref<1x128x128xf32, #tpu.memory_space<vmem>>
      %dma_start3A_165 = tpu.memref_squeeze %dma_start3A_164 : memref<1x128x128xf32, #tpu.memory_space<vmem>> -> memref<128x128xf32, #tpu.memory_space<vmem>>
      %dma_start3A_166 = arith.constant 0 : i32
      %dma_start3A_167 = tpu.memref_slice %arg10[%add3A_152, %dma_start3A_166] : memref<10240x128xf32, #tpu.memory_space<vmem_shared>> -> memref<128x128xf32, #tpu.memory_space<vmem_shared>>
      tpu.enqueue_dma source(%dma_start3A_167 : memref<128x128xf32, #tpu.memory_space<vmem_shared>>) target(%dma_start3A_165 : memref<128x128xf32, #tpu.memory_space<vmem>>) target_semaphore(%run_scoped3A_155 : memref<!tpu.dma_semaphore, #tpu.memory_space<semaphore_mem>>)
      %dma_wait3A_168 = arith.constant 0 : i32
      %dma_wait3A_169 = arith.constant 0 : i32
      %dma_wait3A_170 = tpu.memref_slice %arg9[%run_scoped3A_153, %dma_wait3A_168, %dma_wait3A_169] : memref<2x128x128xf32, #tpu.memory_space<vmem>> -> memref<1x128x128xf32, #tpu.memory_space<vmem>>
      %dma_wait3A_171 = tpu.memref_squeeze %dma_wait3A_170 : memref<1x128x128xf32, #tpu.memory_space<vmem>> -> memref<128x128xf32, #tpu.memory_space<vmem>>
      %dma_wait3A_172 = arith.constant 0 : i32
      %dma_wait3A_173 = tpu.memref_slice %arg10[%add3A_152, %dma_wait3A_172] : memref<10240x128xf32, #tpu.memory_space<vmem_shared>> -> memref<128x128xf32, #tpu.memory_space<vmem_shared>>
      %dma_wait3A_174 = arith.constant 0 : i32
      %dma_wait3A_175 = arith.constant 0 : i32
      %dma_wait3A_176 = tpu.memref_slice %arg9[%run_scoped3A_153, %dma_wait3A_174, %dma_wait3A_175] : memref<2x128x128xf32, #tpu.memory_space<vmem>> -> memref<1x128x128xf32, #tpu.memory_space<vmem>>
      %dma_wait3A_177 = tpu.memref_squeeze %dma_wait3A_176 : memref<1x128x128xf32, #tpu.memory_space<vmem>> -> memref<128x128xf32, #tpu.memory_space<vmem>>
      %dma_wait3A_178 = arith.constant 0 : i32
      %dma_wait3A_179 = tpu.memref_slice %arg10[%add3A_152, %dma_wait3A_178] : memref<10240x128xf32, #tpu.memory_space<vmem_shared>> -> memref<128x128xf32, #tpu.memory_space<vmem_shared>>
      tpu.wait_dma2 semaphore(%run_scoped3A_155 : memref<!tpu.dma_semaphore, #tpu.memory_space<semaphore_mem>>) src(%dma_wait3A_179 : memref<128x128xf32, #tpu.memory_space<vmem_shared>>) dst(%dma_wait3A_177 : memref<128x128xf32, #tpu.memory_space<vmem>>)
      tpu.yield
    }) : () -> ()
    %run_scoped3A_154 = arith.constant 0 : i32
    "tpu.region"() ({
      %run_scoped3A_155 = tpu.sem_alloc : memref<!tpu.dma_semaphore, #tpu.memory_space<semaphore_mem>>
      %dma_start3A_156 = arith.constant 0 : i32
      %dma_start3A_157 = arith.constant 0 : i32
      %dma_start3A_158 = tpu.memref_slice %arg9[%run_scoped3A_154, %dma_start3A_156, %dma_start3A_157] : memref<2x128x128xf32, #tpu.memory_space<vmem>> -> memref<1x128x128xf32, #tpu.memory_space<vmem>>
      %dma_start3A_159 = tpu.memref_squeeze %dma_start3A_158 : memref<1x128x128xf32, #tpu.memory_space<vmem>> -> memref<128x128xf32, #tpu.memory_space<vmem>>
      %dma_start3A_160 = arith.constant 0 : i32
      %dma_start3A_161 = tpu.memref_slice %arg6[%arg0, %add3A_152, %dma_start3A_160] : memref<2x10240x128xf32, #tpu.memory_space<hbm>> -> memref<1x128x128xf32, #tpu.memory_space<hbm>>
      %dma_start3A_162 = tpu.memref_squeeze %dma_start3A_161 : memref<1x128x128xf32, #tpu.memory_space<hbm>> -> memref<128x128xf32, #tpu.memory_space<hbm>>
      %dma_start3A_163 = arith.constant 0 : i32
      %dma_start3A_164 = tpu.memref_slice %arg6[%arg0, %add3A_152, %dma_start3A_163] : memref<2x10240x128xf32, #tpu.memory_space<hbm>> -> memref<1x128x128xf32, #tpu.memory_space<hbm>>
      %dma_start3A_165 = tpu.memref_squeeze %dma_start3A_164 : memref<1x128x128xf32, #tpu.memory_space<hbm>> -> memref<128x128xf32, #tpu.memory_space<hbm>>
      %dma_start3A_166 = arith.constant 0 : i32
      %dma_start3A_167 = arith.constant 0 : i32
      %dma_start3A_168 = tpu.memref_slice %arg9[%run_scoped3A_154, %dma_start3A_166, %dma_start3A_167] : memref<2x128x128xf32, #tpu.memory_space<vmem>> -> memref<1x128x128xf32, #tpu.memory_space<vmem>>
      %dma_start3A_169 = tpu.memref_squeeze %dma_start3A_168 : memref<1x128x128xf32, #tpu.memory_space<vmem>> -> memref<128x128xf32, #tpu.memory_space<vmem>>
      tpu.enqueue_dma source(%dma_start3A_169 : memref<128x128xf32, #tpu.memory_space<vmem>>) target(%dma_start3A_165 : memref<128x128xf32, #tpu.memory_space<hbm>>) target_semaphore(%run_scoped3A_155 : memref<!tpu.dma_semaphore, #tpu.memory_space<semaphore_mem>>)
      %dma_wait3A_170 = arith.constant 0 : i32
      %dma_wait3A_171 = arith.constant 0 : i32
      %dma_wait3A_172 = tpu.memref_slice %arg9[%run_scoped3A_154, %dma_wait3A_170, %dma_wait3A_171] : memref<2x128x128xf32, #tpu.memory_space<vmem>> -> memref<1x128x128xf32, #tpu.memory_space<vmem>>
      %dma_wait3A_173 = tpu.memref_squeeze %dma_wait3A_172 : memref<1x128x128xf32, #tpu.memory_space<vmem>> -> memref<128x128xf32, #tpu.memory_space<vmem>>
      %dma_wait3A_174 = arith.constant 0 : i32
      %dma_wait3A_175 = tpu.memref_slice %arg6[%arg0, %add3A_152, %dma_wait3A_174] : memref<2x10240x128xf32, #tpu.memory_space<hbm>> -> memref<1x128x128xf32, #tpu.memory_space<hbm>>
      %dma_wait3A_176 = tpu.memref_squeeze %dma_wait3A_175 : memref<1x128x128xf32, #tpu.memory_space<hbm>> -> memref<128x128xf32, #tpu.memory_space<hbm>>
      %dma_wait3A_177 = arith.constant 0 : i32
      %dma_wait3A_178 = tpu.memref_slice %arg6[%arg0, %add3A_152, %dma_wait3A_177] : memref<2x10240x128xf32, #tpu.memory_space<hbm>> -> memref<1x128x128xf32, #tpu.memory_space<hbm>>
      %dma_wait3A_179 = tpu.memref_squeeze %dma_wait3A_178 : memref<1x128x128xf32, #tpu.memory_space<hbm>> -> memref<128x128xf32, #tpu.memory_space<hbm>>
      %dma_wait3A_180 = arith.constant 0 : i32
      %dma_wait3A_181 = arith.constant 0 : i32
      %dma_wait3A_182 = tpu.memref_slice %arg9[%run_scoped3A_154, %dma_wait3A_180, %dma_wait3A_181] : memref<2x128x128xf32, #tpu.memory_space<vmem>> -> memref<1x128x128xf32, #tpu.memory_space<vmem>>
      %dma_wait3A_183 = tpu.memref_squeeze %dma_wait3A_182 : memref<1x128x128xf32, #tpu.memory_space<vmem>> -> memref<128x128xf32, #tpu.memory_space<vmem>>
      tpu.wait_dma2 semaphore(%run_scoped3A_155 : memref<!tpu.dma_semaphore, #tpu.memory_space<semaphore_mem>>) src(%dma_wait3A_183 : memref<128x128xf32, #tpu.memory_space<vmem>>) dst(%dma_wait3A_179 : memref<128x128xf32, #tpu.memory_space<hbm>>)
      tpu.yield
    }) : () -> ()
    return
  }
}

module attributes {stable_mosaic.version = 14 : i64} {
  func.func @body(%arg0: i32, %arg1: memref<2000x128xf32, #tpu.memory_space<vmem>>, %arg2: memref<128x128xf32, #tpu.memory_space<vmem>>, %arg3: memref<2000x2xf32, #tpu.memory_space<vmem>>, %arg4: memref<2000x128xf32, #tpu.memory_space<vmem>>, %arg5: memref<2000x1xf32, #tpu.memory_space<vmem>>) attributes {dimension_semantics = [#tpu.dimension_semantics<arbitrary>], iteration_bounds = array<i64: 5>, scalar_prefetch = 0 : i64, scratch_operands = 0 : i64, tpu.core_type = #tpu.core_type<tc>, window_params = [{transform_indices = @transform_0, window_bounds = array<i64: 2000, 128>}, {pipeline_mode = #tpu.pipeline_mode<synchronous>, transform_indices = @transform_1, window_bounds = array<i64: 128, 128>}, {transform_indices = @transform_2, window_bounds = array<i64: 2000, 2>}, {transform_indices = @transform_3, window_bounds = array<i64: 2000, 128>}, {transform_indices = @transform_4, window_bounds = array<i64: 2000, 1>}]} {
    %get3A = arith.constant 0 : index
    %get3A_0 = arith.constant 0 : index
    %get3A_1 = vector.load %arg3[%get3A, %get3A_0] : memref<2000x2xf32, #tpu.memory_space<vmem>>, vector<2000x2xf32>
    %reduce_sum3A = arith.constant dense<0.000000e+00> : vector<2000xf32>
    %reduce_sum3A_2 = vector.multi_reduction <add>, %get3A_1, %reduce_sum3A [1] : vector<2000x2xf32> to vector<2000xf32>
    %add3A = arith.constant 1.000000e+00 : f32
    %add3A_3 = vector.broadcast %add3A : f32 to vector<2000xf32>
    %add3A_4 = arith.addf %reduce_sum3A_2, %add3A_3 : vector<2000xf32>
    %rsqrt3A = math.rsqrt %add3A_4 : vector<2000xf32>
    %broadcast_in_dim3A = vector.shape_cast %rsqrt3A : vector<2000xf32> to vector<2000x1xf32>
    %get3A_5 = arith.constant 0 : index
    %get3A_6 = arith.constant 0 : index
    %get3A_7 = vector.load %arg1[%get3A_5, %get3A_6] : memref<2000x128xf32, #tpu.memory_space<vmem>>, vector<2000x128xf32>
    %get3A_8 = arith.constant 0 : index
    %get3A_9 = arith.constant 0 : index
    %get3A_10 = vector.load %arg2[%get3A_8, %get3A_9] : memref<128x128xf32, #tpu.memory_space<vmem>>, vector<128x128xf32>
    %dot_general3A = arith.constant dense<0.000000e+00> : vector<2000x128xf32>
    %dot_general3A_11 = tpu.matmul %get3A_7, %get3A_10, %dot_general3A {dimension_numbers = #tpu.dot_dimension_numbers<[1], [0], [0], [1], [0, 0, 1, 1], [], []>, transpose_lhs_hint = false} : vector<2000x128xf32>, vector<128x128xf32>, vector<2000x128xf32> -> vector<2000x128xf32>
    %mul3A = vector.broadcast %broadcast_in_dim3A : vector<2000x1xf32> to vector<2000x128xf32>
    %mul3A_12 = arith.mulf %dot_general3A_11, %mul3A : vector<2000x128xf32>
    %swap3A = arith.constant 0 : index
    %swap3A_13 = arith.constant 0 : index
    %swap3A_14 = vector.load %arg4[%swap3A, %swap3A_13] : memref<2000x128xf32, #tpu.memory_space<vmem>>, vector<2000x128xf32>
    tpu.vector_store %arg4[%swap3A, %swap3A_13], %mul3A_12 {strides = array<i32>} : memref<2000x128xf32, #tpu.memory_space<vmem>>, vector<2000x128xf32>,
    %swap3A_15 = arith.constant 0 : index
    %swap3A_16 = arith.constant 0 : index
    %swap3A_17 = vector.load %arg5[%swap3A_15, %swap3A_16] : memref<2000x1xf32, #tpu.memory_space<vmem>>, vector<2000x1xf32>
    tpu.vector_store %arg5[%swap3A_15, %swap3A_16], %broadcast_in_dim3A {strides = array<i32>} : memref<2000x1xf32, #tpu.memory_space<vmem>>, vector<2000x1xf32>,
    return
  }
  func.func @transform_0(%arg0: i32) -> (i32, i32) {
    %c0_i32 = arith.constant 0 : i32
    %c0_i32_0 = arith.constant 0 : i32
    return %arg0, %c0_i32 : i32, i32
  }
  func.func @transform_1(%arg0: i32) -> (i32, i32) {
    %c0_i32 = arith.constant 0 : i32
    %c0_i32_0 = arith.constant 0 : i32
    %c0_i32_1 = arith.constant 0 : i32
    return %c0_i32, %c0_i32_0 : i32, i32
  }
  func.func @transform_2(%arg0: i32) -> (i32, i32) {
    %c0_i32 = arith.constant 0 : i32
    %c0_i32_0 = arith.constant 0 : i32
    return %arg0, %c0_i32 : i32, i32
  }
  func.func @transform_3(%arg0: i32) -> (i32, i32) {
    %c0_i32 = arith.constant 0 : i32
    %c0_i32_0 = arith.constant 0 : i32
    return %arg0, %c0_i32 : i32, i32
  }
  func.func @transform_4(%arg0: i32) -> (i32, i32) {
    %c0_i32 = arith.constant 0 : i32
    %c0_i32_0 = arith.constant 0 : i32
    return %arg0, %c0_i32 : i32, i32
  }
}

module attributes {stable_mosaic.version = 14 : i64} {
  func.func @body(%arg0: i32, %arg1: memref<2x2000x128xf32, #tpu.memory_space<vmem>>, %arg2: memref<2000x128xf32, #tpu.memory_space<vmem>>, %arg3: memref<2000x1xf32, #tpu.memory_space<vmem>>, %arg4: memref<1x128xf32, #tpu.memory_space<vmem>>, %arg5: memref<2000x128xf32, #tpu.memory_space<vmem>>) attributes {dimension_semantics = [#tpu.dimension_semantics<arbitrary>], iteration_bounds = array<i64: 5>, scalar_prefetch = 0 : i64, scratch_operands = 0 : i64, tpu.core_type = #tpu.core_type<tc>, window_params = [{transform_indices = @transform_0, window_bounds = array<i64: 2, 2000, 128>}, {transform_indices = @transform_1, window_bounds = array<i64: 2000, 128>}, {transform_indices = @transform_2, window_bounds = array<i64: 2000, 1>}, {pipeline_mode = #tpu.pipeline_mode<synchronous>, transform_indices = @transform_3, window_bounds = array<i64: 1, 128>}, {transform_indices = @transform_4, window_bounds = array<i64: 2000, 128>}]} {
    %get3A = arith.constant 0 : index
    %get3A_0 = arith.constant 0 : index
    %get3A_1 = arith.constant 0 : index
    %get3A_2 = vector.load %arg1[%get3A, %get3A_0, %get3A_1] : memref<2x2000x128xf32, #tpu.memory_space<vmem>>, vector<1x2000x128xf32>
    %get3A_3 = vector.shape_cast %get3A_2 : vector<1x2000x128xf32> to vector<2000x128xf32>
    %get3A_4 = arith.constant 1 : index
    %get3A_5 = arith.constant 0 : index
    %get3A_6 = arith.constant 0 : index
    %get3A_7 = vector.load %arg1[%get3A_4, %get3A_5, %get3A_6] : memref<2x2000x128xf32, #tpu.memory_space<vmem>>, vector<1x2000x128xf32>
    %get3A_8 = vector.shape_cast %get3A_7 : vector<1x2000x128xf32> to vector<2000x128xf32>
    %add3A = arith.addf %get3A_3, %get3A_8 : vector<2000x128xf32>
    %get3A_9 = arith.constant 0 : index
    %get3A_10 = arith.constant 0 : index
    %get3A_11 = vector.load %arg2[%get3A_9, %get3A_10] : memref<2000x128xf32, #tpu.memory_space<vmem>>, vector<2000x128xf32>
    %add3A_12 = arith.addf %add3A, %get3A_11 : vector<2000x128xf32>
    %get3A_13 = arith.constant 0 : index
    %get3A_14 = arith.constant 0 : index
    %get3A_15 = vector.load %arg3[%get3A_13, %get3A_14] : memref<2000x1xf32, #tpu.memory_space<vmem>>, vector<2000x1xf32>
    %mul3A = vector.broadcast %get3A_15 : vector<2000x1xf32> to vector<2000x128xf32>
    %mul3A_16 = arith.mulf %add3A_12, %mul3A : vector<2000x128xf32>
    %get3A_17 = arith.constant 0 : index
    %get3A_18 = arith.constant 0 : index
    %get3A_19 = vector.load %arg4[%get3A_17, %get3A_18] : memref<1x128xf32, #tpu.memory_space<vmem>>, vector<1x128xf32>
    %add3A_20 = vector.broadcast %get3A_19 : vector<1x128xf32> to vector<2000x128xf32>
    %add3A_21 = arith.addf %mul3A_16, %add3A_20 : vector<2000x128xf32>
    %max3A = arith.constant 0.000000e+00 : f32
    %max3A_22 = vector.broadcast %max3A : f32 to vector<2000x128xf32>
    %max3A_23 = arith.maximumf %add3A_21, %max3A_22 : vector<2000x128xf32>
    %get3A_24 = arith.constant 0 : index
    %get3A_25 = arith.constant 0 : index
    %get3A_26 = vector.load %arg3[%get3A_24, %get3A_25] : memref<2000x1xf32, #tpu.memory_space<vmem>>, vector<2000x1xf32>
    %mul3A_27 = vector.broadcast %get3A_26 : vector<2000x1xf32> to vector<2000x128xf32>
    %mul3A_28 = arith.mulf %max3A_23, %mul3A_27 : vector<2000x128xf32>
    %swap3A = arith.constant 0 : index
    %swap3A_29 = arith.constant 0 : index
    %swap3A_30 = vector.load %arg5[%swap3A, %swap3A_29] : memref<2000x128xf32, #tpu.memory_space<vmem>>, vector<2000x128xf32>
    tpu.vector_store %arg5[%swap3A, %swap3A_29], %mul3A_28 {strides = array<i32>} : memref<2000x128xf32, #tpu.memory_space<vmem>>, vector<2000x128xf32>,
    return
  }
  func.func @transform_0(%arg0: i32) -> (i32, i32, i32) {
    %c0_i32 = arith.constant 0 : i32
    %c0_i32_0 = arith.constant 0 : i32
    %c0_i32_1 = arith.constant 0 : i32
    return %c0_i32, %arg0, %c0_i32_0 : i32, i32, i32
  }
  func.func @transform_1(%arg0: i32) -> (i32, i32) {
    %c0_i32 = arith.constant 0 : i32
    %c0_i32_0 = arith.constant 0 : i32
    return %arg0, %c0_i32 : i32, i32
  }
  func.func @transform_2(%arg0: i32) -> (i32, i32) {
    %c0_i32 = arith.constant 0 : i32
    %c0_i32_0 = arith.constant 0 : i32
    return %arg0, %c0_i32 : i32, i32
  }
  func.func @transform_3(%arg0: i32) -> (i32, i32) {
    %c0_i32 = arith.constant 0 : i32
    %c0_i32_0 = arith.constant 0 : i32
    %c0_i32_1 = arith.constant 0 : i32
    return %c0_i32, %c0_i32_0 : i32, i32
  }
  func.func @transform_4(%arg0: i32) -> (i32, i32) {
    %c0_i32 = arith.constant 0 : i32
    %c0_i32_0 = arith.constant 0 : i32
    return %arg0, %c0_i32 : i32, i32
  }
}

module attributes {stable_mosaic.version = 14 : i64} {
  func.func @body(%arg0: i32, %arg1: memref<2x2000x128xf32, #tpu.memory_space<vmem>>, %arg2: memref<2000x128xf32, #tpu.memory_space<vmem>>, %arg3: memref<2000x1xf32, #tpu.memory_space<vmem>>, %arg4: memref<128x256xf32, #tpu.memory_space<vmem>>, %arg5: memref<1x256xf32, #tpu.memory_space<vmem>>, %arg6: memref<256x128xf32, #tpu.memory_space<vmem>>, %arg7: memref<2000x128xf32, #tpu.memory_space<vmem>>) attributes {dimension_semantics = [#tpu.dimension_semantics<arbitrary>], iteration_bounds = array<i64: 5>, scalar_prefetch = 0 : i64, scratch_operands = 0 : i64, tpu.core_type = #tpu.core_type<tc>, window_params = [{transform_indices = @transform_0, window_bounds = array<i64: 2, 2000, 128>}, {transform_indices = @transform_1, window_bounds = array<i64: 2000, 128>}, {transform_indices = @transform_2, window_bounds = array<i64: 2000, 1>}, {pipeline_mode = #tpu.pipeline_mode<synchronous>, transform_indices = @transform_3, window_bounds = array<i64: 128, 256>}, {pipeline_mode = #tpu.pipeline_mode<synchronous>, transform_indices = @transform_4, window_bounds = array<i64: 1, 256>}, {pipeline_mode = #tpu.pipeline_mode<synchronous>, transform_indices = @transform_5, window_bounds = array<i64: 256, 128>}, {transform_indices = @transform_6, window_bounds = array<i64: 2000, 128>}]} {
    %get3A = arith.constant 0 : index
    %get3A_0 = arith.constant 0 : index
    %get3A_1 = arith.constant 0 : index
    %get3A_2 = vector.load %arg1[%get3A, %get3A_0, %get3A_1] : memref<2x2000x128xf32, #tpu.memory_space<vmem>>, vector<1x2000x128xf32>
    %get3A_3 = vector.shape_cast %get3A_2 : vector<1x2000x128xf32> to vector<2000x128xf32>
    %get3A_4 = arith.constant 1 : index
    %get3A_5 = arith.constant 0 : index
    %get3A_6 = arith.constant 0 : index
    %get3A_7 = vector.load %arg1[%get3A_4, %get3A_5, %get3A_6] : memref<2x2000x128xf32, #tpu.memory_space<vmem>>, vector<1x2000x128xf32>
    %get3A_8 = vector.shape_cast %get3A_7 : vector<1x2000x128xf32> to vector<2000x128xf32>
    %add3A = arith.addf %get3A_3, %get3A_8 : vector<2000x128xf32>
    %get3A_9 = arith.constant 0 : index
    %get3A_10 = arith.constant 0 : index
    %get3A_11 = vector.load %arg2[%get3A_9, %get3A_10] : memref<2000x128xf32, #tpu.memory_space<vmem>>, vector<2000x128xf32>
    %add3A_12 = arith.addf %add3A, %get3A_11 : vector<2000x128xf32>
    %get3A_13 = arith.constant 0 : index
    %get3A_14 = arith.constant 0 : index
    %get3A_15 = vector.load %arg3[%get3A_13, %get3A_14] : memref<2000x1xf32, #tpu.memory_space<vmem>>, vector<2000x1xf32>
    %mul3A = vector.broadcast %get3A_15 : vector<2000x1xf32> to vector<2000x128xf32>
    %mul3A_16 = arith.mulf %add3A_12, %mul3A : vector<2000x128xf32>
    %get3A_17 = arith.constant 0 : index
    %get3A_18 = arith.constant 0 : index
    %get3A_19 = vector.load %arg4[%get3A_17, %get3A_18] : memref<128x256xf32, #tpu.memory_space<vmem>>, vector<128x256xf32>
    %dot_general3A = arith.constant dense<0.000000e+00> : vector<2000x256xf32>
    %dot_general3A_20 = tpu.matmul %mul3A_16, %get3A_19, %dot_general3A {dimension_numbers = #tpu.dot_dimension_numbers<[1], [0], [0], [1], [0, 0, 1, 1], [], []>, transpose_lhs_hint = false} : vector<2000x128xf32>, vector<128x256xf32>, vector<2000x256xf32> -> vector<2000x256xf32>
    %get3A_21 = arith.constant 0 : index
    %get3A_22 = arith.constant 0 : index
    %get3A_23 = vector.load %arg5[%get3A_21, %get3A_22] : memref<1x256xf32, #tpu.memory_space<vmem>>, vector<1x256xf32>
    %add3A_24 = vector.broadcast %get3A_23 : vector<1x256xf32> to vector<2000x256xf32>
    %add3A_25 = arith.addf %dot_general3A_20, %add3A_24 : vector<2000x256xf32>
    %max3A = arith.constant 0.000000e+00 : f32
    %max3A_26 = vector.broadcast %max3A : f32 to vector<2000x256xf32>
    %max3A_27 = arith.maximumf %add3A_25, %max3A_26 : vector<2000x256xf32>
    %get3A_28 = arith.constant 0 : index
    %get3A_29 = arith.constant 0 : index
    %get3A_30 = vector.load %arg6[%get3A_28, %get3A_29] : memref<256x128xf32, #tpu.memory_space<vmem>>, vector<256x128xf32>
    %dot_general3A_31 = arith.constant dense<0.000000e+00> : vector<2000x128xf32>
    %dot_general3A_32 = tpu.matmul %max3A_27, %get3A_30, %dot_general3A_31 {dimension_numbers = #tpu.dot_dimension_numbers<[1], [0], [0], [1], [0, 0, 1, 1], [], []>, transpose_lhs_hint = false} : vector<2000x256xf32>, vector<256x128xf32>, vector<2000x128xf32> -> vector<2000x128xf32>
    %get3A_33 = arith.constant 0 : index
    %get3A_34 = arith.constant 0 : index
    %get3A_35 = vector.load %arg3[%get3A_33, %get3A_34] : memref<2000x1xf32, #tpu.memory_space<vmem>>, vector<2000x1xf32>
    %mul3A_36 = vector.broadcast %get3A_35 : vector<2000x1xf32> to vector<2000x128xf32>
    %mul3A_37 = arith.mulf %dot_general3A_32, %mul3A_36 : vector<2000x128xf32>
    %swap3A = arith.constant 0 : index
    %swap3A_38 = arith.constant 0 : index
    %swap3A_39 = vector.load %arg7[%swap3A, %swap3A_38] : memref<2000x128xf32, #tpu.memory_space<vmem>>, vector<2000x128xf32>
    tpu.vector_store %arg7[%swap3A, %swap3A_38], %mul3A_37 {strides = array<i32>} : memref<2000x128xf32, #tpu.memory_space<vmem>>, vector<2000x128xf32>,
    return
  }
  func.func @transform_0(%arg0: i32) -> (i32, i32, i32) {
    %c0_i32 = arith.constant 0 : i32
    %c0_i32_0 = arith.constant 0 : i32
    %c0_i32_1 = arith.constant 0 : i32
    return %c0_i32, %arg0, %c0_i32_0 : i32, i32, i32
  }
  func.func @transform_1(%arg0: i32) -> (i32, i32) {
    %c0_i32 = arith.constant 0 : i32
    %c0_i32_0 = arith.constant 0 : i32
    return %arg0, %c0_i32 : i32, i32
  }
  func.func @transform_2(%arg0: i32) -> (i32, i32) {
    %c0_i32 = arith.constant 0 : i32
    %c0_i32_0 = arith.constant 0 : i32
    return %arg0, %c0_i32 : i32, i32
  }
  func.func @transform_3(%arg0: i32) -> (i32, i32) {
    %c0_i32 = arith.constant 0 : i32
    %c0_i32_0 = arith.constant 0 : i32
    %c0_i32_1 = arith.constant 0 : i32
    return %c0_i32, %c0_i32_0 : i32, i32
  }
  func.func @transform_4(%arg0: i32) -> (i32, i32) {
    %c0_i32 = arith.constant 0 : i32
    %c0_i32_0 = arith.constant 0 : i32
    %c0_i32_1 = arith.constant 0 : i32
    return %c0_i32, %c0_i32_0 : i32, i32
  }
  func.func @transform_5(%arg0: i32) -> (i32, i32) {
    %c0_i32 = arith.constant 0 : i32
    %c0_i32_0 = arith.constant 0 : i32
    %c0_i32_1 = arith.constant 0 : i32
    return %c0_i32, %c0_i32_0 : i32, i32
  }
  func.func @transform_6(%arg0: i32) -> (i32, i32) {
    %c0_i32 = arith.constant 0 : i32
    %c0_i32_0 = arith.constant 0 : i32
    return %arg0, %c0_i32 : i32, i32
  }
}

module attributes {stable_mosaic.version = 14 : i64} {
  func.func @body(%arg0: i32, %arg1: memref<2x2000x128xf32, #tpu.memory_space<vmem>>, %arg2: memref<2000x128xf32, #tpu.memory_space<vmem>>, %arg3: memref<2000x1xf32, #tpu.memory_space<vmem>>, %arg4: memref<1x128xf32, #tpu.memory_space<vmem>>, %arg5: memref<2000x1xi32, #tpu.memory_space<vmem>>, %arg6: memref<128x128xf32, #tpu.memory_space<vmem>>, %arg7: memref<128x128xf32, #tpu.memory_space<vmem>>, %arg8: memref<128x1xf32, #tpu.memory_space<vmem>>) attributes {dimension_semantics = [#tpu.dimension_semantics<arbitrary>], iteration_bounds = array<i64: 5>, scalar_prefetch = 0 : i64, scratch_operands = 2 : i64, tpu.core_type = #tpu.core_type<tc>, window_params = [{transform_indices = @transform_0, window_bounds = array<i64: 2, 2000, 128>}, {transform_indices = @transform_1, window_bounds = array<i64: 2000, 128>}, {transform_indices = @transform_2, window_bounds = array<i64: 2000, 1>}, {pipeline_mode = #tpu.pipeline_mode<synchronous>, transform_indices = @transform_3, window_bounds = array<i64: 1, 128>}, {transform_indices = @transform_4, window_bounds = array<i64: 2000, 1>}, {pipeline_mode = #tpu.pipeline_mode<synchronous>, transform_indices = @transform_5, window_bounds = array<i64: 128, 128>}]} {
    %eq3A = arith.constant 0 : i32
    %eq3A_0 = arith.cmpi eq, %arg0, %eq3A : i32
    %convert_element_type3A = arith.extui %eq3A_0 : i1 to i32
    %cond3A = arith.constant 0 : i32
    %cond3A_1 = arith.cmpi ne, %convert_element_type3A, %cond3A : i32
    scf.if %cond3A_1 {
      %broadcast_in_dim3A_54 = arith.constant 0.000000e+00 : f32
      %broadcast_in_dim3A_55 = vector.broadcast %broadcast_in_dim3A_54 : f32 to vector<128x128xf32>
      %swap3A_56 = arith.constant 0 : index
      %swap3A_57 = arith.constant 0 : index
      %swap3A_58 = vector.load %arg7[%swap3A_56, %swap3A_57] : memref<128x128xf32, #tpu.memory_space<vmem>>, vector<128x128xf32>
      tpu.vector_store %arg7[%swap3A_56, %swap3A_57], %broadcast_in_dim3A_55 {strides = array<i32>} : memref<128x128xf32, #tpu.memory_space<vmem>>, vector<128x128xf32>,
      %broadcast_in_dim3A_59 = arith.constant 0.000000e+00 : f32
      %broadcast_in_dim3A_60 = vector.broadcast %broadcast_in_dim3A_59 : f32 to vector<128x1xf32>
      %swap3A_61 = arith.constant 0 : index
      %swap3A_62 = arith.constant 0 : index
      %swap3A_63 = vector.load %arg8[%swap3A_61, %swap3A_62] : memref<128x1xf32, #tpu.memory_space<vmem>>, vector<128x1xf32>
      tpu.vector_store %arg8[%swap3A_61, %swap3A_62], %broadcast_in_dim3A_60 {strides = array<i32>} : memref<128x1xf32, #tpu.memory_space<vmem>>, vector<128x1xf32>,
    } else {
    }
    %get3A = arith.constant 0 : index
    %get3A_2 = arith.constant 0 : index
    %get3A_3 = arith.constant 0 : index
    %get3A_4 = vector.load %arg1[%get3A, %get3A_2, %get3A_3] : memref<2x2000x128xf32, #tpu.memory_space<vmem>>, vector<1x2000x128xf32>
    %get3A_5 = vector.shape_cast %get3A_4 : vector<1x2000x128xf32> to vector<2000x128xf32>
    %get3A_6 = arith.constant 1 : index
    %get3A_7 = arith.constant 0 : index
    %get3A_8 = arith.constant 0 : index
    %get3A_9 = vector.load %arg1[%get3A_6, %get3A_7, %get3A_8] : memref<2x2000x128xf32, #tpu.memory_space<vmem>>, vector<1x2000x128xf32>
    %get3A_10 = vector.shape_cast %get3A_9 : vector<1x2000x128xf32> to vector<2000x128xf32>
    %add3A = arith.addf %get3A_5, %get3A_10 : vector<2000x128xf32>
    %get3A_11 = arith.constant 0 : index
    %get3A_12 = arith.constant 0 : index
    %get3A_13 = vector.load %arg2[%get3A_11, %get3A_12] : memref<2000x128xf32, #tpu.memory_space<vmem>>, vector<2000x128xf32>
    %add3A_14 = arith.addf %add3A, %get3A_13 : vector<2000x128xf32>
    %get3A_15 = arith.constant 0 : index
    %get3A_16 = arith.constant 0 : index
    %get3A_17 = vector.load %arg3[%get3A_15, %get3A_16] : memref<2000x1xf32, #tpu.memory_space<vmem>>, vector<2000x1xf32>
    %mul3A = vector.broadcast %get3A_17 : vector<2000x1xf32> to vector<2000x128xf32>
    %mul3A_18 = arith.mulf %add3A_14, %mul3A : vector<2000x128xf32>
    %get3A_19 = arith.constant 0 : index
    %get3A_20 = arith.constant 0 : index
    %get3A_21 = vector.load %arg4[%get3A_19, %get3A_20] : memref<1x128xf32, #tpu.memory_space<vmem>>, vector<1x128xf32>
    %add3A_22 = vector.broadcast %get3A_21 : vector<1x128xf32> to vector<2000x128xf32>
    %add3A_23 = arith.addf %mul3A_18, %add3A_22 : vector<2000x128xf32>
    %iota3A = tpu.iota {dimensions = array<i32: 1>} : vector<1x128xi32>
    %get3A_24 = arith.constant 0 : index
    %get3A_25 = arith.constant 0 : index
    %get3A_26 = vector.load %arg5[%get3A_24, %get3A_25] : memref<2000x1xi32, #tpu.memory_space<vmem>>, vector<2000x1xi32>
    %eq3A_27 = vector.broadcast %get3A_26 : vector<2000x1xi32> to vector<2000x128xi32>
    %eq3A_28 = vector.broadcast %iota3A : vector<1x128xi32> to vector<2000x128xi32>
    %eq3A_29 = arith.cmpi eq, %eq3A_27, %eq3A_28 : vector<2000x128xi32>
    %convert_element_type3A_30 = arith.extui %eq3A_29 : vector<2000x128xi1> to vector<2000x128xi32>
    %convert_element_type3A_31 = arith.sitofp %convert_element_type3A_30 : vector<2000x128xi32> to vector<2000x128xf32>
    %get3A_32 = arith.constant 0 : index
    %get3A_33 = arith.constant 0 : index
    %get3A_34 = vector.load %arg7[%get3A_32, %get3A_33] : memref<128x128xf32, #tpu.memory_space<vmem>>, vector<128x128xf32>
    %dot_general3A = arith.constant dense<0.000000e+00> : vector<128x128xf32>
    %dot_general3A_35 = tpu.matmul %convert_element_type3A_31, %add3A_23, %dot_general3A {dimension_numbers = #tpu.dot_dimension_numbers<[0], [0], [1], [1], [0, 1, 1, 1], [], []>, transpose_lhs_hint = false} : vector<2000x128xf32>, vector<2000x128xf32>, vector<128x128xf32> -> vector<128x128xf32>
    %add3A_36 = arith.addf %get3A_34, %dot_general3A_35 : vector<128x128xf32>
    %swap3A = arith.constant 0 : index
    %swap3A_37 = arith.constant 0 : index
    %swap3A_38 = vector.load %arg7[%swap3A, %swap3A_37] : memref<128x128xf32, #tpu.memory_space<vmem>>, vector<128x128xf32>
    tpu.vector_store %arg7[%swap3A, %swap3A_37], %add3A_36 {strides = array<i32>} : memref<128x128xf32, #tpu.memory_space<vmem>>, vector<128x128xf32>,
    %get3A_39 = arith.constant 0 : index
    %get3A_40 = arith.constant 0 : index
    %get3A_41 = vector.load %arg8[%get3A_39, %get3A_40] : memref<128x1xf32, #tpu.memory_space<vmem>>, vector<128x1xf32>
    %broadcast_in_dim3A = arith.constant 1.000000e+00 : f32
    %broadcast_in_dim3A_42 = vector.broadcast %broadcast_in_dim3A : f32 to vector<2000x1xf32>
    %dot_general3A_43 = arith.constant dense<0.000000e+00> : vector<128x1xf32>
    %dot_general3A_44 = tpu.matmul %convert_element_type3A_31, %broadcast_in_dim3A_42, %dot_general3A_43 {dimension_numbers = #tpu.dot_dimension_numbers<[0], [0], [1], [1], [0, 1, 1, 1], [], []>, transpose_lhs_hint = false} : vector<2000x128xf32>, vector<2000x1xf32>, vector<128x1xf32> -> vector<128x1xf32>
    %add3A_45 = arith.addf %get3A_41, %dot_general3A_44 : vector<128x1xf32>
    %swap3A_46 = arith.constant 0 : index
    %swap3A_47 = arith.constant 0 : index
    %swap3A_48 = vector.load %arg8[%swap3A_46, %swap3A_47] : memref<128x1xf32, #tpu.memory_space<vmem>>, vector<128x1xf32>
    tpu.vector_store %arg8[%swap3A_46, %swap3A_47], %add3A_45 {strides = array<i32>} : memref<128x1xf32, #tpu.memory_space<vmem>>, vector<128x1xf32>,
    %eq3A_49 = arith.constant 4 : i32
    %eq3A_50 = arith.cmpi eq, %arg0, %eq3A_49 : i32
    %convert_element_type3A_51 = arith.extui %eq3A_50 : i1 to i32
    %cond3A_52 = arith.constant 0 : i32
    %cond3A_53 = arith.cmpi ne, %convert_element_type3A_51, %cond3A_52 : i32
    scf.if %cond3A_53 {
      %get3A_54 = arith.constant 0 : index
      %get3A_55 = arith.constant 0 : index
      %get3A_56 = vector.load %arg7[%get3A_54, %get3A_55] : memref<128x128xf32, #tpu.memory_space<vmem>>, vector<128x128xf32>
      %get3A_57 = arith.constant 0 : index
      %get3A_58 = arith.constant 0 : index
      %get3A_59 = vector.load %arg8[%get3A_57, %get3A_58] : memref<128x1xf32, #tpu.memory_space<vmem>>, vector<128x1xf32>
      %max3A = arith.constant 1.000000e+00 : f32
      %max3A_60 = vector.broadcast %max3A : f32 to vector<128x1xf32>
      %max3A_61 = arith.maximumf %get3A_59, %max3A_60 : vector<128x1xf32>
      %div3A = vector.broadcast %max3A_61 : vector<128x1xf32> to vector<128x128xf32>
      %div3A_62 = arith.divf %get3A_56, %div3A : vector<128x128xf32>
      %swap3A_63 = arith.constant 0 : index
      %swap3A_64 = arith.constant 0 : index
      %swap3A_65 = vector.load %arg6[%swap3A_63, %swap3A_64] : memref<128x128xf32, #tpu.memory_space<vmem>>, vector<128x128xf32>
      tpu.vector_store %arg6[%swap3A_63, %swap3A_64], %div3A_62 {strides = array<i32>} : memref<128x128xf32, #tpu.memory_space<vmem>>, vector<128x128xf32>,
    } else {
    }
    return
  }
  func.func @transform_0(%arg0: i32) -> (i32, i32, i32) {
    %c0_i32 = arith.constant 0 : i32
    %c0_i32_0 = arith.constant 0 : i32
    %c0_i32_1 = arith.constant 0 : i32
    return %c0_i32, %arg0, %c0_i32_0 : i32, i32, i32
  }
  func.func @transform_1(%arg0: i32) -> (i32, i32) {
    %c0_i32 = arith.constant 0 : i32
    %c0_i32_0 = arith.constant 0 : i32
    return %arg0, %c0_i32 : i32, i32
  }
  func.func @transform_2(%arg0: i32) -> (i32, i32) {
    %c0_i32 = arith.constant 0 : i32
    %c0_i32_0 = arith.constant 0 : i32
    return %arg0, %c0_i32 : i32, i32
  }
  func.func @transform_3(%arg0: i32) -> (i32, i32) {
    %c0_i32 = arith.constant 0 : i32
    %c0_i32_0 = arith.constant 0 : i32
    %c0_i32_1 = arith.constant 0 : i32
    return %c0_i32, %c0_i32_0 : i32, i32
  }
  func.func @transform_4(%arg0: i32) -> (i32, i32) {
    %c0_i32 = arith.constant 0 : i32
    %c0_i32_0 = arith.constant 0 : i32
    return %arg0, %c0_i32 : i32, i32
  }
  func.func @transform_5(%arg0: i32) -> (i32, i32) {
    %c0_i32 = arith.constant 0 : i32
    %c0_i32_0 = arith.constant 0 : i32
    %c0_i32_1 = arith.constant 0 : i32
    return %c0_i32, %c0_i32_0 : i32, i32
  }
}

</mosaic_0001>

<sc_bundles>
// kernel: kernel.10.cloned.1.call-start
scs
__scs_entry_jumppad:
0x0: {  	(pc) =	sbr.rel $0x88, $3  }
0x1: {  	(tag) =	ssettag $0x0;
	lr =	simm.s32 $0x1  }
0x2: {  	[smem:$0x3F98] =	sst lr;
	_ =	strace $0xD0000000  }
0x3: {  	_ = 	snop  }
0x4: {  	_ = 	snop  }
0x5: {  	_ = 	snop  }
0x6: {  	_ = 	snop  }
0x7: {  	_ = 	snop  }
__scs_overlays_trampoline_lowered:
0x8: {  	[smem:$0x3FA7] =	sst s0  }
0x9: {  	[smem:$0x3FA8] =	sst s1  }
0xa: {  	[smem:$0x3FA9] =	sst s2  }
0xb: {  	[smem:$0x3FAA] =	sst s3  }
0xc: {  	[smem:$0x3FAB] =	sst s4  }
0xd: {  	[smem:$0x3FAC] =	sst s5  }
0xe: {  	[smem:$0x3FAD] =	sst s6  }
0xf: {  	[smem:$0x3FAE] =	sst s7  }
0x10: {  	[smem:$0x3FAF] =	sst s8  }
0x11: {  	[smem:$0x3FB0] =	sst s9;
	s0 =	simm.s32 @!p0 $0x0  }
0x12: {  	s1 =	sld [smem:$0x3F96];
	s0 =	simm.s32 @p0 $0x1  }
0x13: {  	[smem:$0x3FB1] =	sst s0;
	s0 =	simm.s32 @!p1 $0x0  }
0x14: {  	s2 =	sld [smem:$0x3F95];
	s0 =	simm.s32 @p1 $0x1  }
0x15: {  	[smem:$0x3FB2] =	sst s0;
	s0 =	simm.s32 @!p2 $0x0  }
0x16: {  	s3 =	sld [smem:$0x3FDB];
	s0 =	simm.s32 @p2 $0x1  }
0x17: {  	s4 =	simm.s32 $0x1BF5;
	[smem:$0x3FB4] =	sst s0  }
0x18: {  	s0 =	sld [smem:$0x3F97];
	_ =	swait.ge [sflag:s4], $0x0  }
0x19: {  	s7 =	sld [smem:$0x3F98]  }
0x1a: {  	s8 =	sadd.s32 $0xFFFFE003, lr  }
0x1b: {  	s9 =	sadd.s32 $0xFFFFFEF7, lr;
	s5 =	simm.s32 $0xFFFFFFFF;
	p2 =	slt.u32 s8, $0xFFFFF086  }
0x1c: {  	p1 =	slt.u32 s9, $0xF7A;
	s5 =	simm.s32 @!p2 $0x0  }
0x1d: {  	s5 =	simm.s32 @p1 $0x1;
	p0 =	seq.s32 s7, s2  }
0x1e: {  	s7 =	smul.u32 @!p0 $0xF7A, s2;
	p2 =	seq.s32 @!p0 s5, $0x0  }
0x1f: {  	s9 =	smul.u32 $0xF7A, s1;
	s8 =	simm.s32 @!p0 $0x1BF5;
	p2 =	por !p2, p0  }
0x20: {  	[sflag:s8] =	ssyncset.s32 @!p0 $0xFFFFF086;
	s6 =	sadd.s32 @!p0 s3, s7;
	s7 =	simm.s32 @!p0 $0x108  }
0x21: {  	s3 =	sadd.s32 s3, s9;
	s6 =	sadd.s32 @!p0 $0x88, s6;
	s7 =	simm.s32 @p2 $0x1082  }
0x22: {  	[simem:s7], [sflag:s8] =	dma.local @!p0 [hbm:s6], $0xF7A  }
0x23: {  	s9 =	sor.u32 $0xD0000000, s2;
	s6 =	simm.s32 $0x108;
	_ =	swait.ge @!p0 [sflag:s8], $0x0  }
0x24: {  	s3 =	sadd.s32 $0x88, s3;
	s6 =	simm.s32 @!p1 $0x1082;
	[sflag:s4] =	ssyncset.s32 $0xFFFFF086  }
0x25: {  	[simem:s6], [sflag:s4] =	dma.local [hbm:s3], $0xF7A  }
0x26: {  	[smem:$0x3F98] =	sst s1;
	(tag) =	ssettag s2;
	_ =	strace s9  }
0x27: {  	s1 =	sld [smem:$0x3FA8]  }
0x28: {  	s2 =	sld [smem:$0x3FA9]  }
0x29: {  	s4 =	sld [smem:$0x3FAB]  }
0x2a: {  	p0 =	seq.s32 s5, $0x0;
	s5 =	sld [smem:$0x3FAC]  }
0x2b: {  	s6 =	sld [smem:$0x3FAD]  }
0x2c: {  	s7 =	sld [smem:$0x3FAE]  }
0x2d: {  	s3 =	simm.s32 $0x108;
	s8 =	sld [smem:$0x3FAF]  }
0x2e: {  	s3 =	simm.s32 @!p0 $0x1082;
	s9 =	sld [smem:$0x3FB0]  }
0x2f: {  	lr =	sadd.s32 s0, s3;
	s0 =	sld [smem:$0x3FA7]  }
0x30: {  	s3 =	sld [smem:$0x3FAA]  }
0x31: {  	[smem:$0x3FB3] =	sst s10  }
0x32: {  	s10 =	sld [smem:$0x3FB1];
	_ =	sdelay $0x3  }
0x33: {  	p0 =	seq.s32 s10, $0x1;
	s10 =	sld [smem:$0x3FB3];
	_ =	sdelay $0x3  }
0x34: {  	[smem:$0x3FB3] =	sst s10  }
0x35: {  	s10 =	sld [smem:$0x3FB2];
	_ =	sdelay $0x3  }
0x36: {  	p1 =	seq.s32 s10, $0x1;
	s10 =	sld [smem:$0x3FB3];
	_ =	sdelay $0x3  }
0x37: {  	[smem:$0x3FB3] =	sst s10  }
0x38: {  	s10 =	sld [smem:$0x3FB4]  }
0x39: {  	_ = 	snop;
	(pc) =	sbr.ind lr, $3  }
0x3a: {  	_ = 	snop  }
0x3b: {  	_ = 	snop  }
0x3c: {  	p2 =	seq.s32 s10, $0x1;
	s10 =	sld [smem:$0x3FB3]  }
0x3d: {  	_ =	shalt  }
0x3e: {  	_ =	shalt  }
0x3f: {  	_ =	shalt  }
0x40: {  	_ =	shalt  }
0x41: {  	_ =	shalt  }
0x42: {  	_ =	shalt  }
0x43: {  	_ =	shalt  }
0x44: {  	_ =	shalt  }
0x45: {  	_ =	shalt  }
0x46: {  	_ =	shalt  }
0x47: {  	_ =	shalt  }
0x48: {  	_ =	shalt  }
0x49: {  	_ =	shalt  }
0x4a: {  	_ =	shalt  }
0x4b: {  	_ =	shalt  }
0x4c: {  	_ =	shalt  }
0x4d: {  	_ =	shalt  }
0x4e: {  	_ =	shalt  }
0x4f: {  	_ =	shalt  }
0x50: {  	_ =	shalt  }
0x51: {  	_ =	shalt  }
0x52: {  	_ =	shalt  }
0x53: {  	_ =	shalt  }
0x54: {  	_ =	shalt  }
0x55: {  	_ =	shalt  }
0x56: {  	_ =	shalt  }
0x57: {  	_ =	shalt  }
0x58: {  	_ =	shalt  }
0x59: {  	_ =	shalt  }
0x5a: {  	_ =	shalt  }
0x5b: {  	_ =	shalt  }
0x5c: {  	_ =	shalt  }
0x5d: {  	_ =	shalt  }
0x5e: {  	_ =	shalt  }
0x5f: {  	_ =	shalt  }
0x60: {  	_ =	shalt  }
0x61: {  	_ =	shalt  }
0x62: {  	_ =	shalt  }
0x63: {  	_ =	shalt  }
0x64: {  	_ =	shalt  }
0x65: {  	_ =	shalt  }
0x66: {  	_ =	shalt  }
0x67: {  	_ =	shalt  }
0x68: {  	_ =	shalt  }
0x69: {  	_ =	shalt  }
0x6a: {  	_ =	shalt  }
0x6b: {  	_ =	shalt  }
0x6c: {  	_ =	shalt  }
0x6d: {  	_ =	shalt  }
0x6e: {  	_ =	shalt  }
0x6f: {  	_ =	shalt  }
0x70: {  	_ =	shalt  }
0x71: {  	_ =	shalt  }
0x72: {  	_ =	shalt  }
0x73: {  	_ =	shalt  }
0x74: {  	_ =	shalt  }
0x75: {  	_ =	shalt  }
0x76: {  	_ =	shalt  }
0x77: {  	_ =	shalt  }
0x78: {  	_ =	shalt  }
0x79: {  	_ =	shalt  }
0x7a: {  	_ =	shalt  }
0x7b: {  	_ =	shalt  }
0x7c: {  	_ =	shalt  }
0x7d: {  	_ =	shalt  }
0x7e: {  	_ =	shalt  }
0x7f: {  	_ =	shalt  }
0x80: {  	_ =	shalt  }
0x81: {  	_ =	shalt  }
0x82: {  	_ =	shalt  }
0x83: {  	_ =	shalt  }
0x84: {  	_ =	shalt  }
0x85: {  	_ =	shalt  }
0x86: {  	_ =	shalt  }
0x87: {  	_ =	shalt  }
.Lfunc_end0:
.L_simem_size_0:
called_computation_lowered:
.L_overlay_start_0:
0x88: {  	s2 =	sld [smem:$0x3FD9]  }
0x89: {  	s3 =	sld [smem:$0x3FFE];
	_ =	sdelay $0x1  }
0x8a: {  	s1 =	srdreg.scid  }
0x8b: {  	s0 =	sand.u32 $0x1, s1  }
0x8c: {  	s16 =	sshll.u32 s0, $0xA;
	s2 =	sadd.s32 s3, s2  }
0x8d: {  	s2 =	sadd.s32 s2, s16  }
0x8e: {  	[smem:$0x3FBF] =	sst s2  }
0x8f: {  	_ = 	snop  }
0x90: {  	(tm) =	ssettm $0x1  }
0x91: {  	s17 =	sld [smem:$0x3FFB];
	_ =	sdelay $0x3  }
0x92: {  	_ =	strace s17  }
0x93: {  	s2 =	sld [smem:$0x3FFC];
	_ =	sdelay $0x3  }
0x94: {  	_ =	strace s2  }
0x95: {  	s2 =	sld [smem:$0x3FFD];
	_ =	sdelay $0x3  }
0x96: {  	_ =	strace s2  }
0x97: {  	_ =	strace $0x8FFFFFFF  }
0x98: {  	s18 =	sld [smem:$0x3FDB];
	_ =	sdelay $0x1  }
0x99: {  	s19 =	simm.s32 $_scs_section_size  }
0x9a: {  	s4 =	simm.s32 $_size__tile_overlayer_lowered;
	s5 =	simm.s32 $_tile_overlayer_lowered  }
0x9b: {  	s22 =	simm.s32 $0x1BFF;
	s21 =	sshll.u32 s5, $0x1;
	s2 =	sadd.s32 s19, s18  }
0x9c: {  	s6 =	simm.s32 $0x0;
	s20 =	sshll.u32 s4, $0x1;
	s4 =	sadd.s32 s21, s2  }
0x9d: {  	[timem:s6], [sflag:s22] =	dma.local [hbm:s4], s20  }
0x9e: {  	_ =	swait.ge [sflag:s22], s20  }
0x9f: {  	s3 =	ssub.s32 $0x0, s20;
	[sflag:s22] =	ssyncset.done $0x0  }
0xa0: {  	[sflag:s22] =	ssyncadd.s32 s3;
	_ =	sdelay $0x1  }
0xa1: {  	s23 =	simm.s32 $0x1B8B  }
0xa2: {  	_ =	swait.ge [sflag:s23], $0x1  }
0xa3: {  	[sflag:s23] =	ssyncset.done $0x0  }
0xa4: {  	s25 =	simm.s32 $0x1B8E;
	s24 =	sld [smem:$0x3FFE];
	[sflag:s23] =	ssyncadd.s32 $0xFFFFFFFF  }
0xa5: {  	s26 =	simm.s32 $execute0_lowered;
	[smem:$0x3FD2] =	sst s25  }
0xa6: {  	s4 =	sshll.u32 s26, $0x1;
	_ =	strace $0x80000046;
	[dreg:$0x1] =	wrdreg $0xFFFFFFFF  }
0xa7: {  	s28 =	simm.s32 $_size_execute0_lowered;
	s2 =	sadd.s32 s2, s4;
	[dreg:$0x0] =	wrdreg $0x0  }
0xa8: {  	s4 =	sshll.u32 s28, $0x1;
	[dreg:$0x2] =	wrdreg s2  }
0xa9: {  	[dreg:$0x3] =	wrdreg s4  }
0xaa: {  	[dreg:$0x4] =	wrdreg $0xC0  }
0xab: {  	_ =	task [dreg:s6], $0x5FFFF  }
0xac: {  	[dreg:$0x1] =	wrdreg $0xFFFFFFFF  }
0xad: {  	[dreg:$0x0] =	wrdreg $0x60  }
0xae: {  	[dreg:$0x2] =	wrdreg s24  }
0xaf: {  	[dreg:$0x3] =	wrdreg $0x2B000  }
0xb0: {  	[dreg:$0x4] =	wrdreg $0x9  }
0xb1: {  	_ =	task.clear_ibuf [dreg:s6], $0x5FFFF;
	_ =	strace $0x90000046  }
0xb2: {  	s29 =	simm.s32 $0x9;
	_ =	strace $0x80000048  }
0xb3: {  	_ =	swait.ge [sflag:s29], $0x1  }
0xb4: {  	[sflag:s29] =	ssyncadd.s32 $0xFFFFFFFF  }
0xb5: {  	_ =	strace $0x90000048  }
0xb6: {  	_ =	sfence  }
0xb7: {  	s30 =	sld [smem:$0x0];
	_ =	sdelay $0x2  }
0xb8: {  	s31 =	sshll.u32 s1, $0xD;
	s1 =	sshrl.u32 s1, $0x2  }
0xb9: {  	s3 =	sand.u32 $0x4000, s31;
	s1 =	sadd.s32 s1, s30  }
0xba: {  	s0 =	sor.u32 s3, s0;
	s1 =	sshll.u32 s1, $0x11  }
0xbb: {  	s0 =	sor.u32 s1, s0  }
0xbc: {  	s0 =	sadd.s32 $0x8F2B, s0  }
0xbd: {  	[sflag:s0] =	ssyncadd.remote.s32 $0x1  }
0xbe: {  	_ =	sfence.sel $0xFFFF  }
0xbf: {  	[dreg:$0x0] =	wrdreg $0xFFFFFFFF;
	(pc) =	sbr.abs _section_cstart, $3  }
0xc0: {  	[dreg:$0x1] =	wrdreg $0xFFFFFFFF  }
0xc1: {  	_ =	task.clear_ibuf [dreg:s6], $0x2FFFF;
	_ =	strace $0x9FFFFFFF  }
0xc2: {  	(tm) =	ssettm $0x7FFFFFFF  }
0xc3: {  	_ =	shalt  }
tec
execute0_lowered:
.L_overlay_start_1:
0x0: {  	(tag) =	ssettag $0x1  }
0x1: {  	s4 =	rddreg [dreg:$0x0]  }
0x2: {  	s2 =	rddreg [dreg:$0x1];
	s3 =	srdreg.scid  }
0x3: {  	s0 =	rddreg [dreg:$0x2];
	s1 =	stileid.u32;
	s10 =	simm.s32 $0x80  }
0x4: {  	s11 =	simm.s32 $0x2800;
	s12 =	simm.s32 $0x100;
	s13 =	simm.s32 $0x0  }
0x5: {  	s5 =	sand.u32 $0x1, s3;
	s3 =	simm.s32 $0x0;
	s7 =	smul.u32 $0x500, s1  }
0x6: {  	s29 =	smul.u32 $0xA00, s1;
	s6 =	sshll.u32 s5, $0x4;
	[smem:$0x7FF] =	sst s3  }
0x7: {  	s8 =	sshll.u32 s5, $0x7;
	s5 =	ssub.s32 $0x2, s5;
	s6 =	sor.u32 s1, s6  }
0x8: {  	_ =	strace $0x80000047;
	s7 =	sor.u32 s8, s7;
	s6 =	smul.u32 $0x500, s6  }
0x9: {  	s30 =	sshrl.u32 s5, $0x1;
	s31 =	sshrl.u32 s29, $0x2;
	s8 =	simm.s32 $0x1  }
0xa: {  	s7 =	sshrl.u32 s7, $0x3;
	s9 =	ssub.s32 s5, s30;
	s6 =	sadd.s32 s6, s4  }
0xb: {  	s5 =	sadd.s32 s31, s2;
	s7 =	sadd.s32 s7, s4;
	s4 =	sadd.s32 $0x3400, s6  }
0xc: {  	v0 =	vimm.f32 $1.000000000e+00;
	v1 =	vimm.f32 $0.0e+00;
	s6 =	sadd.s32 $0x17400, s7;
	s7 =	smax.u32 s9, $0x1;
	s9 =	simm.s32 $0x2880  }
.LBB2_1:
0xd: {  	[tilespmem:s3], [sflag:$0x1] =	stream.linear.gather [hbm4b:s4+s3], $0x2800, $0x38;
	[tilespmem:$0x2D80] =	vst v63  }
0xe: {  	_ =	swait.ge [sflag:s8], $0x2800  }
0xf: {  	[sflag:s8] =	ssyncset.done $0x0  }
0x10: {  	[sflag:s8] =	ssyncadd.s32 $0xFFFFD800  }
0x11: {  	[tilespmem:$0x2800] =	vst v0  }
0x12: {  	[tilespmem:$0x2810] =	vst v0  }
0x13: {  	[tilespmem:$0x2820] =	vst v0  }
0x14: {  	[tilespmem:$0x2830] =	vst v0  }
0x15: {  	[tilespmem:$0x2840] =	vst v0  }
0x16: {  	[tilespmem:$0x2850] =	vst v0  }
0x17: {  	[tilespmem:$0x2860] =	vst v0  }
0x18: {  	[tilespmem:$0x2870] =	vst v0  }
0x19: {  	[tilespmem:$0x2880] =	vst v1  }
0x1a: {  	[tilespmem:$0x2890] =	vst v1  }
0x1b: {  	[tilespmem:$0x28A0] =	vst v1  }
0x1c: {  	[tilespmem:$0x28B0] =	vst v1  }
0x1d: {  	[tilespmem:$0x28C0] =	vst v1  }
0x1e: {  	[tilespmem:$0x28D0] =	vst v1  }
0x1f: {  	[tilespmem:$0x28E0] =	vst v1  }
0x20: {  	[tilespmem:$0x28F0] =	vst v1  }
0x21: {  	[tilespmem:$0x2900] =	vst v1  }
0x22: {  	[tilespmem:$0x2910] =	vst v1  }
0x23: {  	[tilespmem:$0x2920] =	vst v1  }
0x24: {  	[tilespmem:$0x2930] =	vst v1  }
0x25: {  	[tilespmem:$0x2940] =	vst v1  }
0x26: {  	[tilespmem:$0x2950] =	vst v1  }
0x27: {  	[tilespmem:$0x2960] =	vst v1  }
0x28: {  	[tilespmem:$0x2970] =	vst v1  }
0x29: {  	[tilespmem:$0x2980] =	vst v1  }
0x2a: {  	[tilespmem:$0x2990] =	vst v1  }
0x2b: {  	[tilespmem:$0x29A0] =	vst v1  }
0x2c: {  	[tilespmem:$0x29B0] =	vst v1  }
0x2d: {  	[tilespmem:$0x29C0] =	vst v1  }
0x2e: {  	[tilespmem:$0x29D0] =	vst v1  }
0x2f: {  	[tilespmem:$0x29E0] =	vst v1  }
0x30: {  	[tilespmem:$0x29F0] =	vst v1  }
0x31: {  	[tilespmem:$0x2A00] =	vst v1  }
0x32: {  	[tilespmem:$0x2A10] =	vst v1  }
0x33: {  	[tilespmem:$0x2A20] =	vst v1  }
0x34: {  	[tilespmem:$0x2A30] =	vst v1  }
0x35: {  	[tilespmem:$0x2A40] =	vst v1  }
0x36: {  	[tilespmem:$0x2A50] =	vst v1  }
0x37: {  	[tilespmem:$0x2A60] =	vst v1  }
0x38: {  	[tilespmem:$0x2A70] =	vst v1  }
0x39: {  	[tilespmem:$0x2A80] =	vst v1  }
0x3a: {  	[tilespmem:$0x2A90] =	vst v1  }
0x3b: {  	[tilespmem:$0x2AA0] =	vst v1  }
0x3c: {  	[tilespmem:$0x2AB0] =	vst v1  }
0x3d: {  	[tilespmem:$0x2AC0] =	vst v1  }
0x3e: {  	[tilespmem:$0x2AD0] =	vst v1  }
0x3f: {  	[tilespmem:$0x2AE0] =	vst v1  }
0x40: {  	[tilespmem:$0x2AF0] =	vst v1  }
0x41: {  	[spmem:s5] =	stream.linear.scatter [tilespmem:s9], [sflag:$0x1], $0x280, $0x38;
	[tilespmem:$0x2D80] =	vst v63  }
0x42: {  	_ =	swait.ge [sflag:s8], $0x280  }
0x43: {  	[sflag:s8] =	ssyncset.done $0x0  }
0x44: {  	[sflag:s8] =	ssyncadd.s32 $0xFFFFFD80  }
0x45: {  	s14 =	simm.s32 $0x0;
	[bflag:$0x0] =	sbarrier.arrive $0xFFFF  }
0x46: {  	[spmem:s2] =	stream.indirect.scatter.add.f32 [tilespmem:s11], [sflag:$0x1], $0x1, s14, s10, $0xb8;
	[tilespmem:$0x2D80] =	vst v63  }
0x47: {  	_ =	swait.ge [sflag:s8], $0x80  }
0x48: {  	s14 =	simm.s32 $0x200;
	[sflag:s8] =	ssyncset.done $0x0  }
.LBB2_2:
0x49: {  	s15 =	sshra.s32 s14, $0x2;
	[sflag:s8] =	ssyncadd.s32 $0xFFFFFF80;
	p0 =	sne.s32 s14, $0x9E00  }
0x4a: {  	[spmem:s2] =	stream.indirect.scatter.add.f32 [tilespmem:s11], [sflag:$0x1], $0x1, s15, s10, $0xb8;
	[tilespmem:$0x2D80] =	vst v63  }
.Ltmp0:
0x4b: {  	_ = 	snop;
	(pc) =	sbr.rel @p0 .LBB2_2-.Ltmp0, $4  }
0x4c: {  	_ = 	snop  }
0x4d: {  	s14 =	sadd.s32 $0x200, s14  }
0x4e: {  	_ =	swait.ge [sflag:s8], $0x80  }
0x4f: {  	[sflag:s8] =	ssyncset.done $0x0  }
0x50: {  	[sflag:s8] =	ssyncadd.s32 $0xFFFFFF80  }
0x51: {  	[bflag:$0x0] =	sbarrier.arrive $0xFFFF  }
0x52: {  	[tilespmem:s9], [sflag:$0x1] =	stream.linear.gather [spmem:s5], $0x280, $0x38;
	[tilespmem:$0x2D80] =	vst v63  }
0x53: {  	s13 =	sadd.s32 $0x1, s13;
	_ =	swait.ge [sflag:s8], $0x280  }
0x54: {  	p0 =	sne.s32 s13, s7;
	[sflag:s8] =	ssyncset.done $0x0  }
.Ltmp1:
0x55: {  	[sflag:s8] =	ssyncadd.s32 $0xFFFFFD80;
	(pc) =	sbr.rel @p0 .LBB2_1-.Ltmp1, $4  }
0x56: {  	[hbm4b:s6+s10] =	stream.strided.scatter [tilespmem:s9], [sflag:$0x1], $0x280, s12, s10, $0x38;
	[tilespmem:$0x2D80] =	vst v63  }
0x57: {  	_ =	swait.ge [sflag:s8], $0x280  }
0x58: {  	[sflag:s8] =	ssyncset.done $0x0  }
0x59: {  	[sflag:s8] =	ssyncadd.s32 $0xFFFFFD80  }
0x5a: {  	_ =	sfence.sel $0x180000  }
0x5b: {  	[bflag:$0x0] =	sbarrier.arrive $0xFFFF  }
0x5c: {  	p0 =	sne.s32 s1, $0x0;
	_ =	strace $0x90000047  }
0x5d: {  	s0 =	sadd.s32 @!p0 $0x100000, s0;
	[bflag:$0x2] =	sbarrier.arrive $0xFFFF  }
0x5e: {  	[sflag:s0] =	ssyncadd.tile.s32 @!p0 $0x1;
	_ =	shalt  }
.Lfunc_end2:
_tile_overlayer_lowered:
.L_overlay_start_2:
0x5f: {  	(tag) =	ssettag $0x2  }
0x60: {  	s0 =	rddreg [dreg:$0x0];
	s2 =	stileid.u32  }
0x61: {  	s1 =	rddreg [dreg:$0x1];
	p0 =	sne.s32 s2, $0x0  }
0x62: {  	s3 =	rddreg [dreg:$0x2];
	[bflag:$0x3] =	sbarrier.arrive $0xFFFF;
	s2 =	simm.s32 @!p0 $0x1C01  }
0x63: {  	[timem:s3], [sflag:s2] =	dma.local @!p0 [hbm:s0], s1  }
0x64: {  	s0 =	simm.s32 @!p0 $0x1  }
0x65: {  	_ =	swait.ge @!p0 [sflag:s0], s1  }
0x66: {  	s1 =	ssub.s32 @!p0 $0x0, s1;
	[sflag:s0] =	ssyncset.done @!p0 $0x0  }
0x67: {  	[sflag:s0] =	ssyncadd.s32 @!p0 s1  }
0x68: {  	[bflag:$0x3] =	sbarrier.arrive $0xFFFF  }
0x69: {  	_ =	shalt  }

// kernel: kernel.13.cloned.1.call-start
scs
__scs_entry_jumppad:
0x0: {  	(pc) =	sbr.rel $0x88, $3  }
0x1: {  	(tag) =	ssettag $0x0;
	lr =	simm.s32 $0x1  }
0x2: {  	[smem:$0x3F98] =	sst lr;
	_ =	strace $0xD0000000  }
0x3: {  	_ = 	snop  }
0x4: {  	_ = 	snop  }
0x5: {  	_ = 	snop  }
0x6: {  	_ = 	snop  }
0x7: {  	_ = 	snop  }
__scs_overlays_trampoline_lowered:
0x8: {  	[smem:$0x3FA7] =	sst s0  }
0x9: {  	[smem:$0x3FA8] =	sst s1  }
0xa: {  	[smem:$0x3FA9] =	sst s2  }
0xb: {  	[smem:$0x3FAA] =	sst s3  }
0xc: {  	[smem:$0x3FAB] =	sst s4  }
0xd: {  	[smem:$0x3FAC] =	sst s5  }
0xe: {  	[smem:$0x3FAD] =	sst s6  }
0xf: {  	[smem:$0x3FAE] =	sst s7  }
0x10: {  	[smem:$0x3FAF] =	sst s8  }
0x11: {  	[smem:$0x3FB0] =	sst s9;
	s0 =	simm.s32 @!p0 $0x0  }
0x12: {  	s1 =	sld [smem:$0x3F96];
	s0 =	simm.s32 @p0 $0x1  }
0x13: {  	[smem:$0x3FB1] =	sst s0;
	s0 =	simm.s32 @!p1 $0x0  }
0x14: {  	s2 =	sld [smem:$0x3F95];
	s0 =	simm.s32 @p1 $0x1  }
0x15: {  	[smem:$0x3FB2] =	sst s0;
	s0 =	simm.s32 @!p2 $0x0  }
0x16: {  	s3 =	sld [smem:$0x3FDB];
	s0 =	simm.s32 @p2 $0x1  }
0x17: {  	s4 =	simm.s32 $0x1BF5;
	[smem:$0x3FB4] =	sst s0  }
0x18: {  	s0 =	sld [smem:$0x3F97];
	_ =	swait.ge [sflag:s4], $0x0  }
0x19: {  	s7 =	sld [smem:$0x3F98]  }
0x1a: {  	s8 =	sadd.s32 $0xFFFFE003, lr  }
0x1b: {  	s9 =	sadd.s32 $0xFFFFFEF7, lr;
	s5 =	simm.s32 $0xFFFFFFFF;
	p2 =	slt.u32 s8, $0xFFFFF086  }
0x1c: {  	p1 =	slt.u32 s9, $0xF7A;
	s5 =	simm.s32 @!p2 $0x0  }
0x1d: {  	s5 =	simm.s32 @p1 $0x1;
	p0 =	seq.s32 s7, s2  }
0x1e: {  	s7 =	smul.u32 @!p0 $0xF7A, s2;
	p2 =	seq.s32 @!p0 s5, $0x0  }
0x1f: {  	s9 =	smul.u32 $0xF7A, s1;
	s8 =	simm.s32 @!p0 $0x1BF5;
	p2 =	por !p2, p0  }
0x20: {  	[sflag:s8] =	ssyncset.s32 @!p0 $0xFFFFF086;
	s6 =	sadd.s32 @!p0 s3, s7;
	s7 =	simm.s32 @!p0 $0x108  }
0x21: {  	s3 =	sadd.s32 s3, s9;
	s6 =	sadd.s32 @!p0 $0x88, s6;
	s7 =	simm.s32 @p2 $0x1082  }
0x22: {  	[simem:s7], [sflag:s8] =	dma.local @!p0 [hbm:s6], $0xF7A  }
0x23: {  	s9 =	sor.u32 $0xD0000000, s2;
	s6 =	simm.s32 $0x108;
	_ =	swait.ge @!p0 [sflag:s8], $0x0  }
0x24: {  	s3 =	sadd.s32 $0x88, s3;
	s6 =	simm.s32 @!p1 $0x1082;
	[sflag:s4] =	ssyncset.s32 $0xFFFFF086  }
0x25: {  	[simem:s6], [sflag:s4] =	dma.local [hbm:s3], $0xF7A  }
0x26: {  	[smem:$0x3F98] =	sst s1;
	(tag) =	ssettag s2;
	_ =	strace s9  }
0x27: {  	s1 =	sld [smem:$0x3FA8]  }
0x28: {  	s2 =	sld [smem:$0x3FA9]  }
0x29: {  	s4 =	sld [smem:$0x3FAB]  }
0x2a: {  	p0 =	seq.s32 s5, $0x0;
	s5 =	sld [smem:$0x3FAC]  }
0x2b: {  	s6 =	sld [smem:$0x3FAD]  }
0x2c: {  	s7 =	sld [smem:$0x3FAE]  }
0x2d: {  	s3 =	simm.s32 $0x108;
	s8 =	sld [smem:$0x3FAF]  }
0x2e: {  	s3 =	simm.s32 @!p0 $0x1082;
	s9 =	sld [smem:$0x3FB0]  }
0x2f: {  	lr =	sadd.s32 s0, s3;
	s0 =	sld [smem:$0x3FA7]  }
0x30: {  	s3 =	sld [smem:$0x3FAA]  }
0x31: {  	[smem:$0x3FB3] =	sst s10  }
0x32: {  	s10 =	sld [smem:$0x3FB1];
	_ =	sdelay $0x3  }
0x33: {  	p0 =	seq.s32 s10, $0x1;
	s10 =	sld [smem:$0x3FB3];
	_ =	sdelay $0x3  }
0x34: {  	[smem:$0x3FB3] =	sst s10  }
0x35: {  	s10 =	sld [smem:$0x3FB2];
	_ =	sdelay $0x3  }
0x36: {  	p1 =	seq.s32 s10, $0x1;
	s10 =	sld [smem:$0x3FB3];
	_ =	sdelay $0x3  }
0x37: {  	[smem:$0x3FB3] =	sst s10  }
0x38: {  	s10 =	sld [smem:$0x3FB4]  }
0x39: {  	_ = 	snop;
	(pc) =	sbr.ind lr, $3  }
0x3a: {  	_ = 	snop  }
0x3b: {  	_ = 	snop  }
0x3c: {  	p2 =	seq.s32 s10, $0x1;
	s10 =	sld [smem:$0x3FB3]  }
0x3d: {  	_ =	shalt  }
0x3e: {  	_ =	shalt  }
0x3f: {  	_ =	shalt  }
0x40: {  	_ =	shalt  }
0x41: {  	_ =	shalt  }
0x42: {  	_ =	shalt  }
0x43: {  	_ =	shalt  }
0x44: {  	_ =	shalt  }
0x45: {  	_ =	shalt  }
0x46: {  	_ =	shalt  }
0x47: {  	_ =	shalt  }
0x48: {  	_ =	shalt  }
0x49: {  	_ =	shalt  }
0x4a: {  	_ =	shalt  }
0x4b: {  	_ =	shalt  }
0x4c: {  	_ =	shalt  }
0x4d: {  	_ =	shalt  }
0x4e: {  	_ =	shalt  }
0x4f: {  	_ =	shalt  }
0x50: {  	_ =	shalt  }
0x51: {  	_ =	shalt  }
0x52: {  	_ =	shalt  }
0x53: {  	_ =	shalt  }
0x54: {  	_ =	shalt  }
0x55: {  	_ =	shalt  }
0x56: {  	_ =	shalt  }
0x57: {  	_ =	shalt  }
0x58: {  	_ =	shalt  }
0x59: {  	_ =	shalt  }
0x5a: {  	_ =	shalt  }
0x5b: {  	_ =	shalt  }
0x5c: {  	_ =	shalt  }
0x5d: {  	_ =	shalt  }
0x5e: {  	_ =	shalt  }
0x5f: {  	_ =	shalt  }
0x60: {  	_ =	shalt  }
0x61: {  	_ =	shalt  }
0x62: {  	_ =	shalt  }
0x63: {  	_ =	shalt  }
0x64: {  	_ =	shalt  }
0x65: {  	_ =	shalt  }
0x66: {  	_ =	shalt  }
0x67: {  	_ =	shalt  }
0x68: {  	_ =	shalt  }
0x69: {  	_ =	shalt  }
0x6a: {  	_ =	shalt  }
0x6b: {  	_ =	shalt  }
0x6c: {  	_ =	shalt  }
0x6d: {  	_ =	shalt  }
0x6e: {  	_ =	shalt  }
0x6f: {  	_ =	shalt  }
0x70: {  	_ =	shalt  }
0x71: {  	_ =	shalt  }
0x72: {  	_ =	shalt  }
0x73: {  	_ =	shalt  }
0x74: {  	_ =	shalt  }
0x75: {  	_ =	shalt  }
0x76: {  	_ =	shalt  }
0x77: {  	_ =	shalt  }
0x78: {  	_ =	shalt  }
0x79: {  	_ =	shalt  }
0x7a: {  	_ =	shalt  }
0x7b: {  	_ =	shalt  }
0x7c: {  	_ =	shalt  }
0x7d: {  	_ =	shalt  }
0x7e: {  	_ =	shalt  }
0x7f: {  	_ =	shalt  }
0x80: {  	_ =	shalt  }
0x81: {  	_ =	shalt  }
0x82: {  	_ =	shalt  }
0x83: {  	_ =	shalt  }
0x84: {  	_ =	shalt  }
0x85: {  	_ =	shalt  }
0x86: {  	_ =	shalt  }
0x87: {  	_ =	shalt  }
.Lfunc_end0:
.L_simem_size_0:
called_computation.1_lowered:
.L_overlay_start_0:
0x88: {  	s2 =	sld [smem:$0x3FD9]  }
0x89: {  	s3 =	sld [smem:$0x3FFE];
	_ =	sdelay $0x1  }
0x8a: {  	s1 =	srdreg.scid  }
0x8b: {  	s0 =	sand.u32 $0x1, s1  }
0x8c: {  	s17 =	sshll.u32 s0, $0xA;
	s2 =	sadd.s32 s3, s2  }
0x8d: {  	s2 =	sadd.s32 s2, s17  }
0x8e: {  	[smem:$0x3FBF] =	sst s2  }
0x8f: {  	_ = 	snop  }
0x90: {  	s2 =	sld [smem:$0x3FD0];
	(tm) =	ssettm $0x1  }
0x91: {  	s18 =	sld [smem:$0x3FFB];
	_ =	sdelay $0x3  }
0x92: {  	_ =	strace s18  }
0x93: {  	s3 =	sld [smem:$0x3FFC];
	_ =	sdelay $0x3  }
0x94: {  	_ =	strace s3  }
0x95: {  	s3 =	sld [smem:$0x3FFD];
	_ =	sdelay $0x3  }
0x96: {  	_ =	strace s3  }
0x97: {  	_ =	strace $0x8FFFFFFF  }
0x98: {  	s19 =	sld [smem:$0x3FDB];
	_ =	sdelay $0x1  }
0x99: {  	s4 =	simm.s32 $_scs_section_size  }
0x9a: {  	s5 =	simm.s32 $_size__tile_overlayer_lowered;
	s6 =	simm.s32 $_tile_overlayer_lowered  }
0x9b: {  	s22 =	simm.s32 $0x1BFF;
	s21 =	sshll.u32 s6, $0x1;
	s3 =	sadd.s32 s4, s19  }
0x9c: {  	s7 =	simm.s32 $0x0;
	s20 =	sshll.u32 s5, $0x1;
	s5 =	sadd.s32 s21, s3  }
0x9d: {  	[timem:s7], [sflag:s22] =	dma.local [hbm:s5], s20  }
0x9e: {  	_ =	swait.ge [sflag:s22], s20  }
0x9f: {  	s4 =	ssub.s32 $0x0, s20;
	[sflag:s22] =	ssyncset.done $0x0  }
0xa0: {  	[sflag:s22] =	ssyncadd.s32 s4;
	_ =	sdelay $0x1  }
0xa1: {  	s23 =	simm.s32 $0x1B8B  }
0xa2: {  	_ =	swait.ge [sflag:s23], $0x1  }
0xa3: {  	[sflag:s23] =	ssyncset.done $0x0  }
0xa4: {  	s25 =	simm.s32 $0x1B8E;
	s24 =	sld [smem:$0x3FFE];
	[sflag:s23] =	ssyncadd.s32 $0xFFFFFFFF  }
0xa5: {  	s26 =	simm.s32 $execute0_lowered;
	[smem:$0x3FD2] =	sst s25  }
0xa6: {  	s5 =	sshll.u32 s26, $0x1;
	_ =	strace $0x80000049;
	[dreg:$0x1] =	wrdreg $0xFFFFFFFF  }
0xa7: {  	s28 =	simm.s32 $_size_execute0_lowered;
	s3 =	sadd.s32 s3, s5;
	[dreg:$0x0] =	wrdreg $0x0  }
0xa8: {  	s5 =	sshll.u32 s28, $0x1;
	[dreg:$0x2] =	wrdreg s3  }
0xa9: {  	[dreg:$0x3] =	wrdreg s5  }
0xaa: {  	[dreg:$0x4] =	wrdreg $0xC0  }
0xab: {  	_ =	task [dreg:s7], $0x5FFFF  }
0xac: {  	[dreg:$0x1] =	wrdreg $0xFFFFFFFF  }
0xad: {  	[dreg:$0x0] =	wrdreg $0x60  }
0xae: {  	[dreg:$0x2] =	wrdreg s24  }
0xaf: {  	[dreg:$0x3] =	wrdreg s2  }
0xb0: {  	[dreg:$0x4] =	wrdreg $0xA9000  }
0xb1: {  	[dreg:$0x5] =	wrdreg $0x9  }
0xb2: {  	_ =	task.clear_ibuf [dreg:s7], $0x6FFFF;
	_ =	strace $0x90000049  }
0xb3: {  	s29 =	simm.s32 $0x9;
	_ =	strace $0x8000004B  }
0xb4: {  	_ =	swait.ge [sflag:s29], $0x1  }
0xb5: {  	[sflag:s29] =	ssyncadd.s32 $0xFFFFFFFF  }
0xb6: {  	_ =	strace $0x9000004B  }
0xb7: {  	_ =	sfence  }
0xb8: {  	s30 =	sld [smem:$0x0];
	_ =	sdelay $0x2  }
0xb9: {  	s31 =	sshll.u32 s1, $0xD;
	s1 =	sshrl.u32 s1, $0x2  }
0xba: {  	s3 =	sand.u32 $0x4000, s31;
	s1 =	sadd.s32 s1, s30  }
0xbb: {  	s0 =	sor.u32 s3, s0;
	s1 =	sshll.u32 s1, $0x11  }
0xbc: {  	s0 =	sor.u32 s1, s0  }
0xbd: {  	s0 =	sadd.s32 $0x8F2B, s0  }
0xbe: {  	[sflag:s0] =	ssyncadd.remote.s32 $0x1  }
0xbf: {  	_ =	sfence.sel $0xFFFF  }
0xc0: {  	[dreg:$0x0] =	wrdreg $0xFFFFFFFF;
	(pc) =	sbr.abs _section_cstart, $3  }
0xc1: {  	[dreg:$0x1] =	wrdreg $0xFFFFFFFF  }
0xc2: {  	_ =	task.clear_ibuf [dreg:s7], $0x2FFFF;
	_ =	strace $0x9FFFFFFF  }
0xc3: {  	(tm) =	ssettm $0x7FFFFFFF  }
tec
execute0_lowered:
.L_overlay_start_1:
0x0: {  	(tag) =	ssettag $0x1  }
0x1: {  	s0 =	rddreg [dreg:$0x0]  }
0x2: {  	s2 =	rddreg [dreg:$0x2];
	s1 =	srdreg.scid;
	s4 =	simm.s32 $0x0  }
0x3: {  	s10 =	stileid.u32;
	s28 =	simm.s32 $0x3;
	s29 =	simm.s32 $0x4  }
0x4: {  	s30 =	simm.s32 $0x6900;
	s31 =	simm.s32 $0x1;
	s1 =	sand.u32 $0x1, s1  }
0x5: {  	[smem:$0x7FF] =	sst s4;
	s6 =	sadd.s32 $0x17400, s0;
	s17 =	smul.u32 $0x50000, s10  }
0x6: {  	s7 =	sadd.s32 $0xD400, s0;
	s14 =	smul.u32 $0x14000, s10;
	s3 =	sshll.u32 s1, $0x4  }
0x7: {  	_ =	strace $0x8000004A;
	s9 =	ssub.s32 $0x2, s1;
	s1 =	smul.u32 $0x140000, s1  }
0x8: {  	s3 =	sor.u32 s10, s3;
	s11 =	sshrl.u32 s9, $0x1;
	s16 =	sadd.s32 $0x4000, s14  }
0x9: {  	s20 =	sadd.s32 $0x8000, s14;
	s5 =	smul.u32 $0x2800, s3;
	s15 =	ssub.s32 s9, s11  }
0xa: {  	s3 =	sshrl.u32 s17, $0x2;
	s10 =	sadd.s32 s16, s2;
	s17 =	sadd.s32 $0xC000, s14  }
0xb: {  	s11 =	sadd.s32 s20, s2;
	s16 =	sadd.s32 s1, s16;
	s9 =	sadd.s32 s3, s2  }
0xc: {  	s12 =	sadd.s32 s17, s2;
	s22 =	sshrl.u32 s16, $0x3;
	s8 =	sshrl.u32 s5, $0x3  }
0xd: {  	s3 =	sadd.s32 s1, s20;
	s25 =	sadd.s32 s1, s17;
	s18 =	sadd.s32 s8, s0  }
0xe: {  	s3 =	sshrl.u32 s3, $0x3;
	s0 =	sadd.s32 $0x3E600, s0;
	s19 =	sadd.s32 $0x3400, s18  }
0xf: {  	s18 =	sadd.s32 $0x10000, s14;
	s14 =	sadd.s32 s14, s1;
	s24 =	sadd.s32 s0, s22  }
0x10: {  	s3 =	sadd.s32 s0, s3;
	s22 =	simm.s32 $0x2900;
	[dreg:$0x4] =	wrdreg s19  }
0x11: {  	s13 =	sadd.s32 s18, s2;
	s19 =	sadd.s32 s7, s8;
	[dreg:$0x8] =	wrdreg s24  }
0x12: {  	s21 =	sshrl.u32 s14, $0x3;
	s1 =	sadd.s32 s1, s18;
	[dreg:$0x9] =	wrdreg s3  }
0x13: {  	s24 =	simm.s32 $0x5;
	[dreg:$0x5] =	wrdreg s19;
	s23 =	sadd.s32 $0x10, s19  }
0x14: {  	s3 =	simm.s32 $0x2;
	s8 =	sadd.s32 s0, s21;
	[dreg:$0x6] =	wrdreg s23  }
0x15: {  	s1 =	sshrl.u32 s1, $0x3;
	s21 =	smax.u32 s15, $0x1;
	[dreg:$0x7] =	wrdreg s8  }
0x16: {  	s8 =	sshrl.u32 s25, $0x3;
	s20 =	sadd.s32 s0, s1;
	s23 =	simm.s32 $0x6  }
0x17: {  	s25 =	simm.s32 $0x2800;
	s1 =	simm.s32 $0x0;
	s26 =	sadd.s32 s0, s8  }
0x18: {  	s0 =	simm.s32 $0x80;
	[dreg:$0xa] =	wrdreg s26;
	s26 =	simm.s32 $0x2880  }
.LBB2_1:
0x19: {  	s8 =	rddreg [dreg:$0x4]  }
0x1a: {  	[tilespmem:s4], [sflag:$0x5] =	stream.linear.gather [hbm4b:s8+s4], $0x2800, $0x38;
	[tilespmem:$0x1E900] =	vst v63  }
0x1b: {  	s19 =	rddreg [dreg:$0x1]  }
0x1c: {  	[tilespmem:s22], [sflag:$0x6] =	stream.linear.gather [hbm4b:s19+s4], $0x4000, $0x38;
	[tilespmem:$0x1E900] =	vst v63  }
0x1d: {  	_ =	swait.ge [sflag:s23], $0x4000  }
0x1e: {  	[sflag:s23] =	ssyncset.done $0x0  }
0x1f: {  	[sflag:s23] =	ssyncadd.s32 $0xFFFFC000  }
0x20: {  	[spmem:s9] =	stream.linear.scatter [tilespmem:s22], [sflag:$0x6], $0x4000, $0x38;
	[tilespmem:$0x1E900] =	vst v63  }
0x21: {  	_ =	swait.ge [sflag:s23], $0x4000  }
0x22: {  	[sflag:s23] =	ssyncset.done $0x0  }
0x23: {  	[sflag:s23] =	ssyncadd.s32 $0xFFFFC000  }
0x24: {  	[spmem:s10] =	stream.linear.scatter [tilespmem:s22], [sflag:$0x6], $0x4000, $0x38;
	[tilespmem:$0x1E900] =	vst v63  }
0x25: {  	_ =	swait.ge [sflag:s23], $0x4000  }
0x26: {  	[sflag:s23] =	ssyncset.done $0x0  }
0x27: {  	[sflag:s23] =	ssyncadd.s32 $0xFFFFC000  }
0x28: {  	[spmem:s11] =	stream.linear.scatter [tilespmem:s22], [sflag:$0x6], $0x4000, $0x38;
	[tilespmem:$0x1E900] =	vst v63  }
0x29: {  	_ =	swait.ge [sflag:s23], $0x4000  }
0x2a: {  	[sflag:s23] =	ssyncset.done $0x0  }
0x2b: {  	[sflag:s23] =	ssyncadd.s32 $0xFFFFC000  }
0x2c: {  	[spmem:s12] =	stream.linear.scatter [tilespmem:s22], [sflag:$0x6], $0x4000, $0x38;
	[tilespmem:$0x1E900] =	vst v63  }
0x2d: {  	_ =	swait.ge [sflag:s23], $0x4000  }
0x2e: {  	[sflag:s23] =	ssyncset.done $0x0  }
0x2f: {  	[sflag:s23] =	ssyncadd.s32 $0xFFFFC000  }
0x30: {  	[spmem:s13] =	stream.linear.scatter [tilespmem:s22], [sflag:$0x6], $0x4000, $0x38;
	[tilespmem:$0x1E900] =	vst v63  }
0x31: {  	_ =	swait.ge [sflag:s23], $0x4000  }
0x32: {  	[sflag:s23] =	ssyncset.done $0x0  }
0x33: {  	[sflag:s23] =	ssyncadd.s32 $0xFFFFC000  }
0x34: {  	_ =	swait.ge [sflag:s24], $0x2800  }
0x35: {  	[sflag:s24] =	ssyncset.done $0x0  }
0x36: {  	[sflag:s24] =	ssyncadd.s32 $0xFFFFD800  }
0x37: {  	[bflag:$0x0] =	sbarrier.arrive $0xFFFF  }
0x38: {  	s14 =	rddreg [dreg:$0x5]  }
0x39: {  	[tilespmem:s25], [sflag:$0x3] =	stream.linear.gather [hbm4b:s14+s4], $0x80, $0x38;
	[tilespmem:$0x1E900] =	vst v63  }
0x3a: {  	s15 =	rddreg [dreg:$0x6]  }
0x3b: {  	[tilespmem:s26], [sflag:$0x4] =	stream.linear.gather [hbm4b:s15+s4], $0x80, $0x38;
	[tilespmem:$0x1E900] =	vst v63  }
0x3c: {  	_ =	swait.ge [sflag:s28], $0x80  }
0x3d: {  	[sflag:s28] =	ssyncset.done $0x0  }
0x3e: {  	[sflag:s28] =	ssyncadd.s32 $0xFFFFFF80  }
0x3f: {  	[tilespmem:s22], [sflag:$0x1] =	stream.indirect.gather [hbm4b:s6+s0], $0x80, s25, s0, $0xb8;
	[tilespmem:$0x1E900] =	vst v63  }
0x40: {  	s16 =	simm.s32 $0x100;
	_ =	swait.ge [sflag:s29], $0x80  }
0x41: {  	s14 =	sand.u32 $0x7C00, s16;
	[sflag:s29] =	ssyncset.done $0x0  }
0x42: {  	s8 =	sand.u32 $0x300, s16;
	s14 =	sadd.s32 s5, s14;
	[sflag:s29] =	ssyncadd.s32 $0xFFFFFF80  }
0x43: {  	[tilespmem:s30], [sflag:$0x2] =	stream.indirect.gather [hbm4b:s6+s0], $0x80, s26, s0, $0xb8;
	[tilespmem:$0x1E900] =	vst v63  }
0x44: {  	s8 =	sor.u32 s8, s14;
	_ =	swait.ge [sflag:s31], $0x4000  }
0x45: {  	s8 =	sshrl.u32 s8, $0x3;
	[sflag:s31] =	ssyncset.done $0x0  }
0x46: {  	s8 =	sadd.s32 s7, s8;
	[sflag:s31] =	ssyncadd.s32 $0xFFFFC000  }
0x47: {  	[tilespmem:s25], [sflag:$0x3] =	stream.linear.gather [hbm4b:s8+s4], $0x80, $0x38;
	[tilespmem:$0x1E900] =	vst v63  }
0x48: {  	s17 =	simm.s32 $0x0  }
0x49: {  	[spmem:s2] =	stream.indirect.scatter.add.f32 [tilespmem:s22], [sflag:$0x6], $0x80, s17, s0, $0xb8;
	[tilespmem:$0x1E900] =	vst v63  }
0x4a: {  	_ =	swait.ge [sflag:s23], $0x4000  }
0x4b: {  	[sflag:s23] =	ssyncset.done $0x0  }
0x4c: {  	[sflag:s23] =	ssyncadd.s32 $0xFFFFC000  }
0x4d: {  	s18 =	simm.s32 $0x180;
	_ =	swait.ge [sflag:s28], $0x80  }
0x4e: {  	s19 =	sand.u32 $0x7C00, s18;
	[sflag:s28] =	ssyncset.done $0x0  }
0x4f: {  	s14 =	sadd.s32 s5, s19;
	s8 =	sand.u32 $0x380, s18;
	[sflag:s28] =	ssyncadd.s32 $0xFFFFFF80  }
0x50: {  	[tilespmem:s22], [sflag:$0x1] =	stream.indirect.gather [hbm4b:s6+s0], $0x80, s25, s0, $0xb8;
	[tilespmem:$0x1E900] =	vst v63  }
0x51: {  	s8 =	sor.u32 s8, s14;
	_ =	swait.ge [sflag:s3], $0x4000  }
0x52: {  	s8 =	sshrl.u32 s8, $0x3;
	[sflag:s3] =	ssyncset.done $0x0  }
0x53: {  	s8 =	sadd.s32 s7, s8;
	[sflag:s3] =	ssyncadd.s32 $0xFFFFC000  }
0x54: {  	[tilespmem:s26], [sflag:$0x4] =	stream.linear.gather [hbm4b:s8+s4], $0x80, $0x38;
	[tilespmem:$0x1E900] =	vst v63  }
0x55: {  	_ = 	snop  }
0x56: {  	[spmem:s2] =	stream.indirect.scatter.add.f32 [tilespmem:s30], [sflag:$0x6], $0x80, s0, s0, $0xb8;
	[tilespmem:$0x1E900] =	vst v63  }
0x57: {  	s16 =	simm.s32 $0x380;
	s15 =	simm.s32 $0x280;
	_ =	swait.ge [sflag:s23], $0x4000  }
0x58: {  	s17 =	simm.s32 $0x200;
	s8 =	simm.s32 $0x180;
	[sflag:s23] =	ssyncset.done $0x0  }
.LBB2_2:
0x59: {  	s18 =	sand.u32 $0x7C00, s17  }
0x5a: {  	[sflag:s23] =	ssyncadd.s32 $0xFFFFC000;
	s19 =	smov.u32 s16;
	s14 =	sadd.s32 $0x100, s16  }
0x5b: {  	s17 =	sand.u32 $0x300, s17;
	s18 =	sadd.s32 s5, s18;
	_ =	swait.ge [sflag:s29], $0x80  }
0x5c: {  	p0 =	sne.s32 s16, $0x2780;
	s16 =	sor.u32 s17, s18;
	[sflag:s29] =	ssyncset.done $0x0  }
0x5d: {  	s16 =	sshrl.u32 s16, $0x3;
	[sflag:s29] =	ssyncadd.s32 $0xFFFFFF80  }
0x5e: {  	[tilespmem:s30], [sflag:$0x2] =	stream.indirect.gather [hbm4b:s6+s0], $0x80, s26, s0, $0xb8;
	[tilespmem:$0x1E900] =	vst v63  }
0x5f: {  	_ =	swait.ge [sflag:s31], $0x4000  }
0x60: {  	[sflag:s31] =	ssyncset.done $0x0  }
0x61: {  	s16 =	sadd.s32 s7, s16;
	[sflag:s31] =	ssyncadd.s32 $0xFFFFC000  }
0x62: {  	[tilespmem:s25], [sflag:$0x3] =	stream.linear.gather [hbm4b:s16+s4], $0x80, $0x38;
	[tilespmem:$0x1E900] =	vst v63  }
0x63: {  	s16 =	sadd.s32 $0xFFFFFF80, s8  }
0x64: {  	[spmem:s2] =	stream.indirect.scatter.add.f32 [tilespmem:s22], [sflag:$0x6], $0x80, s16, s0, $0xb8;
	[tilespmem:$0x1E900] =	vst v63  }
0x65: {  	_ =	swait.ge [sflag:s23], $0x4000  }
0x66: {  	[sflag:s23] =	ssyncset.done $0x0  }
0x67: {  	[sflag:s23] =	ssyncadd.s32 $0xFFFFC000  }
0x68: {  	_ =	swait.ge [sflag:s28], $0x80  }
0x69: {  	[sflag:s28] =	ssyncset.done $0x0  }
0x6a: {  	s16 =	sand.u32 $0x7C00, s15;
	[sflag:s28] =	ssyncadd.s32 $0xFFFFFF80  }
0x6b: {  	[tilespmem:s22], [sflag:$0x1] =	stream.indirect.gather [hbm4b:s6+s0], $0x80, s25, s0, $0xb8;
	[tilespmem:$0x1E900] =	vst v63  }
0x6c: {  	s17 =	sand.u32 $0x380, s15;
	s15 =	smov.u32 s19;
	s16 =	sadd.s32 s5, s16  }
0x6d: {  	s16 =	sor.u32 s17, s16;
	_ =	swait.ge [sflag:s3], $0x4000  }
0x6e: {  	s16 =	sshrl.u32 s16, $0x3;
	[sflag:s3] =	ssyncset.done $0x0  }
0x6f: {  	s16 =	sadd.s32 s7, s16;
	[sflag:s3] =	ssyncadd.s32 $0xFFFFC000  }
0x70: {  	[tilespmem:s26], [sflag:$0x4] =	stream.linear.gather [hbm4b:s16+s4], $0x80, $0x38;
	[tilespmem:$0x1E900] =	vst v63  }
.Ltmp0:
0x71: {  	_ = 	snop;
	(pc) =	sbr.rel @p0 .LBB2_2-.Ltmp0, $4  }
0x72: {  	_ = 	snop  }
0x73: {  	[spmem:s2] =	stream.indirect.scatter.add.f32 [tilespmem:s30], [sflag:$0x6], $0x80, s8, s0, $0xb8;
	[tilespmem:$0x1E900] =	vst v63  }
0x74: {  	s17 =	sadd.s32 $0xFFFFFF80, s15;
	_ =	swait.ge [sflag:s23], $0x4000  }
0x75: {  	s16 =	smov.u32 s14;
	s8 =	sadd.s32 $0x100, s8;
	[sflag:s23] =	ssyncset.done $0x0  }
0x76: {  	[sflag:s23] =	ssyncadd.s32 $0xFFFFC000  }
0x77: {  	_ =	swait.ge [sflag:s29], $0x80  }
0x78: {  	s14 =	sand.u32 $0x7C00, s17;
	[sflag:s29] =	ssyncset.done $0x0  }
0x79: {  	s16 =	sand.u32 $0x300, s17;
	s14 =	sadd.s32 s5, s14;
	[sflag:s29] =	ssyncadd.s32 $0xFFFFFF80  }
0x7a: {  	[tilespmem:s30], [sflag:$0x2] =	stream.indirect.gather [hbm4b:s6+s0], $0x80, s26, s0, $0xb8;
	[tilespmem:$0x1E900] =	vst v63  }
0x7b: {  	s14 =	sor.u32 s16, s14;
	_ =	swait.ge [sflag:s31], $0x4000  }
0x7c: {  	s14 =	sshrl.u32 s14, $0x3;
	[sflag:s31] =	ssyncset.done $0x0  }
0x7d: {  	s14 =	sadd.s32 s7, s14;
	[sflag:s31] =	ssyncadd.s32 $0xFFFFC000  }
0x7e: {  	[tilespmem:s25], [sflag:$0x3] =	stream.linear.gather [hbm4b:s14+s4], $0x80, $0x38;
	[tilespmem:$0x1E900] =	vst v63  }
0x7f: {  	s17 =	sadd.s32 $0xFFFFFF80, s8  }
0x80: {  	[spmem:s2] =	stream.indirect.scatter.add.f32 [tilespmem:s22], [sflag:$0x6], $0x80, s17, s0, $0xb8;
	[tilespmem:$0x1E900] =	vst v63  }
0x81: {  	_ =	swait.ge [sflag:s23], $0x4000  }
0x82: {  	[sflag:s23] =	ssyncset.done $0x0  }
0x83: {  	[sflag:s23] =	ssyncadd.s32 $0xFFFFC000  }
0x84: {  	_ =	swait.ge [sflag:s28], $0x80  }
0x85: {  	s18 =	sand.u32 $0x7C00, s15;
	[sflag:s28] =	ssyncset.done $0x0  }
0x86: {  	s19 =	sand.u32 $0x380, s15;
	s14 =	sadd.s32 s5, s18;
	[sflag:s28] =	ssyncadd.s32 $0xFFFFFF80  }
0x87: {  	[tilespmem:s22], [sflag:$0x1] =	stream.indirect.gather [hbm4b:s6+s0], $0x80, s25, s0, $0xb8;
	[tilespmem:$0x1E900] =	vst v63  }
0x88: {  	s14 =	sor.u32 s19, s14;
	_ =	swait.ge [sflag:s3], $0x4000  }
0x89: {  	s14 =	sshrl.u32 s14, $0x3;
	[sflag:s3] =	ssyncset.done $0x0  }
0x8a: {  	s14 =	sadd.s32 s7, s14;
	[sflag:s3] =	ssyncadd.s32 $0xFFFFC000  }
0x8b: {  	[tilespmem:s26], [sflag:$0x4] =	stream.linear.gather [hbm4b:s14+s4], $0x80, $0x38;
	[tilespmem:$0x1E900] =	vst v63  }
0x8c: {  	_ = 	snop  }
0x8d: {  	[spmem:s2] =	stream.indirect.scatter.add.f32 [tilespmem:s30], [sflag:$0x6], $0x80, s8, s0, $0xb8;
	[tilespmem:$0x1E900] =	vst v63  }
0x8e: {  	_ =	swait.ge [sflag:s23], $0x4000  }
0x8f: {  	[sflag:s23] =	ssyncset.done $0x0  }
0x90: {  	[sflag:s23] =	ssyncadd.s32 $0xFFFFC000  }
0x91: {  	_ =	swait.ge [sflag:s29], $0x80  }
0x92: {  	[sflag:s29] =	ssyncset.done $0x0  }
0x93: {  	[sflag:s29] =	ssyncadd.s32 $0xFFFFFF80  }
0x94: {  	[tilespmem:s30], [sflag:$0x2] =	stream.indirect.gather [hbm4b:s6+s0], $0x80, s26, s0, $0xb8;
	[tilespmem:$0x1E900] =	vst v63  }
0x95: {  	_ =	swait.ge [sflag:s31], $0x4000  }
0x96: {  	[sflag:s31] =	ssyncset.done $0x0  }
0x97: {  	s14 =	simm.s32 $0x2700;
	[sflag:s31] =	ssyncadd.s32 $0xFFFFC000  }
0x98: {  	[spmem:s2] =	stream.indirect.scatter.add.f32 [tilespmem:s22], [sflag:$0x6], $0x80, s14, s0, $0xb8;
	[tilespmem:$0x1E900] =	vst v63  }
0x99: {  	_ =	swait.ge [sflag:s23], $0x4000  }
0x9a: {  	[sflag:s23] =	ssyncset.done $0x0  }
0x9b: {  	[sflag:s23] =	ssyncadd.s32 $0xFFFFC000  }
0x9c: {  	_ =	swait.ge [sflag:s3], $0x4000  }
0x9d: {  	[sflag:s3] =	ssyncset.done $0x0  }
0x9e: {  	s15 =	simm.s32 $0x2780;
	[sflag:s3] =	ssyncadd.s32 $0xFFFFC000  }
0x9f: {  	[spmem:s2] =	stream.indirect.scatter.add.f32 [tilespmem:s30], [sflag:$0x6], $0x80, s15, s0, $0xb8;
	[tilespmem:$0x1E900] =	vst v63  }
0xa0: {  	_ =	swait.ge [sflag:s23], $0x4000  }
0xa1: {  	[sflag:s23] =	ssyncset.done $0x0  }
0xa2: {  	[sflag:s23] =	ssyncadd.s32 $0xFFFFC000  }
0xa3: {  	[bflag:$0x0] =	sbarrier.arrive $0xFFFF  }
0xa4: {  	[tilespmem:s22], [sflag:$0x6] =	stream.linear.gather [spmem:s9], $0x4000, $0x38;
	[tilespmem:$0x1E900] =	vst v63  }
0xa5: {  	_ =	swait.ge [sflag:s23], $0x4000  }
0xa6: {  	[sflag:s23] =	ssyncset.done $0x0  }
0xa7: {  	s16 =	rddreg [dreg:$0x7];
	[sflag:s23] =	ssyncadd.s32 $0xFFFFC000  }
0xa8: {  	[hbm4b:s16+s4] =	stream.linear.scatter [tilespmem:s22], [sflag:$0x6], $0x4000, $0x38;
	[tilespmem:$0x1E900] =	vst v63  }
0xa9: {  	_ =	swait.ge [sflag:s23], $0x4000  }
0xaa: {  	[sflag:s23] =	ssyncset.done $0x0  }
0xab: {  	[sflag:s23] =	ssyncadd.s32 $0xFFFFC000  }
0xac: {  	[tilespmem:s22], [sflag:$0x6] =	stream.linear.gather [spmem:s10], $0x4000, $0x38;
	[tilespmem:$0x1E900] =	vst v63  }
0xad: {  	_ =	swait.ge [sflag:s23], $0x4000  }
0xae: {  	[sflag:s23] =	ssyncset.done $0x0  }
0xaf: {  	s17 =	rddreg [dreg:$0x8];
	[sflag:s23] =	ssyncadd.s32 $0xFFFFC000  }
0xb0: {  	[hbm4b:s17+s4] =	stream.linear.scatter [tilespmem:s22], [sflag:$0x6], $0x4000, $0x38;
	[tilespmem:$0x1E900] =	vst v63  }
0xb1: {  	_ =	swait.ge [sflag:s23], $0x4000  }
0xb2: {  	[sflag:s23] =	ssyncset.done $0x0  }
0xb3: {  	[sflag:s23] =	ssyncadd.s32 $0xFFFFC000  }
0xb4: {  	[tilespmem:s22], [sflag:$0x6] =	stream.linear.gather [spmem:s11], $0x4000, $0x38;
	[tilespmem:$0x1E900] =	vst v63  }
0xb5: {  	_ =	swait.ge [sflag:s23], $0x4000  }
0xb6: {  	[sflag:s23] =	ssyncset.done $0x0  }
0xb7: {  	s18 =	rddreg [dreg:$0x9];
	[sflag:s23] =	ssyncadd.s32 $0xFFFFC000  }
0xb8: {  	[hbm4b:s18+s4] =	stream.linear.scatter [tilespmem:s22], [sflag:$0x6], $0x4000, $0x38;
	[tilespmem:$0x1E900] =	vst v63  }
0xb9: {  	_ =	swait.ge [sflag:s23], $0x4000  }
0xba: {  	[sflag:s23] =	ssyncset.done $0x0  }
0xbb: {  	[sflag:s23] =	ssyncadd.s32 $0xFFFFC000  }
0xbc: {  	[tilespmem:s22], [sflag:$0x6] =	stream.linear.gather [spmem:s12], $0x4000, $0x38;
	[tilespmem:$0x1E900] =	vst v63  }
0xbd: {  	_ =	swait.ge [sflag:s23], $0x4000  }
0xbe: {  	[sflag:s23] =	ssyncset.done $0x0  }
0xbf: {  	s19 =	rddreg [dreg:$0xa];
	[sflag:s23] =	ssyncadd.s32 $0xFFFFC000  }
0xc0: {  	[hbm4b:s19+s4] =	stream.linear.scatter [tilespmem:s22], [sflag:$0x6], $0x4000, $0x38;
	[tilespmem:$0x1E900] =	vst v63  }
0xc1: {  	_ =	swait.ge [sflag:s23], $0x4000  }
0xc2: {  	[sflag:s23] =	ssyncset.done $0x0  }
0xc3: {  	[sflag:s23] =	ssyncadd.s32 $0xFFFFC000  }
0xc4: {  	[tilespmem:s22], [sflag:$0x6] =	stream.linear.gather [spmem:s13], $0x4000, $0x38;
	[tilespmem:$0x1E900] =	vst v63  }
0xc5: {  	s1 =	sadd.s32 $0x1, s1;
	_ =	swait.ge [sflag:s23], $0x4000  }
0xc6: {  	p0 =	sne.s32 s1, s21;
	[sflag:s23] =	ssyncset.done $0x0  }
.Ltmp1:
0xc7: {  	[sflag:s23] =	ssyncadd.s32 $0xFFFFC000;
	(pc) =	sbr.rel @p0 .LBB2_1-.Ltmp1, $4  }
0xc8: {  	[hbm4b:s20+s4] =	stream.linear.scatter [tilespmem:s22], [sflag:$0x6], $0x4000, $0x38;
	[tilespmem:$0x1E900] =	vst v63  }
0xc9: {  	_ =	swait.ge [sflag:s23], $0x4000  }
0xca: {  	[sflag:s23] =	ssyncset.done $0x0  }
0xcb: {  	[sflag:s23] =	ssyncadd.s32 $0xFFFFC000  }
0xcc: {  	_ =	sfence.sel $0x180000  }
0xcd: {  	[bflag:$0x0] =	sbarrier.arrive $0xFFFF  }
0xce: {  	_ =	strace $0x9000004A  }
0xcf: {  	s0 =	stileid.u32;
	[bflag:$0x2] =	sbarrier.arrive $0xFFFF  }
0xd0: {  	p0 =	sne.s32 s0, $0x0;
	s0 =	rddreg [dreg:$0x3]  }
0xd1: {  	s0 =	sadd.s32 @!p0 $0x100000, s0  }
0xd2: {  	[sflag:s0] =	ssyncadd.tile.s32 @!p0 $0x1;
	_ =	shalt  }
.Lfunc_end2:
_tile_overlayer_lowered:
.L_overlay_start_2:
0xd3: {  	(tag) =	ssettag $0x2  }
0xd4: {  	s0 =	rddreg [dreg:$0x0];
	s2 =	stileid.u32  }
0xd5: {  	s1 =	rddreg [dreg:$0x1];
	p0 =	sne.s32 s2, $0x0  }
0xd6: {  	s3 =	rddreg [dreg:$0x2];
	[bflag:$0x3] =	sbarrier.arrive $0xFFFF;
	s2 =	simm.s32 @!p0 $0x1C06  }
0xd7: {  	[timem:s3], [sflag:s2] =	dma.local @!p0 [hbm:s0], s1  }
0xd8: {  	s0 =	simm.s32 @!p0 $0x6  }
0xd9: {  	_ =	swait.ge @!p0 [sflag:s0], s1  }
0xda: {  	s1 =	ssub.s32 @!p0 $0x0, s1;
	[sflag:s0] =	ssyncset.done @!p0 $0x0  }
0xdb: {  	[sflag:s0] =	ssyncadd.s32 @!p0 s1  }
0xdc: {  	[bflag:$0x3] =	sbarrier.arrive $0xFFFF  }
0xdd: {  	_ =	shalt  }

// kernel: kernel.16.cloned.1.call-start
scs
__scs_entry_jumppad:
0x0: {  	(pc) =	sbr.rel $0x88, $3  }
0x1: {  	(tag) =	ssettag $0x0;
	lr =	simm.s32 $0x1  }
0x2: {  	[smem:$0x3F98] =	sst lr;
	_ =	strace $0xD0000000  }
0x3: {  	_ = 	snop  }
0x4: {  	_ = 	snop  }
0x5: {  	_ = 	snop  }
0x6: {  	_ = 	snop  }
0x7: {  	_ = 	snop  }
__scs_overlays_trampoline_lowered:
0x8: {  	[smem:$0x3FA7] =	sst s0  }
0x9: {  	[smem:$0x3FA8] =	sst s1  }
0xa: {  	[smem:$0x3FA9] =	sst s2  }
0xb: {  	[smem:$0x3FAA] =	sst s3  }
0xc: {  	[smem:$0x3FAB] =	sst s4  }
0xd: {  	[smem:$0x3FAC] =	sst s5  }
0xe: {  	[smem:$0x3FAD] =	sst s6  }
0xf: {  	[smem:$0x3FAE] =	sst s7  }
0x10: {  	[smem:$0x3FAF] =	sst s8  }
0x11: {  	[smem:$0x3FB0] =	sst s9;
	s0 =	simm.s32 @!p0 $0x0  }
0x12: {  	s1 =	sld [smem:$0x3F96];
	s0 =	simm.s32 @p0 $0x1  }
0x13: {  	[smem:$0x3FB1] =	sst s0;
	s0 =	simm.s32 @!p1 $0x0  }
0x14: {  	s2 =	sld [smem:$0x3F95];
	s0 =	simm.s32 @p1 $0x1  }
0x15: {  	[smem:$0x3FB2] =	sst s0;
	s0 =	simm.s32 @!p2 $0x0  }
0x16: {  	s3 =	sld [smem:$0x3FDB];
	s0 =	simm.s32 @p2 $0x1  }
0x17: {  	s4 =	simm.s32 $0x1BF5;
	[smem:$0x3FB4] =	sst s0  }
0x18: {  	s0 =	sld [smem:$0x3F97];
	_ =	swait.ge [sflag:s4], $0x0  }
0x19: {  	s7 =	sld [smem:$0x3F98]  }
0x1a: {  	s8 =	sadd.s32 $0xFFFFE003, lr  }
0x1b: {  	s9 =	sadd.s32 $0xFFFFFEF7, lr;
	s5 =	simm.s32 $0xFFFFFFFF;
	p2 =	slt.u32 s8, $0xFFFFF086  }
0x1c: {  	p1 =	slt.u32 s9, $0xF7A;
	s5 =	simm.s32 @!p2 $0x0  }
0x1d: {  	s5 =	simm.s32 @p1 $0x1;
	p0 =	seq.s32 s7, s2  }
0x1e: {  	s7 =	smul.u32 @!p0 $0xF7A, s2;
	p2 =	seq.s32 @!p0 s5, $0x0  }
0x1f: {  	s9 =	smul.u32 $0xF7A, s1;
	s8 =	simm.s32 @!p0 $0x1BF5;
	p2 =	por !p2, p0  }
0x20: {  	[sflag:s8] =	ssyncset.s32 @!p0 $0xFFFFF086;
	s6 =	sadd.s32 @!p0 s3, s7;
	s7 =	simm.s32 @!p0 $0x108  }
0x21: {  	s3 =	sadd.s32 s3, s9;
	s6 =	sadd.s32 @!p0 $0x88, s6;
	s7 =	simm.s32 @p2 $0x1082  }
0x22: {  	[simem:s7], [sflag:s8] =	dma.local @!p0 [hbm:s6], $0xF7A  }
0x23: {  	s9 =	sor.u32 $0xD0000000, s2;
	s6 =	simm.s32 $0x108;
	_ =	swait.ge @!p0 [sflag:s8], $0x0  }
0x24: {  	s3 =	sadd.s32 $0x88, s3;
	s6 =	simm.s32 @!p1 $0x1082;
	[sflag:s4] =	ssyncset.s32 $0xFFFFF086  }
0x25: {  	[simem:s6], [sflag:s4] =	dma.local [hbm:s3], $0xF7A  }
0x26: {  	[smem:$0x3F98] =	sst s1;
	(tag) =	ssettag s2;
	_ =	strace s9  }
0x27: {  	s1 =	sld [smem:$0x3FA8]  }
0x28: {  	s2 =	sld [smem:$0x3FA9]  }
0x29: {  	s4 =	sld [smem:$0x3FAB]  }
0x2a: {  	p0 =	seq.s32 s5, $0x0;
	s5 =	sld [smem:$0x3FAC]  }
0x2b: {  	s6 =	sld [smem:$0x3FAD]  }
0x2c: {  	s7 =	sld [smem:$0x3FAE]  }
0x2d: {  	s3 =	simm.s32 $0x108;
	s8 =	sld [smem:$0x3FAF]  }
0x2e: {  	s3 =	simm.s32 @!p0 $0x1082;
	s9 =	sld [smem:$0x3FB0]  }
0x2f: {  	lr =	sadd.s32 s0, s3;
	s0 =	sld [smem:$0x3FA7]  }
0x30: {  	s3 =	sld [smem:$0x3FAA]  }
0x31: {  	[smem:$0x3FB3] =	sst s10  }
0x32: {  	s10 =	sld [smem:$0x3FB1];
	_ =	sdelay $0x3  }
0x33: {  	p0 =	seq.s32 s10, $0x1;
	s10 =	sld [smem:$0x3FB3];
	_ =	sdelay $0x3  }
0x34: {  	[smem:$0x3FB3] =	sst s10  }
0x35: {  	s10 =	sld [smem:$0x3FB2];
	_ =	sdelay $0x3  }
0x36: {  	p1 =	seq.s32 s10, $0x1;
	s10 =	sld [smem:$0x3FB3];
	_ =	sdelay $0x3  }
0x37: {  	[smem:$0x3FB3] =	sst s10  }
0x38: {  	s10 =	sld [smem:$0x3FB4]  }
0x39: {  	_ = 	snop;
	(pc) =	sbr.ind lr, $3  }
0x3a: {  	_ = 	snop  }
0x3b: {  	_ = 	snop  }
0x3c: {  	p2 =	seq.s32 s10, $0x1;
	s10 =	sld [smem:$0x3FB3]  }
0x3d: {  	_ =	shalt  }
0x3e: {  	_ =	shalt  }
0x3f: {  	_ =	shalt  }
0x40: {  	_ =	shalt  }
0x41: {  	_ =	shalt  }
0x42: {  	_ =	shalt  }
0x43: {  	_ =	shalt  }
0x44: {  	_ =	shalt  }
0x45: {  	_ =	shalt  }
0x46: {  	_ =	shalt  }
0x47: {  	_ =	shalt  }
0x48: {  	_ =	shalt  }
0x49: {  	_ =	shalt  }
0x4a: {  	_ =	shalt  }
0x4b: {  	_ =	shalt  }
0x4c: {  	_ =	shalt  }
0x4d: {  	_ =	shalt  }
0x4e: {  	_ =	shalt  }
0x4f: {  	_ =	shalt  }
0x50: {  	_ =	shalt  }
0x51: {  	_ =	shalt  }
0x52: {  	_ =	shalt  }
0x53: {  	_ =	shalt  }
0x54: {  	_ =	shalt  }
0x55: {  	_ =	shalt  }
0x56: {  	_ =	shalt  }
0x57: {  	_ =	shalt  }
0x58: {  	_ =	shalt  }
0x59: {  	_ =	shalt  }
0x5a: {  	_ =	shalt  }
0x5b: {  	_ =	shalt  }
0x5c: {  	_ =	shalt  }
0x5d: {  	_ =	shalt  }
0x5e: {  	_ =	shalt  }
0x5f: {  	_ =	shalt  }
0x60: {  	_ =	shalt  }
0x61: {  	_ =	shalt  }
0x62: {  	_ =	shalt  }
0x63: {  	_ =	shalt  }
0x64: {  	_ =	shalt  }
0x65: {  	_ =	shalt  }
0x66: {  	_ =	shalt  }
0x67: {  	_ =	shalt  }
0x68: {  	_ =	shalt  }
0x69: {  	_ =	shalt  }
0x6a: {  	_ =	shalt  }
0x6b: {  	_ =	shalt  }
0x6c: {  	_ =	shalt  }
0x6d: {  	_ =	shalt  }
0x6e: {  	_ =	shalt  }
0x6f: {  	_ =	shalt  }
0x70: {  	_ =	shalt  }
0x71: {  	_ =	shalt  }
0x72: {  	_ =	shalt  }
0x73: {  	_ =	shalt  }
0x74: {  	_ =	shalt  }
0x75: {  	_ =	shalt  }
0x76: {  	_ =	shalt  }
0x77: {  	_ =	shalt  }
0x78: {  	_ =	shalt  }
0x79: {  	_ =	shalt  }
0x7a: {  	_ =	shalt  }
0x7b: {  	_ =	shalt  }
0x7c: {  	_ =	shalt  }
0x7d: {  	_ =	shalt  }
0x7e: {  	_ =	shalt  }
0x7f: {  	_ =	shalt  }
0x80: {  	_ =	shalt  }
0x81: {  	_ =	shalt  }
0x82: {  	_ =	shalt  }
0x83: {  	_ =	shalt  }
0x84: {  	_ =	shalt  }
0x85: {  	_ =	shalt  }
0x86: {  	_ =	shalt  }
0x87: {  	_ =	shalt  }
.Lfunc_end0:
.L_simem_size_0:
called_computation.2_lowered:
.L_overlay_start_0:
0x88: {  	s2 =	sld [smem:$0x3FD9]  }
0x89: {  	s3 =	sld [smem:$0x3FFE];
	_ =	sdelay $0x1  }
0x8a: {  	s1 =	srdreg.scid  }
0x8b: {  	s0 =	sand.u32 $0x1, s1  }
0x8c: {  	s17 =	sshll.u32 s0, $0xA;
	s2 =	sadd.s32 s3, s2  }
0x8d: {  	s2 =	sadd.s32 s2, s17  }
0x8e: {  	[smem:$0x3FBF] =	sst s2  }
0x8f: {  	_ = 	snop  }
0x90: {  	s2 =	sld [smem:$0x3FD0];
	(tm) =	ssettm $0x1  }
0x91: {  	s18 =	sld [smem:$0x3FFB];
	_ =	sdelay $0x3  }
0x92: {  	_ =	strace s18  }
0x93: {  	s3 =	sld [smem:$0x3FFC];
	_ =	sdelay $0x3  }
0x94: {  	_ =	strace s3  }
0x95: {  	s3 =	sld [smem:$0x3FFD];
	_ =	sdelay $0x3  }
0x96: {  	_ =	strace s3  }
0x97: {  	_ =	strace $0x8FFFFFFF  }
0x98: {  	s19 =	sld [smem:$0x3FDB];
	_ =	sdelay $0x1  }
0x99: {  	s4 =	simm.s32 $_scs_section_size  }
0x9a: {  	s5 =	simm.s32 $_size__tile_overlayer_lowered;
	s6 =	simm.s32 $_tile_overlayer_lowered  }
0x9b: {  	s22 =	simm.s32 $0x1BFF;
	s21 =	sshll.u32 s6, $0x1;
	s3 =	sadd.s32 s4, s19  }
0x9c: {  	s7 =	simm.s32 $0x0;
	s20 =	sshll.u32 s5, $0x1;
	s5 =	sadd.s32 s21, s3  }
0x9d: {  	[timem:s7], [sflag:s22] =	dma.local [hbm:s5], s20  }
0x9e: {  	_ =	swait.ge [sflag:s22], s20  }
0x9f: {  	s4 =	ssub.s32 $0x0, s20;
	[sflag:s22] =	ssyncset.done $0x0  }
0xa0: {  	[sflag:s22] =	ssyncadd.s32 s4;
	_ =	sdelay $0x1  }
0xa1: {  	s23 =	simm.s32 $0x1B8B  }
0xa2: {  	_ =	swait.ge [sflag:s23], $0x1  }
0xa3: {  	[sflag:s23] =	ssyncset.done $0x0  }
0xa4: {  	s25 =	simm.s32 $0x1B8E;
	s24 =	sld [smem:$0x3FFE];
	[sflag:s23] =	ssyncadd.s32 $0xFFFFFFFF  }
0xa5: {  	s26 =	simm.s32 $execute0_lowered;
	[smem:$0x3FD2] =	sst s25  }
0xa6: {  	s5 =	sshll.u32 s26, $0x1;
	_ =	strace $0x8000004C;
	[dreg:$0x1] =	wrdreg $0xFFFFFFFF  }
0xa7: {  	s28 =	simm.s32 $_size_execute0_lowered;
	s3 =	sadd.s32 s3, s5;
	[dreg:$0x0] =	wrdreg $0x0  }
0xa8: {  	s5 =	sshll.u32 s28, $0x1;
	[dreg:$0x2] =	wrdreg s3  }
0xa9: {  	[dreg:$0x3] =	wrdreg s5  }
0xaa: {  	[dreg:$0x4] =	wrdreg $0xC0  }
0xab: {  	_ =	task [dreg:s7], $0x5FFFF  }
0xac: {  	[dreg:$0x1] =	wrdreg $0xFFFFFFFF  }
0xad: {  	[dreg:$0x0] =	wrdreg $0x60  }
0xae: {  	[dreg:$0x2] =	wrdreg s24  }
0xaf: {  	[dreg:$0x3] =	wrdreg s2  }
0xb0: {  	[dreg:$0x4] =	wrdreg $0xA9000  }
0xb1: {  	[dreg:$0x5] =	wrdreg $0x9  }
0xb2: {  	_ =	task.clear_ibuf [dreg:s7], $0x6FFFF;
	_ =	strace $0x9000004C  }
0xb3: {  	s29 =	simm.s32 $0x9;
	_ =	strace $0x8000004E  }
0xb4: {  	_ =	swait.ge [sflag:s29], $0x1  }
0xb5: {  	[sflag:s29] =	ssyncadd.s32 $0xFFFFFFFF  }
0xb6: {  	_ =	strace $0x9000004E  }
0xb7: {  	_ =	sfence  }
0xb8: {  	s30 =	sld [smem:$0x0];
	_ =	sdelay $0x2  }
0xb9: {  	s31 =	sshll.u32 s1, $0xD;
	s1 =	sshrl.u32 s1, $0x2  }
0xba: {  	s3 =	sand.u32 $0x4000, s31;
	s1 =	sadd.s32 s1, s30  }
0xbb: {  	s0 =	sor.u32 s3, s0;
	s1 =	sshll.u32 s1, $0x11  }
0xbc: {  	s0 =	sor.u32 s1, s0  }
0xbd: {  	s0 =	sadd.s32 $0x8F2B, s0  }
0xbe: {  	[sflag:s0] =	ssyncadd.remote.s32 $0x1  }
0xbf: {  	_ =	sfence.sel $0xFFFF  }
0xc0: {  	[dreg:$0x0] =	wrdreg $0xFFFFFFFF;
	(pc) =	sbr.abs _section_cstart, $3  }
0xc1: {  	[dreg:$0x1] =	wrdreg $0xFFFFFFFF  }
0xc2: {  	_ =	task.clear_ibuf [dreg:s7], $0x2FFFF;
	_ =	strace $0x9FFFFFFF  }
0xc3: {  	(tm) =	ssettm $0x7FFFFFFF  }
tec
execute0_lowered:
.L_overlay_start_1:
0x0: {  	(tag) =	ssettag $0x1  }
0x1: {  	s0 =	rddreg [dreg:$0x0]  }
0x2: {  	s2 =	rddreg [dreg:$0x2];
	s1 =	srdreg.scid;
	s4 =	simm.s32 $0x0  }
0x3: {  	s10 =	stileid.u32;
	s28 =	simm.s32 $0x3;
	s29 =	simm.s32 $0x4  }
0x4: {  	s30 =	simm.s32 $0x6900;
	s31 =	simm.s32 $0x1;
	s1 =	sand.u32 $0x1, s1  }
0x5: {  	[smem:$0x7FF] =	sst s4;
	s6 =	sadd.s32 $0x17400, s0;
	s17 =	smul.u32 $0x50000, s10  }
0x6: {  	s7 =	sadd.s32 $0xD400, s0;
	s14 =	smul.u32 $0x14000, s10;
	s3 =	sshll.u32 s1, $0x4  }
0x7: {  	_ =	strace $0x8000004D;
	s9 =	ssub.s32 $0x2, s1;
	s1 =	smul.u32 $0x140000, s1  }
0x8: {  	s3 =	sor.u32 s10, s3;
	s11 =	sshrl.u32 s9, $0x1;
	s16 =	sadd.s32 $0x4000, s14  }
0x9: {  	s20 =	sadd.s32 $0x8000, s14;
	s5 =	smul.u32 $0x2800, s3;
	s15 =	ssub.s32 s9, s11  }
0xa: {  	s3 =	sshrl.u32 s17, $0x2;
	s10 =	sadd.s32 s16, s2;
	s17 =	sadd.s32 $0xC000, s14  }
0xb: {  	s11 =	sadd.s32 s20, s2;
	s16 =	sadd.s32 s1, s16;
	s9 =	sadd.s32 s3, s2  }
0xc: {  	s12 =	sadd.s32 s17, s2;
	s22 =	sshrl.u32 s16, $0x3;
	s8 =	sshrl.u32 s5, $0x3  }
0xd: {  	s3 =	sadd.s32 s1, s20;
	s25 =	sadd.s32 s1, s17;
	s18 =	sadd.s32 s8, s0  }
0xe: {  	s3 =	sshrl.u32 s3, $0x3;
	s0 =	sadd.s32 $0x3E600, s0;
	s19 =	sadd.s32 $0x3400, s18  }
0xf: {  	s18 =	sadd.s32 $0x10000, s14;
	s14 =	sadd.s32 s14, s1;
	s24 =	sadd.s32 s0, s22  }
0x10: {  	s3 =	sadd.s32 s0, s3;
	s22 =	simm.s32 $0x2900;
	[dreg:$0x4] =	wrdreg s19  }
0x11: {  	s13 =	sadd.s32 s18, s2;
	s19 =	sadd.s32 s7, s8;
	[dreg:$0x8] =	wrdreg s24  }
0x12: {  	s21 =	sshrl.u32 s14, $0x3;
	s1 =	sadd.s32 s1, s18;
	[dreg:$0x9] =	wrdreg s3  }
0x13: {  	s24 =	simm.s32 $0x5;
	[dreg:$0x5] =	wrdreg s19;
	s23 =	sadd.s32 $0x10, s19  }
0x14: {  	s3 =	simm.s32 $0x2;
	s8 =	sadd.s32 s0, s21;
	[dreg:$0x6] =	wrdreg s23  }
0x15: {  	s1 =	sshrl.u32 s1, $0x3;
	s21 =	smax.u32 s15, $0x1;
	[dreg:$0x7] =	wrdreg s8  }
0x16: {  	s8 =	sshrl.u32 s25, $0x3;
	s20 =	sadd.s32 s0, s1;
	s23 =	simm.s32 $0x6  }
0x17: {  	s25 =	simm.s32 $0x2800;
	s1 =	simm.s32 $0x0;
	s26 =	sadd.s32 s0, s8  }
0x18: {  	s0 =	simm.s32 $0x80;
	[dreg:$0xa] =	wrdreg s26;
	s26 =	simm.s32 $0x2880  }
.LBB2_1:
0x19: {  	s8 =	rddreg [dreg:$0x4]  }
0x1a: {  	[tilespmem:s4], [sflag:$0x5] =	stream.linear.gather [hbm4b:s8+s4], $0x2800, $0x38;
	[tilespmem:$0x1E900] =	vst v63  }
0x1b: {  	s19 =	rddreg [dreg:$0x1]  }
0x1c: {  	[tilespmem:s22], [sflag:$0x6] =	stream.linear.gather [hbm4b:s19+s4], $0x4000, $0x38;
	[tilespmem:$0x1E900] =	vst v63  }
0x1d: {  	_ =	swait.ge [sflag:s23], $0x4000  }
0x1e: {  	[sflag:s23] =	ssyncset.done $0x0  }
0x1f: {  	[sflag:s23] =	ssyncadd.s32 $0xFFFFC000  }
0x20: {  	[spmem:s9] =	stream.linear.scatter [tilespmem:s22], [sflag:$0x6], $0x4000, $0x38;
	[tilespmem:$0x1E900] =	vst v63  }
0x21: {  	_ =	swait.ge [sflag:s23], $0x4000  }
0x22: {  	[sflag:s23] =	ssyncset.done $0x0  }
0x23: {  	[sflag:s23] =	ssyncadd.s32 $0xFFFFC000  }
0x24: {  	[spmem:s10] =	stream.linear.scatter [tilespmem:s22], [sflag:$0x6], $0x4000, $0x38;
	[tilespmem:$0x1E900] =	vst v63  }
0x25: {  	_ =	swait.ge [sflag:s23], $0x4000  }
0x26: {  	[sflag:s23] =	ssyncset.done $0x0  }
0x27: {  	[sflag:s23] =	ssyncadd.s32 $0xFFFFC000  }
0x28: {  	[spmem:s11] =	stream.linear.scatter [tilespmem:s22], [sflag:$0x6], $0x4000, $0x38;
	[tilespmem:$0x1E900] =	vst v63  }
0x29: {  	_ =	swait.ge [sflag:s23], $0x4000  }
0x2a: {  	[sflag:s23] =	ssyncset.done $0x0  }
0x2b: {  	[sflag:s23] =	ssyncadd.s32 $0xFFFFC000  }
0x2c: {  	[spmem:s12] =	stream.linear.scatter [tilespmem:s22], [sflag:$0x6], $0x4000, $0x38;
	[tilespmem:$0x1E900] =	vst v63  }
0x2d: {  	_ =	swait.ge [sflag:s23], $0x4000  }
0x2e: {  	[sflag:s23] =	ssyncset.done $0x0  }
0x2f: {  	[sflag:s23] =	ssyncadd.s32 $0xFFFFC000  }
0x30: {  	[spmem:s13] =	stream.linear.scatter [tilespmem:s22], [sflag:$0x6], $0x4000, $0x38;
	[tilespmem:$0x1E900] =	vst v63  }
0x31: {  	_ =	swait.ge [sflag:s23], $0x4000  }
0x32: {  	[sflag:s23] =	ssyncset.done $0x0  }
0x33: {  	[sflag:s23] =	ssyncadd.s32 $0xFFFFC000  }
0x34: {  	_ =	swait.ge [sflag:s24], $0x2800  }
0x35: {  	[sflag:s24] =	ssyncset.done $0x0  }
0x36: {  	[sflag:s24] =	ssyncadd.s32 $0xFFFFD800  }
0x37: {  	[bflag:$0x0] =	sbarrier.arrive $0xFFFF  }
0x38: {  	s14 =	rddreg [dreg:$0x5]  }
0x39: {  	[tilespmem:s25], [sflag:$0x3] =	stream.linear.gather [hbm4b:s14+s4], $0x80, $0x38;
	[tilespmem:$0x1E900] =	vst v63  }
0x3a: {  	s15 =	rddreg [dreg:$0x6]  }
0x3b: {  	[tilespmem:s26], [sflag:$0x4] =	stream.linear.gather [hbm4b:s15+s4], $0x80, $0x38;
	[tilespmem:$0x1E900] =	vst v63  }
0x3c: {  	_ =	swait.ge [sflag:s28], $0x80  }
0x3d: {  	[sflag:s28] =	ssyncset.done $0x0  }
0x3e: {  	[sflag:s28] =	ssyncadd.s32 $0xFFFFFF80  }
0x3f: {  	[tilespmem:s22], [sflag:$0x1] =	stream.indirect.gather [hbm4b:s6+s0], $0x80, s25, s0, $0xb8;
	[tilespmem:$0x1E900] =	vst v63  }
0x40: {  	s16 =	simm.s32 $0x100;
	_ =	swait.ge [sflag:s29], $0x80  }
0x41: {  	s14 =	sand.u32 $0x7C00, s16;
	[sflag:s29] =	ssyncset.done $0x0  }
0x42: {  	s8 =	sand.u32 $0x300, s16;
	s14 =	sadd.s32 s5, s14;
	[sflag:s29] =	ssyncadd.s32 $0xFFFFFF80  }
0x43: {  	[tilespmem:s30], [sflag:$0x2] =	stream.indirect.gather [hbm4b:s6+s0], $0x80, s26, s0, $0xb8;
	[tilespmem:$0x1E900] =	vst v63  }
0x44: {  	s8 =	sor.u32 s8, s14;
	_ =	swait.ge [sflag:s31], $0x4000  }
0x45: {  	s8 =	sshrl.u32 s8, $0x3;
	[sflag:s31] =	ssyncset.done $0x0  }
0x46: {  	s8 =	sadd.s32 s7, s8;
	[sflag:s31] =	ssyncadd.s32 $0xFFFFC000  }
0x47: {  	[tilespmem:s25], [sflag:$0x3] =	stream.linear.gather [hbm4b:s8+s4], $0x80, $0x38;
	[tilespmem:$0x1E900] =	vst v63  }
0x48: {  	s17 =	simm.s32 $0x0  }
0x49: {  	[spmem:s2] =	stream.indirect.scatter.add.f32 [tilespmem:s22], [sflag:$0x6], $0x80, s17, s0, $0xb8;
	[tilespmem:$0x1E900] =	vst v63  }
0x4a: {  	_ =	swait.ge [sflag:s23], $0x4000  }
0x4b: {  	[sflag:s23] =	ssyncset.done $0x0  }
0x4c: {  	[sflag:s23] =	ssyncadd.s32 $0xFFFFC000  }
0x4d: {  	s18 =	simm.s32 $0x180;
	_ =	swait.ge [sflag:s28], $0x80  }
0x4e: {  	s19 =	sand.u32 $0x7C00, s18;
	[sflag:s28] =	ssyncset.done $0x0  }
0x4f: {  	s14 =	sadd.s32 s5, s19;
	s8 =	sand.u32 $0x380, s18;
	[sflag:s28] =	ssyncadd.s32 $0xFFFFFF80  }
0x50: {  	[tilespmem:s22], [sflag:$0x1] =	stream.indirect.gather [hbm4b:s6+s0], $0x80, s25, s0, $0xb8;
	[tilespmem:$0x1E900] =	vst v63  }
0x51: {  	s8 =	sor.u32 s8, s14;
	_ =	swait.ge [sflag:s3], $0x4000  }
0x52: {  	s8 =	sshrl.u32 s8, $0x3;
	[sflag:s3] =	ssyncset.done $0x0  }
0x53: {  	s8 =	sadd.s32 s7, s8;
	[sflag:s3] =	ssyncadd.s32 $0xFFFFC000  }
0x54: {  	[tilespmem:s26], [sflag:$0x4] =	stream.linear.gather [hbm4b:s8+s4], $0x80, $0x38;
	[tilespmem:$0x1E900] =	vst v63  }
0x55: {  	_ = 	snop  }
0x56: {  	[spmem:s2] =	stream.indirect.scatter.add.f32 [tilespmem:s30], [sflag:$0x6], $0x80, s0, s0, $0xb8;
	[tilespmem:$0x1E900] =	vst v63  }
0x57: {  	s16 =	simm.s32 $0x380;
	s15 =	simm.s32 $0x280;
	_ =	swait.ge [sflag:s23], $0x4000  }
0x58: {  	s17 =	simm.s32 $0x200;
	s8 =	simm.s32 $0x180;
	[sflag:s23] =	ssyncset.done $0x0  }
.LBB2_2:
0x59: {  	s18 =	sand.u32 $0x7C00, s17  }
0x5a: {  	[sflag:s23] =	ssyncadd.s32 $0xFFFFC000;
	s19 =	smov.u32 s16;
	s14 =	sadd.s32 $0x100, s16  }
0x5b: {  	s17 =	sand.u32 $0x300, s17;
	s18 =	sadd.s32 s5, s18;
	_ =	swait.ge [sflag:s29], $0x80  }
0x5c: {  	p0 =	sne.s32 s16, $0x2780;
	s16 =	sor.u32 s17, s18;
	[sflag:s29] =	ssyncset.done $0x0  }
0x5d: {  	s16 =	sshrl.u32 s16, $0x3;
	[sflag:s29] =	ssyncadd.s32 $0xFFFFFF80  }
0x5e: {  	[tilespmem:s30], [sflag:$0x2] =	stream.indirect.gather [hbm4b:s6+s0], $0x80, s26, s0, $0xb8;
	[tilespmem:$0x1E900] =	vst v63  }
0x5f: {  	_ =	swait.ge [sflag:s31], $0x4000  }
0x60: {  	[sflag:s31] =	ssyncset.done $0x0  }
0x61: {  	s16 =	sadd.s32 s7, s16;
	[sflag:s31] =	ssyncadd.s32 $0xFFFFC000  }
0x62: {  	[tilespmem:s25], [sflag:$0x3] =	stream.linear.gather [hbm4b:s16+s4], $0x80, $0x38;
	[tilespmem:$0x1E900] =	vst v63  }
0x63: {  	s16 =	sadd.s32 $0xFFFFFF80, s8  }
0x64: {  	[spmem:s2] =	stream.indirect.scatter.add.f32 [tilespmem:s22], [sflag:$0x6], $0x80, s16, s0, $0xb8;
	[tilespmem:$0x1E900] =	vst v63  }
0x65: {  	_ =	swait.ge [sflag:s23], $0x4000  }
0x66: {  	[sflag:s23] =	ssyncset.done $0x0  }
0x67: {  	[sflag:s23] =	ssyncadd.s32 $0xFFFFC000  }
0x68: {  	_ =	swait.ge [sflag:s28], $0x80  }
0x69: {  	[sflag:s28] =	ssyncset.done $0x0  }
0x6a: {  	s16 =	sand.u32 $0x7C00, s15;
	[sflag:s28] =	ssyncadd.s32 $0xFFFFFF80  }
0x6b: {  	[tilespmem:s22], [sflag:$0x1] =	stream.indirect.gather [hbm4b:s6+s0], $0x80, s25, s0, $0xb8;
	[tilespmem:$0x1E900] =	vst v63  }
0x6c: {  	s17 =	sand.u32 $0x380, s15;
	s15 =	smov.u32 s19;
	s16 =	sadd.s32 s5, s16  }
0x6d: {  	s16 =	sor.u32 s17, s16;
	_ =	swait.ge [sflag:s3], $0x4000  }
0x6e: {  	s16 =	sshrl.u32 s16, $0x3;
	[sflag:s3] =	ssyncset.done $0x0  }
0x6f: {  	s16 =	sadd.s32 s7, s16;
	[sflag:s3] =	ssyncadd.s32 $0xFFFFC000  }
0x70: {  	[tilespmem:s26], [sflag:$0x4] =	stream.linear.gather [hbm4b:s16+s4], $0x80, $0x38;
	[tilespmem:$0x1E900] =	vst v63  }
.Ltmp0:
0x71: {  	_ = 	snop;
	(pc) =	sbr.rel @p0 .LBB2_2-.Ltmp0, $4  }
0x72: {  	_ = 	snop  }
0x73: {  	[spmem:s2] =	stream.indirect.scatter.add.f32 [tilespmem:s30], [sflag:$0x6], $0x80, s8, s0, $0xb8;
	[tilespmem:$0x1E900] =	vst v63  }
0x74: {  	s17 =	sadd.s32 $0xFFFFFF80, s15;
	_ =	swait.ge [sflag:s23], $0x4000  }
0x75: {  	s16 =	smov.u32 s14;
	s8 =	sadd.s32 $0x100, s8;
	[sflag:s23] =	ssyncset.done $0x0  }
0x76: {  	[sflag:s23] =	ssyncadd.s32 $0xFFFFC000  }
0x77: {  	_ =	swait.ge [sflag:s29], $0x80  }
0x78: {  	s14 =	sand.u32 $0x7C00, s17;
	[sflag:s29] =	ssyncset.done $0x0  }
0x79: {  	s16 =	sand.u32 $0x300, s17;
	s14 =	sadd.s32 s5, s14;
	[sflag:s29] =	ssyncadd.s32 $0xFFFFFF80  }
0x7a: {  	[tilespmem:s30], [sflag:$0x2] =	stream.indirect.gather [hbm4b:s6+s0], $0x80, s26, s0, $0xb8;
	[tilespmem:$0x1E900] =	vst v63  }
0x7b: {  	s14 =	sor.u32 s16, s14;
	_ =	swait.ge [sflag:s31], $0x4000  }
0x7c: {  	s14 =	sshrl.u32 s14, $0x3;
	[sflag:s31] =	ssyncset.done $0x0  }
0x7d: {  	s14 =	sadd.s32 s7, s14;
	[sflag:s31] =	ssyncadd.s32 $0xFFFFC000  }
0x7e: {  	[tilespmem:s25], [sflag:$0x3] =	stream.linear.gather [hbm4b:s14+s4], $0x80, $0x38;
	[tilespmem:$0x1E900] =	vst v63  }
0x7f: {  	s17 =	sadd.s32 $0xFFFFFF80, s8  }
0x80: {  	[spmem:s2] =	stream.indirect.scatter.add.f32 [tilespmem:s22], [sflag:$0x6], $0x80, s17, s0, $0xb8;
	[tilespmem:$0x1E900] =	vst v63  }
0x81: {  	_ =	swait.ge [sflag:s23], $0x4000  }
0x82: {  	[sflag:s23] =	ssyncset.done $0x0  }
0x83: {  	[sflag:s23] =	ssyncadd.s32 $0xFFFFC000  }
0x84: {  	_ =	swait.ge [sflag:s28], $0x80  }
0x85: {  	s18 =	sand.u32 $0x7C00, s15;
	[sflag:s28] =	ssyncset.done $0x0  }
0x86: {  	s19 =	sand.u32 $0x380, s15;
	s14 =	sadd.s32 s5, s18;
	[sflag:s28] =	ssyncadd.s32 $0xFFFFFF80  }
0x87: {  	[tilespmem:s22], [sflag:$0x1] =	stream.indirect.gather [hbm4b:s6+s0], $0x80, s25, s0, $0xb8;
	[tilespmem:$0x1E900] =	vst v63  }
0x88: {  	s14 =	sor.u32 s19, s14;
	_ =	swait.ge [sflag:s3], $0x4000  }
0x89: {  	s14 =	sshrl.u32 s14, $0x3;
	[sflag:s3] =	ssyncset.done $0x0  }
0x8a: {  	s14 =	sadd.s32 s7, s14;
	[sflag:s3] =	ssyncadd.s32 $0xFFFFC000  }
0x8b: {  	[tilespmem:s26], [sflag:$0x4] =	stream.linear.gather [hbm4b:s14+s4], $0x80, $0x38;
	[tilespmem:$0x1E900] =	vst v63  }
0x8c: {  	_ = 	snop  }
0x8d: {  	[spmem:s2] =	stream.indirect.scatter.add.f32 [tilespmem:s30], [sflag:$0x6], $0x80, s8, s0, $0xb8;
	[tilespmem:$0x1E900] =	vst v63  }
0x8e: {  	_ =	swait.ge [sflag:s23], $0x4000  }
0x8f: {  	[sflag:s23] =	ssyncset.done $0x0  }
0x90: {  	[sflag:s23] =	ssyncadd.s32 $0xFFFFC000  }
0x91: {  	_ =	swait.ge [sflag:s29], $0x80  }
0x92: {  	[sflag:s29] =	ssyncset.done $0x0  }
0x93: {  	[sflag:s29] =	ssyncadd.s32 $0xFFFFFF80  }
0x94: {  	[tilespmem:s30], [sflag:$0x2] =	stream.indirect.gather [hbm4b:s6+s0], $0x80, s26, s0, $0xb8;
	[tilespmem:$0x1E900] =	vst v63  }
0x95: {  	_ =	swait.ge [sflag:s31], $0x4000  }
0x96: {  	[sflag:s31] =	ssyncset.done $0x0  }
0x97: {  	s14 =	simm.s32 $0x2700;
	[sflag:s31] =	ssyncadd.s32 $0xFFFFC000  }
0x98: {  	[spmem:s2] =	stream.indirect.scatter.add.f32 [tilespmem:s22], [sflag:$0x6], $0x80, s14, s0, $0xb8;
	[tilespmem:$0x1E900] =	vst v63  }
0x99: {  	_ =	swait.ge [sflag:s23], $0x4000  }
0x9a: {  	[sflag:s23] =	ssyncset.done $0x0  }
0x9b: {  	[sflag:s23] =	ssyncadd.s32 $0xFFFFC000  }
0x9c: {  	_ =	swait.ge [sflag:s3], $0x4000  }
0x9d: {  	[sflag:s3] =	ssyncset.done $0x0  }
0x9e: {  	s15 =	simm.s32 $0x2780;
	[sflag:s3] =	ssyncadd.s32 $0xFFFFC000  }
0x9f: {  	[spmem:s2] =	stream.indirect.scatter.add.f32 [tilespmem:s30], [sflag:$0x6], $0x80, s15, s0, $0xb8;
	[tilespmem:$0x1E900] =	vst v63  }
0xa0: {  	_ =	swait.ge [sflag:s23], $0x4000  }
0xa1: {  	[sflag:s23] =	ssyncset.done $0x0  }
0xa2: {  	[sflag:s23] =	ssyncadd.s32 $0xFFFFC000  }
0xa3: {  	[bflag:$0x0] =	sbarrier.arrive $0xFFFF  }
0xa4: {  	[tilespmem:s22], [sflag:$0x6] =	stream.linear.gather [spmem:s9], $0x4000, $0x38;
	[tilespmem:$0x1E900] =	vst v63  }
0xa5: {  	_ =	swait.ge [sflag:s23], $0x4000  }
0xa6: {  	[sflag:s23] =	ssyncset.done $0x0  }
0xa7: {  	s16 =	rddreg [dreg:$0x7];
	[sflag:s23] =	ssyncadd.s32 $0xFFFFC000  }
0xa8: {  	[hbm4b:s16+s4] =	stream.linear.scatter [tilespmem:s22], [sflag:$0x6], $0x4000, $0x38;
	[tilespmem:$0x1E900] =	vst v63  }
0xa9: {  	_ =	swait.ge [sflag:s23], $0x4000  }
0xaa: {  	[sflag:s23] =	ssyncset.done $0x0  }
0xab: {  	[sflag:s23] =	ssyncadd.s32 $0xFFFFC000  }
0xac: {  	[tilespmem:s22], [sflag:$0x6] =	stream.linear.gather [spmem:s10], $0x4000, $0x38;
	[tilespmem:$0x1E900] =	vst v63  }
0xad: {  	_ =	swait.ge [sflag:s23], $0x4000  }
0xae: {  	[sflag:s23] =	ssyncset.done $0x0  }
0xaf: {  	s17 =	rddreg [dreg:$0x8];
	[sflag:s23] =	ssyncadd.s32 $0xFFFFC000  }
0xb0: {  	[hbm4b:s17+s4] =	stream.linear.scatter [tilespmem:s22], [sflag:$0x6], $0x4000, $0x38;
	[tilespmem:$0x1E900] =	vst v63  }
0xb1: {  	_ =	swait.ge [sflag:s23], $0x4000  }
0xb2: {  	[sflag:s23] =	ssyncset.done $0x0  }
0xb3: {  	[sflag:s23] =	ssyncadd.s32 $0xFFFFC000  }
0xb4: {  	[tilespmem:s22], [sflag:$0x6] =	stream.linear.gather [spmem:s11], $0x4000, $0x38;
	[tilespmem:$0x1E900] =	vst v63  }
0xb5: {  	_ =	swait.ge [sflag:s23], $0x4000  }
0xb6: {  	[sflag:s23] =	ssyncset.done $0x0  }
0xb7: {  	s18 =	rddreg [dreg:$0x9];
	[sflag:s23] =	ssyncadd.s32 $0xFFFFC000  }
0xb8: {  	[hbm4b:s18+s4] =	stream.linear.scatter [tilespmem:s22], [sflag:$0x6], $0x4000, $0x38;
	[tilespmem:$0x1E900] =	vst v63  }
0xb9: {  	_ =	swait.ge [sflag:s23], $0x4000  }
0xba: {  	[sflag:s23] =	ssyncset.done $0x0  }
0xbb: {  	[sflag:s23] =	ssyncadd.s32 $0xFFFFC000  }
0xbc: {  	[tilespmem:s22], [sflag:$0x6] =	stream.linear.gather [spmem:s12], $0x4000, $0x38;
	[tilespmem:$0x1E900] =	vst v63  }
0xbd: {  	_ =	swait.ge [sflag:s23], $0x4000  }
0xbe: {  	[sflag:s23] =	ssyncset.done $0x0  }
0xbf: {  	s19 =	rddreg [dreg:$0xa];
	[sflag:s23] =	ssyncadd.s32 $0xFFFFC000  }
0xc0: {  	[hbm4b:s19+s4] =	stream.linear.scatter [tilespmem:s22], [sflag:$0x6], $0x4000, $0x38;
	[tilespmem:$0x1E900] =	vst v63  }
0xc1: {  	_ =	swait.ge [sflag:s23], $0x4000  }
0xc2: {  	[sflag:s23] =	ssyncset.done $0x0  }
0xc3: {  	[sflag:s23] =	ssyncadd.s32 $0xFFFFC000  }
0xc4: {  	[tilespmem:s22], [sflag:$0x6] =	stream.linear.gather [spmem:s13], $0x4000, $0x38;
	[tilespmem:$0x1E900] =	vst v63  }
0xc5: {  	s1 =	sadd.s32 $0x1, s1;
	_ =	swait.ge [sflag:s23], $0x4000  }
0xc6: {  	p0 =	sne.s32 s1, s21;
	[sflag:s23] =	ssyncset.done $0x0  }
.Ltmp1:
0xc7: {  	[sflag:s23] =	ssyncadd.s32 $0xFFFFC000;
	(pc) =	sbr.rel @p0 .LBB2_1-.Ltmp1, $4  }
0xc8: {  	[hbm4b:s20+s4] =	stream.linear.scatter [tilespmem:s22], [sflag:$0x6], $0x4000, $0x38;
	[tilespmem:$0x1E900] =	vst v63  }
0xc9: {  	_ =	swait.ge [sflag:s23], $0x4000  }
0xca: {  	[sflag:s23] =	ssyncset.done $0x0  }
0xcb: {  	[sflag:s23] =	ssyncadd.s32 $0xFFFFC000  }
0xcc: {  	_ =	sfence.sel $0x180000  }
0xcd: {  	[bflag:$0x0] =	sbarrier.arrive $0xFFFF  }
0xce: {  	_ =	strace $0x9000004D  }
0xcf: {  	s0 =	stileid.u32;
	[bflag:$0x2] =	sbarrier.arrive $0xFFFF  }
0xd0: {  	p0 =	sne.s32 s0, $0x0;
	s0 =	rddreg [dreg:$0x3]  }
0xd1: {  	s0 =	sadd.s32 @!p0 $0x100000, s0  }
0xd2: {  	[sflag:s0] =	ssyncadd.tile.s32 @!p0 $0x1;
	_ =	shalt  }
.Lfunc_end2:
_tile_overlayer_lowered:
.L_overlay_start_2:
0xd3: {  	(tag) =	ssettag $0x2  }
0xd4: {  	s0 =	rddreg [dreg:$0x0];
	s2 =	stileid.u32  }
0xd5: {  	s1 =	rddreg [dreg:$0x1];
	p0 =	sne.s32 s2, $0x0  }
0xd6: {  	s3 =	rddreg [dreg:$0x2];
	[bflag:$0x3] =	sbarrier.arrive $0xFFFF;
	s2 =	simm.s32 @!p0 $0x1C06  }
0xd7: {  	[timem:s3], [sflag:s2] =	dma.local @!p0 [hbm:s0], s1  }
0xd8: {  	s0 =	simm.s32 @!p0 $0x6  }
0xd9: {  	_ =	swait.ge @!p0 [sflag:s0], s1  }
0xda: {  	s1 =	ssub.s32 @!p0 $0x0, s1;
	[sflag:s0] =	ssyncset.done @!p0 $0x0  }
0xdb: {  	[sflag:s0] =	ssyncadd.s32 @!p0 s1  }
0xdc: {  	[bflag:$0x3] =	sbarrier.arrive $0xFFFF  }
0xdd: {  	_ =	shalt  }

// kernel: kernel.19.cloned.1.call-start
scs
__scs_entry_jumppad:
0x0: {  	(pc) =	sbr.rel $0x88, $3  }
0x1: {  	(tag) =	ssettag $0x0;
	lr =	simm.s32 $0x1  }
0x2: {  	[smem:$0x3F98] =	sst lr;
	_ =	strace $0xD0000000  }
0x3: {  	_ = 	snop  }
0x4: {  	_ = 	snop  }
0x5: {  	_ = 	snop  }
0x6: {  	_ = 	snop  }
0x7: {  	_ = 	snop  }
__scs_overlays_trampoline_lowered:
0x8: {  	[smem:$0x3FA7] =	sst s0  }
0x9: {  	[smem:$0x3FA8] =	sst s1  }
0xa: {  	[smem:$0x3FA9] =	sst s2  }
0xb: {  	[smem:$0x3FAA] =	sst s3  }
0xc: {  	[smem:$0x3FAB] =	sst s4  }
0xd: {  	[smem:$0x3FAC] =	sst s5  }
0xe: {  	[smem:$0x3FAD] =	sst s6  }
0xf: {  	[smem:$0x3FAE] =	sst s7  }
0x10: {  	[smem:$0x3FAF] =	sst s8  }
0x11: {  	[smem:$0x3FB0] =	sst s9;
	s0 =	simm.s32 @!p0 $0x0  }
0x12: {  	s1 =	sld [smem:$0x3F96];
	s0 =	simm.s32 @p0 $0x1  }
0x13: {  	[smem:$0x3FB1] =	sst s0;
	s0 =	simm.s32 @!p1 $0x0  }
0x14: {  	s2 =	sld [smem:$0x3F95];
	s0 =	simm.s32 @p1 $0x1  }
0x15: {  	[smem:$0x3FB2] =	sst s0;
	s0 =	simm.s32 @!p2 $0x0  }
0x16: {  	s3 =	sld [smem:$0x3FDB];
	s0 =	simm.s32 @p2 $0x1  }
0x17: {  	s4 =	simm.s32 $0x1BF5;
	[smem:$0x3FB4] =	sst s0  }
0x18: {  	s0 =	sld [smem:$0x3F97];
	_ =	swait.ge [sflag:s4], $0x0  }
0x19: {  	s7 =	sld [smem:$0x3F98]  }
0x1a: {  	s8 =	sadd.s32 $0xFFFFE003, lr  }
0x1b: {  	s9 =	sadd.s32 $0xFFFFFEF7, lr;
	s5 =	simm.s32 $0xFFFFFFFF;
	p2 =	slt.u32 s8, $0xFFFFF086  }
0x1c: {  	p1 =	slt.u32 s9, $0xF7A;
	s5 =	simm.s32 @!p2 $0x0  }
0x1d: {  	s5 =	simm.s32 @p1 $0x1;
	p0 =	seq.s32 s7, s2  }
0x1e: {  	s7 =	smul.u32 @!p0 $0xF7A, s2;
	p2 =	seq.s32 @!p0 s5, $0x0  }
0x1f: {  	s9 =	smul.u32 $0xF7A, s1;
	s8 =	simm.s32 @!p0 $0x1BF5;
	p2 =	por !p2, p0  }
0x20: {  	[sflag:s8] =	ssyncset.s32 @!p0 $0xFFFFF086;
	s6 =	sadd.s32 @!p0 s3, s7;
	s7 =	simm.s32 @!p0 $0x108  }
0x21: {  	s3 =	sadd.s32 s3, s9;
	s6 =	sadd.s32 @!p0 $0x88, s6;
	s7 =	simm.s32 @p2 $0x1082  }
0x22: {  	[simem:s7], [sflag:s8] =	dma.local @!p0 [hbm:s6], $0xF7A  }
0x23: {  	s9 =	sor.u32 $0xD0000000, s2;
	s6 =	simm.s32 $0x108;
	_ =	swait.ge @!p0 [sflag:s8], $0x0  }
0x24: {  	s3 =	sadd.s32 $0x88, s3;
	s6 =	simm.s32 @!p1 $0x1082;
	[sflag:s4] =	ssyncset.s32 $0xFFFFF086  }
0x25: {  	[simem:s6], [sflag:s4] =	dma.local [hbm:s3], $0xF7A  }
0x26: {  	[smem:$0x3F98] =	sst s1;
	(tag) =	ssettag s2;
	_ =	strace s9  }
0x27: {  	s1 =	sld [smem:$0x3FA8]  }
0x28: {  	s2 =	sld [smem:$0x3FA9]  }
0x29: {  	s4 =	sld [smem:$0x3FAB]  }
0x2a: {  	p0 =	seq.s32 s5, $0x0;
	s5 =	sld [smem:$0x3FAC]  }
0x2b: {  	s6 =	sld [smem:$0x3FAD]  }
0x2c: {  	s7 =	sld [smem:$0x3FAE]  }
0x2d: {  	s3 =	simm.s32 $0x108;
	s8 =	sld [smem:$0x3FAF]  }
0x2e: {  	s3 =	simm.s32 @!p0 $0x1082;
	s9 =	sld [smem:$0x3FB0]  }
0x2f: {  	lr =	sadd.s32 s0, s3;
	s0 =	sld [smem:$0x3FA7]  }
0x30: {  	s3 =	sld [smem:$0x3FAA]  }
0x31: {  	[smem:$0x3FB3] =	sst s10  }
0x32: {  	s10 =	sld [smem:$0x3FB1];
	_ =	sdelay $0x3  }
0x33: {  	p0 =	seq.s32 s10, $0x1;
	s10 =	sld [smem:$0x3FB3];
	_ =	sdelay $0x3  }
0x34: {  	[smem:$0x3FB3] =	sst s10  }
0x35: {  	s10 =	sld [smem:$0x3FB2];
	_ =	sdelay $0x3  }
0x36: {  	p1 =	seq.s32 s10, $0x1;
	s10 =	sld [smem:$0x3FB3];
	_ =	sdelay $0x3  }
0x37: {  	[smem:$0x3FB3] =	sst s10  }
0x38: {  	s10 =	sld [smem:$0x3FB4]  }
0x39: {  	_ = 	snop;
	(pc) =	sbr.ind lr, $3  }
0x3a: {  	_ = 	snop  }
0x3b: {  	_ = 	snop  }
0x3c: {  	p2 =	seq.s32 s10, $0x1;
	s10 =	sld [smem:$0x3FB3]  }
0x3d: {  	_ =	shalt  }
0x3e: {  	_ =	shalt  }
0x3f: {  	_ =	shalt  }
0x40: {  	_ =	shalt  }
0x41: {  	_ =	shalt  }
0x42: {  	_ =	shalt  }
0x43: {  	_ =	shalt  }
0x44: {  	_ =	shalt  }
0x45: {  	_ =	shalt  }
0x46: {  	_ =	shalt  }
0x47: {  	_ =	shalt  }
0x48: {  	_ =	shalt  }
0x49: {  	_ =	shalt  }
0x4a: {  	_ =	shalt  }
0x4b: {  	_ =	shalt  }
0x4c: {  	_ =	shalt  }
0x4d: {  	_ =	shalt  }
0x4e: {  	_ =	shalt  }
0x4f: {  	_ =	shalt  }
0x50: {  	_ =	shalt  }
0x51: {  	_ =	shalt  }
0x52: {  	_ =	shalt  }
0x53: {  	_ =	shalt  }
0x54: {  	_ =	shalt  }
0x55: {  	_ =	shalt  }
0x56: {  	_ =	shalt  }
0x57: {  	_ =	shalt  }
0x58: {  	_ =	shalt  }
0x59: {  	_ =	shalt  }
0x5a: {  	_ =	shalt  }
0x5b: {  	_ =	shalt  }
0x5c: {  	_ =	shalt  }
0x5d: {  	_ =	shalt  }
0x5e: {  	_ =	shalt  }
0x5f: {  	_ =	shalt  }
0x60: {  	_ =	shalt  }
0x61: {  	_ =	shalt  }
0x62: {  	_ =	shalt  }
0x63: {  	_ =	shalt  }
0x64: {  	_ =	shalt  }
0x65: {  	_ =	shalt  }
0x66: {  	_ =	shalt  }
0x67: {  	_ =	shalt  }
0x68: {  	_ =	shalt  }
0x69: {  	_ =	shalt  }
0x6a: {  	_ =	shalt  }
0x6b: {  	_ =	shalt  }
0x6c: {  	_ =	shalt  }
0x6d: {  	_ =	shalt  }
0x6e: {  	_ =	shalt  }
0x6f: {  	_ =	shalt  }
0x70: {  	_ =	shalt  }
0x71: {  	_ =	shalt  }
0x72: {  	_ =	shalt  }
0x73: {  	_ =	shalt  }
0x74: {  	_ =	shalt  }
0x75: {  	_ =	shalt  }
0x76: {  	_ =	shalt  }
0x77: {  	_ =	shalt  }
0x78: {  	_ =	shalt  }
0x79: {  	_ =	shalt  }
0x7a: {  	_ =	shalt  }
0x7b: {  	_ =	shalt  }
0x7c: {  	_ =	shalt  }
0x7d: {  	_ =	shalt  }
0x7e: {  	_ =	shalt  }
0x7f: {  	_ =	shalt  }
0x80: {  	_ =	shalt  }
0x81: {  	_ =	shalt  }
0x82: {  	_ =	shalt  }
0x83: {  	_ =	shalt  }
0x84: {  	_ =	shalt  }
0x85: {  	_ =	shalt  }
0x86: {  	_ =	shalt  }
0x87: {  	_ =	shalt  }
.Lfunc_end0:
.L_simem_size_0:
called_computation.3_lowered:
.L_overlay_start_0:
0x88: {  	s2 =	sld [smem:$0x3FD9]  }
0x89: {  	s3 =	sld [smem:$0x3FFE];
	_ =	sdelay $0x1  }
0x8a: {  	s1 =	srdreg.scid  }
0x8b: {  	s0 =	sand.u32 $0x1, s1  }
0x8c: {  	s17 =	sshll.u32 s0, $0xA;
	s2 =	sadd.s32 s3, s2  }
0x8d: {  	s2 =	sadd.s32 s2, s17  }
0x8e: {  	[smem:$0x3FBF] =	sst s2  }
0x8f: {  	_ = 	snop  }
0x90: {  	s2 =	sld [smem:$0x3FD0];
	(tm) =	ssettm $0x1  }
0x91: {  	s18 =	sld [smem:$0x3FFB];
	_ =	sdelay $0x3  }
0x92: {  	_ =	strace s18  }
0x93: {  	s3 =	sld [smem:$0x3FFC];
	_ =	sdelay $0x3  }
0x94: {  	_ =	strace s3  }
0x95: {  	s3 =	sld [smem:$0x3FFD];
	_ =	sdelay $0x3  }
0x96: {  	_ =	strace s3  }
0x97: {  	_ =	strace $0x8FFFFFFF  }
0x98: {  	s19 =	sld [smem:$0x3FDB];
	_ =	sdelay $0x1  }
0x99: {  	s4 =	simm.s32 $_scs_section_size  }
0x9a: {  	s5 =	simm.s32 $_size__tile_overlayer_lowered;
	s6 =	simm.s32 $_tile_overlayer_lowered  }
0x9b: {  	s22 =	simm.s32 $0x1BFF;
	s21 =	sshll.u32 s6, $0x1;
	s3 =	sadd.s32 s4, s19  }
0x9c: {  	s7 =	simm.s32 $0x0;
	s20 =	sshll.u32 s5, $0x1;
	s5 =	sadd.s32 s21, s3  }
0x9d: {  	[timem:s7], [sflag:s22] =	dma.local [hbm:s5], s20  }
0x9e: {  	_ =	swait.ge [sflag:s22], s20  }
0x9f: {  	s4 =	ssub.s32 $0x0, s20;
	[sflag:s22] =	ssyncset.done $0x0  }
0xa0: {  	[sflag:s22] =	ssyncadd.s32 s4;
	_ =	sdelay $0x1  }
0xa1: {  	s23 =	simm.s32 $0x1B8B  }
0xa2: {  	_ =	swait.ge [sflag:s23], $0x1  }
0xa3: {  	[sflag:s23] =	ssyncset.done $0x0  }
0xa4: {  	s25 =	simm.s32 $0x1B8E;
	s24 =	sld [smem:$0x3FFE];
	[sflag:s23] =	ssyncadd.s32 $0xFFFFFFFF  }
0xa5: {  	s26 =	simm.s32 $execute0_lowered;
	[smem:$0x3FD2] =	sst s25  }
0xa6: {  	s5 =	sshll.u32 s26, $0x1;
	_ =	strace $0x8000004F;
	[dreg:$0x1] =	wrdreg $0xFFFFFFFF  }
0xa7: {  	s28 =	simm.s32 $_size_execute0_lowered;
	s3 =	sadd.s32 s3, s5;
	[dreg:$0x0] =	wrdreg $0x0  }
0xa8: {  	s5 =	sshll.u32 s28, $0x1;
	[dreg:$0x2] =	wrdreg s3  }
0xa9: {  	[dreg:$0x3] =	wrdreg s5  }
0xaa: {  	[dreg:$0x4] =	wrdreg $0xC0  }
0xab: {  	_ =	task [dreg:s7], $0x5FFFF  }
0xac: {  	[dreg:$0x1] =	wrdreg $0xFFFFFFFF  }
0xad: {  	[dreg:$0x0] =	wrdreg $0x60  }
0xae: {  	[dreg:$0x2] =	wrdreg s24  }
0xaf: {  	[dreg:$0x3] =	wrdreg s2  }
0xb0: {  	[dreg:$0x4] =	wrdreg $0xA9000  }
0xb1: {  	[dreg:$0x5] =	wrdreg $0x9  }
0xb2: {  	_ =	task.clear_ibuf [dreg:s7], $0x6FFFF;
	_ =	strace $0x9000004F  }
0xb3: {  	s29 =	simm.s32 $0x9;
	_ =	strace $0x80000051  }
0xb4: {  	_ =	swait.ge [sflag:s29], $0x1  }
0xb5: {  	[sflag:s29] =	ssyncadd.s32 $0xFFFFFFFF  }
0xb6: {  	_ =	strace $0x90000051  }
0xb7: {  	_ =	sfence  }
0xb8: {  	s30 =	sld [smem:$0x0];
	_ =	sdelay $0x2  }
0xb9: {  	s31 =	sshll.u32 s1, $0xD;
	s1 =	sshrl.u32 s1, $0x2  }
0xba: {  	s3 =	sand.u32 $0x4000, s31;
	s1 =	sadd.s32 s1, s30  }
0xbb: {  	s0 =	sor.u32 s3, s0;
	s1 =	sshll.u32 s1, $0x11  }
0xbc: {  	s0 =	sor.u32 s1, s0  }
0xbd: {  	s0 =	sadd.s32 $0x8F2B, s0  }
0xbe: {  	[sflag:s0] =	ssyncadd.remote.s32 $0x1  }
0xbf: {  	_ =	sfence.sel $0xFFFF  }
0xc0: {  	[dreg:$0x0] =	wrdreg $0xFFFFFFFF;
	(pc) =	sbr.abs _section_cstart, $3  }
0xc1: {  	[dreg:$0x1] =	wrdreg $0xFFFFFFFF  }
0xc2: {  	_ =	task.clear_ibuf [dreg:s7], $0x2FFFF;
	_ =	strace $0x9FFFFFFF  }
0xc3: {  	(tm) =	ssettm $0x7FFFFFFF  }
tec
execute0_lowered:
.L_overlay_start_1:
0x0: {  	(tag) =	ssettag $0x1  }
0x1: {  	s0 =	rddreg [dreg:$0x0]  }
0x2: {  	s2 =	rddreg [dreg:$0x2];
	s1 =	srdreg.scid;
	s4 =	simm.s32 $0x0  }
0x3: {  	s10 =	stileid.u32;
	s28 =	simm.s32 $0x3;
	s29 =	simm.s32 $0x4  }
0x4: {  	s30 =	simm.s32 $0x6900;
	s31 =	simm.s32 $0x1;
	s1 =	sand.u32 $0x1, s1  }
0x5: {  	[smem:$0x7FF] =	sst s4;
	s6 =	sadd.s32 $0x17400, s0;
	s17 =	smul.u32 $0x50000, s10  }
0x6: {  	s7 =	sadd.s32 $0xD400, s0;
	s14 =	smul.u32 $0x14000, s10;
	s3 =	sshll.u32 s1, $0x4  }
0x7: {  	_ =	strace $0x80000050;
	s9 =	ssub.s32 $0x2, s1;
	s1 =	smul.u32 $0x140000, s1  }
0x8: {  	s3 =	sor.u32 s10, s3;
	s11 =	sshrl.u32 s9, $0x1;
	s16 =	sadd.s32 $0x4000, s14  }
0x9: {  	s20 =	sadd.s32 $0x8000, s14;
	s5 =	smul.u32 $0x2800, s3;
	s15 =	ssub.s32 s9, s11  }
0xa: {  	s3 =	sshrl.u32 s17, $0x2;
	s10 =	sadd.s32 s16, s2;
	s17 =	sadd.s32 $0xC000, s14  }
0xb: {  	s11 =	sadd.s32 s20, s2;
	s16 =	sadd.s32 s1, s16;
	s9 =	sadd.s32 s3, s2  }
0xc: {  	s12 =	sadd.s32 s17, s2;
	s22 =	sshrl.u32 s16, $0x3;
	s8 =	sshrl.u32 s5, $0x3  }
0xd: {  	s3 =	sadd.s32 s1, s20;
	s25 =	sadd.s32 s1, s17;
	s18 =	sadd.s32 s8, s0  }
0xe: {  	s3 =	sshrl.u32 s3, $0x3;
	s0 =	sadd.s32 $0x3E600, s0;
	s19 =	sadd.s32 $0x3400, s18  }
0xf: {  	s18 =	sadd.s32 $0x10000, s14;
	s14 =	sadd.s32 s14, s1;
	s24 =	sadd.s32 s0, s22  }
0x10: {  	s3 =	sadd.s32 s0, s3;
	s22 =	simm.s32 $0x2900;
	[dreg:$0x4] =	wrdreg s19  }
0x11: {  	s13 =	sadd.s32 s18, s2;
	s19 =	sadd.s32 s7, s8;
	[dreg:$0x8] =	wrdreg s24  }
0x12: {  	s21 =	sshrl.u32 s14, $0x3;
	s1 =	sadd.s32 s1, s18;
	[dreg:$0x9] =	wrdreg s3  }
0x13: {  	s24 =	simm.s32 $0x5;
	[dreg:$0x5] =	wrdreg s19;
	s23 =	sadd.s32 $0x10, s19  }
0x14: {  	s3 =	simm.s32 $0x2;
	s8 =	sadd.s32 s0, s21;
	[dreg:$0x6] =	wrdreg s23  }
0x15: {  	s1 =	sshrl.u32 s1, $0x3;
	s21 =	smax.u32 s15, $0x1;
	[dreg:$0x7] =	wrdreg s8  }
0x16: {  	s8 =	sshrl.u32 s25, $0x3;
	s20 =	sadd.s32 s0, s1;
	s23 =	simm.s32 $0x6  }
0x17: {  	s25 =	simm.s32 $0x2800;
	s1 =	simm.s32 $0x0;
	s26 =	sadd.s32 s0, s8  }
0x18: {  	s0 =	simm.s32 $0x80;
	[dreg:$0xa] =	wrdreg s26;
	s26 =	simm.s32 $0x2880  }
.LBB2_1:
0x19: {  	s8 =	rddreg [dreg:$0x4]  }
0x1a: {  	[tilespmem:s4], [sflag:$0x5] =	stream.linear.gather [hbm4b:s8+s4], $0x2800, $0x38;
	[tilespmem:$0x1E900] =	vst v63  }
0x1b: {  	s19 =	rddreg [dreg:$0x1]  }
0x1c: {  	[tilespmem:s22], [sflag:$0x6] =	stream.linear.gather [hbm4b:s19+s4], $0x4000, $0x38;
	[tilespmem:$0x1E900] =	vst v63  }
0x1d: {  	_ =	swait.ge [sflag:s23], $0x4000  }
0x1e: {  	[sflag:s23] =	ssyncset.done $0x0  }
0x1f: {  	[sflag:s23] =	ssyncadd.s32 $0xFFFFC000  }
0x20: {  	[spmem:s9] =	stream.linear.scatter [tilespmem:s22], [sflag:$0x6], $0x4000, $0x38;
	[tilespmem:$0x1E900] =	vst v63  }
0x21: {  	_ =	swait.ge [sflag:s23], $0x4000  }
0x22: {  	[sflag:s23] =	ssyncset.done $0x0  }
0x23: {  	[sflag:s23] =	ssyncadd.s32 $0xFFFFC000  }
0x24: {  	[spmem:s10] =	stream.linear.scatter [tilespmem:s22], [sflag:$0x6], $0x4000, $0x38;
	[tilespmem:$0x1E900] =	vst v63  }
0x25: {  	_ =	swait.ge [sflag:s23], $0x4000  }
0x26: {  	[sflag:s23] =	ssyncset.done $0x0  }
0x27: {  	[sflag:s23] =	ssyncadd.s32 $0xFFFFC000  }
0x28: {  	[spmem:s11] =	stream.linear.scatter [tilespmem:s22], [sflag:$0x6], $0x4000, $0x38;
	[tilespmem:$0x1E900] =	vst v63  }
0x29: {  	_ =	swait.ge [sflag:s23], $0x4000  }
0x2a: {  	[sflag:s23] =	ssyncset.done $0x0  }
0x2b: {  	[sflag:s23] =	ssyncadd.s32 $0xFFFFC000  }
0x2c: {  	[spmem:s12] =	stream.linear.scatter [tilespmem:s22], [sflag:$0x6], $0x4000, $0x38;
	[tilespmem:$0x1E900] =	vst v63  }
0x2d: {  	_ =	swait.ge [sflag:s23], $0x4000  }
0x2e: {  	[sflag:s23] =	ssyncset.done $0x0  }
0x2f: {  	[sflag:s23] =	ssyncadd.s32 $0xFFFFC000  }
0x30: {  	[spmem:s13] =	stream.linear.scatter [tilespmem:s22], [sflag:$0x6], $0x4000, $0x38;
	[tilespmem:$0x1E900] =	vst v63  }
0x31: {  	_ =	swait.ge [sflag:s23], $0x4000  }
0x32: {  	[sflag:s23] =	ssyncset.done $0x0  }
0x33: {  	[sflag:s23] =	ssyncadd.s32 $0xFFFFC000  }
0x34: {  	_ =	swait.ge [sflag:s24], $0x2800  }
0x35: {  	[sflag:s24] =	ssyncset.done $0x0  }
0x36: {  	[sflag:s24] =	ssyncadd.s32 $0xFFFFD800  }
0x37: {  	[bflag:$0x0] =	sbarrier.arrive $0xFFFF  }
0x38: {  	s14 =	rddreg [dreg:$0x5]  }
0x39: {  	[tilespmem:s25], [sflag:$0x3] =	stream.linear.gather [hbm4b:s14+s4], $0x80, $0x38;
	[tilespmem:$0x1E900] =	vst v63  }
0x3a: {  	s15 =	rddreg [dreg:$0x6]  }
0x3b: {  	[tilespmem:s26], [sflag:$0x4] =	stream.linear.gather [hbm4b:s15+s4], $0x80, $0x38;
	[tilespmem:$0x1E900] =	vst v63  }
0x3c: {  	_ =	swait.ge [sflag:s28], $0x80  }
0x3d: {  	[sflag:s28] =	ssyncset.done $0x0  }
0x3e: {  	[sflag:s28] =	ssyncadd.s32 $0xFFFFFF80  }
0x3f: {  	[tilespmem:s22], [sflag:$0x1] =	stream.indirect.gather [hbm4b:s6+s0], $0x80, s25, s0, $0xb8;
	[tilespmem:$0x1E900] =	vst v63  }
0x40: {  	s16 =	simm.s32 $0x100;
	_ =	swait.ge [sflag:s29], $0x80  }
0x41: {  	s14 =	sand.u32 $0x7C00, s16;
	[sflag:s29] =	ssyncset.done $0x0  }
0x42: {  	s8 =	sand.u32 $0x300, s16;
	s14 =	sadd.s32 s5, s14;
	[sflag:s29] =	ssyncadd.s32 $0xFFFFFF80  }
0x43: {  	[tilespmem:s30], [sflag:$0x2] =	stream.indirect.gather [hbm4b:s6+s0], $0x80, s26, s0, $0xb8;
	[tilespmem:$0x1E900] =	vst v63  }
0x44: {  	s8 =	sor.u32 s8, s14;
	_ =	swait.ge [sflag:s31], $0x4000  }
0x45: {  	s8 =	sshrl.u32 s8, $0x3;
	[sflag:s31] =	ssyncset.done $0x0  }
0x46: {  	s8 =	sadd.s32 s7, s8;
	[sflag:s31] =	ssyncadd.s32 $0xFFFFC000  }
0x47: {  	[tilespmem:s25], [sflag:$0x3] =	stream.linear.gather [hbm4b:s8+s4], $0x80, $0x38;
	[tilespmem:$0x1E900] =	vst v63  }
0x48: {  	s17 =	simm.s32 $0x0  }
0x49: {  	[spmem:s2] =	stream.indirect.scatter.add.f32 [tilespmem:s22], [sflag:$0x6], $0x80, s17, s0, $0xb8;
	[tilespmem:$0x1E900] =	vst v63  }
0x4a: {  	_ =	swait.ge [sflag:s23], $0x4000  }
0x4b: {  	[sflag:s23] =	ssyncset.done $0x0  }
0x4c: {  	[sflag:s23] =	ssyncadd.s32 $0xFFFFC000  }
0x4d: {  	s18 =	simm.s32 $0x180;
	_ =	swait.ge [sflag:s28], $0x80  }
0x4e: {  	s19 =	sand.u32 $0x7C00, s18;
	[sflag:s28] =	ssyncset.done $0x0  }
0x4f: {  	s14 =	sadd.s32 s5, s19;
	s8 =	sand.u32 $0x380, s18;
	[sflag:s28] =	ssyncadd.s32 $0xFFFFFF80  }
0x50: {  	[tilespmem:s22], [sflag:$0x1] =	stream.indirect.gather [hbm4b:s6+s0], $0x80, s25, s0, $0xb8;
	[tilespmem:$0x1E900] =	vst v63  }
0x51: {  	s8 =	sor.u32 s8, s14;
	_ =	swait.ge [sflag:s3], $0x4000  }
0x52: {  	s8 =	sshrl.u32 s8, $0x3;
	[sflag:s3] =	ssyncset.done $0x0  }
0x53: {  	s8 =	sadd.s32 s7, s8;
	[sflag:s3] =	ssyncadd.s32 $0xFFFFC000  }
0x54: {  	[tilespmem:s26], [sflag:$0x4] =	stream.linear.gather [hbm4b:s8+s4], $0x80, $0x38;
	[tilespmem:$0x1E900] =	vst v63  }
0x55: {  	_ = 	snop  }
0x56: {  	[spmem:s2] =	stream.indirect.scatter.add.f32 [tilespmem:s30], [sflag:$0x6], $0x80, s0, s0, $0xb8;
	[tilespmem:$0x1E900] =	vst v63  }
0x57: {  	s16 =	simm.s32 $0x380;
	s15 =	simm.s32 $0x280;
	_ =	swait.ge [sflag:s23], $0x4000  }
0x58: {  	s17 =	simm.s32 $0x200;
	s8 =	simm.s32 $0x180;
	[sflag:s23] =	ssyncset.done $0x0  }
.LBB2_2:
0x59: {  	s18 =	sand.u32 $0x7C00, s17  }
0x5a: {  	[sflag:s23] =	ssyncadd.s32 $0xFFFFC000;
	s19 =	smov.u32 s16;
	s14 =	sadd.s32 $0x100, s16  }
0x5b: {  	s17 =	sand.u32 $0x300, s17;
	s18 =	sadd.s32 s5, s18;
	_ =	swait.ge [sflag:s29], $0x80  }
0x5c: {  	p0 =	sne.s32 s16, $0x2780;
	s16 =	sor.u32 s17, s18;
	[sflag:s29] =	ssyncset.done $0x0  }
0x5d: {  	s16 =	sshrl.u32 s16, $0x3;
	[sflag:s29] =	ssyncadd.s32 $0xFFFFFF80  }
0x5e: {  	[tilespmem:s30], [sflag:$0x2] =	stream.indirect.gather [hbm4b:s6+s0], $0x80, s26, s0, $0xb8;
	[tilespmem:$0x1E900] =	vst v63  }
0x5f: {  	_ =	swait.ge [sflag:s31], $0x4000  }
0x60: {  	[sflag:s31] =	ssyncset.done $0x0  }
0x61: {  	s16 =	sadd.s32 s7, s16;
	[sflag:s31] =	ssyncadd.s32 $0xFFFFC000  }
0x62: {  	[tilespmem:s25], [sflag:$0x3] =	stream.linear.gather [hbm4b:s16+s4], $0x80, $0x38;
	[tilespmem:$0x1E900] =	vst v63  }
0x63: {  	s16 =	sadd.s32 $0xFFFFFF80, s8  }
0x64: {  	[spmem:s2] =	stream.indirect.scatter.add.f32 [tilespmem:s22], [sflag:$0x6], $0x80, s16, s0, $0xb8;
	[tilespmem:$0x1E900] =	vst v63  }
0x65: {  	_ =	swait.ge [sflag:s23], $0x4000  }
0x66: {  	[sflag:s23] =	ssyncset.done $0x0  }
0x67: {  	[sflag:s23] =	ssyncadd.s32 $0xFFFFC000  }
0x68: {  	_ =	swait.ge [sflag:s28], $0x80  }
0x69: {  	[sflag:s28] =	ssyncset.done $0x0  }
0x6a: {  	s16 =	sand.u32 $0x7C00, s15;
	[sflag:s28] =	ssyncadd.s32 $0xFFFFFF80  }
0x6b: {  	[tilespmem:s22], [sflag:$0x1] =	stream.indirect.gather [hbm4b:s6+s0], $0x80, s25, s0, $0xb8;
	[tilespmem:$0x1E900] =	vst v63  }
0x6c: {  	s17 =	sand.u32 $0x380, s15;
	s15 =	smov.u32 s19;
	s16 =	sadd.s32 s5, s16  }
0x6d: {  	s16 =	sor.u32 s17, s16;
	_ =	swait.ge [sflag:s3], $0x4000  }
0x6e: {  	s16 =	sshrl.u32 s16, $0x3;
	[sflag:s3] =	ssyncset.done $0x0  }
0x6f: {  	s16 =	sadd.s32 s7, s16;
	[sflag:s3] =	ssyncadd.s32 $0xFFFFC000  }
0x70: {  	[tilespmem:s26], [sflag:$0x4] =	stream.linear.gather [hbm4b:s16+s4], $0x80, $0x38;
	[tilespmem:$0x1E900] =	vst v63  }
.Ltmp0:
0x71: {  	_ = 	snop;
	(pc) =	sbr.rel @p0 .LBB2_2-.Ltmp0, $4  }
0x72: {  	_ = 	snop  }
0x73: {  	[spmem:s2] =	stream.indirect.scatter.add.f32 [tilespmem:s30], [sflag:$0x6], $0x80, s8, s0, $0xb8;
	[tilespmem:$0x1E900] =	vst v63  }
0x74: {  	s17 =	sadd.s32 $0xFFFFFF80, s15;
	_ =	swait.ge [sflag:s23], $0x4000  }
0x75: {  	s16 =	smov.u32 s14;
	s8 =	sadd.s32 $0x100, s8;
	[sflag:s23] =	ssyncset.done $0x0  }
0x76: {  	[sflag:s23] =	ssyncadd.s32 $0xFFFFC000  }
0x77: {  	_ =	swait.ge [sflag:s29], $0x80  }
0x78: {  	s14 =	sand.u32 $0x7C00, s17;
	[sflag:s29] =	ssyncset.done $0x0  }
0x79: {  	s16 =	sand.u32 $0x300, s17;
	s14 =	sadd.s32 s5, s14;
	[sflag:s29] =	ssyncadd.s32 $0xFFFFFF80  }
0x7a: {  	[tilespmem:s30], [sflag:$0x2] =	stream.indirect.gather [hbm4b:s6+s0], $0x80, s26, s0, $0xb8;
	[tilespmem:$0x1E900] =	vst v63  }
0x7b: {  	s14 =	sor.u32 s16, s14;
	_ =	swait.ge [sflag:s31], $0x4000  }
0x7c: {  	s14 =	sshrl.u32 s14, $0x3;
	[sflag:s31] =	ssyncset.done $0x0  }
0x7d: {  	s14 =	sadd.s32 s7, s14;
	[sflag:s31] =	ssyncadd.s32 $0xFFFFC000  }
0x7e: {  	[tilespmem:s25], [sflag:$0x3] =	stream.linear.gather [hbm4b:s14+s4], $0x80, $0x38;
	[tilespmem:$0x1E900] =	vst v63  }
0x7f: {  	s17 =	sadd.s32 $0xFFFFFF80, s8  }
0x80: {  	[spmem:s2] =	stream.indirect.scatter.add.f32 [tilespmem:s22], [sflag:$0x6], $0x80, s17, s0, $0xb8;
	[tilespmem:$0x1E900] =	vst v63  }
0x81: {  	_ =	swait.ge [sflag:s23], $0x4000  }
0x82: {  	[sflag:s23] =	ssyncset.done $0x0  }
0x83: {  	[sflag:s23] =	ssyncadd.s32 $0xFFFFC000  }
0x84: {  	_ =	swait.ge [sflag:s28], $0x80  }
0x85: {  	s18 =	sand.u32 $0x7C00, s15;
	[sflag:s28] =	ssyncset.done $0x0  }
0x86: {  	s19 =	sand.u32 $0x380, s15;
	s14 =	sadd.s32 s5, s18;
	[sflag:s28] =	ssyncadd.s32 $0xFFFFFF80  }
0x87: {  	[tilespmem:s22], [sflag:$0x1] =	stream.indirect.gather [hbm4b:s6+s0], $0x80, s25, s0, $0xb8;
	[tilespmem:$0x1E900] =	vst v63  }
0x88: {  	s14 =	sor.u32 s19, s14;
	_ =	swait.ge [sflag:s3], $0x4000  }
0x89: {  	s14 =	sshrl.u32 s14, $0x3;
	[sflag:s3] =	ssyncset.done $0x0  }
0x8a: {  	s14 =	sadd.s32 s7, s14;
	[sflag:s3] =	ssyncadd.s32 $0xFFFFC000  }
0x8b: {  	[tilespmem:s26], [sflag:$0x4] =	stream.linear.gather [hbm4b:s14+s4], $0x80, $0x38;
	[tilespmem:$0x1E900] =	vst v63  }
0x8c: {  	_ = 	snop  }
0x8d: {  	[spmem:s2] =	stream.indirect.scatter.add.f32 [tilespmem:s30], [sflag:$0x6], $0x80, s8, s0, $0xb8;
	[tilespmem:$0x1E900] =	vst v63  }
0x8e: {  	_ =	swait.ge [sflag:s23], $0x4000  }
0x8f: {  	[sflag:s23] =	ssyncset.done $0x0  }
0x90: {  	[sflag:s23] =	ssyncadd.s32 $0xFFFFC000  }
0x91: {  	_ =	swait.ge [sflag:s29], $0x80  }
0x92: {  	[sflag:s29] =	ssyncset.done $0x0  }
0x93: {  	[sflag:s29] =	ssyncadd.s32 $0xFFFFFF80  }
0x94: {  	[tilespmem:s30], [sflag:$0x2] =	stream.indirect.gather [hbm4b:s6+s0], $0x80, s26, s0, $0xb8;
	[tilespmem:$0x1E900] =	vst v63  }
0x95: {  	_ =	swait.ge [sflag:s31], $0x4000  }
0x96: {  	[sflag:s31] =	ssyncset.done $0x0  }
0x97: {  	s14 =	simm.s32 $0x2700;
	[sflag:s31] =	ssyncadd.s32 $0xFFFFC000  }
0x98: {  	[spmem:s2] =	stream.indirect.scatter.add.f32 [tilespmem:s22], [sflag:$0x6], $0x80, s14, s0, $0xb8;
	[tilespmem:$0x1E900] =	vst v63  }
0x99: {  	_ =	swait.ge [sflag:s23], $0x4000  }
0x9a: {  	[sflag:s23] =	ssyncset.done $0x0  }
0x9b: {  	[sflag:s23] =	ssyncadd.s32 $0xFFFFC000  }
0x9c: {  	_ =	swait.ge [sflag:s3], $0x4000  }
0x9d: {  	[sflag:s3] =	ssyncset.done $0x0  }
0x9e: {  	s15 =	simm.s32 $0x2780;
	[sflag:s3] =	ssyncadd.s32 $0xFFFFC000  }
0x9f: {  	[spmem:s2] =	stream.indirect.scatter.add.f32 [tilespmem:s30], [sflag:$0x6], $0x80, s15, s0, $0xb8;
	[tilespmem:$0x1E900] =	vst v63  }
0xa0: {  	_ =	swait.ge [sflag:s23], $0x4000  }
0xa1: {  	[sflag:s23] =	ssyncset.done $0x0  }
0xa2: {  	[sflag:s23] =	ssyncadd.s32 $0xFFFFC000  }
0xa3: {  	[bflag:$0x0] =	sbarrier.arrive $0xFFFF  }
0xa4: {  	[tilespmem:s22], [sflag:$0x6] =	stream.linear.gather [spmem:s9], $0x4000, $0x38;
	[tilespmem:$0x1E900] =	vst v63  }
0xa5: {  	_ =	swait.ge [sflag:s23], $0x4000  }
0xa6: {  	[sflag:s23] =	ssyncset.done $0x0  }
0xa7: {  	s16 =	rddreg [dreg:$0x7];
	[sflag:s23] =	ssyncadd.s32 $0xFFFFC000  }
0xa8: {  	[hbm4b:s16+s4] =	stream.linear.scatter [tilespmem:s22], [sflag:$0x6], $0x4000, $0x38;
	[tilespmem:$0x1E900] =	vst v63  }
0xa9: {  	_ =	swait.ge [sflag:s23], $0x4000  }
0xaa: {  	[sflag:s23] =	ssyncset.done $0x0  }
0xab: {  	[sflag:s23] =	ssyncadd.s32 $0xFFFFC000  }
0xac: {  	[tilespmem:s22], [sflag:$0x6] =	stream.linear.gather [spmem:s10], $0x4000, $0x38;
	[tilespmem:$0x1E900] =	vst v63  }
0xad: {  	_ =	swait.ge [sflag:s23], $0x4000  }
0xae: {  	[sflag:s23] =	ssyncset.done $0x0  }
0xaf: {  	s17 =	rddreg [dreg:$0x8];
	[sflag:s23] =	ssyncadd.s32 $0xFFFFC000  }
0xb0: {  	[hbm4b:s17+s4] =	stream.linear.scatter [tilespmem:s22], [sflag:$0x6], $0x4000, $0x38;
	[tilespmem:$0x1E900] =	vst v63  }
0xb1: {  	_ =	swait.ge [sflag:s23], $0x4000  }
0xb2: {  	[sflag:s23] =	ssyncset.done $0x0  }
0xb3: {  	[sflag:s23] =	ssyncadd.s32 $0xFFFFC000  }
0xb4: {  	[tilespmem:s22], [sflag:$0x6] =	stream.linear.gather [spmem:s11], $0x4000, $0x38;
	[tilespmem:$0x1E900] =	vst v63  }
0xb5: {  	_ =	swait.ge [sflag:s23], $0x4000  }
0xb6: {  	[sflag:s23] =	ssyncset.done $0x0  }
0xb7: {  	s18 =	rddreg [dreg:$0x9];
	[sflag:s23] =	ssyncadd.s32 $0xFFFFC000  }
0xb8: {  	[hbm4b:s18+s4] =	stream.linear.scatter [tilespmem:s22], [sflag:$0x6], $0x4000, $0x38;
	[tilespmem:$0x1E900] =	vst v63  }
0xb9: {  	_ =	swait.ge [sflag:s23], $0x4000  }
0xba: {  	[sflag:s23] =	ssyncset.done $0x0  }
0xbb: {  	[sflag:s23] =	ssyncadd.s32 $0xFFFFC000  }
0xbc: {  	[tilespmem:s22], [sflag:$0x6] =	stream.linear.gather [spmem:s12], $0x4000, $0x38;
	[tilespmem:$0x1E900] =	vst v63  }
0xbd: {  	_ =	swait.ge [sflag:s23], $0x4000  }
0xbe: {  	[sflag:s23] =	ssyncset.done $0x0  }
0xbf: {  	s19 =	rddreg [dreg:$0xa];
	[sflag:s23] =	ssyncadd.s32 $0xFFFFC000  }
0xc0: {  	[hbm4b:s19+s4] =	stream.linear.scatter [tilespmem:s22], [sflag:$0x6], $0x4000, $0x38;
	[tilespmem:$0x1E900] =	vst v63  }
0xc1: {  	_ =	swait.ge [sflag:s23], $0x4000  }
0xc2: {  	[sflag:s23] =	ssyncset.done $0x0  }
0xc3: {  	[sflag:s23] =	ssyncadd.s32 $0xFFFFC000  }
0xc4: {  	[tilespmem:s22], [sflag:$0x6] =	stream.linear.gather [spmem:s13], $0x4000, $0x38;
	[tilespmem:$0x1E900] =	vst v63  }
0xc5: {  	s1 =	sadd.s32 $0x1, s1;
	_ =	swait.ge [sflag:s23], $0x4000  }
0xc6: {  	p0 =	sne.s32 s1, s21;
	[sflag:s23] =	ssyncset.done $0x0  }
.Ltmp1:
0xc7: {  	[sflag:s23] =	ssyncadd.s32 $0xFFFFC000;
	(pc) =	sbr.rel @p0 .LBB2_1-.Ltmp1, $4  }
0xc8: {  	[hbm4b:s20+s4] =	stream.linear.scatter [tilespmem:s22], [sflag:$0x6], $0x4000, $0x38;
	[tilespmem:$0x1E900] =	vst v63  }
0xc9: {  	_ =	swait.ge [sflag:s23], $0x4000  }
0xca: {  	[sflag:s23] =	ssyncset.done $0x0  }
0xcb: {  	[sflag:s23] =	ssyncadd.s32 $0xFFFFC000  }
0xcc: {  	_ =	sfence.sel $0x180000  }
0xcd: {  	[bflag:$0x0] =	sbarrier.arrive $0xFFFF  }
0xce: {  	_ =	strace $0x90000050  }
0xcf: {  	s0 =	stileid.u32;
	[bflag:$0x2] =	sbarrier.arrive $0xFFFF  }
0xd0: {  	p0 =	sne.s32 s0, $0x0;
	s0 =	rddreg [dreg:$0x3]  }
0xd1: {  	s0 =	sadd.s32 @!p0 $0x100000, s0  }
0xd2: {  	[sflag:s0] =	ssyncadd.tile.s32 @!p0 $0x1;
	_ =	shalt  }
.Lfunc_end2:
_tile_overlayer_lowered:
.L_overlay_start_2:
0xd3: {  	(tag) =	ssettag $0x2  }
0xd4: {  	s0 =	rddreg [dreg:$0x0];
	s2 =	stileid.u32  }
0xd5: {  	s1 =	rddreg [dreg:$0x1];
	p0 =	sne.s32 s2, $0x0  }
0xd6: {  	s3 =	rddreg [dreg:$0x2];
	[bflag:$0x3] =	sbarrier.arrive $0xFFFF;
	s2 =	simm.s32 @!p0 $0x1C06  }
0xd7: {  	[timem:s3], [sflag:s2] =	dma.local @!p0 [hbm:s0], s1  }
0xd8: {  	s0 =	simm.s32 @!p0 $0x6  }
0xd9: {  	_ =	swait.ge @!p0 [sflag:s0], s1  }
0xda: {  	s1 =	ssub.s32 @!p0 $0x0, s1;
	[sflag:s0] =	ssyncset.done @!p0 $0x0  }
0xdb: {  	[sflag:s0] =	ssyncadd.s32 @!p0 s1  }
0xdc: {  	[bflag:$0x3] =	sbarrier.arrive $0xFFFF  }
0xdd: {  	_ =	shalt  }

</sc_bundles>
